<compile_context>
chip_gen: v7x
topology: tpu7x:2x2x1
jax: 0.10.2.dev20260603
libtpu: 0.0.44.dev20260713+nightly
codegen_flags: <defaults>
</compile_context>

<pallas_src>
import functools

import numpy as np
import jax
import jax.numpy as jnp
from jax import lax
from jax.experimental import pallas as pl
from jax.experimental.pallas import tpu as pltpu
from jax.experimental.pallas import tpu_sc as plsc

D_MODEL = 256
N_HEADS = 8
N_LEVELS = 4
N_POINTS = 4
HEAD_DIM = 32
_SHAPES = np.array([[64, 64], [32, 32], [16, 16], [8, 8]], dtype=np.int64)
LEN_IN = int((_SHAPES[:, 0] * _SHAPES[:, 1]).sum())
LQ = LEN_IN
BATCH = 2
ROWS = BATCH * LQ
LP = N_LEVELS * N_POINTS
HLP = N_HEADS * LP
_LEVEL_START = np.concatenate([[0], np.cumsum(_SHAPES[:, 0] * _SHAPES[:, 1])])[:N_LEVELS]

CHUNK = 544
N_BLOCKS = ROWS // CHUNK
BLOCKS_PER_B = LQ // CHUNK

_lv = np.tile(np.repeat(np.arange(N_LEVELS), N_POINTS)[None, :], (N_HEADS, 1)).reshape(-1)
_hv = np.repeat(np.arange(N_HEADS), LP)
_Wc = _SHAPES[_lv, 1].astype(np.float32)
_Hc = _SHAPES[_lv, 0].astype(np.float32)
_GXS = (_Wc / _SHAPES[_lv, 0].astype(np.float32)).reshape(1, HLP)
_GYS = (_Hc / _SHAPES[_lv, 1].astype(np.float32)).reshape(1, HLP)
_WC = _Wc.reshape(1, HLP)
_HC = _Hc.reshape(1, HLP)
_WI = _SHAPES[_lv, 1].astype(np.int32).reshape(1, HLP)
_HI = _SHAPES[_lv, 0].astype(np.int32).reshape(1, HLP)
_COLBASE = (_hv * LEN_IN + _LEVEL_START[_lv]).astype(np.int32).reshape(1, HLP)
_G = (np.arange(HLP)[:, None] // LP == np.arange(HLP)[None, :] // LP).astype(np.float32)
_S8 = np.zeros((2 * N_LEVELS, 2 * HLP), np.float32)
for _j in range(HLP):
    _S8[2 * _lv[_j] + 0, _j] = 1.0
    _S8[2 * _lv[_j] + 1, HLP + _j] = 1.0
_pv = np.tile(np.arange(N_POINTS), N_HEADS * N_LEVELS)
_perm_x = _hv * (LP * 2) + _lv * (N_POINTS * 2) + _pv * 2
_PERM = np.concatenate([_perm_x, _perm_x + 1])
_OUTPERM = np.empty((D_MODEL,), np.int32)
for _h in range(N_HEADS):
    for _k in range(32):
        _OUTPERM[_h * 32 + _k] = _h * 32 + (2 * _k if _k < 16 else 2 * (_k - 16) + 1)


def _stage_a_body(x_ref, q_ref, rp_ref, wv_ref, bv_ref, wo_ref, bo_ref,
                  wa_ref, ba_ref, g_ref, s8_ref, wc_ref, hc_ref, gxs_ref, gys_ref,
                  wi_ref, hi_ref, cb_ref, vout_ref, idx0_ref, idx1_ref,
                  w00_ref, w01_ref, w10_ref, w11_ref):
    vout_ref[...] = (jnp.dot(x_ref[...], wv_ref[...],
                             preferred_element_type=jnp.float32)
                     + bv_ref[...]).astype(jnp.bfloat16)
    q = q_ref[...]
    off = jnp.dot(q, wo_ref[...], preferred_element_type=jnp.float32) + bo_ref[...]
    gx = off[:, :HLP]
    gy = off[:, HLP:]
    logits = jnp.dot(q, wa_ref[...], preferred_element_type=jnp.float32) + ba_ref[...]
    m = jnp.max(logits, axis=-1, keepdims=True)
    e = jnp.exp(logits - m)
    s = jnp.dot(e, g_ref[...], preferred_element_type=jnp.float32)
    attn = e / s
    rpxy = jnp.dot(rp_ref[...], s8_ref[...], preferred_element_type=jnp.float32,
                   precision=jax.lax.Precision.HIGHEST)

    x = rpxy[:, :HLP] * wc_ref[...] + gx * gxs_ref[...] - 0.5
    y = rpxy[:, HLP:] * hc_ref[...] + gy * gys_ref[...] - 0.5
    x0f = jnp.floor(x)
    y0f = jnp.floor(y)
    wx1 = x - x0f
    wx0 = 1.0 - wx1
    wy1 = y - y0f
    wy0 = 1.0 - wy1
    x0 = x0f.astype(jnp.int32)
    y0 = y0f.astype(jnp.int32)
    Wi = wi_ref[...]
    Hi = hi_ref[...]
    vx0 = ((x0 >= 0) & (x0 < Wi)).astype(jnp.float32)
    vx1 = ((x0 + 1 >= 0) & (x0 + 1 < Wi)).astype(jnp.float32)
    vy0 = ((y0 >= 0) & (y0 < Hi)).astype(jnp.float32)
    vy1 = ((y0 + 1 >= 0) & (y0 + 1 < Hi)).astype(jnp.float32)
    xb = jnp.clip(x0, 0, Wi - 2)
    wq0 = wx0 * vx0
    wq1 = wx1 * vx1
    e0 = xb == x0
    ws0 = jnp.where(e0, wq0, wq1)
    ws1 = jnp.where(e0, wq1, jnp.where(xb + 1 == x0, wq0, 0.0))
    y0c = jnp.clip(y0, 0, Hi - 1)
    y1c = jnp.clip(y0 + 1, 0, Hi - 1)
    ay0 = attn * (wy0 * vy0)
    ay1 = attn * (wy1 * vy1)
    b = pl.program_id(0) // BLOCKS_PER_B
    base = cb_ref[...] + b * (N_HEADS * LEN_IN) + xb
    idx0_ref[...] = base + y0c * Wi
    idx1_ref[...] = base + y1c * Wi
    w00_ref[...] = ay0 * ws0
    w01_ref[...] = ay1 * ws0
    w10_ref[...] = ay0 * ws1
    w11_ref[...] = ay1 * ws1


def _stage_a(x, q, rp8, W_value, b_value, W_offp, b_offp, W_attn, b_attn):
    full = lambda shp: pl.BlockSpec(shp, lambda i: (0, 0))
    row_blk = lambda w: pl.BlockSpec((CHUNK, w), lambda i: (i, 0))
    return pl.pallas_call(
        _stage_a_body,
        grid=(N_BLOCKS,),
        in_specs=[
            row_blk(D_MODEL), row_blk(D_MODEL), row_blk(2 * N_LEVELS),
            full((D_MODEL, D_MODEL)), full((1, D_MODEL)),
            full((D_MODEL, D_MODEL)), full((1, D_MODEL)),
            full((D_MODEL, HLP)), full((1, HLP)),
            full((HLP, HLP)), full((2 * N_LEVELS, 2 * HLP)),
            full((1, HLP)), full((1, HLP)), full((1, HLP)),
            full((1, HLP)), full((1, HLP)), full((1, HLP)), full((1, HLP)),
        ],
        out_specs=[row_blk(D_MODEL)] + [row_blk(HLP)] * 6,
        out_shape=[jax.ShapeDtypeStruct((ROWS, D_MODEL), jnp.bfloat16)]
        + [jax.ShapeDtypeStruct((ROWS, HLP), jnp.int32)] * 2
        + [jax.ShapeDtypeStruct((ROWS, HLP), jnp.float32)] * 4,
    )(x, q, rp8, W_value, b_value.reshape(1, -1), W_offp,
      b_offp.reshape(1, -1), W_attn, b_attn.reshape(1, -1),
      jnp.asarray(_G), jnp.asarray(_S8), jnp.asarray(_WC), jnp.asarray(_HC),
      jnp.asarray(_GXS), jnp.asarray(_GYS), jnp.asarray(_WI), jnp.asarray(_HI),
      jnp.asarray(_COLBASE))


QPW = ROWS // 32
QC = 5
NCHUNK = QPW // QC


NSTEP = NCHUNK // 2


def _sc_body(table_hbm, idx0_hbm, idx1_hbm, w00_hbm, w01_hbm, w10_hbm, w11_hbm,
             out_hbm,
             idx_v0, idx_v1, wgt_v0, wgt_v1, rows_v0, rows_v1, out_v0, out_v1,
             gsem0, gsem1, msem0, msem1, osem0, osem1):
    cid = lax.axis_index("c")
    sid = lax.axis_index("s")
    wid = sid * 2 + cid
    q0w = wid * QPW
    bufs = ((idx_v0, wgt_v0, rows_v0, out_v0, gsem0, msem0, osem0),
            (idx_v1, wgt_v1, rows_v1, out_v1, gsem1, msem1, osem1))
    whbm = (w00_hbm, w01_hbm, w10_hbm, w11_hbm)

    def fire_meta(t, b):
        idx_v, wgt_v, _, _, _, msem, _ = bufs[b]
        q0 = q0w + t * QC
        pltpu.async_copy(idx0_hbm.at[pl.ds(q0, QC)], idx_v.at[pl.ds(0, QC)], msem)
        pltpu.async_copy(idx1_hbm.at[pl.ds(q0, QC)], idx_v.at[pl.ds(QC, QC)], msem)
        for k in range(4):
            pltpu.async_copy(whbm[k].at[pl.ds(q0, QC)],
                             wgt_v.at[pl.ds(k * QC, QC)], msem)

    def wait_meta(b):
        idx_v, wgt_v, _, _, _, msem, _ = bufs[b]
        pltpu.make_async_copy(idx0_hbm.at[pl.ds(0, QC)],
                              idx_v.at[pl.ds(0, QC)], msem).wait()
        pltpu.make_async_copy(idx1_hbm.at[pl.ds(0, QC)],
                              idx_v.at[pl.ds(QC, QC)], msem).wait()
        for k in range(4):
            pltpu.make_async_copy(whbm[k].at[pl.ds(0, QC)],
                                  wgt_v.at[pl.ds(k * QC, QC)], msem).wait()

    def fire_gathers(b):
        idx_v, _, rows_v, _, gsem, _, _ = bufs[b]
        for g in range(2 * QC):
            pltpu.async_copy(table_hbm.at[idx_v.at[g]],
                             rows_v.at[pl.ds(g * 128, 128)], gsem)

    def wait_gathers(b):
        idx_v, _, rows_v, _, gsem, _, _ = bufs[b]
        for g in range(2 * QC):
            pltpu.make_async_copy(table_hbm.at[idx_v.at[g]],
                                  rows_v.at[pl.ds(g * 128, 128)], gsem).wait()

    def fire_out(t, b):
        _, _, _, out_v, _, _, osem = bufs[b]
        q0 = q0w + t * QC
        pltpu.async_copy(out_v, out_hbm.at[pl.ds(q0 * 2, QC * 2)], osem)

    def wait_out(b):
        _, _, _, out_v, _, _, osem = bufs[b]
        pltpu.make_async_copy(out_v, out_hbm.at[pl.ds(0, QC * 2)], osem).wait()

    def compute(b):
        _, wgt, rows, out, _, _, _ = bufs[b]

        def qh_body(i, _):
            q = i // N_HEADS
            h = i - q * N_HEADS
            a0 = jnp.zeros((16,), jnp.float32)
            a1 = jnp.zeros((16,), jnp.float32)
            for c in range(2):
                wv_s0 = wgt[c * QC + q, pl.ds(h * 16, 16)]
                wv_s1 = wgt[(2 + c) * QC + q, pl.ds(h * 16, 16)]
                base_j = (c * QC + q) * 128 + h * 16
                for lp in range(LP):
                    j = base_j + lp
                    w0 = jnp.full((16,), wv_s0[lp], jnp.float32)
                    w1 = jnp.full((16,), wv_s1[lp], jnp.float32)
                    e0, o0 = plsc.unpack(rows[j, pl.ds(0, 32)],
                                         format=plsc.PackFormat.INTERLEAVED,
                                         preferred_element_type=jnp.float32)
                    e1, o1 = plsc.unpack(rows[j, pl.ds(32, 32)],
                                         format=plsc.PackFormat.INTERLEAVED,
                                         preferred_element_type=jnp.float32)
                    a0 = a0 + e0 * w0 + e1 * w1
                    a1 = a1 + o0 * w0 + o1 * w1
            out[q * 2 + h // 4, pl.ds((h % 4) * 32, 16)] = a0
            out[q * 2 + h // 4, pl.ds((h % 4) * 32 + 16, 16)] = a1
            return 0

        lax.fori_loop(0, QC * N_HEADS, qh_body, 0)

    fire_meta(0, 0)
    wait_meta(0)
    fire_gathers(0)
    fire_meta(1, 1)

    def step(s, _):
        c0 = 2 * s
        c1 = 2 * s + 1
        not_last = s < NSTEP - 1
        not_first = s > 0
        wait_meta(1)
        fire_gathers(1)
        wait_gathers(0)
        pl.when(not_first)(lambda: wait_out(0))
        compute(0)
        fire_out(c0, 0)
        pl.when(not_last)(lambda: fire_meta(c0 + 2, 0))
        wait_gathers(1)
        pl.when(not_first)(lambda: wait_out(1))
        compute(1)
        fire_out(c1, 1)
        pl.when(not_last)(lambda: fire_meta(c1 + 2, 1))

        def refill():
            wait_meta(0)
            fire_gathers(0)
        pl.when(not_last)(refill)
        return 0

    lax.fori_loop(0, NSTEP, step, 0)
    wait_out(0)
    wait_out(1)


def _sc_weighted_gather(table, idx0, idx1, w00, w01, w10, w11):
    mesh = plsc.VectorSubcoreMesh(core_axis_name="c", subcore_axis_name="s")
    buf_types = [
        pltpu.VMEM((2 * QC, 128), jnp.int32), pltpu.VMEM((2 * QC, 128), jnp.int32),
        pltpu.VMEM((4 * QC, 128), jnp.float32), pltpu.VMEM((4 * QC, 128), jnp.float32),
        pltpu.VMEM((QC * 256, 64), jnp.bfloat16), pltpu.VMEM((QC * 256, 64), jnp.bfloat16),
        pltpu.VMEM((QC * 2, 128), jnp.float32), pltpu.VMEM((QC * 2, 128), jnp.float32),
    ] + [pltpu.SemaphoreType.DMA] * 6
    fn = functools.partial(
        pl.kernel,
        out_type=jax.ShapeDtypeStruct((ROWS * 2, 128), jnp.float32),
        mesh=mesh,
        scratch_types=buf_types,
        compiler_params=pltpu.CompilerParams(use_tc_tiling_on_sc=False,
                                             needs_layout_passes=False),
    )(_sc_body)
    return fn(table, idx0, idx1, w00, w01, w10, w11)


def _matmul_body(x_ref, w_ref, b_ref, o_ref):
    x = x_ref[...].reshape(CHUNK, 2, 128)
    w = w_ref[...]
    o_ref[...] = (jnp.dot(x[:, 0, :], w[:128],
                          preferred_element_type=jnp.float32)
                  + jnp.dot(x[:, 1, :], w[128:],
                            preferred_element_type=jnp.float32) + b_ref[...])


def _stage_c(x, W_out, b_out):
    return pl.pallas_call(
        _matmul_body,
        grid=(N_BLOCKS,),
        in_specs=[
            pl.BlockSpec((2 * CHUNK, 128), lambda i: (i, 0)),
            pl.BlockSpec((D_MODEL, D_MODEL), lambda i: (0, 0)),
            pl.BlockSpec((1, D_MODEL), lambda i: (0, 0)),
        ],
        out_specs=pl.BlockSpec((CHUNK, D_MODEL), lambda i: (i, 0)),
        out_shape=jax.ShapeDtypeStruct((ROWS, D_MODEL), jnp.float32),
    )(x, W_out, b_out.reshape(1, -1))


def kernel(query, reference_points, input_flatten, input_spatial_shapes,
           W_value, b_value, W_off, b_off, W_attn, b_attn, W_out, b_out):
    x = input_flatten.reshape(ROWS, D_MODEL)
    q = query.reshape(ROWS, D_MODEL)
    rp8 = reference_points.reshape(ROWS, 2 * N_LEVELS)
    W_offp = W_off[:, jnp.asarray(_PERM)]
    b_offp = b_off[jnp.asarray(_PERM)]

    value, idx0, idx1, w00, w01, w10, w11 = _stage_a(
        x, q, rp8, W_value, b_value, W_offp, b_offp, W_attn, b_attn)

    v4 = value.reshape(BATCH, LEN_IN, N_HEADS, HEAD_DIM).transpose(0, 2, 1, 3)
    vnext = jnp.concatenate(
        [v4[:, :, 1:], jnp.zeros((BATCH, N_HEADS, 1, HEAD_DIM), jnp.bfloat16)], axis=2)
    table = jnp.concatenate([v4, vnext], axis=-1).reshape(
        BATCH * N_HEADS * LEN_IN, 2 * HEAD_DIM)

    sc_out = _sc_weighted_gather(table, idx0, idx1, w00, w01, w10, w11)
    out = _stage_c(sc_out, W_out[jnp.asarray(_OUTPERM), :], b_out)
    return out.reshape(BATCH, LQ, D_MODEL)

# --- scband reference (transcript-rebuilt; emitter-appended) ---
"""Pipeline reference for scband-msdeform-attn-38689065403002 (READ-ONLY COPY).

The authoritative reference and input builder live on the scoring server;
editing this copy changes nothing except your own understanding.
"""

import jax, jax.numpy as jnp
import numpy as np

D_MODEL = 256
N_HEADS = 8
N_LEVELS = 4
N_POINTS = 4
HEAD_DIM = D_MODEL // N_HEADS
SPATIAL_SHAPES = np.array([[64, 64], [32, 32], [16, 16], [8, 8]], dtype=np.int64)
LEN_IN = int((SPATIAL_SHAPES[:, 0] * SPATIAL_SHAPES[:, 1]).sum())
LEN_Q = LEN_IN
BATCH = 2


def setup_inputs(seed: int = 0):
    key = jax.random.key(seed)
    ks = jax.random.split(key, 10)
    query = jax.random.normal(ks[0], (BATCH, LEN_Q, D_MODEL), dtype=jnp.float32)
    reference_points = jax.random.uniform(ks[1], (BATCH, LEN_Q, N_LEVELS, 2), dtype=jnp.float32)
    input_flatten = jax.random.normal(ks[2], (BATCH, LEN_IN, D_MODEL), dtype=jnp.float32)
    input_spatial_shapes = jnp.asarray(SPATIAL_SHAPES)
    base = jnp.array([[-1, -1], [-1, 0], [-1, 1], [0, -1], [0, 1], [1, -1], [1, 0], [1, 1]], dtype=jnp.float32)
    grid = jnp.tile(base[:, None, None, :], (1, N_LEVELS, N_POINTS, 1))
    grid = grid * jnp.arange(1, N_POINTS + 1, dtype=jnp.float32)[None, None, :, None]
    b_off = grid.reshape(-1)
    W_off = jax.random.normal(ks[3], (D_MODEL, N_HEADS * N_LEVELS * N_POINTS * 2), dtype=jnp.float32) * 0.01
    W_attn = jax.random.normal(ks[4], (D_MODEL, N_HEADS * N_LEVELS * N_POINTS), dtype=jnp.float32) * 0.02
    b_attn = jnp.zeros((N_HEADS * N_LEVELS * N_POINTS,), dtype=jnp.float32)
    W_value = jax.random.normal(ks[5], (D_MODEL, D_MODEL), dtype=jnp.float32) * (1.0 / np.sqrt(D_MODEL))
    b_value = jnp.zeros((D_MODEL,), dtype=jnp.float32)
    W_out = jax.random.normal(ks[6], (D_MODEL, D_MODEL), dtype=jnp.float32) * (1.0 / np.sqrt(D_MODEL))
    b_out = jnp.zeros((D_MODEL,), dtype=jnp.float32)
    return {"query": query, "reference_points": reference_points, "input_flatten": input_flatten,
            "input_spatial_shapes": input_spatial_shapes, "W_value": W_value, "b_value": b_value,
            "W_off": W_off, "b_off": b_off, "W_attn": W_attn, "b_attn": b_attn,
            "W_out": W_out, "b_out": b_out}


def _bilinear_sample_level(value_l, grid_l, H, W):
    # value_l: (B, H, W, D); grid_l: (B, Q, 2) in [-1, 1]; grid_sample bilinear, zero padding, align_corners=False
    x = (grid_l[..., 0] + 1.0) * W / 2.0 - 0.5
    y = (grid_l[..., 1] + 1.0) * H / 2.0 - 0.5
    x0 = jnp.floor(x); y0 = jnp.floor(y)
    wx1 = x - x0; wx0 = 1.0 - wx1
    wy1 = y - y0; wy0 = 1.0 - wy1
    x0i = x0.astype(jnp.int32); x1i = x0i + 1
    y0i = y0.astype(jnp.int32); y1i = y0i + 1
    flat = value_l.reshape(value_l.shape[0], H * W, value_l.shape[-1])

    def gather(ix, iy):
        valid = ((ix >= 0) & (ix < W) & (iy >= 0) & (iy < H)).astype(value_l.dtype)
        ixc = jnp.clip(ix, 0, W - 1)
        iyc = jnp.clip(iy, 0, H - 1)
        idx = iyc * W + ixc
        v = jnp.take_along_axis(flat, idx[..., None], axis=1)
        return v * valid[..., None]

    out = gather(x0i, y0i) * (wx0 * wy0)[..., None] + gather(x1i, y0i) * (wx1 * wy0)[..., None] \
        + gather(x0i, y1i) * (wx0 * wy1)[..., None] + gather(x1i, y1i) * (wx1 * wy1)[..., None]
    return out


def reference(query, reference_points, input_flatten, input_spatial_shapes,
              W_value, b_value, W_off, b_off, W_attn, b_attn, W_out, b_out):
    N, Lq, _ = query.shape
    Len_in = input_flatten.shape[1]
    value = input_flatten @ W_value + b_value
    value = value.reshape(N, Len_in, N_HEADS, HEAD_DIM)
    sampling_offsets = (query @ W_off + b_off).reshape(N, Lq, N_HEADS, N_LEVELS, N_POINTS, 2)
    attn = (query @ W_attn + b_attn).reshape(N, Lq, N_HEADS, N_LEVELS * N_POINTS)
    attn = jax.nn.softmax(attn, axis=-1).reshape(N, Lq, N_HEADS, N_LEVELS, N_POINTS)
    norm = input_spatial_shapes.astype(jnp.float32)[None, None, None, :, None, :]
    sampling_locations = reference_points[:, :, None, :, None, :] + sampling_offsets / norm
    sampling_grids = 2.0 * sampling_locations - 1.0
    start = 0
    sampled_levels = []
    for lid in range(N_LEVELS):
        H, W = int(SPATIAL_SHAPES[lid, 0]), int(SPATIAL_SHAPES[lid, 1])
        value_l = value[:, start:start + H * W]
        start += H * W
        value_l = value_l.transpose(0, 2, 1, 3).reshape(N * N_HEADS, H, W, HEAD_DIM)
        grid_l = sampling_grids[:, :, :, lid]
        grid_l = grid_l.transpose(0, 2, 1, 3, 4).reshape(N * N_HEADS, Lq * N_POINTS, 2)
        sampled = _bilinear_sample_level(value_l, grid_l, H, W)
        sampled_levels.append(sampled.reshape(N * N_HEADS, Lq, N_POINTS, HEAD_DIM))
    sampled = jnp.stack(sampled_levels, axis=2).reshape(N * N_HEADS, Lq, N_LEVELS * N_POINTS, HEAD_DIM)
    attn_t = attn.transpose(0, 2, 1, 3, 4).reshape(N * N_HEADS, Lq, N_LEVELS * N_POINTS)
    out = (sampled * attn_t[..., None]).sum(axis=2)
    out = out.reshape(N, N_HEADS, Lq, HEAD_DIM).transpose(0, 2, 1, 3).reshape(N, Lq, D_MODEL)
    return out @ W_out + b_out

if __name__ == "__main__":
    import jax
    _d = setup_inputs()
    print(jax.jit(kernel)(*tuple(_d.values())))

</pallas_src>

<mosaic_0001>
#map = affine_map<(d0, d1) -> (0, 0)>
module attributes {stable_mosaic.version = 14 : i64} {
  func.func @_sc_body(%arg0: i32, %arg1: i32, %arg2: memref<87040x64xbf16, #tpu.memory_space<hbm>>, %arg3: memref<10880x128xi32, #tpu.memory_space<hbm>>, %arg4: memref<10880x128xi32, #tpu.memory_space<hbm>>, %arg5: memref<10880x128xf32, #tpu.memory_space<hbm>>, %arg6: memref<10880x128xf32, #tpu.memory_space<hbm>>, %arg7: memref<10880x128xf32, #tpu.memory_space<hbm>>, %arg8: memref<10880x128xf32, #tpu.memory_space<hbm>>, %arg9: memref<21760x128xf32, #tpu.memory_space<hbm>>, %arg10: memref<10x128xi32, #tpu.memory_space<vmem>>, %arg11: memref<10x128xi32, #tpu.memory_space<vmem>>, %arg12: memref<20x128xf32, #tpu.memory_space<vmem>>, %arg13: memref<20x128xf32, #tpu.memory_space<vmem>>, %arg14: memref<1280x64xbf16, #tpu.memory_space<vmem>>, %arg15: memref<1280x64xbf16, #tpu.memory_space<vmem>>, %arg16: memref<10x128xf32, #tpu.memory_space<vmem>>, %arg17: memref<10x128xf32, #tpu.memory_space<vmem>>, %arg18: memref<!tpu.dma_semaphore, #tpu.memory_space<semaphore_mem>>, %arg19: memref<!tpu.dma_semaphore, #tpu.memory_space<semaphore_mem>>, %arg20: memref<!tpu.dma_semaphore, #tpu.memory_space<semaphore_mem>>, %arg21: memref<!tpu.dma_semaphore, #tpu.memory_space<semaphore_mem>>, %arg22: memref<!tpu.dma_semaphore, #tpu.memory_space<semaphore_mem>>, %arg23: memref<!tpu.dma_semaphore, #tpu.memory_space<semaphore_mem>>) attributes {dimension_semantics = [#tpu.dimension_semantics<core_parallel>, #tpu.dimension_semantics<subcore_parallel>], iteration_bounds = array<i64: 2, 16>, scalar_prefetch = 0 : i64, scratch_operands = 14 : i64, tpu.core_type = #tpu.core_type<sc_vector_subcore>, window_params = [{transform_indices = #map}, {transform_indices = #map}, {transform_indices = #map}, {transform_indices = #map}, {transform_indices = #map}, {transform_indices = #map}, {transform_indices = #map}, {transform_indices = #map}]} {
    %mul3A = arith.constant 2 : i32
    %mul3A_0 = arith.muli %arg1, %mul3A : i32
    %add3A = arith.addi %mul3A_0, %arg0 : i32
    %mul3A_1 = arith.constant 340 : i32
    %mul3A_2 = arith.muli %add3A, %mul3A_1 : i32
    %add3A_3 = arith.constant 0 : i32
    %add3A_4 = arith.addi %mul3A_2, %add3A_3 : i32
    %dma_start3A = arith.constant 0 : i32
    %dma_start3A_5 = arith.constant 0 : i32
    %dma_start3A_6 = tpu.memref_slice %arg10[%dma_start3A, %dma_start3A_5] : memref<10x128xi32, #tpu.memory_space<vmem>> -> memref<5x128xi32, #tpu.memory_space<vmem>>
    %dma_start3A_7 = arith.constant 0 : i32
    %dma_start3A_8 = tpu.memref_slice %arg3[%add3A_4, %dma_start3A_7] : memref<10880x128xi32, #tpu.memory_space<hbm>> -> memref<5x128xi32, #tpu.memory_space<hbm>>
    %dma_start3A_9 = arith.constant 0 : i32
    %dma_start3A_10 = arith.constant 0 : i32
    %dma_start3A_11 = tpu.memref_slice %arg10[%dma_start3A_9, %dma_start3A_10] : memref<10x128xi32, #tpu.memory_space<vmem>> -> memref<5x128xi32, #tpu.memory_space<vmem>>
    %dma_start3A_12 = arith.constant 0 : i32
    %dma_start3A_13 = tpu.memref_slice %arg3[%add3A_4, %dma_start3A_12] : memref<10880x128xi32, #tpu.memory_space<hbm>> -> memref<5x128xi32, #tpu.memory_space<hbm>>
    tpu.enqueue_dma source(%dma_start3A_13 : memref<5x128xi32, #tpu.memory_space<hbm>>) target(%dma_start3A_11 : memref<5x128xi32, #tpu.memory_space<vmem>>) target_semaphore(%arg20 : memref<!tpu.dma_semaphore, #tpu.memory_space<semaphore_mem>>)
    %dma_start3A_14 = arith.constant 5 : i32
    %dma_start3A_15 = arith.constant 0 : i32
    %dma_start3A_16 = tpu.memref_slice %arg10[%dma_start3A_14, %dma_start3A_15] : memref<10x128xi32, #tpu.memory_space<vmem>> -> memref<5x128xi32, #tpu.memory_space<vmem>>
    %dma_start3A_17 = arith.constant 0 : i32
    %dma_start3A_18 = tpu.memref_slice %arg4[%add3A_4, %dma_start3A_17] : memref<10880x128xi32, #tpu.memory_space<hbm>> -> memref<5x128xi32, #tpu.memory_space<hbm>>
    %dma_start3A_19 = arith.constant 5 : i32
    %dma_start3A_20 = arith.constant 0 : i32
    %dma_start3A_21 = tpu.memref_slice %arg10[%dma_start3A_19, %dma_start3A_20] : memref<10x128xi32, #tpu.memory_space<vmem>> -> memref<5x128xi32, #tpu.memory_space<vmem>>
    %dma_start3A_22 = arith.constant 0 : i32
    %dma_start3A_23 = tpu.memref_slice %arg4[%add3A_4, %dma_start3A_22] : memref<10880x128xi32, #tpu.memory_space<hbm>> -> memref<5x128xi32, #tpu.memory_space<hbm>>
    tpu.enqueue_dma source(%dma_start3A_23 : memref<5x128xi32, #tpu.memory_space<hbm>>) target(%dma_start3A_21 : memref<5x128xi32, #tpu.memory_space<vmem>>) target_semaphore(%arg20 : memref<!tpu.dma_semaphore, #tpu.memory_space<semaphore_mem>>)
    %dma_start3A_24 = arith.constant 0 : i32
    %dma_start3A_25 = arith.constant 0 : i32
    %dma_start3A_26 = tpu.memref_slice %arg12[%dma_start3A_24, %dma_start3A_25] : memref<20x128xf32, #tpu.memory_space<vmem>> -> memref<5x128xf32, #tpu.memory_space<vmem>>
    %dma_start3A_27 = arith.constant 0 : i32
    %dma_start3A_28 = tpu.memref_slice %arg5[%add3A_4, %dma_start3A_27] : memref<10880x128xf32, #tpu.memory_space<hbm>> -> memref<5x128xf32, #tpu.memory_space<hbm>>
    %dma_start3A_29 = arith.constant 0 : i32
    %dma_start3A_30 = arith.constant 0 : i32
    %dma_start3A_31 = tpu.memref_slice %arg12[%dma_start3A_29, %dma_start3A_30] : memref<20x128xf32, #tpu.memory_space<vmem>> -> memref<5x128xf32, #tpu.memory_space<vmem>>
    %dma_start3A_32 = arith.constant 0 : i32
    %dma_start3A_33 = tpu.memref_slice %arg5[%add3A_4, %dma_start3A_32] : memref<10880x128xf32, #tpu.memory_space<hbm>> -> memref<5x128xf32, #tpu.memory_space<hbm>>
    tpu.enqueue_dma source(%dma_start3A_33 : memref<5x128xf32, #tpu.memory_space<hbm>>) target(%dma_start3A_31 : memref<5x128xf32, #tpu.memory_space<vmem>>) target_semaphore(%arg20 : memref<!tpu.dma_semaphore, #tpu.memory_space<semaphore_mem>>)
    %dma_start3A_34 = arith.constant 5 : i32
    %dma_start3A_35 = arith.constant 0 : i32
    %dma_start3A_36 = tpu.memref_slice %arg12[%dma_start3A_34, %dma_start3A_35] : memref<20x128xf32, #tpu.memory_space<vmem>> -> memref<5x128xf32, #tpu.memory_space<vmem>>
    %dma_start3A_37 = arith.constant 0 : i32
    %dma_start3A_38 = tpu.memref_slice %arg6[%add3A_4, %dma_start3A_37] : memref<10880x128xf32, #tpu.memory_space<hbm>> -> memref<5x128xf32, #tpu.memory_space<hbm>>
    %dma_start3A_39 = arith.constant 5 : i32
    %dma_start3A_40 = arith.constant 0 : i32
    %dma_start3A_41 = tpu.memref_slice %arg12[%dma_start3A_39, %dma_start3A_40] : memref<20x128xf32, #tpu.memory_space<vmem>> -> memref<5x128xf32, #tpu.memory_space<vmem>>
    %dma_start3A_42 = arith.constant 0 : i32
    %dma_start3A_43 = tpu.memref_slice %arg6[%add3A_4, %dma_start3A_42] : memref<10880x128xf32, #tpu.memory_space<hbm>> -> memref<5x128xf32, #tpu.memory_space<hbm>>
    tpu.enqueue_dma source(%dma_start3A_43 : memref<5x128xf32, #tpu.memory_space<hbm>>) target(%dma_start3A_41 : memref<5x128xf32, #tpu.memory_space<vmem>>) target_semaphore(%arg20 : memref<!tpu.dma_semaphore, #tpu.memory_space<semaphore_mem>>)
    %dma_start3A_44 = arith.constant 10 : i32
    %dma_start3A_45 = arith.constant 0 : i32
    %dma_start3A_46 = tpu.memref_slice %arg12[%dma_start3A_44, %dma_start3A_45] : memref<20x128xf32, #tpu.memory_space<vmem>> -> memref<5x128xf32, #tpu.memory_space<vmem>>
    %dma_start3A_47 = arith.constant 0 : i32
    %dma_start3A_48 = tpu.memref_slice %arg7[%add3A_4, %dma_start3A_47] : memref<10880x128xf32, #tpu.memory_space<hbm>> -> memref<5x128xf32, #tpu.memory_space<hbm>>
    %dma_start3A_49 = arith.constant 10 : i32
    %dma_start3A_50 = arith.constant 0 : i32
    %dma_start3A_51 = tpu.memref_slice %arg12[%dma_start3A_49, %dma_start3A_50] : memref<20x128xf32, #tpu.memory_space<vmem>> -> memref<5x128xf32, #tpu.memory_space<vmem>>
    %dma_start3A_52 = arith.constant 0 : i32
    %dma_start3A_53 = tpu.memref_slice %arg7[%add3A_4, %dma_start3A_52] : memref<10880x128xf32, #tpu.memory_space<hbm>> -> memref<5x128xf32, #tpu.memory_space<hbm>>
    tpu.enqueue_dma source(%dma_start3A_53 : memref<5x128xf32, #tpu.memory_space<hbm>>) target(%dma_start3A_51 : memref<5x128xf32, #tpu.memory_space<vmem>>) target_semaphore(%arg20 : memref<!tpu.dma_semaphore, #tpu.memory_space<semaphore_mem>>)
    %dma_start3A_54 = arith.constant 15 : i32
    %dma_start3A_55 = arith.constant 0 : i32
    %dma_start3A_56 = tpu.memref_slice %arg12[%dma_start3A_54, %dma_start3A_55] : memref<20x128xf32, #tpu.memory_space<vmem>> -> memref<5x128xf32, #tpu.memory_space<vmem>>
    %dma_start3A_57 = arith.constant 0 : i32
    %dma_start3A_58 = tpu.memref_slice %arg8[%add3A_4, %dma_start3A_57] : memref<10880x128xf32, #tpu.memory_space<hbm>> -> memref<5x128xf32, #tpu.memory_space<hbm>>
    %dma_start3A_59 = arith.constant 15 : i32
    %dma_start3A_60 = arith.constant 0 : i32
    %dma_start3A_61 = tpu.memref_slice %arg12[%dma_start3A_59, %dma_start3A_60] : memref<20x128xf32, #tpu.memory_space<vmem>> -> memref<5x128xf32, #tpu.memory_space<vmem>>
    %dma_start3A_62 = arith.constant 0 : i32
    %dma_start3A_63 = tpu.memref_slice %arg8[%add3A_4, %dma_start3A_62] : memref<10880x128xf32, #tpu.memory_space<hbm>> -> memref<5x128xf32, #tpu.memory_space<hbm>>
    tpu.enqueue_dma source(%dma_start3A_63 : memref<5x128xf32, #tpu.memory_space<hbm>>) target(%dma_start3A_61 : memref<5x128xf32, #tpu.memory_space<vmem>>) target_semaphore(%arg20 : memref<!tpu.dma_semaphore, #tpu.memory_space<semaphore_mem>>)
    %dma_wait3A = arith.constant 0 : i32
    %dma_wait3A_64 = arith.constant 0 : i32
    %dma_wait3A_65 = tpu.memref_slice %arg10[%dma_wait3A, %dma_wait3A_64] : memref<10x128xi32, #tpu.memory_space<vmem>> -> memref<5x128xi32, #tpu.memory_space<vmem>>
    %dma_wait3A_66 = arith.constant 0 : i32
    %dma_wait3A_67 = arith.constant 0 : i32
    %dma_wait3A_68 = tpu.memref_slice %arg3[%dma_wait3A_66, %dma_wait3A_67] : memref<10880x128xi32, #tpu.memory_space<hbm>> -> memref<5x128xi32, #tpu.memory_space<hbm>>
    %dma_wait3A_69 = arith.constant 0 : i32
    %dma_wait3A_70 = arith.constant 0 : i32
    %dma_wait3A_71 = tpu.memref_slice %arg10[%dma_wait3A_69, %dma_wait3A_70] : memref<10x128xi32, #tpu.memory_space<vmem>> -> memref<5x128xi32, #tpu.memory_space<vmem>>
    %dma_wait3A_72 = arith.constant 0 : i32
    %dma_wait3A_73 = arith.constant 0 : i32
    %dma_wait3A_74 = tpu.memref_slice %arg3[%dma_wait3A_72, %dma_wait3A_73] : memref<10880x128xi32, #tpu.memory_space<hbm>> -> memref<5x128xi32, #tpu.memory_space<hbm>>
    tpu.wait_dma2 semaphore(%arg20 : memref<!tpu.dma_semaphore, #tpu.memory_space<semaphore_mem>>) src(%dma_wait3A_74 : memref<5x128xi32, #tpu.memory_space<hbm>>) dst(%dma_wait3A_71 : memref<5x128xi32, #tpu.memory_space<vmem>>)
    %dma_wait3A_75 = arith.constant 5 : i32
    %dma_wait3A_76 = arith.constant 0 : i32
    %dma_wait3A_77 = tpu.memref_slice %arg10[%dma_wait3A_75, %dma_wait3A_76] : memref<10x128xi32, #tpu.memory_space<vmem>> -> memref<5x128xi32, #tpu.memory_space<vmem>>
    %dma_wait3A_78 = arith.constant 0 : i32
    %dma_wait3A_79 = arith.constant 0 : i32
    %dma_wait3A_80 = tpu.memref_slice %arg4[%dma_wait3A_78, %dma_wait3A_79] : memref<10880x128xi32, #tpu.memory_space<hbm>> -> memref<5x128xi32, #tpu.memory_space<hbm>>
    %dma_wait3A_81 = arith.constant 5 : i32
    %dma_wait3A_82 = arith.constant 0 : i32
    %dma_wait3A_83 = tpu.memref_slice %arg10[%dma_wait3A_81, %dma_wait3A_82] : memref<10x128xi32, #tpu.memory_space<vmem>> -> memref<5x128xi32, #tpu.memory_space<vmem>>
    %dma_wait3A_84 = arith.constant 0 : i32
    %dma_wait3A_85 = arith.constant 0 : i32
    %dma_wait3A_86 = tpu.memref_slice %arg4[%dma_wait3A_84, %dma_wait3A_85] : memref<10880x128xi32, #tpu.memory_space<hbm>> -> memref<5x128xi32, #tpu.memory_space<hbm>>
    tpu.wait_dma2 semaphore(%arg20 : memref<!tpu.dma_semaphore, #tpu.memory_space<semaphore_mem>>) src(%dma_wait3A_86 : memref<5x128xi32, #tpu.memory_space<hbm>>) dst(%dma_wait3A_83 : memref<5x128xi32, #tpu.memory_space<vmem>>)
    %dma_wait3A_87 = arith.constant 0 : i32
    %dma_wait3A_88 = arith.constant 0 : i32
    %dma_wait3A_89 = tpu.memref_slice %arg12[%dma_wait3A_87, %dma_wait3A_88] : memref<20x128xf32, #tpu.memory_space<vmem>> -> memref<5x128xf32, #tpu.memory_space<vmem>>
    %dma_wait3A_90 = arith.constant 0 : i32
    %dma_wait3A_91 = arith.constant 0 : i32
    %dma_wait3A_92 = tpu.memref_slice %arg5[%dma_wait3A_90, %dma_wait3A_91] : memref<10880x128xf32, #tpu.memory_space<hbm>> -> memref<5x128xf32, #tpu.memory_space<hbm>>
    %dma_wait3A_93 = arith.constant 0 : i32
    %dma_wait3A_94 = arith.constant 0 : i32
    %dma_wait3A_95 = tpu.memref_slice %arg12[%dma_wait3A_93, %dma_wait3A_94] : memref<20x128xf32, #tpu.memory_space<vmem>> -> memref<5x128xf32, #tpu.memory_space<vmem>>
    %dma_wait3A_96 = arith.constant 0 : i32
    %dma_wait3A_97 = arith.constant 0 : i32
    %dma_wait3A_98 = tpu.memref_slice %arg5[%dma_wait3A_96, %dma_wait3A_97] : memref<10880x128xf32, #tpu.memory_space<hbm>> -> memref<5x128xf32, #tpu.memory_space<hbm>>
    tpu.wait_dma2 semaphore(%arg20 : memref<!tpu.dma_semaphore, #tpu.memory_space<semaphore_mem>>) src(%dma_wait3A_98 : memref<5x128xf32, #tpu.memory_space<hbm>>) dst(%dma_wait3A_95 : memref<5x128xf32, #tpu.memory_space<vmem>>)
    %dma_wait3A_99 = arith.constant 5 : i32
    %dma_wait3A_100 = arith.constant 0 : i32
    %dma_wait3A_101 = tpu.memref_slice %arg12[%dma_wait3A_99, %dma_wait3A_100] : memref<20x128xf32, #tpu.memory_space<vmem>> -> memref<5x128xf32, #tpu.memory_space<vmem>>
    %dma_wait3A_102 = arith.constant 0 : i32
    %dma_wait3A_103 = arith.constant 0 : i32
    %dma_wait3A_104 = tpu.memref_slice %arg6[%dma_wait3A_102, %dma_wait3A_103] : memref<10880x128xf32, #tpu.memory_space<hbm>> -> memref<5x128xf32, #tpu.memory_space<hbm>>
    %dma_wait3A_105 = arith.constant 5 : i32
    %dma_wait3A_106 = arith.constant 0 : i32
    %dma_wait3A_107 = tpu.memref_slice %arg12[%dma_wait3A_105, %dma_wait3A_106] : memref<20x128xf32, #tpu.memory_space<vmem>> -> memref<5x128xf32, #tpu.memory_space<vmem>>
    %dma_wait3A_108 = arith.constant 0 : i32
    %dma_wait3A_109 = arith.constant 0 : i32
    %dma_wait3A_110 = tpu.memref_slice %arg6[%dma_wait3A_108, %dma_wait3A_109] : memref<10880x128xf32, #tpu.memory_space<hbm>> -> memref<5x128xf32, #tpu.memory_space<hbm>>
    tpu.wait_dma2 semaphore(%arg20 : memref<!tpu.dma_semaphore, #tpu.memory_space<semaphore_mem>>) src(%dma_wait3A_110 : memref<5x128xf32, #tpu.memory_space<hbm>>) dst(%dma_wait3A_107 : memref<5x128xf32, #tpu.memory_space<vmem>>)
    %dma_wait3A_111 = arith.constant 10 : i32
    %dma_wait3A_112 = arith.constant 0 : i32
    %dma_wait3A_113 = tpu.memref_slice %arg12[%dma_wait3A_111, %dma_wait3A_112] : memref<20x128xf32, #tpu.memory_space<vmem>> -> memref<5x128xf32, #tpu.memory_space<vmem>>
    %dma_wait3A_114 = arith.constant 0 : i32
    %dma_wait3A_115 = arith.constant 0 : i32
    %dma_wait3A_116 = tpu.memref_slice %arg7[%dma_wait3A_114, %dma_wait3A_115] : memref<10880x128xf32, #tpu.memory_space<hbm>> -> memref<5x128xf32, #tpu.memory_space<hbm>>
    %dma_wait3A_117 = arith.constant 10 : i32
    %dma_wait3A_118 = arith.constant 0 : i32
    %dma_wait3A_119 = tpu.memref_slice %arg12[%dma_wait3A_117, %dma_wait3A_118] : memref<20x128xf32, #tpu.memory_space<vmem>> -> memref<5x128xf32, #tpu.memory_space<vmem>>
    %dma_wait3A_120 = arith.constant 0 : i32
    %dma_wait3A_121 = arith.constant 0 : i32
    %dma_wait3A_122 = tpu.memref_slice %arg7[%dma_wait3A_120, %dma_wait3A_121] : memref<10880x128xf32, #tpu.memory_space<hbm>> -> memref<5x128xf32, #tpu.memory_space<hbm>>
    tpu.wait_dma2 semaphore(%arg20 : memref<!tpu.dma_semaphore, #tpu.memory_space<semaphore_mem>>) src(%dma_wait3A_122 : memref<5x128xf32, #tpu.memory_space<hbm>>) dst(%dma_wait3A_119 : memref<5x128xf32, #tpu.memory_space<vmem>>)
    %dma_wait3A_123 = arith.constant 15 : i32
    %dma_wait3A_124 = arith.constant 0 : i32
    %dma_wait3A_125 = tpu.memref_slice %arg12[%dma_wait3A_123, %dma_wait3A_124] : memref<20x128xf32, #tpu.memory_space<vmem>> -> memref<5x128xf32, #tpu.memory_space<vmem>>
    %dma_wait3A_126 = arith.constant 0 : i32
    %dma_wait3A_127 = arith.constant 0 : i32
    %dma_wait3A_128 = tpu.memref_slice %arg8[%dma_wait3A_126, %dma_wait3A_127] : memref<10880x128xf32, #tpu.memory_space<hbm>> -> memref<5x128xf32, #tpu.memory_space<hbm>>
    %dma_wait3A_129 = arith.constant 15 : i32
    %dma_wait3A_130 = arith.constant 0 : i32
    %dma_wait3A_131 = tpu.memref_slice %arg12[%dma_wait3A_129, %dma_wait3A_130] : memref<20x128xf32, #tpu.memory_space<vmem>> -> memref<5x128xf32, #tpu.memory_space<vmem>>
    %dma_wait3A_132 = arith.constant 0 : i32
    %dma_wait3A_133 = arith.constant 0 : i32
    %dma_wait3A_134 = tpu.memref_slice %arg8[%dma_wait3A_132, %dma_wait3A_133] : memref<10880x128xf32, #tpu.memory_space<hbm>> -> memref<5x128xf32, #tpu.memory_space<hbm>>
    tpu.wait_dma2 semaphore(%arg20 : memref<!tpu.dma_semaphore, #tpu.memory_space<semaphore_mem>>) src(%dma_wait3A_134 : memref<5x128xf32, #tpu.memory_space<hbm>>) dst(%dma_wait3A_131 : memref<5x128xf32, #tpu.memory_space<vmem>>)
    %dma_start3A_135 = arith.constant 0 : i32
    %dma_start3A_136 = arith.constant 0 : i32
    %dma_start3A_137 = arith.constant 0 : i32
    %dma_start3A_138 = tpu.memref_slice %arg14[%dma_start3A_136, %dma_start3A_137] : memref<1280x64xbf16, #tpu.memory_space<vmem>> -> memref<128x64xbf16, #tpu.memory_space<vmem>>
    %dma_start3A_139 = arith.constant 0 : i32
    %dma_start3A_140 = tpu.memref_slice %arg10[%dma_start3A_135, %dma_start3A_139] : memref<10x128xi32, #tpu.memory_space<vmem>> -> memref<1x128xi32, #tpu.memory_space<vmem>>
    %dma_start3A_141 = tpu.memref_squeeze %dma_start3A_140 : memref<1x128xi32, #tpu.memory_space<vmem>> -> memref<128xi32, #tpu.memory_space<vmem>>
    %dma_start3A_142 = arith.constant 0 : i32
    %dma_start3A_143 = arith.constant 0 : i32
    %dma_start3A_144 = tpu.memref_slice %arg2[%dma_start3A_142, %dma_start3A_143] : memref<87040x64xbf16, #tpu.memory_space<hbm>> -> memref<87040x64xbf16, #tpu.memory_space<hbm>>
    tpu.enqueue_indirect_dma source(%dma_start3A_144 : memref<87040x64xbf16, #tpu.memory_space<hbm>>) target(%dma_start3A_138 : memref<128x64xbf16, #tpu.memory_space<vmem>>) offsets(%dma_start3A_141 : memref<128xi32, #tpu.memory_space<vmem>>) semaphore(%arg18 : memref<!tpu.dma_semaphore, #tpu.memory_space<semaphore_mem>>)
    %dma_start3A_145 = arith.constant 1 : i32
    %dma_start3A_146 = arith.constant 128 : i32
    %dma_start3A_147 = arith.constant 0 : i32
    %dma_start3A_148 = tpu.memref_slice %arg14[%dma_start3A_146, %dma_start3A_147] : memref<1280x64xbf16, #tpu.memory_space<vmem>> -> memref<128x64xbf16, #tpu.memory_space<vmem>>
    %dma_start3A_149 = arith.constant 0 : i32
    %dma_start3A_150 = tpu.memref_slice %arg10[%dma_start3A_145, %dma_start3A_149] : memref<10x128xi32, #tpu.memory_space<vmem>> -> memref<1x128xi32, #tpu.memory_space<vmem>>
    %dma_start3A_151 = tpu.memref_squeeze %dma_start3A_150 : memref<1x128xi32, #tpu.memory_space<vmem>> -> memref<128xi32, #tpu.memory_space<vmem>>
    %dma_start3A_152 = arith.constant 0 : i32
    %dma_start3A_153 = arith.constant 0 : i32
    %dma_start3A_154 = tpu.memref_slice %arg2[%dma_start3A_152, %dma_start3A_153] : memref<87040x64xbf16, #tpu.memory_space<hbm>> -> memref<87040x64xbf16, #tpu.memory_space<hbm>>
    tpu.enqueue_indirect_dma source(%dma_start3A_154 : memref<87040x64xbf16, #tpu.memory_space<hbm>>) target(%dma_start3A_148 : memref<128x64xbf16, #tpu.memory_space<vmem>>) offsets(%dma_start3A_151 : memref<128xi32, #tpu.memory_space<vmem>>) semaphore(%arg18 : memref<!tpu.dma_semaphore, #tpu.memory_space<semaphore_mem>>)
    %dma_start3A_155 = arith.constant 2 : i32
    %dma_start3A_156 = arith.constant 256 : i32
    %dma_start3A_157 = arith.constant 0 : i32
    %dma_start3A_158 = tpu.memref_slice %arg14[%dma_start3A_156, %dma_start3A_157] : memref<1280x64xbf16, #tpu.memory_space<vmem>> -> memref<128x64xbf16, #tpu.memory_space<vmem>>
    %dma_start3A_159 = arith.constant 0 : i32
    %dma_start3A_160 = tpu.memref_slice %arg10[%dma_start3A_155, %dma_start3A_159] : memref<10x128xi32, #tpu.memory_space<vmem>> -> memref<1x128xi32, #tpu.memory_space<vmem>>
    %dma_start3A_161 = tpu.memref_squeeze %dma_start3A_160 : memref<1x128xi32, #tpu.memory_space<vmem>> -> memref<128xi32, #tpu.memory_space<vmem>>
    %dma_start3A_162 = arith.constant 0 : i32
    %dma_start3A_163 = arith.constant 0 : i32
    %dma_start3A_164 = tpu.memref_slice %arg2[%dma_start3A_162, %dma_start3A_163] : memref<87040x64xbf16, #tpu.memory_space<hbm>> -> memref<87040x64xbf16, #tpu.memory_space<hbm>>
    tpu.enqueue_indirect_dma source(%dma_start3A_164 : memref<87040x64xbf16, #tpu.memory_space<hbm>>) target(%dma_start3A_158 : memref<128x64xbf16, #tpu.memory_space<vmem>>) offsets(%dma_start3A_161 : memref<128xi32, #tpu.memory_space<vmem>>) semaphore(%arg18 : memref<!tpu.dma_semaphore, #tpu.memory_space<semaphore_mem>>)
    %dma_start3A_165 = arith.constant 3 : i32
    %dma_start3A_166 = arith.constant 384 : i32
    %dma_start3A_167 = arith.constant 0 : i32
    %dma_start3A_168 = tpu.memref_slice %arg14[%dma_start3A_166, %dma_start3A_167] : memref<1280x64xbf16, #tpu.memory_space<vmem>> -> memref<128x64xbf16, #tpu.memory_space<vmem>>
    %dma_start3A_169 = arith.constant 0 : i32
    %dma_start3A_170 = tpu.memref_slice %arg10[%dma_start3A_165, %dma_start3A_169] : memref<10x128xi32, #tpu.memory_space<vmem>> -> memref<1x128xi32, #tpu.memory_space<vmem>>
    %dma_start3A_171 = tpu.memref_squeeze %dma_start3A_170 : memref<1x128xi32, #tpu.memory_space<vmem>> -> memref<128xi32, #tpu.memory_space<vmem>>
    %dma_start3A_172 = arith.constant 0 : i32
    %dma_start3A_173 = arith.constant 0 : i32
    %dma_start3A_174 = tpu.memref_slice %arg2[%dma_start3A_172, %dma_start3A_173] : memref<87040x64xbf16, #tpu.memory_space<hbm>> -> memref<87040x64xbf16, #tpu.memory_space<hbm>>
    tpu.enqueue_indirect_dma source(%dma_start3A_174 : memref<87040x64xbf16, #tpu.memory_space<hbm>>) target(%dma_start3A_168 : memref<128x64xbf16, #tpu.memory_space<vmem>>) offsets(%dma_start3A_171 : memref<128xi32, #tpu.memory_space<vmem>>) semaphore(%arg18 : memref<!tpu.dma_semaphore, #tpu.memory_space<semaphore_mem>>)
    %dma_start3A_175 = arith.constant 4 : i32
    %dma_start3A_176 = arith.constant 512 : i32
    %dma_start3A_177 = arith.constant 0 : i32
    %dma_start3A_178 = tpu.memref_slice %arg14[%dma_start3A_176, %dma_start3A_177] : memref<1280x64xbf16, #tpu.memory_space<vmem>> -> memref<128x64xbf16, #tpu.memory_space<vmem>>
    %dma_start3A_179 = arith.constant 0 : i32
    %dma_start3A_180 = tpu.memref_slice %arg10[%dma_start3A_175, %dma_start3A_179] : memref<10x128xi32, #tpu.memory_space<vmem>> -> memref<1x128xi32, #tpu.memory_space<vmem>>
    %dma_start3A_181 = tpu.memref_squeeze %dma_start3A_180 : memref<1x128xi32, #tpu.memory_space<vmem>> -> memref<128xi32, #tpu.memory_space<vmem>>
    %dma_start3A_182 = arith.constant 0 : i32
    %dma_start3A_183 = arith.constant 0 : i32
    %dma_start3A_184 = tpu.memref_slice %arg2[%dma_start3A_182, %dma_start3A_183] : memref<87040x64xbf16, #tpu.memory_space<hbm>> -> memref<87040x64xbf16, #tpu.memory_space<hbm>>
    tpu.enqueue_indirect_dma source(%dma_start3A_184 : memref<87040x64xbf16, #tpu.memory_space<hbm>>) target(%dma_start3A_178 : memref<128x64xbf16, #tpu.memory_space<vmem>>) offsets(%dma_start3A_181 : memref<128xi32, #tpu.memory_space<vmem>>) semaphore(%arg18 : memref<!tpu.dma_semaphore, #tpu.memory_space<semaphore_mem>>)
    %dma_start3A_185 = arith.constant 5 : i32
    %dma_start3A_186 = arith.constant 640 : i32
    %dma_start3A_187 = arith.constant 0 : i32
    %dma_start3A_188 = tpu.memref_slice %arg14[%dma_start3A_186, %dma_start3A_187] : memref<1280x64xbf16, #tpu.memory_space<vmem>> -> memref<128x64xbf16, #tpu.memory_space<vmem>>
    %dma_start3A_189 = arith.constant 0 : i32
    %dma_start3A_190 = tpu.memref_slice %arg10[%dma_start3A_185, %dma_start3A_189] : memref<10x128xi32, #tpu.memory_space<vmem>> -> memref<1x128xi32, #tpu.memory_space<vmem>>
    %dma_start3A_191 = tpu.memref_squeeze %dma_start3A_190 : memref<1x128xi32, #tpu.memory_space<vmem>> -> memref<128xi32, #tpu.memory_space<vmem>>
    %dma_start3A_192 = arith.constant 0 : i32
    %dma_start3A_193 = arith.constant 0 : i32
    %dma_start3A_194 = tpu.memref_slice %arg2[%dma_start3A_192, %dma_start3A_193] : memref<87040x64xbf16, #tpu.memory_space<hbm>> -> memref<87040x64xbf16, #tpu.memory_space<hbm>>
    tpu.enqueue_indirect_dma source(%dma_start3A_194 : memref<87040x64xbf16, #tpu.memory_space<hbm>>) target(%dma_start3A_188 : memref<128x64xbf16, #tpu.memory_space<vmem>>) offsets(%dma_start3A_191 : memref<128xi32, #tpu.memory_space<vmem>>) semaphore(%arg18 : memref<!tpu.dma_semaphore, #tpu.memory_space<semaphore_mem>>)
    %dma_start3A_195 = arith.constant 6 : i32
    %dma_start3A_196 = arith.constant 768 : i32
    %dma_start3A_197 = arith.constant 0 : i32
    %dma_start3A_198 = tpu.memref_slice %arg14[%dma_start3A_196, %dma_start3A_197] : memref<1280x64xbf16, #tpu.memory_space<vmem>> -> memref<128x64xbf16, #tpu.memory_space<vmem>>
    %dma_start3A_199 = arith.constant 0 : i32
    %dma_start3A_200 = tpu.memref_slice %arg10[%dma_start3A_195, %dma_start3A_199] : memref<10x128xi32, #tpu.memory_space<vmem>> -> memref<1x128xi32, #tpu.memory_space<vmem>>
    %dma_start3A_201 = tpu.memref_squeeze %dma_start3A_200 : memref<1x128xi32, #tpu.memory_space<vmem>> -> memref<128xi32, #tpu.memory_space<vmem>>
    %dma_start3A_202 = arith.constant 0 : i32
    %dma_start3A_203 = arith.constant 0 : i32
    %dma_start3A_204 = tpu.memref_slice %arg2[%dma_start3A_202, %dma_start3A_203] : memref<87040x64xbf16, #tpu.memory_space<hbm>> -> memref<87040x64xbf16, #tpu.memory_space<hbm>>
    tpu.enqueue_indirect_dma source(%dma_start3A_204 : memref<87040x64xbf16, #tpu.memory_space<hbm>>) target(%dma_start3A_198 : memref<128x64xbf16, #tpu.memory_space<vmem>>) offsets(%dma_start3A_201 : memref<128xi32, #tpu.memory_space<vmem>>) semaphore(%arg18 : memref<!tpu.dma_semaphore, #tpu.memory_space<semaphore_mem>>)
    %dma_start3A_205 = arith.constant 7 : i32
    %dma_start3A_206 = arith.constant 896 : i32
    %dma_start3A_207 = arith.constant 0 : i32
    %dma_start3A_208 = tpu.memref_slice %arg14[%dma_start3A_206, %dma_start3A_207] : memref<1280x64xbf16, #tpu.memory_space<vmem>> -> memref<128x64xbf16, #tpu.memory_space<vmem>>
    %dma_start3A_209 = arith.constant 0 : i32
    %dma_start3A_210 = tpu.memref_slice %arg10[%dma_start3A_205, %dma_start3A_209] : memref<10x128xi32, #tpu.memory_space<vmem>> -> memref<1x128xi32, #tpu.memory_space<vmem>>
    %dma_start3A_211 = tpu.memref_squeeze %dma_start3A_210 : memref<1x128xi32, #tpu.memory_space<vmem>> -> memref<128xi32, #tpu.memory_space<vmem>>
    %dma_start3A_212 = arith.constant 0 : i32
    %dma_start3A_213 = arith.constant 0 : i32
    %dma_start3A_214 = tpu.memref_slice %arg2[%dma_start3A_212, %dma_start3A_213] : memref<87040x64xbf16, #tpu.memory_space<hbm>> -> memref<87040x64xbf16, #tpu.memory_space<hbm>>
    tpu.enqueue_indirect_dma source(%dma_start3A_214 : memref<87040x64xbf16, #tpu.memory_space<hbm>>) target(%dma_start3A_208 : memref<128x64xbf16, #tpu.memory_space<vmem>>) offsets(%dma_start3A_211 : memref<128xi32, #tpu.memory_space<vmem>>) semaphore(%arg18 : memref<!tpu.dma_semaphore, #tpu.memory_space<semaphore_mem>>)
    %dma_start3A_215 = arith.constant 8 : i32
    %dma_start3A_216 = arith.constant 1024 : i32
    %dma_start3A_217 = arith.constant 0 : i32
    %dma_start3A_218 = tpu.memref_slice %arg14[%dma_start3A_216, %dma_start3A_217] : memref<1280x64xbf16, #tpu.memory_space<vmem>> -> memref<128x64xbf16, #tpu.memory_space<vmem>>
    %dma_start3A_219 = arith.constant 0 : i32
    %dma_start3A_220 = tpu.memref_slice %arg10[%dma_start3A_215, %dma_start3A_219] : memref<10x128xi32, #tpu.memory_space<vmem>> -> memref<1x128xi32, #tpu.memory_space<vmem>>
    %dma_start3A_221 = tpu.memref_squeeze %dma_start3A_220 : memref<1x128xi32, #tpu.memory_space<vmem>> -> memref<128xi32, #tpu.memory_space<vmem>>
    %dma_start3A_222 = arith.constant 0 : i32
    %dma_start3A_223 = arith.constant 0 : i32
    %dma_start3A_224 = tpu.memref_slice %arg2[%dma_start3A_222, %dma_start3A_223] : memref<87040x64xbf16, #tpu.memory_space<hbm>> -> memref<87040x64xbf16, #tpu.memory_space<hbm>>
    tpu.enqueue_indirect_dma source(%dma_start3A_224 : memref<87040x64xbf16, #tpu.memory_space<hbm>>) target(%dma_start3A_218 : memref<128x64xbf16, #tpu.memory_space<vmem>>) offsets(%dma_start3A_221 : memref<128xi32, #tpu.memory_space<vmem>>) semaphore(%arg18 : memref<!tpu.dma_semaphore, #tpu.memory_space<semaphore_mem>>)
    %dma_start3A_225 = arith.constant 9 : i32
    %dma_start3A_226 = arith.constant 1152 : i32
    %dma_start3A_227 = arith.constant 0 : i32
    %dma_start3A_228 = tpu.memref_slice %arg14[%dma_start3A_226, %dma_start3A_227] : memref<1280x64xbf16, #tpu.memory_space<vmem>> -> memref<128x64xbf16, #tpu.memory_space<vmem>>
    %dma_start3A_229 = arith.constant 0 : i32
    %dma_start3A_230 = tpu.memref_slice %arg10[%dma_start3A_225, %dma_start3A_229] : memref<10x128xi32, #tpu.memory_space<vmem>> -> memref<1x128xi32, #tpu.memory_space<vmem>>
    %dma_start3A_231 = tpu.memref_squeeze %dma_start3A_230 : memref<1x128xi32, #tpu.memory_space<vmem>> -> memref<128xi32, #tpu.memory_space<vmem>>
    %dma_start3A_232 = arith.constant 0 : i32
    %dma_start3A_233 = arith.constant 0 : i32
    %dma_start3A_234 = tpu.memref_slice %arg2[%dma_start3A_232, %dma_start3A_233] : memref<87040x64xbf16, #tpu.memory_space<hbm>> -> memref<87040x64xbf16, #tpu.memory_space<hbm>>
    tpu.enqueue_indirect_dma source(%dma_start3A_234 : memref<87040x64xbf16, #tpu.memory_space<hbm>>) target(%dma_start3A_228 : memref<128x64xbf16, #tpu.memory_space<vmem>>) offsets(%dma_start3A_231 : memref<128xi32, #tpu.memory_space<vmem>>) semaphore(%arg18 : memref<!tpu.dma_semaphore, #tpu.memory_space<semaphore_mem>>)
    %add3A_235 = arith.constant 5 : i32
    %add3A_236 = arith.addi %mul3A_2, %add3A_235 : i32
    %dma_start3A_237 = arith.constant 0 : i32
    %dma_start3A_238 = arith.constant 0 : i32
    %dma_start3A_239 = tpu.memref_slice %arg11[%dma_start3A_237, %dma_start3A_238] : memref<10x128xi32, #tpu.memory_space<vmem>> -> memref<5x128xi32, #tpu.memory_space<vmem>>
    %dma_start3A_240 = arith.constant 0 : i32
    %dma_start3A_241 = tpu.memref_slice %arg3[%add3A_236, %dma_start3A_240] : memref<10880x128xi32, #tpu.memory_space<hbm>> -> memref<5x128xi32, #tpu.memory_space<hbm>>
    %dma_start3A_242 = arith.constant 0 : i32
    %dma_start3A_243 = arith.constant 0 : i32
    %dma_start3A_244 = tpu.memref_slice %arg11[%dma_start3A_242, %dma_start3A_243] : memref<10x128xi32, #tpu.memory_space<vmem>> -> memref<5x128xi32, #tpu.memory_space<vmem>>
    %dma_start3A_245 = arith.constant 0 : i32
    %dma_start3A_246 = tpu.memref_slice %arg3[%add3A_236, %dma_start3A_245] : memref<10880x128xi32, #tpu.memory_space<hbm>> -> memref<5x128xi32, #tpu.memory_space<hbm>>
    tpu.enqueue_dma source(%dma_start3A_246 : memref<5x128xi32, #tpu.memory_space<hbm>>) target(%dma_start3A_244 : memref<5x128xi32, #tpu.memory_space<vmem>>) target_semaphore(%arg21 : memref<!tpu.dma_semaphore, #tpu.memory_space<semaphore_mem>>)
    %dma_start3A_247 = arith.constant 5 : i32
    %dma_start3A_248 = arith.constant 0 : i32
    %dma_start3A_249 = tpu.memref_slice %arg11[%dma_start3A_247, %dma_start3A_248] : memref<10x128xi32, #tpu.memory_space<vmem>> -> memref<5x128xi32, #tpu.memory_space<vmem>>
    %dma_start3A_250 = arith.constant 0 : i32
    %dma_start3A_251 = tpu.memref_slice %arg4[%add3A_236, %dma_start3A_250] : memref<10880x128xi32, #tpu.memory_space<hbm>> -> memref<5x128xi32, #tpu.memory_space<hbm>>
    %dma_start3A_252 = arith.constant 5 : i32
    %dma_start3A_253 = arith.constant 0 : i32
    %dma_start3A_254 = tpu.memref_slice %arg11[%dma_start3A_252, %dma_start3A_253] : memref<10x128xi32, #tpu.memory_space<vmem>> -> memref<5x128xi32, #tpu.memory_space<vmem>>
    %dma_start3A_255 = arith.constant 0 : i32
    %dma_start3A_256 = tpu.memref_slice %arg4[%add3A_236, %dma_start3A_255] : memref<10880x128xi32, #tpu.memory_space<hbm>> -> memref<5x128xi32, #tpu.memory_space<hbm>>
    tpu.enqueue_dma source(%dma_start3A_256 : memref<5x128xi32, #tpu.memory_space<hbm>>) target(%dma_start3A_254 : memref<5x128xi32, #tpu.memory_space<vmem>>) target_semaphore(%arg21 : memref<!tpu.dma_semaphore, #tpu.memory_space<semaphore_mem>>)
    %dma_start3A_257 = arith.constant 0 : i32
    %dma_start3A_258 = arith.constant 0 : i32
    %dma_start3A_259 = tpu.memref_slice %arg13[%dma_start3A_257, %dma_start3A_258] : memref<20x128xf32, #tpu.memory_space<vmem>> -> memref<5x128xf32, #tpu.memory_space<vmem>>
    %dma_start3A_260 = arith.constant 0 : i32
    %dma_start3A_261 = tpu.memref_slice %arg5[%add3A_236, %dma_start3A_260] : memref<10880x128xf32, #tpu.memory_space<hbm>> -> memref<5x128xf32, #tpu.memory_space<hbm>>
    %dma_start3A_262 = arith.constant 0 : i32
    %dma_start3A_263 = arith.constant 0 : i32
    %dma_start3A_264 = tpu.memref_slice %arg13[%dma_start3A_262, %dma_start3A_263] : memref<20x128xf32, #tpu.memory_space<vmem>> -> memref<5x128xf32, #tpu.memory_space<vmem>>
    %dma_start3A_265 = arith.constant 0 : i32
    %dma_start3A_266 = tpu.memref_slice %arg5[%add3A_236, %dma_start3A_265] : memref<10880x128xf32, #tpu.memory_space<hbm>> -> memref<5x128xf32, #tpu.memory_space<hbm>>
    tpu.enqueue_dma source(%dma_start3A_266 : memref<5x128xf32, #tpu.memory_space<hbm>>) target(%dma_start3A_264 : memref<5x128xf32, #tpu.memory_space<vmem>>) target_semaphore(%arg21 : memref<!tpu.dma_semaphore, #tpu.memory_space<semaphore_mem>>)
    %dma_start3A_267 = arith.constant 5 : i32
    %dma_start3A_268 = arith.constant 0 : i32
    %dma_start3A_269 = tpu.memref_slice %arg13[%dma_start3A_267, %dma_start3A_268] : memref<20x128xf32, #tpu.memory_space<vmem>> -> memref<5x128xf32, #tpu.memory_space<vmem>>
    %dma_start3A_270 = arith.constant 0 : i32
    %dma_start3A_271 = tpu.memref_slice %arg6[%add3A_236, %dma_start3A_270] : memref<10880x128xf32, #tpu.memory_space<hbm>> -> memref<5x128xf32, #tpu.memory_space<hbm>>
    %dma_start3A_272 = arith.constant 5 : i32
    %dma_start3A_273 = arith.constant 0 : i32
    %dma_start3A_274 = tpu.memref_slice %arg13[%dma_start3A_272, %dma_start3A_273] : memref<20x128xf32, #tpu.memory_space<vmem>> -> memref<5x128xf32, #tpu.memory_space<vmem>>
    %dma_start3A_275 = arith.constant 0 : i32
    %dma_start3A_276 = tpu.memref_slice %arg6[%add3A_236, %dma_start3A_275] : memref<10880x128xf32, #tpu.memory_space<hbm>> -> memref<5x128xf32, #tpu.memory_space<hbm>>
    tpu.enqueue_dma source(%dma_start3A_276 : memref<5x128xf32, #tpu.memory_space<hbm>>) target(%dma_start3A_274 : memref<5x128xf32, #tpu.memory_space<vmem>>) target_semaphore(%arg21 : memref<!tpu.dma_semaphore, #tpu.memory_space<semaphore_mem>>)
    %dma_start3A_277 = arith.constant 10 : i32
    %dma_start3A_278 = arith.constant 0 : i32
    %dma_start3A_279 = tpu.memref_slice %arg13[%dma_start3A_277, %dma_start3A_278] : memref<20x128xf32, #tpu.memory_space<vmem>> -> memref<5x128xf32, #tpu.memory_space<vmem>>
    %dma_start3A_280 = arith.constant 0 : i32
    %dma_start3A_281 = tpu.memref_slice %arg7[%add3A_236, %dma_start3A_280] : memref<10880x128xf32, #tpu.memory_space<hbm>> -> memref<5x128xf32, #tpu.memory_space<hbm>>
    %dma_start3A_282 = arith.constant 10 : i32
    %dma_start3A_283 = arith.constant 0 : i32
    %dma_start3A_284 = tpu.memref_slice %arg13[%dma_start3A_282, %dma_start3A_283] : memref<20x128xf32, #tpu.memory_space<vmem>> -> memref<5x128xf32, #tpu.memory_space<vmem>>
    %dma_start3A_285 = arith.constant 0 : i32
    %dma_start3A_286 = tpu.memref_slice %arg7[%add3A_236, %dma_start3A_285] : memref<10880x128xf32, #tpu.memory_space<hbm>> -> memref<5x128xf32, #tpu.memory_space<hbm>>
    tpu.enqueue_dma source(%dma_start3A_286 : memref<5x128xf32, #tpu.memory_space<hbm>>) target(%dma_start3A_284 : memref<5x128xf32, #tpu.memory_space<vmem>>) target_semaphore(%arg21 : memref<!tpu.dma_semaphore, #tpu.memory_space<semaphore_mem>>)
    %dma_start3A_287 = arith.constant 15 : i32
    %dma_start3A_288 = arith.constant 0 : i32
    %dma_start3A_289 = tpu.memref_slice %arg13[%dma_start3A_287, %dma_start3A_288] : memref<20x128xf32, #tpu.memory_space<vmem>> -> memref<5x128xf32, #tpu.memory_space<vmem>>
    %dma_start3A_290 = arith.constant 0 : i32
    %dma_start3A_291 = tpu.memref_slice %arg8[%add3A_236, %dma_start3A_290] : memref<10880x128xf32, #tpu.memory_space<hbm>> -> memref<5x128xf32, #tpu.memory_space<hbm>>
    %dma_start3A_292 = arith.constant 15 : i32
    %dma_start3A_293 = arith.constant 0 : i32
    %dma_start3A_294 = tpu.memref_slice %arg13[%dma_start3A_292, %dma_start3A_293] : memref<20x128xf32, #tpu.memory_space<vmem>> -> memref<5x128xf32, #tpu.memory_space<vmem>>
    %dma_start3A_295 = arith.constant 0 : i32
    %dma_start3A_296 = tpu.memref_slice %arg8[%add3A_236, %dma_start3A_295] : memref<10880x128xf32, #tpu.memory_space<hbm>> -> memref<5x128xf32, #tpu.memory_space<hbm>>
    tpu.enqueue_dma source(%dma_start3A_296 : memref<5x128xf32, #tpu.memory_space<hbm>>) target(%dma_start3A_294 : memref<5x128xf32, #tpu.memory_space<vmem>>) target_semaphore(%arg21 : memref<!tpu.dma_semaphore, #tpu.memory_space<semaphore_mem>>)
    %scan3A = arith.constant 0 : i32
    %scan3A_297 = arith.constant 0 : i32
    %scan3A_298 = arith.constant 34 : i32
    %scan3A_299 = arith.addi %scan3A_297, %scan3A_298 : i32
    %scan3A_300 = arith.constant 1 : i32
    %scan3A_301 = scf.for %scan3A_315 = %scan3A_297 to %scan3A_299 step %scan3A_300 iter_args(%scan3A_316 = %scan3A) -> (i32)  : i32 {
      %mul3A_317 = arith.constant 2 : i32
      %mul3A_318 = arith.muli %mul3A_317, %scan3A_315 : i32
      %mul3A_319 = arith.constant 2 : i32
      %mul3A_320 = arith.muli %mul3A_319, %scan3A_315 : i32
      %add3A_321 = arith.constant 1 : i32
      %add3A_322 = arith.addi %mul3A_320, %add3A_321 : i32
      %lt3A = arith.constant 33 : i32
      %lt3A_323 = arith.cmpi slt, %scan3A_315, %lt3A : i32
      %gt3A = arith.constant 0 : i32
      %gt3A_324 = arith.cmpi sgt, %scan3A_315, %gt3A : i32
      %dma_wait3A_325 = arith.constant 0 : i32
      %dma_wait3A_326 = arith.constant 0 : i32
      %dma_wait3A_327 = tpu.memref_slice %arg11[%dma_wait3A_325, %dma_wait3A_326] : memref<10x128xi32, #tpu.memory_space<vmem>> -> memref<5x128xi32, #tpu.memory_space<vmem>>
      %dma_wait3A_328 = arith.constant 0 : i32
      %dma_wait3A_329 = arith.constant 0 : i32
      %dma_wait3A_330 = tpu.memref_slice %arg3[%dma_wait3A_328, %dma_wait3A_329] : memref<10880x128xi32, #tpu.memory_space<hbm>> -> memref<5x128xi32, #tpu.memory_space<hbm>>
      %dma_wait3A_331 = arith.constant 0 : i32
      %dma_wait3A_332 = arith.constant 0 : i32
      %dma_wait3A_333 = tpu.memref_slice %arg11[%dma_wait3A_331, %dma_wait3A_332] : memref<10x128xi32, #tpu.memory_space<vmem>> -> memref<5x128xi32, #tpu.memory_space<vmem>>
      %dma_wait3A_334 = arith.constant 0 : i32
      %dma_wait3A_335 = arith.constant 0 : i32
      %dma_wait3A_336 = tpu.memref_slice %arg3[%dma_wait3A_334, %dma_wait3A_335] : memref<10880x128xi32, #tpu.memory_space<hbm>> -> memref<5x128xi32, #tpu.memory_space<hbm>>
      tpu.wait_dma2 semaphore(%arg21 : memref<!tpu.dma_semaphore, #tpu.memory_space<semaphore_mem>>) src(%dma_wait3A_336 : memref<5x128xi32, #tpu.memory_space<hbm>>) dst(%dma_wait3A_333 : memref<5x128xi32, #tpu.memory_space<vmem>>)
      %dma_wait3A_337 = arith.constant 5 : i32
      %dma_wait3A_338 = arith.constant 0 : i32
      %dma_wait3A_339 = tpu.memref_slice %arg11[%dma_wait3A_337, %dma_wait3A_338] : memref<10x128xi32, #tpu.memory_space<vmem>> -> memref<5x128xi32, #tpu.memory_space<vmem>>
      %dma_wait3A_340 = arith.constant 0 : i32
      %dma_wait3A_341 = arith.constant 0 : i32
      %dma_wait3A_342 = tpu.memref_slice %arg4[%dma_wait3A_340, %dma_wait3A_341] : memref<10880x128xi32, #tpu.memory_space<hbm>> -> memref<5x128xi32, #tpu.memory_space<hbm>>
      %dma_wait3A_343 = arith.constant 5 : i32
      %dma_wait3A_344 = arith.constant 0 : i32
      %dma_wait3A_345 = tpu.memref_slice %arg11[%dma_wait3A_343, %dma_wait3A_344] : memref<10x128xi32, #tpu.memory_space<vmem>> -> memref<5x128xi32, #tpu.memory_space<vmem>>
      %dma_wait3A_346 = arith.constant 0 : i32
      %dma_wait3A_347 = arith.constant 0 : i32
      %dma_wait3A_348 = tpu.memref_slice %arg4[%dma_wait3A_346, %dma_wait3A_347] : memref<10880x128xi32, #tpu.memory_space<hbm>> -> memref<5x128xi32, #tpu.memory_space<hbm>>
      tpu.wait_dma2 semaphore(%arg21 : memref<!tpu.dma_semaphore, #tpu.memory_space<semaphore_mem>>) src(%dma_wait3A_348 : memref<5x128xi32, #tpu.memory_space<hbm>>) dst(%dma_wait3A_345 : memref<5x128xi32, #tpu.memory_space<vmem>>)
      %dma_wait3A_349 = arith.constant 0 : i32
      %dma_wait3A_350 = arith.constant 0 : i32
      %dma_wait3A_351 = tpu.memref_slice %arg13[%dma_wait3A_349, %dma_wait3A_350] : memref<20x128xf32, #tpu.memory_space<vmem>> -> memref<5x128xf32, #tpu.memory_space<vmem>>
      %dma_wait3A_352 = arith.constant 0 : i32
      %dma_wait3A_353 = arith.constant 0 : i32
      %dma_wait3A_354 = tpu.memref_slice %arg5[%dma_wait3A_352, %dma_wait3A_353] : memref<10880x128xf32, #tpu.memory_space<hbm>> -> memref<5x128xf32, #tpu.memory_space<hbm>>
      %dma_wait3A_355 = arith.constant 0 : i32
      %dma_wait3A_356 = arith.constant 0 : i32
      %dma_wait3A_357 = tpu.memref_slice %arg13[%dma_wait3A_355, %dma_wait3A_356] : memref<20x128xf32, #tpu.memory_space<vmem>> -> memref<5x128xf32, #tpu.memory_space<vmem>>
      %dma_wait3A_358 = arith.constant 0 : i32
      %dma_wait3A_359 = arith.constant 0 : i32
      %dma_wait3A_360 = tpu.memref_slice %arg5[%dma_wait3A_358, %dma_wait3A_359] : memref<10880x128xf32, #tpu.memory_space<hbm>> -> memref<5x128xf32, #tpu.memory_space<hbm>>
      tpu.wait_dma2 semaphore(%arg21 : memref<!tpu.dma_semaphore, #tpu.memory_space<semaphore_mem>>) src(%dma_wait3A_360 : memref<5x128xf32, #tpu.memory_space<hbm>>) dst(%dma_wait3A_357 : memref<5x128xf32, #tpu.memory_space<vmem>>)
      %dma_wait3A_361 = arith.constant 5 : i32
      %dma_wait3A_362 = arith.constant 0 : i32
      %dma_wait3A_363 = tpu.memref_slice %arg13[%dma_wait3A_361, %dma_wait3A_362] : memref<20x128xf32, #tpu.memory_space<vmem>> -> memref<5x128xf32, #tpu.memory_space<vmem>>
      %dma_wait3A_364 = arith.constant 0 : i32
      %dma_wait3A_365 = arith.constant 0 : i32
      %dma_wait3A_366 = tpu.memref_slice %arg6[%dma_wait3A_364, %dma_wait3A_365] : memref<10880x128xf32, #tpu.memory_space<hbm>> -> memref<5x128xf32, #tpu.memory_space<hbm>>
      %dma_wait3A_367 = arith.constant 5 : i32
      %dma_wait3A_368 = arith.constant 0 : i32
      %dma_wait3A_369 = tpu.memref_slice %arg13[%dma_wait3A_367, %dma_wait3A_368] : memref<20x128xf32, #tpu.memory_space<vmem>> -> memref<5x128xf32, #tpu.memory_space<vmem>>
      %dma_wait3A_370 = arith.constant 0 : i32
      %dma_wait3A_371 = arith.constant 0 : i32
      %dma_wait3A_372 = tpu.memref_slice %arg6[%dma_wait3A_370, %dma_wait3A_371] : memref<10880x128xf32, #tpu.memory_space<hbm>> -> memref<5x128xf32, #tpu.memory_space<hbm>>
      tpu.wait_dma2 semaphore(%arg21 : memref<!tpu.dma_semaphore, #tpu.memory_space<semaphore_mem>>) src(%dma_wait3A_372 : memref<5x128xf32, #tpu.memory_space<hbm>>) dst(%dma_wait3A_369 : memref<5x128xf32, #tpu.memory_space<vmem>>)
      %dma_wait3A_373 = arith.constant 10 : i32
      %dma_wait3A_374 = arith.constant 0 : i32
      %dma_wait3A_375 = tpu.memref_slice %arg13[%dma_wait3A_373, %dma_wait3A_374] : memref<20x128xf32, #tpu.memory_space<vmem>> -> memref<5x128xf32, #tpu.memory_space<vmem>>
      %dma_wait3A_376 = arith.constant 0 : i32
      %dma_wait3A_377 = arith.constant 0 : i32
      %dma_wait3A_378 = tpu.memref_slice %arg7[%dma_wait3A_376, %dma_wait3A_377] : memref<10880x128xf32, #tpu.memory_space<hbm>> -> memref<5x128xf32, #tpu.memory_space<hbm>>
      %dma_wait3A_379 = arith.constant 10 : i32
      %dma_wait3A_380 = arith.constant 0 : i32
      %dma_wait3A_381 = tpu.memref_slice %arg13[%dma_wait3A_379, %dma_wait3A_380] : memref<20x128xf32, #tpu.memory_space<vmem>> -> memref<5x128xf32, #tpu.memory_space<vmem>>
      %dma_wait3A_382 = arith.constant 0 : i32
      %dma_wait3A_383 = arith.constant 0 : i32
      %dma_wait3A_384 = tpu.memref_slice %arg7[%dma_wait3A_382, %dma_wait3A_383] : memref<10880x128xf32, #tpu.memory_space<hbm>> -> memref<5x128xf32, #tpu.memory_space<hbm>>
      tpu.wait_dma2 semaphore(%arg21 : memref<!tpu.dma_semaphore, #tpu.memory_space<semaphore_mem>>) src(%dma_wait3A_384 : memref<5x128xf32, #tpu.memory_space<hbm>>) dst(%dma_wait3A_381 : memref<5x128xf32, #tpu.memory_space<vmem>>)
      %dma_wait3A_385 = arith.constant 15 : i32
      %dma_wait3A_386 = arith.constant 0 : i32
      %dma_wait3A_387 = tpu.memref_slice %arg13[%dma_wait3A_385, %dma_wait3A_386] : memref<20x128xf32, #tpu.memory_space<vmem>> -> memref<5x128xf32, #tpu.memory_space<vmem>>
      %dma_wait3A_388 = arith.constant 0 : i32
      %dma_wait3A_389 = arith.constant 0 : i32
      %dma_wait3A_390 = tpu.memref_slice %arg8[%dma_wait3A_388, %dma_wait3A_389] : memref<10880x128xf32, #tpu.memory_space<hbm>> -> memref<5x128xf32, #tpu.memory_space<hbm>>
      %dma_wait3A_391 = arith.constant 15 : i32
      %dma_wait3A_392 = arith.constant 0 : i32
      %dma_wait3A_393 = tpu.memref_slice %arg13[%dma_wait3A_391, %dma_wait3A_392] : memref<20x128xf32, #tpu.memory_space<vmem>> -> memref<5x128xf32, #tpu.memory_space<vmem>>
      %dma_wait3A_394 = arith.constant 0 : i32
      %dma_wait3A_395 = arith.constant 0 : i32
      %dma_wait3A_396 = tpu.memref_slice %arg8[%dma_wait3A_394, %dma_wait3A_395] : memref<10880x128xf32, #tpu.memory_space<hbm>> -> memref<5x128xf32, #tpu.memory_space<hbm>>
      tpu.wait_dma2 semaphore(%arg21 : memref<!tpu.dma_semaphore, #tpu.memory_space<semaphore_mem>>) src(%dma_wait3A_396 : memref<5x128xf32, #tpu.memory_space<hbm>>) dst(%dma_wait3A_393 : memref<5x128xf32, #tpu.memory_space<vmem>>)
      %dma_start3A_397 = arith.constant 0 : i32
      %dma_start3A_398 = arith.constant 0 : i32
      %dma_start3A_399 = arith.constant 0 : i32
      %dma_start3A_400 = tpu.memref_slice %arg15[%dma_start3A_398, %dma_start3A_399] : memref<1280x64xbf16, #tpu.memory_space<vmem>> -> memref<128x64xbf16, #tpu.memory_space<vmem>>
      %dma_start3A_401 = arith.constant 0 : i32
      %dma_start3A_402 = tpu.memref_slice %arg11[%dma_start3A_397, %dma_start3A_401] : memref<10x128xi32, #tpu.memory_space<vmem>> -> memref<1x128xi32, #tpu.memory_space<vmem>>
      %dma_start3A_403 = tpu.memref_squeeze %dma_start3A_402 : memref<1x128xi32, #tpu.memory_space<vmem>> -> memref<128xi32, #tpu.memory_space<vmem>>
      %dma_start3A_404 = arith.constant 0 : i32
      %dma_start3A_405 = arith.constant 0 : i32
      %dma_start3A_406 = tpu.memref_slice %arg2[%dma_start3A_404, %dma_start3A_405] : memref<87040x64xbf16, #tpu.memory_space<hbm>> -> memref<87040x64xbf16, #tpu.memory_space<hbm>>
      tpu.enqueue_indirect_dma source(%dma_start3A_406 : memref<87040x64xbf16, #tpu.memory_space<hbm>>) target(%dma_start3A_400 : memref<128x64xbf16, #tpu.memory_space<vmem>>) offsets(%dma_start3A_403 : memref<128xi32, #tpu.memory_space<vmem>>) semaphore(%arg19 : memref<!tpu.dma_semaphore, #tpu.memory_space<semaphore_mem>>)
      %dma_start3A_407 = arith.constant 1 : i32
      %dma_start3A_408 = arith.constant 128 : i32
      %dma_start3A_409 = arith.constant 0 : i32
      %dma_start3A_410 = tpu.memref_slice %arg15[%dma_start3A_408, %dma_start3A_409] : memref<1280x64xbf16, #tpu.memory_space<vmem>> -> memref<128x64xbf16, #tpu.memory_space<vmem>>
      %dma_start3A_411 = arith.constant 0 : i32
      %dma_start3A_412 = tpu.memref_slice %arg11[%dma_start3A_407, %dma_start3A_411] : memref<10x128xi32, #tpu.memory_space<vmem>> -> memref<1x128xi32, #tpu.memory_space<vmem>>
      %dma_start3A_413 = tpu.memref_squeeze %dma_start3A_412 : memref<1x128xi32, #tpu.memory_space<vmem>> -> memref<128xi32, #tpu.memory_space<vmem>>
      %dma_start3A_414 = arith.constant 0 : i32
      %dma_start3A_415 = arith.constant 0 : i32
      %dma_start3A_416 = tpu.memref_slice %arg2[%dma_start3A_414, %dma_start3A_415] : memref<87040x64xbf16, #tpu.memory_space<hbm>> -> memref<87040x64xbf16, #tpu.memory_space<hbm>>
      tpu.enqueue_indirect_dma source(%dma_start3A_416 : memref<87040x64xbf16, #tpu.memory_space<hbm>>) target(%dma_start3A_410 : memref<128x64xbf16, #tpu.memory_space<vmem>>) offsets(%dma_start3A_413 : memref<128xi32, #tpu.memory_space<vmem>>) semaphore(%arg19 : memref<!tpu.dma_semaphore, #tpu.memory_space<semaphore_mem>>)
      %dma_start3A_417 = arith.constant 2 : i32
      %dma_start3A_418 = arith.constant 256 : i32
      %dma_start3A_419 = arith.constant 0 : i32
      %dma_start3A_420 = tpu.memref_slice %arg15[%dma_start3A_418, %dma_start3A_419] : memref<1280x64xbf16, #tpu.memory_space<vmem>> -> memref<128x64xbf16, #tpu.memory_space<vmem>>
      %dma_start3A_421 = arith.constant 0 : i32
      %dma_start3A_422 = tpu.memref_slice %arg11[%dma_start3A_417, %dma_start3A_421] : memref<10x128xi32, #tpu.memory_space<vmem>> -> memref<1x128xi32, #tpu.memory_space<vmem>>
      %dma_start3A_423 = tpu.memref_squeeze %dma_start3A_422 : memref<1x128xi32, #tpu.memory_space<vmem>> -> memref<128xi32, #tpu.memory_space<vmem>>
      %dma_start3A_424 = arith.constant 0 : i32
      %dma_start3A_425 = arith.constant 0 : i32
      %dma_start3A_426 = tpu.memref_slice %arg2[%dma_start3A_424, %dma_start3A_425] : memref<87040x64xbf16, #tpu.memory_space<hbm>> -> memref<87040x64xbf16, #tpu.memory_space<hbm>>
      tpu.enqueue_indirect_dma source(%dma_start3A_426 : memref<87040x64xbf16, #tpu.memory_space<hbm>>) target(%dma_start3A_420 : memref<128x64xbf16, #tpu.memory_space<vmem>>) offsets(%dma_start3A_423 : memref<128xi32, #tpu.memory_space<vmem>>) semaphore(%arg19 : memref<!tpu.dma_semaphore, #tpu.memory_space<semaphore_mem>>)
      %dma_start3A_427 = arith.constant 3 : i32
      %dma_start3A_428 = arith.constant 384 : i32
      %dma_start3A_429 = arith.constant 0 : i32
      %dma_start3A_430 = tpu.memref_slice %arg15[%dma_start3A_428, %dma_start3A_429] : memref<1280x64xbf16, #tpu.memory_space<vmem>> -> memref<128x64xbf16, #tpu.memory_space<vmem>>
      %dma_start3A_431 = arith.constant 0 : i32
      %dma_start3A_432 = tpu.memref_slice %arg11[%dma_start3A_427, %dma_start3A_431] : memref<10x128xi32, #tpu.memory_space<vmem>> -> memref<1x128xi32, #tpu.memory_space<vmem>>
      %dma_start3A_433 = tpu.memref_squeeze %dma_start3A_432 : memref<1x128xi32, #tpu.memory_space<vmem>> -> memref<128xi32, #tpu.memory_space<vmem>>
      %dma_start3A_434 = arith.constant 0 : i32
      %dma_start3A_435 = arith.constant 0 : i32
      %dma_start3A_436 = tpu.memref_slice %arg2[%dma_start3A_434, %dma_start3A_435] : memref<87040x64xbf16, #tpu.memory_space<hbm>> -> memref<87040x64xbf16, #tpu.memory_space<hbm>>
      tpu.enqueue_indirect_dma source(%dma_start3A_436 : memref<87040x64xbf16, #tpu.memory_space<hbm>>) target(%dma_start3A_430 : memref<128x64xbf16, #tpu.memory_space<vmem>>) offsets(%dma_start3A_433 : memref<128xi32, #tpu.memory_space<vmem>>) semaphore(%arg19 : memref<!tpu.dma_semaphore, #tpu.memory_space<semaphore_mem>>)
      %dma_start3A_437 = arith.constant 4 : i32
      %dma_start3A_438 = arith.constant 512 : i32
      %dma_start3A_439 = arith.constant 0 : i32
      %dma_start3A_440 = tpu.memref_slice %arg15[%dma_start3A_438, %dma_start3A_439] : memref<1280x64xbf16, #tpu.memory_space<vmem>> -> memref<128x64xbf16, #tpu.memory_space<vmem>>
      %dma_start3A_441 = arith.constant 0 : i32
      %dma_start3A_442 = tpu.memref_slice %arg11[%dma_start3A_437, %dma_start3A_441] : memref<10x128xi32, #tpu.memory_space<vmem>> -> memref<1x128xi32, #tpu.memory_space<vmem>>
      %dma_start3A_443 = tpu.memref_squeeze %dma_start3A_442 : memref<1x128xi32, #tpu.memory_space<vmem>> -> memref<128xi32, #tpu.memory_space<vmem>>
      %dma_start3A_444 = arith.constant 0 : i32
      %dma_start3A_445 = arith.constant 0 : i32
      %dma_start3A_446 = tpu.memref_slice %arg2[%dma_start3A_444, %dma_start3A_445] : memref<87040x64xbf16, #tpu.memory_space<hbm>> -> memref<87040x64xbf16, #tpu.memory_space<hbm>>
      tpu.enqueue_indirect_dma source(%dma_start3A_446 : memref<87040x64xbf16, #tpu.memory_space<hbm>>) target(%dma_start3A_440 : memref<128x64xbf16, #tpu.memory_space<vmem>>) offsets(%dma_start3A_443 : memref<128xi32, #tpu.memory_space<vmem>>) semaphore(%arg19 : memref<!tpu.dma_semaphore, #tpu.memory_space<semaphore_mem>>)
      %dma_start3A_447 = arith.constant 5 : i32
      %dma_start3A_448 = arith.constant 640 : i32
      %dma_start3A_449 = arith.constant 0 : i32
      %dma_start3A_450 = tpu.memref_slice %arg15[%dma_start3A_448, %dma_start3A_449] : memref<1280x64xbf16, #tpu.memory_space<vmem>> -> memref<128x64xbf16, #tpu.memory_space<vmem>>
      %dma_start3A_451 = arith.constant 0 : i32
      %dma_start3A_452 = tpu.memref_slice %arg11[%dma_start3A_447, %dma_start3A_451] : memref<10x128xi32, #tpu.memory_space<vmem>> -> memref<1x128xi32, #tpu.memory_space<vmem>>
      %dma_start3A_453 = tpu.memref_squeeze %dma_start3A_452 : memref<1x128xi32, #tpu.memory_space<vmem>> -> memref<128xi32, #tpu.memory_space<vmem>>
      %dma_start3A_454 = arith.constant 0 : i32
      %dma_start3A_455 = arith.constant 0 : i32
      %dma_start3A_456 = tpu.memref_slice %arg2[%dma_start3A_454, %dma_start3A_455] : memref<87040x64xbf16, #tpu.memory_space<hbm>> -> memref<87040x64xbf16, #tpu.memory_space<hbm>>
      tpu.enqueue_indirect_dma source(%dma_start3A_456 : memref<87040x64xbf16, #tpu.memory_space<hbm>>) target(%dma_start3A_450 : memref<128x64xbf16, #tpu.memory_space<vmem>>) offsets(%dma_start3A_453 : memref<128xi32, #tpu.memory_space<vmem>>) semaphore(%arg19 : memref<!tpu.dma_semaphore, #tpu.memory_space<semaphore_mem>>)
      %dma_start3A_457 = arith.constant 6 : i32
      %dma_start3A_458 = arith.constant 768 : i32
      %dma_start3A_459 = arith.constant 0 : i32
      %dma_start3A_460 = tpu.memref_slice %arg15[%dma_start3A_458, %dma_start3A_459] : memref<1280x64xbf16, #tpu.memory_space<vmem>> -> memref<128x64xbf16, #tpu.memory_space<vmem>>
      %dma_start3A_461 = arith.constant 0 : i32
      %dma_start3A_462 = tpu.memref_slice %arg11[%dma_start3A_457, %dma_start3A_461] : memref<10x128xi32, #tpu.memory_space<vmem>> -> memref<1x128xi32, #tpu.memory_space<vmem>>
      %dma_start3A_463 = tpu.memref_squeeze %dma_start3A_462 : memref<1x128xi32, #tpu.memory_space<vmem>> -> memref<128xi32, #tpu.memory_space<vmem>>
      %dma_start3A_464 = arith.constant 0 : i32
      %dma_start3A_465 = arith.constant 0 : i32
      %dma_start3A_466 = tpu.memref_slice %arg2[%dma_start3A_464, %dma_start3A_465] : memref<87040x64xbf16, #tpu.memory_space<hbm>> -> memref<87040x64xbf16, #tpu.memory_space<hbm>>
      tpu.enqueue_indirect_dma source(%dma_start3A_466 : memref<87040x64xbf16, #tpu.memory_space<hbm>>) target(%dma_start3A_460 : memref<128x64xbf16, #tpu.memory_space<vmem>>) offsets(%dma_start3A_463 : memref<128xi32, #tpu.memory_space<vmem>>) semaphore(%arg19 : memref<!tpu.dma_semaphore, #tpu.memory_space<semaphore_mem>>)
      %dma_start3A_467 = arith.constant 7 : i32
      %dma_start3A_468 = arith.constant 896 : i32
      %dma_start3A_469 = arith.constant 0 : i32
      %dma_start3A_470 = tpu.memref_slice %arg15[%dma_start3A_468, %dma_start3A_469] : memref<1280x64xbf16, #tpu.memory_space<vmem>> -> memref<128x64xbf16, #tpu.memory_space<vmem>>
      %dma_start3A_471 = arith.constant 0 : i32
      %dma_start3A_472 = tpu.memref_slice %arg11[%dma_start3A_467, %dma_start3A_471] : memref<10x128xi32, #tpu.memory_space<vmem>> -> memref<1x128xi32, #tpu.memory_space<vmem>>
      %dma_start3A_473 = tpu.memref_squeeze %dma_start3A_472 : memref<1x128xi32, #tpu.memory_space<vmem>> -> memref<128xi32, #tpu.memory_space<vmem>>
      %dma_start3A_474 = arith.constant 0 : i32
      %dma_start3A_475 = arith.constant 0 : i32
      %dma_start3A_476 = tpu.memref_slice %arg2[%dma_start3A_474, %dma_start3A_475] : memref<87040x64xbf16, #tpu.memory_space<hbm>> -> memref<87040x64xbf16, #tpu.memory_space<hbm>>
      tpu.enqueue_indirect_dma source(%dma_start3A_476 : memref<87040x64xbf16, #tpu.memory_space<hbm>>) target(%dma_start3A_470 : memref<128x64xbf16, #tpu.memory_space<vmem>>) offsets(%dma_start3A_473 : memref<128xi32, #tpu.memory_space<vmem>>) semaphore(%arg19 : memref<!tpu.dma_semaphore, #tpu.memory_space<semaphore_mem>>)
      %dma_start3A_477 = arith.constant 8 : i32
      %dma_start3A_478 = arith.constant 1024 : i32
      %dma_start3A_479 = arith.constant 0 : i32
      %dma_start3A_480 = tpu.memref_slice %arg15[%dma_start3A_478, %dma_start3A_479] : memref<1280x64xbf16, #tpu.memory_space<vmem>> -> memref<128x64xbf16, #tpu.memory_space<vmem>>
      %dma_start3A_481 = arith.constant 0 : i32
      %dma_start3A_482 = tpu.memref_slice %arg11[%dma_start3A_477, %dma_start3A_481] : memref<10x128xi32, #tpu.memory_space<vmem>> -> memref<1x128xi32, #tpu.memory_space<vmem>>
      %dma_start3A_483 = tpu.memref_squeeze %dma_start3A_482 : memref<1x128xi32, #tpu.memory_space<vmem>> -> memref<128xi32, #tpu.memory_space<vmem>>
      %dma_start3A_484 = arith.constant 0 : i32
      %dma_start3A_485 = arith.constant 0 : i32
      %dma_start3A_486 = tpu.memref_slice %arg2[%dma_start3A_484, %dma_start3A_485] : memref<87040x64xbf16, #tpu.memory_space<hbm>> -> memref<87040x64xbf16, #tpu.memory_space<hbm>>
      tpu.enqueue_indirect_dma source(%dma_start3A_486 : memref<87040x64xbf16, #tpu.memory_space<hbm>>) target(%dma_start3A_480 : memref<128x64xbf16, #tpu.memory_space<vmem>>) offsets(%dma_start3A_483 : memref<128xi32, #tpu.memory_space<vmem>>) semaphore(%arg19 : memref<!tpu.dma_semaphore, #tpu.memory_space<semaphore_mem>>)
      %dma_start3A_487 = arith.constant 9 : i32
      %dma_start3A_488 = arith.constant 1152 : i32
      %dma_start3A_489 = arith.constant 0 : i32
      %dma_start3A_490 = tpu.memref_slice %arg15[%dma_start3A_488, %dma_start3A_489] : memref<1280x64xbf16, #tpu.memory_space<vmem>> -> memref<128x64xbf16, #tpu.memory_space<vmem>>
      %dma_start3A_491 = arith.constant 0 : i32
      %dma_start3A_492 = tpu.memref_slice %arg11[%dma_start3A_487, %dma_start3A_491] : memref<10x128xi32, #tpu.memory_space<vmem>> -> memref<1x128xi32, #tpu.memory_space<vmem>>
      %dma_start3A_493 = tpu.memref_squeeze %dma_start3A_492 : memref<1x128xi32, #tpu.memory_space<vmem>> -> memref<128xi32, #tpu.memory_space<vmem>>
      %dma_start3A_494 = arith.constant 0 : i32
      %dma_start3A_495 = arith.constant 0 : i32
      %dma_start3A_496 = tpu.memref_slice %arg2[%dma_start3A_494, %dma_start3A_495] : memref<87040x64xbf16, #tpu.memory_space<hbm>> -> memref<87040x64xbf16, #tpu.memory_space<hbm>>
      tpu.enqueue_indirect_dma source(%dma_start3A_496 : memref<87040x64xbf16, #tpu.memory_space<hbm>>) target(%dma_start3A_490 : memref<128x64xbf16, #tpu.memory_space<vmem>>) offsets(%dma_start3A_493 : memref<128xi32, #tpu.memory_space<vmem>>) semaphore(%arg19 : memref<!tpu.dma_semaphore, #tpu.memory_space<semaphore_mem>>)
      %dma_wait3A_497 = arith.constant 0 : i32
      %dma_wait3A_498 = arith.constant 0 : i32
      %dma_wait3A_499 = arith.constant 0 : i32
      %dma_wait3A_500 = tpu.memref_slice %arg14[%dma_wait3A_498, %dma_wait3A_499] : memref<1280x64xbf16, #tpu.memory_space<vmem>> -> memref<128x64xbf16, #tpu.memory_space<vmem>>
      %dma_wait3A_501 = arith.constant 0 : i32
      %dma_wait3A_502 = tpu.memref_slice %arg10[%dma_wait3A_497, %dma_wait3A_501] : memref<10x128xi32, #tpu.memory_space<vmem>> -> memref<1x128xi32, #tpu.memory_space<vmem>>
      %dma_wait3A_503 = tpu.memref_squeeze %dma_wait3A_502 : memref<1x128xi32, #tpu.memory_space<vmem>> -> memref<128xi32, #tpu.memory_space<vmem>>
      %dma_wait3A_504 = arith.constant 0 : i32
      %dma_wait3A_505 = arith.constant 0 : i32
      %dma_wait3A_506 = tpu.memref_slice %arg2[%dma_wait3A_504, %dma_wait3A_505] : memref<87040x64xbf16, #tpu.memory_space<hbm>> -> memref<87040x64xbf16, #tpu.memory_space<hbm>>
      tpu.wait_indirect_dma semaphore(%arg18 : memref<!tpu.dma_semaphore, #tpu.memory_space<semaphore_mem>>) src(%dma_wait3A_506 : memref<87040x64xbf16, #tpu.memory_space<hbm>>) dst(%dma_wait3A_500 : memref<128x64xbf16, #tpu.memory_space<vmem>>)
      %dma_wait3A_507 = arith.constant 1 : i32
      %dma_wait3A_508 = arith.constant 128 : i32
      %dma_wait3A_509 = arith.constant 0 : i32
      %dma_wait3A_510 = tpu.memref_slice %arg14[%dma_wait3A_508, %dma_wait3A_509] : memref<1280x64xbf16, #tpu.memory_space<vmem>> -> memref<128x64xbf16, #tpu.memory_space<vmem>>
      %dma_wait3A_511 = arith.constant 0 : i32
      %dma_wait3A_512 = tpu.memref_slice %arg10[%dma_wait3A_507, %dma_wait3A_511] : memref<10x128xi32, #tpu.memory_space<vmem>> -> memref<1x128xi32, #tpu.memory_space<vmem>>
      %dma_wait3A_513 = tpu.memref_squeeze %dma_wait3A_512 : memref<1x128xi32, #tpu.memory_space<vmem>> -> memref<128xi32, #tpu.memory_space<vmem>>
      %dma_wait3A_514 = arith.constant 0 : i32
      %dma_wait3A_515 = arith.constant 0 : i32
      %dma_wait3A_516 = tpu.memref_slice %arg2[%dma_wait3A_514, %dma_wait3A_515] : memref<87040x64xbf16, #tpu.memory_space<hbm>> -> memref<87040x64xbf16, #tpu.memory_space<hbm>>
      tpu.wait_indirect_dma semaphore(%arg18 : memref<!tpu.dma_semaphore, #tpu.memory_space<semaphore_mem>>) src(%dma_wait3A_516 : memref<87040x64xbf16, #tpu.memory_space<hbm>>) dst(%dma_wait3A_510 : memref<128x64xbf16, #tpu.memory_space<vmem>>)
      %dma_wait3A_517 = arith.constant 2 : i32
      %dma_wait3A_518 = arith.constant 256 : i32
      %dma_wait3A_519 = arith.constant 0 : i32
      %dma_wait3A_520 = tpu.memref_slice %arg14[%dma_wait3A_518, %dma_wait3A_519] : memref<1280x64xbf16, #tpu.memory_space<vmem>> -> memref<128x64xbf16, #tpu.memory_space<vmem>>
      %dma_wait3A_521 = arith.constant 0 : i32
      %dma_wait3A_522 = tpu.memref_slice %arg10[%dma_wait3A_517, %dma_wait3A_521] : memref<10x128xi32, #tpu.memory_space<vmem>> -> memref<1x128xi32, #tpu.memory_space<vmem>>
      %dma_wait3A_523 = tpu.memref_squeeze %dma_wait3A_522 : memref<1x128xi32, #tpu.memory_space<vmem>> -> memref<128xi32, #tpu.memory_space<vmem>>
      %dma_wait3A_524 = arith.constant 0 : i32
      %dma_wait3A_525 = arith.constant 0 : i32
      %dma_wait3A_526 = tpu.memref_slice %arg2[%dma_wait3A_524, %dma_wait3A_525] : memref<87040x64xbf16, #tpu.memory_space<hbm>> -> memref<87040x64xbf16, #tpu.memory_space<hbm>>
      tpu.wait_indirect_dma semaphore(%arg18 : memref<!tpu.dma_semaphore, #tpu.memory_space<semaphore_mem>>) src(%dma_wait3A_526 : memref<87040x64xbf16, #tpu.memory_space<hbm>>) dst(%dma_wait3A_520 : memref<128x64xbf16, #tpu.memory_space<vmem>>)
      %dma_wait3A_527 = arith.constant 3 : i32
      %dma_wait3A_528 = arith.constant 384 : i32
      %dma_wait3A_529 = arith.constant 0 : i32
      %dma_wait3A_530 = tpu.memref_slice %arg14[%dma_wait3A_528, %dma_wait3A_529] : memref<1280x64xbf16, #tpu.memory_space<vmem>> -> memref<128x64xbf16, #tpu.memory_space<vmem>>
      %dma_wait3A_531 = arith.constant 0 : i32
      %dma_wait3A_532 = tpu.memref_slice %arg10[%dma_wait3A_527, %dma_wait3A_531] : memref<10x128xi32, #tpu.memory_space<vmem>> -> memref<1x128xi32, #tpu.memory_space<vmem>>
      %dma_wait3A_533 = tpu.memref_squeeze %dma_wait3A_532 : memref<1x128xi32, #tpu.memory_space<vmem>> -> memref<128xi32, #tpu.memory_space<vmem>>
      %dma_wait3A_534 = arith.constant 0 : i32
      %dma_wait3A_535 = arith.constant 0 : i32
      %dma_wait3A_536 = tpu.memref_slice %arg2[%dma_wait3A_534, %dma_wait3A_535] : memref<87040x64xbf16, #tpu.memory_space<hbm>> -> memref<87040x64xbf16, #tpu.memory_space<hbm>>
      tpu.wait_indirect_dma semaphore(%arg18 : memref<!tpu.dma_semaphore, #tpu.memory_space<semaphore_mem>>) src(%dma_wait3A_536 : memref<87040x64xbf16, #tpu.memory_space<hbm>>) dst(%dma_wait3A_530 : memref<128x64xbf16, #tpu.memory_space<vmem>>)
      %dma_wait3A_537 = arith.constant 4 : i32
      %dma_wait3A_538 = arith.constant 512 : i32
      %dma_wait3A_539 = arith.constant 0 : i32
      %dma_wait3A_540 = tpu.memref_slice %arg14[%dma_wait3A_538, %dma_wait3A_539] : memref<1280x64xbf16, #tpu.memory_space<vmem>> -> memref<128x64xbf16, #tpu.memory_space<vmem>>
      %dma_wait3A_541 = arith.constant 0 : i32
      %dma_wait3A_542 = tpu.memref_slice %arg10[%dma_wait3A_537, %dma_wait3A_541] : memref<10x128xi32, #tpu.memory_space<vmem>> -> memref<1x128xi32, #tpu.memory_space<vmem>>
      %dma_wait3A_543 = tpu.memref_squeeze %dma_wait3A_542 : memref<1x128xi32, #tpu.memory_space<vmem>> -> memref<128xi32, #tpu.memory_space<vmem>>
      %dma_wait3A_544 = arith.constant 0 : i32
      %dma_wait3A_545 = arith.constant 0 : i32
      %dma_wait3A_546 = tpu.memref_slice %arg2[%dma_wait3A_544, %dma_wait3A_545] : memref<87040x64xbf16, #tpu.memory_space<hbm>> -> memref<87040x64xbf16, #tpu.memory_space<hbm>>
      tpu.wait_indirect_dma semaphore(%arg18 : memref<!tpu.dma_semaphore, #tpu.memory_space<semaphore_mem>>) src(%dma_wait3A_546 : memref<87040x64xbf16, #tpu.memory_space<hbm>>) dst(%dma_wait3A_540 : memref<128x64xbf16, #tpu.memory_space<vmem>>)
      %dma_wait3A_547 = arith.constant 5 : i32
      %dma_wait3A_548 = arith.constant 640 : i32
      %dma_wait3A_549 = arith.constant 0 : i32
      %dma_wait3A_550 = tpu.memref_slice %arg14[%dma_wait3A_548, %dma_wait3A_549] : memref<1280x64xbf16, #tpu.memory_space<vmem>> -> memref<128x64xbf16, #tpu.memory_space<vmem>>
      %dma_wait3A_551 = arith.constant 0 : i32
      %dma_wait3A_552 = tpu.memref_slice %arg10[%dma_wait3A_547, %dma_wait3A_551] : memref<10x128xi32, #tpu.memory_space<vmem>> -> memref<1x128xi32, #tpu.memory_space<vmem>>
      %dma_wait3A_553 = tpu.memref_squeeze %dma_wait3A_552 : memref<1x128xi32, #tpu.memory_space<vmem>> -> memref<128xi32, #tpu.memory_space<vmem>>
      %dma_wait3A_554 = arith.constant 0 : i32
      %dma_wait3A_555 = arith.constant 0 : i32
      %dma_wait3A_556 = tpu.memref_slice %arg2[%dma_wait3A_554, %dma_wait3A_555] : memref<87040x64xbf16, #tpu.memory_space<hbm>> -> memref<87040x64xbf16, #tpu.memory_space<hbm>>
      tpu.wait_indirect_dma semaphore(%arg18 : memref<!tpu.dma_semaphore, #tpu.memory_space<semaphore_mem>>) src(%dma_wait3A_556 : memref<87040x64xbf16, #tpu.memory_space<hbm>>) dst(%dma_wait3A_550 : memref<128x64xbf16, #tpu.memory_space<vmem>>)
      %dma_wait3A_557 = arith.constant 6 : i32
      %dma_wait3A_558 = arith.constant 768 : i32
      %dma_wait3A_559 = arith.constant 0 : i32
      %dma_wait3A_560 = tpu.memref_slice %arg14[%dma_wait3A_558, %dma_wait3A_559] : memref<1280x64xbf16, #tpu.memory_space<vmem>> -> memref<128x64xbf16, #tpu.memory_space<vmem>>
      %dma_wait3A_561 = arith.constant 0 : i32
      %dma_wait3A_562 = tpu.memref_slice %arg10[%dma_wait3A_557, %dma_wait3A_561] : memref<10x128xi32, #tpu.memory_space<vmem>> -> memref<1x128xi32, #tpu.memory_space<vmem>>
      %dma_wait3A_563 = tpu.memref_squeeze %dma_wait3A_562 : memref<1x128xi32, #tpu.memory_space<vmem>> -> memref<128xi32, #tpu.memory_space<vmem>>
      %dma_wait3A_564 = arith.constant 0 : i32
      %dma_wait3A_565 = arith.constant 0 : i32
      %dma_wait3A_566 = tpu.memref_slice %arg2[%dma_wait3A_564, %dma_wait3A_565] : memref<87040x64xbf16, #tpu.memory_space<hbm>> -> memref<87040x64xbf16, #tpu.memory_space<hbm>>
      tpu.wait_indirect_dma semaphore(%arg18 : memref<!tpu.dma_semaphore, #tpu.memory_space<semaphore_mem>>) src(%dma_wait3A_566 : memref<87040x64xbf16, #tpu.memory_space<hbm>>) dst(%dma_wait3A_560 : memref<128x64xbf16, #tpu.memory_space<vmem>>)
      %dma_wait3A_567 = arith.constant 7 : i32
      %dma_wait3A_568 = arith.constant 896 : i32
      %dma_wait3A_569 = arith.constant 0 : i32
      %dma_wait3A_570 = tpu.memref_slice %arg14[%dma_wait3A_568, %dma_wait3A_569] : memref<1280x64xbf16, #tpu.memory_space<vmem>> -> memref<128x64xbf16, #tpu.memory_space<vmem>>
      %dma_wait3A_571 = arith.constant 0 : i32
      %dma_wait3A_572 = tpu.memref_slice %arg10[%dma_wait3A_567, %dma_wait3A_571] : memref<10x128xi32, #tpu.memory_space<vmem>> -> memref<1x128xi32, #tpu.memory_space<vmem>>
      %dma_wait3A_573 = tpu.memref_squeeze %dma_wait3A_572 : memref<1x128xi32, #tpu.memory_space<vmem>> -> memref<128xi32, #tpu.memory_space<vmem>>
      %dma_wait3A_574 = arith.constant 0 : i32
      %dma_wait3A_575 = arith.constant 0 : i32
      %dma_wait3A_576 = tpu.memref_slice %arg2[%dma_wait3A_574, %dma_wait3A_575] : memref<87040x64xbf16, #tpu.memory_space<hbm>> -> memref<87040x64xbf16, #tpu.memory_space<hbm>>
      tpu.wait_indirect_dma semaphore(%arg18 : memref<!tpu.dma_semaphore, #tpu.memory_space<semaphore_mem>>) src(%dma_wait3A_576 : memref<87040x64xbf16, #tpu.memory_space<hbm>>) dst(%dma_wait3A_570 : memref<128x64xbf16, #tpu.memory_space<vmem>>)
      %dma_wait3A_577 = arith.constant 8 : i32
      %dma_wait3A_578 = arith.constant 1024 : i32
      %dma_wait3A_579 = arith.constant 0 : i32
      %dma_wait3A_580 = tpu.memref_slice %arg14[%dma_wait3A_578, %dma_wait3A_579] : memref<1280x64xbf16, #tpu.memory_space<vmem>> -> memref<128x64xbf16, #tpu.memory_space<vmem>>
      %dma_wait3A_581 = arith.constant 0 : i32
      %dma_wait3A_582 = tpu.memref_slice %arg10[%dma_wait3A_577, %dma_wait3A_581] : memref<10x128xi32, #tpu.memory_space<vmem>> -> memref<1x128xi32, #tpu.memory_space<vmem>>
      %dma_wait3A_583 = tpu.memref_squeeze %dma_wait3A_582 : memref<1x128xi32, #tpu.memory_space<vmem>> -> memref<128xi32, #tpu.memory_space<vmem>>
      %dma_wait3A_584 = arith.constant 0 : i32
      %dma_wait3A_585 = arith.constant 0 : i32
      %dma_wait3A_586 = tpu.memref_slice %arg2[%dma_wait3A_584, %dma_wait3A_585] : memref<87040x64xbf16, #tpu.memory_space<hbm>> -> memref<87040x64xbf16, #tpu.memory_space<hbm>>
      tpu.wait_indirect_dma semaphore(%arg18 : memref<!tpu.dma_semaphore, #tpu.memory_space<semaphore_mem>>) src(%dma_wait3A_586 : memref<87040x64xbf16, #tpu.memory_space<hbm>>) dst(%dma_wait3A_580 : memref<128x64xbf16, #tpu.memory_space<vmem>>)
      %dma_wait3A_587 = arith.constant 9 : i32
      %dma_wait3A_588 = arith.constant 1152 : i32
      %dma_wait3A_589 = arith.constant 0 : i32
      %dma_wait3A_590 = tpu.memref_slice %arg14[%dma_wait3A_588, %dma_wait3A_589] : memref<1280x64xbf16, #tpu.memory_space<vmem>> -> memref<128x64xbf16, #tpu.memory_space<vmem>>
      %dma_wait3A_591 = arith.constant 0 : i32
      %dma_wait3A_592 = tpu.memref_slice %arg10[%dma_wait3A_587, %dma_wait3A_591] : memref<10x128xi32, #tpu.memory_space<vmem>> -> memref<1x128xi32, #tpu.memory_space<vmem>>
      %dma_wait3A_593 = tpu.memref_squeeze %dma_wait3A_592 : memref<1x128xi32, #tpu.memory_space<vmem>> -> memref<128xi32, #tpu.memory_space<vmem>>
      %dma_wait3A_594 = arith.constant 0 : i32
      %dma_wait3A_595 = arith.constant 0 : i32
      %dma_wait3A_596 = tpu.memref_slice %arg2[%dma_wait3A_594, %dma_wait3A_595] : memref<87040x64xbf16, #tpu.memory_space<hbm>> -> memref<87040x64xbf16, #tpu.memory_space<hbm>>
      tpu.wait_indirect_dma semaphore(%arg18 : memref<!tpu.dma_semaphore, #tpu.memory_space<semaphore_mem>>) src(%dma_wait3A_596 : memref<87040x64xbf16, #tpu.memory_space<hbm>>) dst(%dma_wait3A_590 : memref<128x64xbf16, #tpu.memory_space<vmem>>)
      %convert_element_type3A = arith.extui %gt3A_324 : i1 to i32
      %cond3A = arith.constant 0 : i32
      %cond3A_597 = arith.cmpi ne, %convert_element_type3A, %cond3A : i32
      scf.if %cond3A_597 {
        %dma_wait3A_743 = arith.constant 0 : i32
        %dma_wait3A_744 = arith.constant 0 : i32
        %dma_wait3A_745 = tpu.memref_slice %arg9[%dma_wait3A_743, %dma_wait3A_744] : memref<21760x128xf32, #tpu.memory_space<hbm>> -> memref<10x128xf32, #tpu.memory_space<hbm>>
        %dma_wait3A_746 = arith.constant 0 : i32
        %dma_wait3A_747 = arith.constant 0 : i32
        %dma_wait3A_748 = tpu.memref_slice %arg9[%dma_wait3A_746, %dma_wait3A_747] : memref<21760x128xf32, #tpu.memory_space<hbm>> -> memref<10x128xf32, #tpu.memory_space<hbm>>
        tpu.wait_dma2 semaphore(%arg22 : memref<!tpu.dma_semaphore, #tpu.memory_space<semaphore_mem>>) src(%arg16 : memref<10x128xf32, #tpu.memory_space<vmem>>) dst(%dma_wait3A_748 : memref<10x128xf32, #tpu.memory_space<hbm>>)
      } else {
      }
      %scan3A_598 = arith.constant 0 : i32
      %scan3A_599 = arith.constant 0 : i32
      %scan3A_600 = arith.constant 40 : i32
      %scan3A_601 = arith.addi %scan3A_599, %scan3A_600 : i32
      %scan3A_602 = arith.constant 1 : i32
      %scan3A_603 = scf.for %scan3A_743 = %scan3A_599 to %scan3A_601 step %scan3A_602 iter_args(%scan3A_744 = %scan3A_598) -> (i32)  : i32 {
        %jit3A = arith.constant 8 : i32
        %div3A = arith.divsi %scan3A_743, %jit3A : i32
        %sign3A = arith.constant 0 : i32
        %sign3A_745 = arith.cmpi sgt, %scan3A_743, %sign3A : i32
        %sign3A_746 = arith.extui %sign3A_745 : i1 to i32
        %sign3A_747 = arith.constant 0 : i32
        %sign3A_748 = arith.cmpi slt, %scan3A_743, %sign3A_747 : i32
        %sign3A_749 = arith.extui %sign3A_748 : i1 to i32
        %sign3A_750 = arith.subi %sign3A_746, %sign3A_749 : i32
        %sign3A_751 = arith.constant 0 : i32
        %sign3A_752 = arith.cmpi sgt, %jit3A, %sign3A_751 : i32
        %sign3A_753 = arith.extui %sign3A_752 : i1 to i32
        %sign3A_754 = arith.constant 0 : i32
        %sign3A_755 = arith.cmpi slt, %jit3A, %sign3A_754 : i32
        %sign3A_756 = arith.extui %sign3A_755 : i1 to i32
        %sign3A_757 = arith.subi %sign3A_753, %sign3A_756 : i32
        %ne3A = arith.cmpi ne, %sign3A_750, %sign3A_757 : i32
        %rem3A = arith.remsi %scan3A_743, %jit3A : i32
        %ne3A_758 = arith.constant 0 : i32
        %ne3A_759 = arith.cmpi ne, %rem3A, %ne3A_758 : i32
        %and3A = arith.andi %ne3A, %ne3A_759 : i1
        %sub3A = arith.constant 1 : i32
        %sub3A_760 = arith.subi %div3A, %sub3A : i32
        %select_n3A = arith.select %and3A, %sub3A_760, %div3A : i32
        %mul3A_761 = arith.constant 8 : i32
        %mul3A_762 = arith.muli %select_n3A, %mul3A_761 : i32
        %sub3A_763 = arith.subi %scan3A_743, %mul3A_762 : i32
        %broadcast_in_dim3A = arith.constant 0.000000e+00 : f32
        %broadcast_in_dim3A_764 = vector.broadcast %broadcast_in_dim3A : f32 to vector<16xf32>
        %broadcast_in_dim3A_765 = arith.constant 0.000000e+00 : f32
        %broadcast_in_dim3A_766 = vector.broadcast %broadcast_in_dim3A_765 : f32 to vector<16xf32>
        %add3A_767 = arith.constant 0 : i32
        %add3A_768 = arith.addi %add3A_767, %select_n3A : i32
        %mul3A_769 = arith.constant 16 : i32
        %mul3A_770 = arith.muli %sub3A_763, %mul3A_769 : i32
        %get3A = arith.index_cast %add3A_768 : i32 to index
        %get3A_771 = arith.index_cast %mul3A_770 : i32 to index
        %get3A_772 = tpu.vector_load %arg12[%get3A, %get3A_771] {strides = array<i32>} : memref<20x128xf32, #tpu.memory_space<vmem>>, vector<16xf32>,
        %add3A_773 = arith.constant 10 : i32
        %add3A_774 = arith.addi %add3A_773, %select_n3A : i32
        %mul3A_775 = arith.constant 16 : i32
        %mul3A_776 = arith.muli %sub3A_763, %mul3A_775 : i32
        %get3A_777 = arith.index_cast %add3A_774 : i32 to index
        %get3A_778 = arith.index_cast %mul3A_776 : i32 to index
        %get3A_779 = tpu.vector_load %arg12[%get3A_777, %get3A_778] {strides = array<i32>} : memref<20x128xf32, #tpu.memory_space<vmem>>, vector<16xf32>,
        %add3A_780 = arith.constant 0 : i32
        %add3A_781 = arith.addi %add3A_780, %select_n3A : i32
        %mul3A_782 = arith.constant 128 : i32
        %mul3A_783 = arith.muli %add3A_781, %mul3A_782 : i32
        %mul3A_784 = arith.constant 16 : i32
        %mul3A_785 = arith.muli %sub3A_763, %mul3A_784 : i32
        %add3A_786 = arith.addi %mul3A_783, %mul3A_785 : i32
        %add3A_787 = arith.constant 0 : i32
        %add3A_788 = arith.addi %add3A_786, %add3A_787 : i32
        %slice3A = vector.extract_strided_slice %get3A_772 {offsets = [0], sizes = [1], strides = [1]} : vector<16xf32> to vector<1xf32>
        %squeeze3A = vector.extract %slice3A[0] : f32 from vector<1xf32>
        %broadcast_in_dim3A_789 = vector.broadcast %squeeze3A : f32 to vector<16xf32>
        %slice3A_790 = vector.extract_strided_slice %get3A_779 {offsets = [0], sizes = [1], strides = [1]} : vector<16xf32> to vector<1xf32>
        %squeeze3A_791 = vector.extract %slice3A_790[0] : f32 from vector<1xf32>
        %broadcast_in_dim3A_792 = vector.broadcast %squeeze3A_791 : f32 to vector<16xf32>
        %get3A_793 = arith.index_cast %add3A_788 : i32 to index
        %get3A_794 = arith.constant 0 : index
        %get3A_795 = tpu.vector_load %arg14[%get3A_793, %get3A_794] {strides = array<i32>} : memref<1280x64xbf16, #tpu.memory_space<vmem>>, vector<32xbf16>,
        %unpack3A = tpu.unpack_subelements %get3A_795, 0 {pack_format = #tpu.pack_format<interleaved>} : vector<32xbf16> -> vector<16xf32>
        %unpack3A_796 = tpu.unpack_subelements %get3A_795, 1 {pack_format = #tpu.pack_format<interleaved>} : vector<32xbf16> -> vector<16xf32>
        %get3A_797 = arith.index_cast %add3A_788 : i32 to index
        %get3A_798 = arith.constant 32 : index
        %get3A_799 = tpu.vector_load %arg14[%get3A_797, %get3A_798] {strides = array<i32>} : memref<1280x64xbf16, #tpu.memory_space<vmem>>, vector<32xbf16>,
        %unpack3A_800 = tpu.unpack_subelements %get3A_799, 0 {pack_format = #tpu.pack_format<interleaved>} : vector<32xbf16> -> vector<16xf32>
        %unpack3A_801 = tpu.unpack_subelements %get3A_799, 1 {pack_format = #tpu.pack_format<interleaved>} : vector<32xbf16> -> vector<16xf32>
        %mul3A_802 = arith.mulf %unpack3A, %broadcast_in_dim3A_789 : vector<16xf32>
        %add3A_803 = arith.addf %broadcast_in_dim3A_764, %mul3A_802 : vector<16xf32>
        %mul3A_804 = arith.mulf %unpack3A_800, %broadcast_in_dim3A_792 : vector<16xf32>
        %add3A_805 = arith.addf %add3A_803, %mul3A_804 : vector<16xf32>
        %mul3A_806 = arith.mulf %unpack3A_796, %broadcast_in_dim3A_789 : vector<16xf32>
        %add3A_807 = arith.addf %broadcast_in_dim3A_766, %mul3A_806 : vector<16xf32>
        %mul3A_808 = arith.mulf %unpack3A_801, %broadcast_in_dim3A_792 : vector<16xf32>
        %add3A_809 = arith.addf %add3A_807, %mul3A_808 : vector<16xf32>
        %add3A_810 = arith.constant 1 : i32
        %add3A_811 = arith.addi %add3A_786, %add3A_810 : i32
        %slice3A_812 = vector.extract_strided_slice %get3A_772 {offsets = [1], sizes = [1], strides = [1]} : vector<16xf32> to vector<1xf32>
        %squeeze3A_813 = vector.extract %slice3A_812[0] : f32 from vector<1xf32>
        %broadcast_in_dim3A_814 = vector.broadcast %squeeze3A_813 : f32 to vector<16xf32>
        %slice3A_815 = vector.extract_strided_slice %get3A_779 {offsets = [1], sizes = [1], strides = [1]} : vector<16xf32> to vector<1xf32>
        %squeeze3A_816 = vector.extract %slice3A_815[0] : f32 from vector<1xf32>
        %broadcast_in_dim3A_817 = vector.broadcast %squeeze3A_816 : f32 to vector<16xf32>
        %get3A_818 = arith.index_cast %add3A_811 : i32 to index
        %get3A_819 = arith.constant 0 : index
        %get3A_820 = tpu.vector_load %arg14[%get3A_818, %get3A_819] {strides = array<i32>} : memref<1280x64xbf16, #tpu.memory_space<vmem>>, vector<32xbf16>,
        %unpack3A_821 = tpu.unpack_subelements %get3A_820, 0 {pack_format = #tpu.pack_format<interleaved>} : vector<32xbf16> -> vector<16xf32>
        %unpack3A_822 = tpu.unpack_subelements %get3A_820, 1 {pack_format = #tpu.pack_format<interleaved>} : vector<32xbf16> -> vector<16xf32>
        %get3A_823 = arith.index_cast %add3A_811 : i32 to index
        %get3A_824 = arith.constant 32 : index
        %get3A_825 = tpu.vector_load %arg14[%get3A_823, %get3A_824] {strides = array<i32>} : memref<1280x64xbf16, #tpu.memory_space<vmem>>, vector<32xbf16>,
        %unpack3A_826 = tpu.unpack_subelements %get3A_825, 0 {pack_format = #tpu.pack_format<interleaved>} : vector<32xbf16> -> vector<16xf32>
        %unpack3A_827 = tpu.unpack_subelements %get3A_825, 1 {pack_format = #tpu.pack_format<interleaved>} : vector<32xbf16> -> vector<16xf32>
        %mul3A_828 = arith.mulf %unpack3A_821, %broadcast_in_dim3A_814 : vector<16xf32>
        %add3A_829 = arith.addf %add3A_805, %mul3A_828 : vector<16xf32>
        %mul3A_830 = arith.mulf %unpack3A_826, %broadcast_in_dim3A_817 : vector<16xf32>
        %add3A_831 = arith.addf %add3A_829, %mul3A_830 : vector<16xf32>
        %mul3A_832 = arith.mulf %unpack3A_822, %broadcast_in_dim3A_814 : vector<16xf32>
        %add3A_833 = arith.addf %add3A_809, %mul3A_832 : vector<16xf32>
        %mul3A_834 = arith.mulf %unpack3A_827, %broadcast_in_dim3A_817 : vector<16xf32>
        %add3A_835 = arith.addf %add3A_833, %mul3A_834 : vector<16xf32>
        %add3A_836 = arith.constant 2 : i32
        %add3A_837 = arith.addi %add3A_786, %add3A_836 : i32
        %slice3A_838 = vector.extract_strided_slice %get3A_772 {offsets = [2], sizes = [1], strides = [1]} : vector<16xf32> to vector<1xf32>
        %squeeze3A_839 = vector.extract %slice3A_838[0] : f32 from vector<1xf32>
        %broadcast_in_dim3A_840 = vector.broadcast %squeeze3A_839 : f32 to vector<16xf32>
        %slice3A_841 = vector.extract_strided_slice %get3A_779 {offsets = [2], sizes = [1], strides = [1]} : vector<16xf32> to vector<1xf32>
        %squeeze3A_842 = vector.extract %slice3A_841[0] : f32 from vector<1xf32>
        %broadcast_in_dim3A_843 = vector.broadcast %squeeze3A_842 : f32 to vector<16xf32>
        %get3A_844 = arith.index_cast %add3A_837 : i32 to index
        %get3A_845 = arith.constant 0 : index
        %get3A_846 = tpu.vector_load %arg14[%get3A_844, %get3A_845] {strides = array<i32>} : memref<1280x64xbf16, #tpu.memory_space<vmem>>, vector<32xbf16>,
        %unpack3A_847 = tpu.unpack_subelements %get3A_846, 0 {pack_format = #tpu.pack_format<interleaved>} : vector<32xbf16> -> vector<16xf32>
        %unpack3A_848 = tpu.unpack_subelements %get3A_846, 1 {pack_format = #tpu.pack_format<interleaved>} : vector<32xbf16> -> vector<16xf32>
        %get3A_849 = arith.index_cast %add3A_837 : i32 to index
        %get3A_850 = arith.constant 32 : index
        %get3A_851 = tpu.vector_load %arg14[%get3A_849, %get3A_850] {strides = array<i32>} : memref<1280x64xbf16, #tpu.memory_space<vmem>>, vector<32xbf16>,
        %unpack3A_852 = tpu.unpack_subelements %get3A_851, 0 {pack_format = #tpu.pack_format<interleaved>} : vector<32xbf16> -> vector<16xf32>
        %unpack3A_853 = tpu.unpack_subelements %get3A_851, 1 {pack_format = #tpu.pack_format<interleaved>} : vector<32xbf16> -> vector<16xf32>
        %mul3A_854 = arith.mulf %unpack3A_847, %broadcast_in_dim3A_840 : vector<16xf32>
        %add3A_855 = arith.addf %add3A_831, %mul3A_854 : vector<16xf32>
        %mul3A_856 = arith.mulf %unpack3A_852, %broadcast_in_dim3A_843 : vector<16xf32>
        %add3A_857 = arith.addf %add3A_855, %mul3A_856 : vector<16xf32>
        %mul3A_858 = arith.mulf %unpack3A_848, %broadcast_in_dim3A_840 : vector<16xf32>
        %add3A_859 = arith.addf %add3A_835, %mul3A_858 : vector<16xf32>
        %mul3A_860 = arith.mulf %unpack3A_853, %broadcast_in_dim3A_843 : vector<16xf32>
        %add3A_861 = arith.addf %add3A_859, %mul3A_860 : vector<16xf32>
        %add3A_862 = arith.constant 3 : i32
        %add3A_863 = arith.addi %add3A_786, %add3A_862 : i32
        %slice3A_864 = vector.extract_strided_slice %get3A_772 {offsets = [3], sizes = [1], strides = [1]} : vector<16xf32> to vector<1xf32>
        %squeeze3A_865 = vector.extract %slice3A_864[0] : f32 from vector<1xf32>
        %broadcast_in_dim3A_866 = vector.broadcast %squeeze3A_865 : f32 to vector<16xf32>
        %slice3A_867 = vector.extract_strided_slice %get3A_779 {offsets = [3], sizes = [1], strides = [1]} : vector<16xf32> to vector<1xf32>
        %squeeze3A_868 = vector.extract %slice3A_867[0] : f32 from vector<1xf32>
        %broadcast_in_dim3A_869 = vector.broadcast %squeeze3A_868 : f32 to vector<16xf32>
        %get3A_870 = arith.index_cast %add3A_863 : i32 to index
        %get3A_871 = arith.constant 0 : index
        %get3A_872 = tpu.vector_load %arg14[%get3A_870, %get3A_871] {strides = array<i32>} : memref<1280x64xbf16, #tpu.memory_space<vmem>>, vector<32xbf16>,
        %unpack3A_873 = tpu.unpack_subelements %get3A_872, 0 {pack_format = #tpu.pack_format<interleaved>} : vector<32xbf16> -> vector<16xf32>
        %unpack3A_874 = tpu.unpack_subelements %get3A_872, 1 {pack_format = #tpu.pack_format<interleaved>} : vector<32xbf16> -> vector<16xf32>
        %get3A_875 = arith.index_cast %add3A_863 : i32 to index
        %get3A_876 = arith.constant 32 : index
        %get3A_877 = tpu.vector_load %arg14[%get3A_875, %get3A_876] {strides = array<i32>} : memref<1280x64xbf16, #tpu.memory_space<vmem>>, vector<32xbf16>,
        %unpack3A_878 = tpu.unpack_subelements %get3A_877, 0 {pack_format = #tpu.pack_format<interleaved>} : vector<32xbf16> -> vector<16xf32>
        %unpack3A_879 = tpu.unpack_subelements %get3A_877, 1 {pack_format = #tpu.pack_format<interleaved>} : vector<32xbf16> -> vector<16xf32>
        %mul3A_880 = arith.mulf %unpack3A_873, %broadcast_in_dim3A_866 : vector<16xf32>
        %add3A_881 = arith.addf %add3A_857, %mul3A_880 : vector<16xf32>
        %mul3A_882 = arith.mulf %unpack3A_878, %broadcast_in_dim3A_869 : vector<16xf32>
        %add3A_883 = arith.addf %add3A_881, %mul3A_882 : vector<16xf32>
        %mul3A_884 = arith.mulf %unpack3A_874, %broadcast_in_dim3A_866 : vector<16xf32>
        %add3A_885 = arith.addf %add3A_861, %mul3A_884 : vector<16xf32>
        %mul3A_886 = arith.mulf %unpack3A_879, %broadcast_in_dim3A_869 : vector<16xf32>
        %add3A_887 = arith.addf %add3A_885, %mul3A_886 : vector<16xf32>
        %add3A_888 = arith.constant 4 : i32
        %add3A_889 = arith.addi %add3A_786, %add3A_888 : i32
        %slice3A_890 = vector.extract_strided_slice %get3A_772 {offsets = [4], sizes = [1], strides = [1]} : vector<16xf32> to vector<1xf32>
        %squeeze3A_891 = vector.extract %slice3A_890[0] : f32 from vector<1xf32>
        %broadcast_in_dim3A_892 = vector.broadcast %squeeze3A_891 : f32 to vector<16xf32>
        %slice3A_893 = vector.extract_strided_slice %get3A_779 {offsets = [4], sizes = [1], strides = [1]} : vector<16xf32> to vector<1xf32>
        %squeeze3A_894 = vector.extract %slice3A_893[0] : f32 from vector<1xf32>
        %broadcast_in_dim3A_895 = vector.broadcast %squeeze3A_894 : f32 to vector<16xf32>
        %get3A_896 = arith.index_cast %add3A_889 : i32 to index
        %get3A_897 = arith.constant 0 : index
        %get3A_898 = tpu.vector_load %arg14[%get3A_896, %get3A_897] {strides = array<i32>} : memref<1280x64xbf16, #tpu.memory_space<vmem>>, vector<32xbf16>,
        %unpack3A_899 = tpu.unpack_subelements %get3A_898, 0 {pack_format = #tpu.pack_format<interleaved>} : vector<32xbf16> -> vector<16xf32>
        %unpack3A_900 = tpu.unpack_subelements %get3A_898, 1 {pack_format = #tpu.pack_format<interleaved>} : vector<32xbf16> -> vector<16xf32>
        %get3A_901 = arith.index_cast %add3A_889 : i32 to index
        %get3A_902 = arith.constant 32 : index
        %get3A_903 = tpu.vector_load %arg14[%get3A_901, %get3A_902] {strides = array<i32>} : memref<1280x64xbf16, #tpu.memory_space<vmem>>, vector<32xbf16>,
        %unpack3A_904 = tpu.unpack_subelements %get3A_903, 0 {pack_format = #tpu.pack_format<interleaved>} : vector<32xbf16> -> vector<16xf32>
        %unpack3A_905 = tpu.unpack_subelements %get3A_903, 1 {pack_format = #tpu.pack_format<interleaved>} : vector<32xbf16> -> vector<16xf32>
        %mul3A_906 = arith.mulf %unpack3A_899, %broadcast_in_dim3A_892 : vector<16xf32>
        %add3A_907 = arith.addf %add3A_883, %mul3A_906 : vector<16xf32>
        %mul3A_908 = arith.mulf %unpack3A_904, %broadcast_in_dim3A_895 : vector<16xf32>
        %add3A_909 = arith.addf %add3A_907, %mul3A_908 : vector<16xf32>
        %mul3A_910 = arith.mulf %unpack3A_900, %broadcast_in_dim3A_892 : vector<16xf32>
        %add3A_911 = arith.addf %add3A_887, %mul3A_910 : vector<16xf32>
        %mul3A_912 = arith.mulf %unpack3A_905, %broadcast_in_dim3A_895 : vector<16xf32>
        %add3A_913 = arith.addf %add3A_911, %mul3A_912 : vector<16xf32>
        %add3A_914 = arith.constant 5 : i32
        %add3A_915 = arith.addi %add3A_786, %add3A_914 : i32
        %slice3A_916 = vector.extract_strided_slice %get3A_772 {offsets = [5], sizes = [1], strides = [1]} : vector<16xf32> to vector<1xf32>
        %squeeze3A_917 = vector.extract %slice3A_916[0] : f32 from vector<1xf32>
        %broadcast_in_dim3A_918 = vector.broadcast %squeeze3A_917 : f32 to vector<16xf32>
        %slice3A_919 = vector.extract_strided_slice %get3A_779 {offsets = [5], sizes = [1], strides = [1]} : vector<16xf32> to vector<1xf32>
        %squeeze3A_920 = vector.extract %slice3A_919[0] : f32 from vector<1xf32>
        %broadcast_in_dim3A_921 = vector.broadcast %squeeze3A_920 : f32 to vector<16xf32>
        %get3A_922 = arith.index_cast %add3A_915 : i32 to index
        %get3A_923 = arith.constant 0 : index
        %get3A_924 = tpu.vector_load %arg14[%get3A_922, %get3A_923] {strides = array<i32>} : memref<1280x64xbf16, #tpu.memory_space<vmem>>, vector<32xbf16>,
        %unpack3A_925 = tpu.unpack_subelements %get3A_924, 0 {pack_format = #tpu.pack_format<interleaved>} : vector<32xbf16> -> vector<16xf32>
        %unpack3A_926 = tpu.unpack_subelements %get3A_924, 1 {pack_format = #tpu.pack_format<interleaved>} : vector<32xbf16> -> vector<16xf32>
        %get3A_927 = arith.index_cast %add3A_915 : i32 to index
        %get3A_928 = arith.constant 32 : index
        %get3A_929 = tpu.vector_load %arg14[%get3A_927, %get3A_928] {strides = array<i32>} : memref<1280x64xbf16, #tpu.memory_space<vmem>>, vector<32xbf16>,
        %unpack3A_930 = tpu.unpack_subelements %get3A_929, 0 {pack_format = #tpu.pack_format<interleaved>} : vector<32xbf16> -> vector<16xf32>
        %unpack3A_931 = tpu.unpack_subelements %get3A_929, 1 {pack_format = #tpu.pack_format<interleaved>} : vector<32xbf16> -> vector<16xf32>
        %mul3A_932 = arith.mulf %unpack3A_925, %broadcast_in_dim3A_918 : vector<16xf32>
        %add3A_933 = arith.addf %add3A_909, %mul3A_932 : vector<16xf32>
        %mul3A_934 = arith.mulf %unpack3A_930, %broadcast_in_dim3A_921 : vector<16xf32>
        %add3A_935 = arith.addf %add3A_933, %mul3A_934 : vector<16xf32>
        %mul3A_936 = arith.mulf %unpack3A_926, %broadcast_in_dim3A_918 : vector<16xf32>
        %add3A_937 = arith.addf %add3A_913, %mul3A_936 : vector<16xf32>
        %mul3A_938 = arith.mulf %unpack3A_931, %broadcast_in_dim3A_921 : vector<16xf32>
        %add3A_939 = arith.addf %add3A_937, %mul3A_938 : vector<16xf32>
        %add3A_940 = arith.constant 6 : i32
        %add3A_941 = arith.addi %add3A_786, %add3A_940 : i32
        %slice3A_942 = vector.extract_strided_slice %get3A_772 {offsets = [6], sizes = [1], strides = [1]} : vector<16xf32> to vector<1xf32>
        %squeeze3A_943 = vector.extract %slice3A_942[0] : f32 from vector<1xf32>
        %broadcast_in_dim3A_944 = vector.broadcast %squeeze3A_943 : f32 to vector<16xf32>
        %slice3A_945 = vector.extract_strided_slice %get3A_779 {offsets = [6], sizes = [1], strides = [1]} : vector<16xf32> to vector<1xf32>
        %squeeze3A_946 = vector.extract %slice3A_945[0] : f32 from vector<1xf32>
        %broadcast_in_dim3A_947 = vector.broadcast %squeeze3A_946 : f32 to vector<16xf32>
        %get3A_948 = arith.index_cast %add3A_941 : i32 to index
        %get3A_949 = arith.constant 0 : index
        %get3A_950 = tpu.vector_load %arg14[%get3A_948, %get3A_949] {strides = array<i32>} : memref<1280x64xbf16, #tpu.memory_space<vmem>>, vector<32xbf16>,
        %unpack3A_951 = tpu.unpack_subelements %get3A_950, 0 {pack_format = #tpu.pack_format<interleaved>} : vector<32xbf16> -> vector<16xf32>
        %unpack3A_952 = tpu.unpack_subelements %get3A_950, 1 {pack_format = #tpu.pack_format<interleaved>} : vector<32xbf16> -> vector<16xf32>
        %get3A_953 = arith.index_cast %add3A_941 : i32 to index
        %get3A_954 = arith.constant 32 : index
        %get3A_955 = tpu.vector_load %arg14[%get3A_953, %get3A_954] {strides = array<i32>} : memref<1280x64xbf16, #tpu.memory_space<vmem>>, vector<32xbf16>,
        %unpack3A_956 = tpu.unpack_subelements %get3A_955, 0 {pack_format = #tpu.pack_format<interleaved>} : vector<32xbf16> -> vector<16xf32>
        %unpack3A_957 = tpu.unpack_subelements %get3A_955, 1 {pack_format = #tpu.pack_format<interleaved>} : vector<32xbf16> -> vector<16xf32>
        %mul3A_958 = arith.mulf %unpack3A_951, %broadcast_in_dim3A_944 : vector<16xf32>
        %add3A_959 = arith.addf %add3A_935, %mul3A_958 : vector<16xf32>
        %mul3A_960 = arith.mulf %unpack3A_956, %broadcast_in_dim3A_947 : vector<16xf32>
        %add3A_961 = arith.addf %add3A_959, %mul3A_960 : vector<16xf32>
        %mul3A_962 = arith.mulf %unpack3A_952, %broadcast_in_dim3A_944 : vector<16xf32>
        %add3A_963 = arith.addf %add3A_939, %mul3A_962 : vector<16xf32>
        %mul3A_964 = arith.mulf %unpack3A_957, %broadcast_in_dim3A_947 : vector<16xf32>
        %add3A_965 = arith.addf %add3A_963, %mul3A_964 : vector<16xf32>
        %add3A_966 = arith.constant 7 : i32
        %add3A_967 = arith.addi %add3A_786, %add3A_966 : i32
        %slice3A_968 = vector.extract_strided_slice %get3A_772 {offsets = [7], sizes = [1], strides = [1]} : vector<16xf32> to vector<1xf32>
        %squeeze3A_969 = vector.extract %slice3A_968[0] : f32 from vector<1xf32>
        %broadcast_in_dim3A_970 = vector.broadcast %squeeze3A_969 : f32 to vector<16xf32>
        %slice3A_971 = vector.extract_strided_slice %get3A_779 {offsets = [7], sizes = [1], strides = [1]} : vector<16xf32> to vector<1xf32>
        %squeeze3A_972 = vector.extract %slice3A_971[0] : f32 from vector<1xf32>
        %broadcast_in_dim3A_973 = vector.broadcast %squeeze3A_972 : f32 to vector<16xf32>
        %get3A_974 = arith.index_cast %add3A_967 : i32 to index
        %get3A_975 = arith.constant 0 : index
        %get3A_976 = tpu.vector_load %arg14[%get3A_974, %get3A_975] {strides = array<i32>} : memref<1280x64xbf16, #tpu.memory_space<vmem>>, vector<32xbf16>,
        %unpack3A_977 = tpu.unpack_subelements %get3A_976, 0 {pack_format = #tpu.pack_format<interleaved>} : vector<32xbf16> -> vector<16xf32>
        %unpack3A_978 = tpu.unpack_subelements %get3A_976, 1 {pack_format = #tpu.pack_format<interleaved>} : vector<32xbf16> -> vector<16xf32>
        %get3A_979 = arith.index_cast %add3A_967 : i32 to index
        %get3A_980 = arith.constant 32 : index
        %get3A_981 = tpu.vector_load %arg14[%get3A_979, %get3A_980] {strides = array<i32>} : memref<1280x64xbf16, #tpu.memory_space<vmem>>, vector<32xbf16>,
        %unpack3A_982 = tpu.unpack_subelements %get3A_981, 0 {pack_format = #tpu.pack_format<interleaved>} : vector<32xbf16> -> vector<16xf32>
        %unpack3A_983 = tpu.unpack_subelements %get3A_981, 1 {pack_format = #tpu.pack_format<interleaved>} : vector<32xbf16> -> vector<16xf32>
        %mul3A_984 = arith.mulf %unpack3A_977, %broadcast_in_dim3A_970 : vector<16xf32>
        %add3A_985 = arith.addf %add3A_961, %mul3A_984 : vector<16xf32>
        %mul3A_986 = arith.mulf %unpack3A_982, %broadcast_in_dim3A_973 : vector<16xf32>
        %add3A_987 = arith.addf %add3A_985, %mul3A_986 : vector<16xf32>
        %mul3A_988 = arith.mulf %unpack3A_978, %broadcast_in_dim3A_970 : vector<16xf32>
        %add3A_989 = arith.addf %add3A_965, %mul3A_988 : vector<16xf32>
        %mul3A_990 = arith.mulf %unpack3A_983, %broadcast_in_dim3A_973 : vector<16xf32>
        %add3A_991 = arith.addf %add3A_989, %mul3A_990 : vector<16xf32>
        %add3A_992 = arith.constant 8 : i32
        %add3A_993 = arith.addi %add3A_786, %add3A_992 : i32
        %slice3A_994 = vector.extract_strided_slice %get3A_772 {offsets = [8], sizes = [1], strides = [1]} : vector<16xf32> to vector<1xf32>
        %squeeze3A_995 = vector.extract %slice3A_994[0] : f32 from vector<1xf32>
        %broadcast_in_dim3A_996 = vector.broadcast %squeeze3A_995 : f32 to vector<16xf32>
        %slice3A_997 = vector.extract_strided_slice %get3A_779 {offsets = [8], sizes = [1], strides = [1]} : vector<16xf32> to vector<1xf32>
        %squeeze3A_998 = vector.extract %slice3A_997[0] : f32 from vector<1xf32>
        %broadcast_in_dim3A_999 = vector.broadcast %squeeze3A_998 : f32 to vector<16xf32>
        %get3A_1000 = arith.index_cast %add3A_993 : i32 to index
        %get3A_1001 = arith.constant 0 : index
        %get3A_1002 = tpu.vector_load %arg14[%get3A_1000, %get3A_1001] {strides = array<i32>} : memref<1280x64xbf16, #tpu.memory_space<vmem>>, vector<32xbf16>,
        %unpack3A_1003 = tpu.unpack_subelements %get3A_1002, 0 {pack_format = #tpu.pack_format<interleaved>} : vector<32xbf16> -> vector<16xf32>
        %unpack3A_1004 = tpu.unpack_subelements %get3A_1002, 1 {pack_format = #tpu.pack_format<interleaved>} : vector<32xbf16> -> vector<16xf32>
        %get3A_1005 = arith.index_cast %add3A_993 : i32 to index
        %get3A_1006 = arith.constant 32 : index
        %get3A_1007 = tpu.vector_load %arg14[%get3A_1005, %get3A_1006] {strides = array<i32>} : memref<1280x64xbf16, #tpu.memory_space<vmem>>, vector<32xbf16>,
        %unpack3A_1008 = tpu.unpack_subelements %get3A_1007, 0 {pack_format = #tpu.pack_format<interleaved>} : vector<32xbf16> -> vector<16xf32>
        %unpack3A_1009 = tpu.unpack_subelements %get3A_1007, 1 {pack_format = #tpu.pack_format<interleaved>} : vector<32xbf16> -> vector<16xf32>
        %mul3A_1010 = arith.mulf %unpack3A_1003, %broadcast_in_dim3A_996 : vector<16xf32>
        %add3A_1011 = arith.addf %add3A_987, %mul3A_1010 : vector<16xf32>
        %mul3A_1012 = arith.mulf %unpack3A_1008, %broadcast_in_dim3A_999 : vector<16xf32>
        %add3A_1013 = arith.addf %add3A_1011, %mul3A_1012 : vector<16xf32>
        %mul3A_1014 = arith.mulf %unpack3A_1004, %broadcast_in_dim3A_996 : vector<16xf32>
        %add3A_1015 = arith.addf %add3A_991, %mul3A_1014 : vector<16xf32>
        %mul3A_1016 = arith.mulf %unpack3A_1009, %broadcast_in_dim3A_999 : vector<16xf32>
        %add3A_1017 = arith.addf %add3A_1015, %mul3A_1016 : vector<16xf32>
        %add3A_1018 = arith.constant 9 : i32
        %add3A_1019 = arith.addi %add3A_786, %add3A_1018 : i32
        %slice3A_1020 = vector.extract_strided_slice %get3A_772 {offsets = [9], sizes = [1], strides = [1]} : vector<16xf32> to vector<1xf32>
        %squeeze3A_1021 = vector.extract %slice3A_1020[0] : f32 from vector<1xf32>
        %broadcast_in_dim3A_1022 = vector.broadcast %squeeze3A_1021 : f32 to vector<16xf32>
        %slice3A_1023 = vector.extract_strided_slice %get3A_779 {offsets = [9], sizes = [1], strides = [1]} : vector<16xf32> to vector<1xf32>
        %squeeze3A_1024 = vector.extract %slice3A_1023[0] : f32 from vector<1xf32>
        %broadcast_in_dim3A_1025 = vector.broadcast %squeeze3A_1024 : f32 to vector<16xf32>
        %get3A_1026 = arith.index_cast %add3A_1019 : i32 to index
        %get3A_1027 = arith.constant 0 : index
        %get3A_1028 = tpu.vector_load %arg14[%get3A_1026, %get3A_1027] {strides = array<i32>} : memref<1280x64xbf16, #tpu.memory_space<vmem>>, vector<32xbf16>,
        %unpack3A_1029 = tpu.unpack_subelements %get3A_1028, 0 {pack_format = #tpu.pack_format<interleaved>} : vector<32xbf16> -> vector<16xf32>
        %unpack3A_1030 = tpu.unpack_subelements %get3A_1028, 1 {pack_format = #tpu.pack_format<interleaved>} : vector<32xbf16> -> vector<16xf32>
        %get3A_1031 = arith.index_cast %add3A_1019 : i32 to index
        %get3A_1032 = arith.constant 32 : index
        %get3A_1033 = tpu.vector_load %arg14[%get3A_1031, %get3A_1032] {strides = array<i32>} : memref<1280x64xbf16, #tpu.memory_space<vmem>>, vector<32xbf16>,
        %unpack3A_1034 = tpu.unpack_subelements %get3A_1033, 0 {pack_format = #tpu.pack_format<interleaved>} : vector<32xbf16> -> vector<16xf32>
        %unpack3A_1035 = tpu.unpack_subelements %get3A_1033, 1 {pack_format = #tpu.pack_format<interleaved>} : vector<32xbf16> -> vector<16xf32>
        %mul3A_1036 = arith.mulf %unpack3A_1029, %broadcast_in_dim3A_1022 : vector<16xf32>
        %add3A_1037 = arith.addf %add3A_1013, %mul3A_1036 : vector<16xf32>
        %mul3A_1038 = arith.mulf %unpack3A_1034, %broadcast_in_dim3A_1025 : vector<16xf32>
        %add3A_1039 = arith.addf %add3A_1037, %mul3A_1038 : vector<16xf32>
        %mul3A_1040 = arith.mulf %unpack3A_1030, %broadcast_in_dim3A_1022 : vector<16xf32>
        %add3A_1041 = arith.addf %add3A_1017, %mul3A_1040 : vector<16xf32>
        %mul3A_1042 = arith.mulf %unpack3A_1035, %broadcast_in_dim3A_1025 : vector<16xf32>
        %add3A_1043 = arith.addf %add3A_1041, %mul3A_1042 : vector<16xf32>
        %add3A_1044 = arith.constant 10 : i32
        %add3A_1045 = arith.addi %add3A_786, %add3A_1044 : i32
        %slice3A_1046 = vector.extract_strided_slice %get3A_772 {offsets = [10], sizes = [1], strides = [1]} : vector<16xf32> to vector<1xf32>
        %squeeze3A_1047 = vector.extract %slice3A_1046[0] : f32 from vector<1xf32>
        %broadcast_in_dim3A_1048 = vector.broadcast %squeeze3A_1047 : f32 to vector<16xf32>
        %slice3A_1049 = vector.extract_strided_slice %get3A_779 {offsets = [10], sizes = [1], strides = [1]} : vector<16xf32> to vector<1xf32>
        %squeeze3A_1050 = vector.extract %slice3A_1049[0] : f32 from vector<1xf32>
        %broadcast_in_dim3A_1051 = vector.broadcast %squeeze3A_1050 : f32 to vector<16xf32>
        %get3A_1052 = arith.index_cast %add3A_1045 : i32 to index
        %get3A_1053 = arith.constant 0 : index
        %get3A_1054 = tpu.vector_load %arg14[%get3A_1052, %get3A_1053] {strides = array<i32>} : memref<1280x64xbf16, #tpu.memory_space<vmem>>, vector<32xbf16>,
        %unpack3A_1055 = tpu.unpack_subelements %get3A_1054, 0 {pack_format = #tpu.pack_format<interleaved>} : vector<32xbf16> -> vector<16xf32>
        %unpack3A_1056 = tpu.unpack_subelements %get3A_1054, 1 {pack_format = #tpu.pack_format<interleaved>} : vector<32xbf16> -> vector<16xf32>
        %get3A_1057 = arith.index_cast %add3A_1045 : i32 to index
        %get3A_1058 = arith.constant 32 : index
        %get3A_1059 = tpu.vector_load %arg14[%get3A_1057, %get3A_1058] {strides = array<i32>} : memref<1280x64xbf16, #tpu.memory_space<vmem>>, vector<32xbf16>,
        %unpack3A_1060 = tpu.unpack_subelements %get3A_1059, 0 {pack_format = #tpu.pack_format<interleaved>} : vector<32xbf16> -> vector<16xf32>
        %unpack3A_1061 = tpu.unpack_subelements %get3A_1059, 1 {pack_format = #tpu.pack_format<interleaved>} : vector<32xbf16> -> vector<16xf32>
        %mul3A_1062 = arith.mulf %unpack3A_1055, %broadcast_in_dim3A_1048 : vector<16xf32>
        %add3A_1063 = arith.addf %add3A_1039, %mul3A_1062 : vector<16xf32>
        %mul3A_1064 = arith.mulf %unpack3A_1060, %broadcast_in_dim3A_1051 : vector<16xf32>
        %add3A_1065 = arith.addf %add3A_1063, %mul3A_1064 : vector<16xf32>
        %mul3A_1066 = arith.mulf %unpack3A_1056, %broadcast_in_dim3A_1048 : vector<16xf32>
        %add3A_1067 = arith.addf %add3A_1043, %mul3A_1066 : vector<16xf32>
        %mul3A_1068 = arith.mulf %unpack3A_1061, %broadcast_in_dim3A_1051 : vector<16xf32>
        %add3A_1069 = arith.addf %add3A_1067, %mul3A_1068 : vector<16xf32>
        %add3A_1070 = arith.constant 11 : i32
        %add3A_1071 = arith.addi %add3A_786, %add3A_1070 : i32
        %slice3A_1072 = vector.extract_strided_slice %get3A_772 {offsets = [11], sizes = [1], strides = [1]} : vector<16xf32> to vector<1xf32>
        %squeeze3A_1073 = vector.extract %slice3A_1072[0] : f32 from vector<1xf32>
        %broadcast_in_dim3A_1074 = vector.broadcast %squeeze3A_1073 : f32 to vector<16xf32>
        %slice3A_1075 = vector.extract_strided_slice %get3A_779 {offsets = [11], sizes = [1], strides = [1]} : vector<16xf32> to vector<1xf32>
        %squeeze3A_1076 = vector.extract %slice3A_1075[0] : f32 from vector<1xf32>
        %broadcast_in_dim3A_1077 = vector.broadcast %squeeze3A_1076 : f32 to vector<16xf32>
        %get3A_1078 = arith.index_cast %add3A_1071 : i32 to index
        %get3A_1079 = arith.constant 0 : index
        %get3A_1080 = tpu.vector_load %arg14[%get3A_1078, %get3A_1079] {strides = array<i32>} : memref<1280x64xbf16, #tpu.memory_space<vmem>>, vector<32xbf16>,
        %unpack3A_1081 = tpu.unpack_subelements %get3A_1080, 0 {pack_format = #tpu.pack_format<interleaved>} : vector<32xbf16> -> vector<16xf32>
        %unpack3A_1082 = tpu.unpack_subelements %get3A_1080, 1 {pack_format = #tpu.pack_format<interleaved>} : vector<32xbf16> -> vector<16xf32>
        %get3A_1083 = arith.index_cast %add3A_1071 : i32 to index
        %get3A_1084 = arith.constant 32 : index
        %get3A_1085 = tpu.vector_load %arg14[%get3A_1083, %get3A_1084] {strides = array<i32>} : memref<1280x64xbf16, #tpu.memory_space<vmem>>, vector<32xbf16>,
        %unpack3A_1086 = tpu.unpack_subelements %get3A_1085, 0 {pack_format = #tpu.pack_format<interleaved>} : vector<32xbf16> -> vector<16xf32>
        %unpack3A_1087 = tpu.unpack_subelements %get3A_1085, 1 {pack_format = #tpu.pack_format<interleaved>} : vector<32xbf16> -> vector<16xf32>
        %mul3A_1088 = arith.mulf %unpack3A_1081, %broadcast_in_dim3A_1074 : vector<16xf32>
        %add3A_1089 = arith.addf %add3A_1065, %mul3A_1088 : vector<16xf32>
        %mul3A_1090 = arith.mulf %unpack3A_1086, %broadcast_in_dim3A_1077 : vector<16xf32>
        %add3A_1091 = arith.addf %add3A_1089, %mul3A_1090 : vector<16xf32>
        %mul3A_1092 = arith.mulf %unpack3A_1082, %broadcast_in_dim3A_1074 : vector<16xf32>
        %add3A_1093 = arith.addf %add3A_1069, %mul3A_1092 : vector<16xf32>
        %mul3A_1094 = arith.mulf %unpack3A_1087, %broadcast_in_dim3A_1077 : vector<16xf32>
        %add3A_1095 = arith.addf %add3A_1093, %mul3A_1094 : vector<16xf32>
        %add3A_1096 = arith.constant 12 : i32
        %add3A_1097 = arith.addi %add3A_786, %add3A_1096 : i32
        %slice3A_1098 = vector.extract_strided_slice %get3A_772 {offsets = [12], sizes = [1], strides = [1]} : vector<16xf32> to vector<1xf32>
        %squeeze3A_1099 = vector.extract %slice3A_1098[0] : f32 from vector<1xf32>
        %broadcast_in_dim3A_1100 = vector.broadcast %squeeze3A_1099 : f32 to vector<16xf32>
        %slice3A_1101 = vector.extract_strided_slice %get3A_779 {offsets = [12], sizes = [1], strides = [1]} : vector<16xf32> to vector<1xf32>
        %squeeze3A_1102 = vector.extract %slice3A_1101[0] : f32 from vector<1xf32>
        %broadcast_in_dim3A_1103 = vector.broadcast %squeeze3A_1102 : f32 to vector<16xf32>
        %get3A_1104 = arith.index_cast %add3A_1097 : i32 to index
        %get3A_1105 = arith.constant 0 : index
        %get3A_1106 = tpu.vector_load %arg14[%get3A_1104, %get3A_1105] {strides = array<i32>} : memref<1280x64xbf16, #tpu.memory_space<vmem>>, vector<32xbf16>,
        %unpack3A_1107 = tpu.unpack_subelements %get3A_1106, 0 {pack_format = #tpu.pack_format<interleaved>} : vector<32xbf16> -> vector<16xf32>
        %unpack3A_1108 = tpu.unpack_subelements %get3A_1106, 1 {pack_format = #tpu.pack_format<interleaved>} : vector<32xbf16> -> vector<16xf32>
        %get3A_1109 = arith.index_cast %add3A_1097 : i32 to index
        %get3A_1110 = arith.constant 32 : index
        %get3A_1111 = tpu.vector_load %arg14[%get3A_1109, %get3A_1110] {strides = array<i32>} : memref<1280x64xbf16, #tpu.memory_space<vmem>>, vector<32xbf16>,
        %unpack3A_1112 = tpu.unpack_subelements %get3A_1111, 0 {pack_format = #tpu.pack_format<interleaved>} : vector<32xbf16> -> vector<16xf32>
        %unpack3A_1113 = tpu.unpack_subelements %get3A_1111, 1 {pack_format = #tpu.pack_format<interleaved>} : vector<32xbf16> -> vector<16xf32>
        %mul3A_1114 = arith.mulf %unpack3A_1107, %broadcast_in_dim3A_1100 : vector<16xf32>
        %add3A_1115 = arith.addf %add3A_1091, %mul3A_1114 : vector<16xf32>
        %mul3A_1116 = arith.mulf %unpack3A_1112, %broadcast_in_dim3A_1103 : vector<16xf32>
        %add3A_1117 = arith.addf %add3A_1115, %mul3A_1116 : vector<16xf32>
        %mul3A_1118 = arith.mulf %unpack3A_1108, %broadcast_in_dim3A_1100 : vector<16xf32>
        %add3A_1119 = arith.addf %add3A_1095, %mul3A_1118 : vector<16xf32>
        %mul3A_1120 = arith.mulf %unpack3A_1113, %broadcast_in_dim3A_1103 : vector<16xf32>
        %add3A_1121 = arith.addf %add3A_1119, %mul3A_1120 : vector<16xf32>
        %add3A_1122 = arith.constant 13 : i32
        %add3A_1123 = arith.addi %add3A_786, %add3A_1122 : i32
        %slice3A_1124 = vector.extract_strided_slice %get3A_772 {offsets = [13], sizes = [1], strides = [1]} : vector<16xf32> to vector<1xf32>
        %squeeze3A_1125 = vector.extract %slice3A_1124[0] : f32 from vector<1xf32>
        %broadcast_in_dim3A_1126 = vector.broadcast %squeeze3A_1125 : f32 to vector<16xf32>
        %slice3A_1127 = vector.extract_strided_slice %get3A_779 {offsets = [13], sizes = [1], strides = [1]} : vector<16xf32> to vector<1xf32>
        %squeeze3A_1128 = vector.extract %slice3A_1127[0] : f32 from vector<1xf32>
        %broadcast_in_dim3A_1129 = vector.broadcast %squeeze3A_1128 : f32 to vector<16xf32>
        %get3A_1130 = arith.index_cast %add3A_1123 : i32 to index
        %get3A_1131 = arith.constant 0 : index
        %get3A_1132 = tpu.vector_load %arg14[%get3A_1130, %get3A_1131] {strides = array<i32>} : memref<1280x64xbf16, #tpu.memory_space<vmem>>, vector<32xbf16>,
        %unpack3A_1133 = tpu.unpack_subelements %get3A_1132, 0 {pack_format = #tpu.pack_format<interleaved>} : vector<32xbf16> -> vector<16xf32>
        %unpack3A_1134 = tpu.unpack_subelements %get3A_1132, 1 {pack_format = #tpu.pack_format<interleaved>} : vector<32xbf16> -> vector<16xf32>
        %get3A_1135 = arith.index_cast %add3A_1123 : i32 to index
        %get3A_1136 = arith.constant 32 : index
        %get3A_1137 = tpu.vector_load %arg14[%get3A_1135, %get3A_1136] {strides = array<i32>} : memref<1280x64xbf16, #tpu.memory_space<vmem>>, vector<32xbf16>,
        %unpack3A_1138 = tpu.unpack_subelements %get3A_1137, 0 {pack_format = #tpu.pack_format<interleaved>} : vector<32xbf16> -> vector<16xf32>
        %unpack3A_1139 = tpu.unpack_subelements %get3A_1137, 1 {pack_format = #tpu.pack_format<interleaved>} : vector<32xbf16> -> vector<16xf32>
        %mul3A_1140 = arith.mulf %unpack3A_1133, %broadcast_in_dim3A_1126 : vector<16xf32>
        %add3A_1141 = arith.addf %add3A_1117, %mul3A_1140 : vector<16xf32>
        %mul3A_1142 = arith.mulf %unpack3A_1138, %broadcast_in_dim3A_1129 : vector<16xf32>
        %add3A_1143 = arith.addf %add3A_1141, %mul3A_1142 : vector<16xf32>
        %mul3A_1144 = arith.mulf %unpack3A_1134, %broadcast_in_dim3A_1126 : vector<16xf32>
        %add3A_1145 = arith.addf %add3A_1121, %mul3A_1144 : vector<16xf32>
        %mul3A_1146 = arith.mulf %unpack3A_1139, %broadcast_in_dim3A_1129 : vector<16xf32>
        %add3A_1147 = arith.addf %add3A_1145, %mul3A_1146 : vector<16xf32>
        %add3A_1148 = arith.constant 14 : i32
        %add3A_1149 = arith.addi %add3A_786, %add3A_1148 : i32
        %slice3A_1150 = vector.extract_strided_slice %get3A_772 {offsets = [14], sizes = [1], strides = [1]} : vector<16xf32> to vector<1xf32>
        %squeeze3A_1151 = vector.extract %slice3A_1150[0] : f32 from vector<1xf32>
        %broadcast_in_dim3A_1152 = vector.broadcast %squeeze3A_1151 : f32 to vector<16xf32>
        %slice3A_1153 = vector.extract_strided_slice %get3A_779 {offsets = [14], sizes = [1], strides = [1]} : vector<16xf32> to vector<1xf32>
        %squeeze3A_1154 = vector.extract %slice3A_1153[0] : f32 from vector<1xf32>
        %broadcast_in_dim3A_1155 = vector.broadcast %squeeze3A_1154 : f32 to vector<16xf32>
        %get3A_1156 = arith.index_cast %add3A_1149 : i32 to index
        %get3A_1157 = arith.constant 0 : index
        %get3A_1158 = tpu.vector_load %arg14[%get3A_1156, %get3A_1157] {strides = array<i32>} : memref<1280x64xbf16, #tpu.memory_space<vmem>>, vector<32xbf16>,
        %unpack3A_1159 = tpu.unpack_subelements %get3A_1158, 0 {pack_format = #tpu.pack_format<interleaved>} : vector<32xbf16> -> vector<16xf32>
        %unpack3A_1160 = tpu.unpack_subelements %get3A_1158, 1 {pack_format = #tpu.pack_format<interleaved>} : vector<32xbf16> -> vector<16xf32>
        %get3A_1161 = arith.index_cast %add3A_1149 : i32 to index
        %get3A_1162 = arith.constant 32 : index
        %get3A_1163 = tpu.vector_load %arg14[%get3A_1161, %get3A_1162] {strides = array<i32>} : memref<1280x64xbf16, #tpu.memory_space<vmem>>, vector<32xbf16>,
        %unpack3A_1164 = tpu.unpack_subelements %get3A_1163, 0 {pack_format = #tpu.pack_format<interleaved>} : vector<32xbf16> -> vector<16xf32>
        %unpack3A_1165 = tpu.unpack_subelements %get3A_1163, 1 {pack_format = #tpu.pack_format<interleaved>} : vector<32xbf16> -> vector<16xf32>
        %mul3A_1166 = arith.mulf %unpack3A_1159, %broadcast_in_dim3A_1152 : vector<16xf32>
        %add3A_1167 = arith.addf %add3A_1143, %mul3A_1166 : vector<16xf32>
        %mul3A_1168 = arith.mulf %unpack3A_1164, %broadcast_in_dim3A_1155 : vector<16xf32>
        %add3A_1169 = arith.addf %add3A_1167, %mul3A_1168 : vector<16xf32>
        %mul3A_1170 = arith.mulf %unpack3A_1160, %broadcast_in_dim3A_1152 : vector<16xf32>
        %add3A_1171 = arith.addf %add3A_1147, %mul3A_1170 : vector<16xf32>
        %mul3A_1172 = arith.mulf %unpack3A_1165, %broadcast_in_dim3A_1155 : vector<16xf32>
        %add3A_1173 = arith.addf %add3A_1171, %mul3A_1172 : vector<16xf32>
        %add3A_1174 = arith.constant 15 : i32
        %add3A_1175 = arith.addi %add3A_786, %add3A_1174 : i32
        %slice3A_1176 = vector.extract_strided_slice %get3A_772 {offsets = [15], sizes = [1], strides = [1]} : vector<16xf32> to vector<1xf32>
        %squeeze3A_1177 = vector.extract %slice3A_1176[0] : f32 from vector<1xf32>
        %broadcast_in_dim3A_1178 = vector.broadcast %squeeze3A_1177 : f32 to vector<16xf32>
        %slice3A_1179 = vector.extract_strided_slice %get3A_779 {offsets = [15], sizes = [1], strides = [1]} : vector<16xf32> to vector<1xf32>
        %squeeze3A_1180 = vector.extract %slice3A_1179[0] : f32 from vector<1xf32>
        %broadcast_in_dim3A_1181 = vector.broadcast %squeeze3A_1180 : f32 to vector<16xf32>
        %get3A_1182 = arith.index_cast %add3A_1175 : i32 to index
        %get3A_1183 = arith.constant 0 : index
        %get3A_1184 = tpu.vector_load %arg14[%get3A_1182, %get3A_1183] {strides = array<i32>} : memref<1280x64xbf16, #tpu.memory_space<vmem>>, vector<32xbf16>,
        %unpack3A_1185 = tpu.unpack_subelements %get3A_1184, 0 {pack_format = #tpu.pack_format<interleaved>} : vector<32xbf16> -> vector<16xf32>
        %unpack3A_1186 = tpu.unpack_subelements %get3A_1184, 1 {pack_format = #tpu.pack_format<interleaved>} : vector<32xbf16> -> vector<16xf32>
        %get3A_1187 = arith.index_cast %add3A_1175 : i32 to index
        %get3A_1188 = arith.constant 32 : index
        %get3A_1189 = tpu.vector_load %arg14[%get3A_1187, %get3A_1188] {strides = array<i32>} : memref<1280x64xbf16, #tpu.memory_space<vmem>>, vector<32xbf16>,
        %unpack3A_1190 = tpu.unpack_subelements %get3A_1189, 0 {pack_format = #tpu.pack_format<interleaved>} : vector<32xbf16> -> vector<16xf32>
        %unpack3A_1191 = tpu.unpack_subelements %get3A_1189, 1 {pack_format = #tpu.pack_format<interleaved>} : vector<32xbf16> -> vector<16xf32>
        %mul3A_1192 = arith.mulf %unpack3A_1185, %broadcast_in_dim3A_1178 : vector<16xf32>
        %add3A_1193 = arith.addf %add3A_1169, %mul3A_1192 : vector<16xf32>
        %mul3A_1194 = arith.mulf %unpack3A_1190, %broadcast_in_dim3A_1181 : vector<16xf32>
        %add3A_1195 = arith.addf %add3A_1193, %mul3A_1194 : vector<16xf32>
        %mul3A_1196 = arith.mulf %unpack3A_1186, %broadcast_in_dim3A_1178 : vector<16xf32>
        %add3A_1197 = arith.addf %add3A_1173, %mul3A_1196 : vector<16xf32>
        %mul3A_1198 = arith.mulf %unpack3A_1191, %broadcast_in_dim3A_1181 : vector<16xf32>
        %add3A_1199 = arith.addf %add3A_1197, %mul3A_1198 : vector<16xf32>
        %add3A_1200 = arith.constant 5 : i32
        %add3A_1201 = arith.addi %add3A_1200, %select_n3A : i32
        %mul3A_1202 = arith.constant 16 : i32
        %mul3A_1203 = arith.muli %sub3A_763, %mul3A_1202 : i32
        %get3A_1204 = arith.index_cast %add3A_1201 : i32 to index
        %get3A_1205 = arith.index_cast %mul3A_1203 : i32 to index
        %get3A_1206 = tpu.vector_load %arg12[%get3A_1204, %get3A_1205] {strides = array<i32>} : memref<20x128xf32, #tpu.memory_space<vmem>>, vector<16xf32>,
        %add3A_1207 = arith.constant 15 : i32
        %add3A_1208 = arith.addi %add3A_1207, %select_n3A : i32
        %mul3A_1209 = arith.constant 16 : i32
        %mul3A_1210 = arith.muli %sub3A_763, %mul3A_1209 : i32
        %get3A_1211 = arith.index_cast %add3A_1208 : i32 to index
        %get3A_1212 = arith.index_cast %mul3A_1210 : i32 to index
        %get3A_1213 = tpu.vector_load %arg12[%get3A_1211, %get3A_1212] {strides = array<i32>} : memref<20x128xf32, #tpu.memory_space<vmem>>, vector<16xf32>,
        %add3A_1214 = arith.constant 5 : i32
        %add3A_1215 = arith.addi %add3A_1214, %select_n3A : i32
        %mul3A_1216 = arith.constant 128 : i32
        %mul3A_1217 = arith.muli %add3A_1215, %mul3A_1216 : i32
        %mul3A_1218 = arith.constant 16 : i32
        %mul3A_1219 = arith.muli %sub3A_763, %mul3A_1218 : i32
        %add3A_1220 = arith.addi %mul3A_1217, %mul3A_1219 : i32
        %add3A_1221 = arith.constant 0 : i32
        %add3A_1222 = arith.addi %add3A_1220, %add3A_1221 : i32
        %slice3A_1223 = vector.extract_strided_slice %get3A_1206 {offsets = [0], sizes = [1], strides = [1]} : vector<16xf32> to vector<1xf32>
        %squeeze3A_1224 = vector.extract %slice3A_1223[0] : f32 from vector<1xf32>
        %broadcast_in_dim3A_1225 = vector.broadcast %squeeze3A_1224 : f32 to vector<16xf32>
        %slice3A_1226 = vector.extract_strided_slice %get3A_1213 {offsets = [0], sizes = [1], strides = [1]} : vector<16xf32> to vector<1xf32>
        %squeeze3A_1227 = vector.extract %slice3A_1226[0] : f32 from vector<1xf32>
        %broadcast_in_dim3A_1228 = vector.broadcast %squeeze3A_1227 : f32 to vector<16xf32>
        %get3A_1229 = arith.index_cast %add3A_1222 : i32 to index
        %get3A_1230 = arith.constant 0 : index
        %get3A_1231 = tpu.vector_load %arg14[%get3A_1229, %get3A_1230] {strides = array<i32>} : memref<1280x64xbf16, #tpu.memory_space<vmem>>, vector<32xbf16>,
        %unpack3A_1232 = tpu.unpack_subelements %get3A_1231, 0 {pack_format = #tpu.pack_format<interleaved>} : vector<32xbf16> -> vector<16xf32>
        %unpack3A_1233 = tpu.unpack_subelements %get3A_1231, 1 {pack_format = #tpu.pack_format<interleaved>} : vector<32xbf16> -> vector<16xf32>
        %get3A_1234 = arith.index_cast %add3A_1222 : i32 to index
        %get3A_1235 = arith.constant 32 : index
        %get3A_1236 = tpu.vector_load %arg14[%get3A_1234, %get3A_1235] {strides = array<i32>} : memref<1280x64xbf16, #tpu.memory_space<vmem>>, vector<32xbf16>,
        %unpack3A_1237 = tpu.unpack_subelements %get3A_1236, 0 {pack_format = #tpu.pack_format<interleaved>} : vector<32xbf16> -> vector<16xf32>
        %unpack3A_1238 = tpu.unpack_subelements %get3A_1236, 1 {pack_format = #tpu.pack_format<interleaved>} : vector<32xbf16> -> vector<16xf32>
        %mul3A_1239 = arith.mulf %unpack3A_1232, %broadcast_in_dim3A_1225 : vector<16xf32>
        %add3A_1240 = arith.addf %add3A_1195, %mul3A_1239 : vector<16xf32>
        %mul3A_1241 = arith.mulf %unpack3A_1237, %broadcast_in_dim3A_1228 : vector<16xf32>
        %add3A_1242 = arith.addf %add3A_1240, %mul3A_1241 : vector<16xf32>
        %mul3A_1243 = arith.mulf %unpack3A_1233, %broadcast_in_dim3A_1225 : vector<16xf32>
        %add3A_1244 = arith.addf %add3A_1199, %mul3A_1243 : vector<16xf32>
        %mul3A_1245 = arith.mulf %unpack3A_1238, %broadcast_in_dim3A_1228 : vector<16xf32>
        %add3A_1246 = arith.addf %add3A_1244, %mul3A_1245 : vector<16xf32>
        %add3A_1247 = arith.constant 1 : i32
        %add3A_1248 = arith.addi %add3A_1220, %add3A_1247 : i32
        %slice3A_1249 = vector.extract_strided_slice %get3A_1206 {offsets = [1], sizes = [1], strides = [1]} : vector<16xf32> to vector<1xf32>
        %squeeze3A_1250 = vector.extract %slice3A_1249[0] : f32 from vector<1xf32>
        %broadcast_in_dim3A_1251 = vector.broadcast %squeeze3A_1250 : f32 to vector<16xf32>
        %slice3A_1252 = vector.extract_strided_slice %get3A_1213 {offsets = [1], sizes = [1], strides = [1]} : vector<16xf32> to vector<1xf32>
        %squeeze3A_1253 = vector.extract %slice3A_1252[0] : f32 from vector<1xf32>
        %broadcast_in_dim3A_1254 = vector.broadcast %squeeze3A_1253 : f32 to vector<16xf32>
        %get3A_1255 = arith.index_cast %add3A_1248 : i32 to index
        %get3A_1256 = arith.constant 0 : index
        %get3A_1257 = tpu.vector_load %arg14[%get3A_1255, %get3A_1256] {strides = array<i32>} : memref<1280x64xbf16, #tpu.memory_space<vmem>>, vector<32xbf16>,
        %unpack3A_1258 = tpu.unpack_subelements %get3A_1257, 0 {pack_format = #tpu.pack_format<interleaved>} : vector<32xbf16> -> vector<16xf32>
        %unpack3A_1259 = tpu.unpack_subelements %get3A_1257, 1 {pack_format = #tpu.pack_format<interleaved>} : vector<32xbf16> -> vector<16xf32>
        %get3A_1260 = arith.index_cast %add3A_1248 : i32 to index
        %get3A_1261 = arith.constant 32 : index
        %get3A_1262 = tpu.vector_load %arg14[%get3A_1260, %get3A_1261] {strides = array<i32>} : memref<1280x64xbf16, #tpu.memory_space<vmem>>, vector<32xbf16>,
        %unpack3A_1263 = tpu.unpack_subelements %get3A_1262, 0 {pack_format = #tpu.pack_format<interleaved>} : vector<32xbf16> -> vector<16xf32>
        %unpack3A_1264 = tpu.unpack_subelements %get3A_1262, 1 {pack_format = #tpu.pack_format<interleaved>} : vector<32xbf16> -> vector<16xf32>
        %mul3A_1265 = arith.mulf %unpack3A_1258, %broadcast_in_dim3A_1251 : vector<16xf32>
        %add3A_1266 = arith.addf %add3A_1242, %mul3A_1265 : vector<16xf32>
        %mul3A_1267 = arith.mulf %unpack3A_1263, %broadcast_in_dim3A_1254 : vector<16xf32>
        %add3A_1268 = arith.addf %add3A_1266, %mul3A_1267 : vector<16xf32>
        %mul3A_1269 = arith.mulf %unpack3A_1259, %broadcast_in_dim3A_1251 : vector<16xf32>
        %add3A_1270 = arith.addf %add3A_1246, %mul3A_1269 : vector<16xf32>
        %mul3A_1271 = arith.mulf %unpack3A_1264, %broadcast_in_dim3A_1254 : vector<16xf32>
        %add3A_1272 = arith.addf %add3A_1270, %mul3A_1271 : vector<16xf32>
        %add3A_1273 = arith.constant 2 : i32
        %add3A_1274 = arith.addi %add3A_1220, %add3A_1273 : i32
        %slice3A_1275 = vector.extract_strided_slice %get3A_1206 {offsets = [2], sizes = [1], strides = [1]} : vector<16xf32> to vector<1xf32>
        %squeeze3A_1276 = vector.extract %slice3A_1275[0] : f32 from vector<1xf32>
        %broadcast_in_dim3A_1277 = vector.broadcast %squeeze3A_1276 : f32 to vector<16xf32>
        %slice3A_1278 = vector.extract_strided_slice %get3A_1213 {offsets = [2], sizes = [1], strides = [1]} : vector<16xf32> to vector<1xf32>
        %squeeze3A_1279 = vector.extract %slice3A_1278[0] : f32 from vector<1xf32>
        %broadcast_in_dim3A_1280 = vector.broadcast %squeeze3A_1279 : f32 to vector<16xf32>
        %get3A_1281 = arith.index_cast %add3A_1274 : i32 to index
        %get3A_1282 = arith.constant 0 : index
        %get3A_1283 = tpu.vector_load %arg14[%get3A_1281, %get3A_1282] {strides = array<i32>} : memref<1280x64xbf16, #tpu.memory_space<vmem>>, vector<32xbf16>,
        %unpack3A_1284 = tpu.unpack_subelements %get3A_1283, 0 {pack_format = #tpu.pack_format<interleaved>} : vector<32xbf16> -> vector<16xf32>
        %unpack3A_1285 = tpu.unpack_subelements %get3A_1283, 1 {pack_format = #tpu.pack_format<interleaved>} : vector<32xbf16> -> vector<16xf32>
        %get3A_1286 = arith.index_cast %add3A_1274 : i32 to index
        %get3A_1287 = arith.constant 32 : index
        %get3A_1288 = tpu.vector_load %arg14[%get3A_1286, %get3A_1287] {strides = array<i32>} : memref<1280x64xbf16, #tpu.memory_space<vmem>>, vector<32xbf16>,
        %unpack3A_1289 = tpu.unpack_subelements %get3A_1288, 0 {pack_format = #tpu.pack_format<interleaved>} : vector<32xbf16> -> vector<16xf32>
        %unpack3A_1290 = tpu.unpack_subelements %get3A_1288, 1 {pack_format = #tpu.pack_format<interleaved>} : vector<32xbf16> -> vector<16xf32>
        %mul3A_1291 = arith.mulf %unpack3A_1284, %broadcast_in_dim3A_1277 : vector<16xf32>
        %add3A_1292 = arith.addf %add3A_1268, %mul3A_1291 : vector<16xf32>
        %mul3A_1293 = arith.mulf %unpack3A_1289, %broadcast_in_dim3A_1280 : vector<16xf32>
        %add3A_1294 = arith.addf %add3A_1292, %mul3A_1293 : vector<16xf32>
        %mul3A_1295 = arith.mulf %unpack3A_1285, %broadcast_in_dim3A_1277 : vector<16xf32>
        %add3A_1296 = arith.addf %add3A_1272, %mul3A_1295 : vector<16xf32>
        %mul3A_1297 = arith.mulf %unpack3A_1290, %broadcast_in_dim3A_1280 : vector<16xf32>
        %add3A_1298 = arith.addf %add3A_1296, %mul3A_1297 : vector<16xf32>
        %add3A_1299 = arith.constant 3 : i32
        %add3A_1300 = arith.addi %add3A_1220, %add3A_1299 : i32
        %slice3A_1301 = vector.extract_strided_slice %get3A_1206 {offsets = [3], sizes = [1], strides = [1]} : vector<16xf32> to vector<1xf32>
        %squeeze3A_1302 = vector.extract %slice3A_1301[0] : f32 from vector<1xf32>
        %broadcast_in_dim3A_1303 = vector.broadcast %squeeze3A_1302 : f32 to vector<16xf32>
        %slice3A_1304 = vector.extract_strided_slice %get3A_1213 {offsets = [3], sizes = [1], strides = [1]} : vector<16xf32> to vector<1xf32>
        %squeeze3A_1305 = vector.extract %slice3A_1304[0] : f32 from vector<1xf32>
        %broadcast_in_dim3A_1306 = vector.broadcast %squeeze3A_1305 : f32 to vector<16xf32>
        %get3A_1307 = arith.index_cast %add3A_1300 : i32 to index
        %get3A_1308 = arith.constant 0 : index
        %get3A_1309 = tpu.vector_load %arg14[%get3A_1307, %get3A_1308] {strides = array<i32>} : memref<1280x64xbf16, #tpu.memory_space<vmem>>, vector<32xbf16>,
        %unpack3A_1310 = tpu.unpack_subelements %get3A_1309, 0 {pack_format = #tpu.pack_format<interleaved>} : vector<32xbf16> -> vector<16xf32>
        %unpack3A_1311 = tpu.unpack_subelements %get3A_1309, 1 {pack_format = #tpu.pack_format<interleaved>} : vector<32xbf16> -> vector<16xf32>
        %get3A_1312 = arith.index_cast %add3A_1300 : i32 to index
        %get3A_1313 = arith.constant 32 : index
        %get3A_1314 = tpu.vector_load %arg14[%get3A_1312, %get3A_1313] {strides = array<i32>} : memref<1280x64xbf16, #tpu.memory_space<vmem>>, vector<32xbf16>,
        %unpack3A_1315 = tpu.unpack_subelements %get3A_1314, 0 {pack_format = #tpu.pack_format<interleaved>} : vector<32xbf16> -> vector<16xf32>
        %unpack3A_1316 = tpu.unpack_subelements %get3A_1314, 1 {pack_format = #tpu.pack_format<interleaved>} : vector<32xbf16> -> vector<16xf32>
        %mul3A_1317 = arith.mulf %unpack3A_1310, %broadcast_in_dim3A_1303 : vector<16xf32>
        %add3A_1318 = arith.addf %add3A_1294, %mul3A_1317 : vector<16xf32>
        %mul3A_1319 = arith.mulf %unpack3A_1315, %broadcast_in_dim3A_1306 : vector<16xf32>
        %add3A_1320 = arith.addf %add3A_1318, %mul3A_1319 : vector<16xf32>
        %mul3A_1321 = arith.mulf %unpack3A_1311, %broadcast_in_dim3A_1303 : vector<16xf32>
        %add3A_1322 = arith.addf %add3A_1298, %mul3A_1321 : vector<16xf32>
        %mul3A_1323 = arith.mulf %unpack3A_1316, %broadcast_in_dim3A_1306 : vector<16xf32>
        %add3A_1324 = arith.addf %add3A_1322, %mul3A_1323 : vector<16xf32>
        %add3A_1325 = arith.constant 4 : i32
        %add3A_1326 = arith.addi %add3A_1220, %add3A_1325 : i32
        %slice3A_1327 = vector.extract_strided_slice %get3A_1206 {offsets = [4], sizes = [1], strides = [1]} : vector<16xf32> to vector<1xf32>
        %squeeze3A_1328 = vector.extract %slice3A_1327[0] : f32 from vector<1xf32>
        %broadcast_in_dim3A_1329 = vector.broadcast %squeeze3A_1328 : f32 to vector<16xf32>
        %slice3A_1330 = vector.extract_strided_slice %get3A_1213 {offsets = [4], sizes = [1], strides = [1]} : vector<16xf32> to vector<1xf32>
        %squeeze3A_1331 = vector.extract %slice3A_1330[0] : f32 from vector<1xf32>
        %broadcast_in_dim3A_1332 = vector.broadcast %squeeze3A_1331 : f32 to vector<16xf32>
        %get3A_1333 = arith.index_cast %add3A_1326 : i32 to index
        %get3A_1334 = arith.constant 0 : index
        %get3A_1335 = tpu.vector_load %arg14[%get3A_1333, %get3A_1334] {strides = array<i32>} : memref<1280x64xbf16, #tpu.memory_space<vmem>>, vector<32xbf16>,
        %unpack3A_1336 = tpu.unpack_subelements %get3A_1335, 0 {pack_format = #tpu.pack_format<interleaved>} : vector<32xbf16> -> vector<16xf32>
        %unpack3A_1337 = tpu.unpack_subelements %get3A_1335, 1 {pack_format = #tpu.pack_format<interleaved>} : vector<32xbf16> -> vector<16xf32>
        %get3A_1338 = arith.index_cast %add3A_1326 : i32 to index
        %get3A_1339 = arith.constant 32 : index
        %get3A_1340 = tpu.vector_load %arg14[%get3A_1338, %get3A_1339] {strides = array<i32>} : memref<1280x64xbf16, #tpu.memory_space<vmem>>, vector<32xbf16>,
        %unpack3A_1341 = tpu.unpack_subelements %get3A_1340, 0 {pack_format = #tpu.pack_format<interleaved>} : vector<32xbf16> -> vector<16xf32>
        %unpack3A_1342 = tpu.unpack_subelements %get3A_1340, 1 {pack_format = #tpu.pack_format<interleaved>} : vector<32xbf16> -> vector<16xf32>
        %mul3A_1343 = arith.mulf %unpack3A_1336, %broadcast_in_dim3A_1329 : vector<16xf32>
        %add3A_1344 = arith.addf %add3A_1320, %mul3A_1343 : vector<16xf32>
        %mul3A_1345 = arith.mulf %unpack3A_1341, %broadcast_in_dim3A_1332 : vector<16xf32>
        %add3A_1346 = arith.addf %add3A_1344, %mul3A_1345 : vector<16xf32>
        %mul3A_1347 = arith.mulf %unpack3A_1337, %broadcast_in_dim3A_1329 : vector<16xf32>
        %add3A_1348 = arith.addf %add3A_1324, %mul3A_1347 : vector<16xf32>
        %mul3A_1349 = arith.mulf %unpack3A_1342, %broadcast_in_dim3A_1332 : vector<16xf32>
        %add3A_1350 = arith.addf %add3A_1348, %mul3A_1349 : vector<16xf32>
        %add3A_1351 = arith.constant 5 : i32
        %add3A_1352 = arith.addi %add3A_1220, %add3A_1351 : i32
        %slice3A_1353 = vector.extract_strided_slice %get3A_1206 {offsets = [5], sizes = [1], strides = [1]} : vector<16xf32> to vector<1xf32>
        %squeeze3A_1354 = vector.extract %slice3A_1353[0] : f32 from vector<1xf32>
        %broadcast_in_dim3A_1355 = vector.broadcast %squeeze3A_1354 : f32 to vector<16xf32>
        %slice3A_1356 = vector.extract_strided_slice %get3A_1213 {offsets = [5], sizes = [1], strides = [1]} : vector<16xf32> to vector<1xf32>
        %squeeze3A_1357 = vector.extract %slice3A_1356[0] : f32 from vector<1xf32>
        %broadcast_in_dim3A_1358 = vector.broadcast %squeeze3A_1357 : f32 to vector<16xf32>
        %get3A_1359 = arith.index_cast %add3A_1352 : i32 to index
        %get3A_1360 = arith.constant 0 : index
        %get3A_1361 = tpu.vector_load %arg14[%get3A_1359, %get3A_1360] {strides = array<i32>} : memref<1280x64xbf16, #tpu.memory_space<vmem>>, vector<32xbf16>,
        %unpack3A_1362 = tpu.unpack_subelements %get3A_1361, 0 {pack_format = #tpu.pack_format<interleaved>} : vector<32xbf16> -> vector<16xf32>
        %unpack3A_1363 = tpu.unpack_subelements %get3A_1361, 1 {pack_format = #tpu.pack_format<interleaved>} : vector<32xbf16> -> vector<16xf32>
        %get3A_1364 = arith.index_cast %add3A_1352 : i32 to index
        %get3A_1365 = arith.constant 32 : index
        %get3A_1366 = tpu.vector_load %arg14[%get3A_1364, %get3A_1365] {strides = array<i32>} : memref<1280x64xbf16, #tpu.memory_space<vmem>>, vector<32xbf16>,
        %unpack3A_1367 = tpu.unpack_subelements %get3A_1366, 0 {pack_format = #tpu.pack_format<interleaved>} : vector<32xbf16> -> vector<16xf32>
        %unpack3A_1368 = tpu.unpack_subelements %get3A_1366, 1 {pack_format = #tpu.pack_format<interleaved>} : vector<32xbf16> -> vector<16xf32>
        %mul3A_1369 = arith.mulf %unpack3A_1362, %broadcast_in_dim3A_1355 : vector<16xf32>
        %add3A_1370 = arith.addf %add3A_1346, %mul3A_1369 : vector<16xf32>
        %mul3A_1371 = arith.mulf %unpack3A_1367, %broadcast_in_dim3A_1358 : vector<16xf32>
        %add3A_1372 = arith.addf %add3A_1370, %mul3A_1371 : vector<16xf32>
        %mul3A_1373 = arith.mulf %unpack3A_1363, %broadcast_in_dim3A_1355 : vector<16xf32>
        %add3A_1374 = arith.addf %add3A_1350, %mul3A_1373 : vector<16xf32>
        %mul3A_1375 = arith.mulf %unpack3A_1368, %broadcast_in_dim3A_1358 : vector<16xf32>
        %add3A_1376 = arith.addf %add3A_1374, %mul3A_1375 : vector<16xf32>
        %add3A_1377 = arith.constant 6 : i32
        %add3A_1378 = arith.addi %add3A_1220, %add3A_1377 : i32
        %slice3A_1379 = vector.extract_strided_slice %get3A_1206 {offsets = [6], sizes = [1], strides = [1]} : vector<16xf32> to vector<1xf32>
        %squeeze3A_1380 = vector.extract %slice3A_1379[0] : f32 from vector<1xf32>
        %broadcast_in_dim3A_1381 = vector.broadcast %squeeze3A_1380 : f32 to vector<16xf32>
        %slice3A_1382 = vector.extract_strided_slice %get3A_1213 {offsets = [6], sizes = [1], strides = [1]} : vector<16xf32> to vector<1xf32>
        %squeeze3A_1383 = vector.extract %slice3A_1382[0] : f32 from vector<1xf32>
        %broadcast_in_dim3A_1384 = vector.broadcast %squeeze3A_1383 : f32 to vector<16xf32>
        %get3A_1385 = arith.index_cast %add3A_1378 : i32 to index
        %get3A_1386 = arith.constant 0 : index
        %get3A_1387 = tpu.vector_load %arg14[%get3A_1385, %get3A_1386] {strides = array<i32>} : memref<1280x64xbf16, #tpu.memory_space<vmem>>, vector<32xbf16>,
        %unpack3A_1388 = tpu.unpack_subelements %get3A_1387, 0 {pack_format = #tpu.pack_format<interleaved>} : vector<32xbf16> -> vector<16xf32>
        %unpack3A_1389 = tpu.unpack_subelements %get3A_1387, 1 {pack_format = #tpu.pack_format<interleaved>} : vector<32xbf16> -> vector<16xf32>
        %get3A_1390 = arith.index_cast %add3A_1378 : i32 to index
        %get3A_1391 = arith.constant 32 : index
        %get3A_1392 = tpu.vector_load %arg14[%get3A_1390, %get3A_1391] {strides = array<i32>} : memref<1280x64xbf16, #tpu.memory_space<vmem>>, vector<32xbf16>,
        %unpack3A_1393 = tpu.unpack_subelements %get3A_1392, 0 {pack_format = #tpu.pack_format<interleaved>} : vector<32xbf16> -> vector<16xf32>
        %unpack3A_1394 = tpu.unpack_subelements %get3A_1392, 1 {pack_format = #tpu.pack_format<interleaved>} : vector<32xbf16> -> vector<16xf32>
        %mul3A_1395 = arith.mulf %unpack3A_1388, %broadcast_in_dim3A_1381 : vector<16xf32>
        %add3A_1396 = arith.addf %add3A_1372, %mul3A_1395 : vector<16xf32>
        %mul3A_1397 = arith.mulf %unpack3A_1393, %broadcast_in_dim3A_1384 : vector<16xf32>
        %add3A_1398 = arith.addf %add3A_1396, %mul3A_1397 : vector<16xf32>
        %mul3A_1399 = arith.mulf %unpack3A_1389, %broadcast_in_dim3A_1381 : vector<16xf32>
        %add3A_1400 = arith.addf %add3A_1376, %mul3A_1399 : vector<16xf32>
        %mul3A_1401 = arith.mulf %unpack3A_1394, %broadcast_in_dim3A_1384 : vector<16xf32>
        %add3A_1402 = arith.addf %add3A_1400, %mul3A_1401 : vector<16xf32>
        %add3A_1403 = arith.constant 7 : i32
        %add3A_1404 = arith.addi %add3A_1220, %add3A_1403 : i32
        %slice3A_1405 = vector.extract_strided_slice %get3A_1206 {offsets = [7], sizes = [1], strides = [1]} : vector<16xf32> to vector<1xf32>
        %squeeze3A_1406 = vector.extract %slice3A_1405[0] : f32 from vector<1xf32>
        %broadcast_in_dim3A_1407 = vector.broadcast %squeeze3A_1406 : f32 to vector<16xf32>
        %slice3A_1408 = vector.extract_strided_slice %get3A_1213 {offsets = [7], sizes = [1], strides = [1]} : vector<16xf32> to vector<1xf32>
        %squeeze3A_1409 = vector.extract %slice3A_1408[0] : f32 from vector<1xf32>
        %broadcast_in_dim3A_1410 = vector.broadcast %squeeze3A_1409 : f32 to vector<16xf32>
        %get3A_1411 = arith.index_cast %add3A_1404 : i32 to index
        %get3A_1412 = arith.constant 0 : index
        %get3A_1413 = tpu.vector_load %arg14[%get3A_1411, %get3A_1412] {strides = array<i32>} : memref<1280x64xbf16, #tpu.memory_space<vmem>>, vector<32xbf16>,
        %unpack3A_1414 = tpu.unpack_subelements %get3A_1413, 0 {pack_format = #tpu.pack_format<interleaved>} : vector<32xbf16> -> vector<16xf32>
        %unpack3A_1415 = tpu.unpack_subelements %get3A_1413, 1 {pack_format = #tpu.pack_format<interleaved>} : vector<32xbf16> -> vector<16xf32>
        %get3A_1416 = arith.index_cast %add3A_1404 : i32 to index
        %get3A_1417 = arith.constant 32 : index
        %get3A_1418 = tpu.vector_load %arg14[%get3A_1416, %get3A_1417] {strides = array<i32>} : memref<1280x64xbf16, #tpu.memory_space<vmem>>, vector<32xbf16>,
        %unpack3A_1419 = tpu.unpack_subelements %get3A_1418, 0 {pack_format = #tpu.pack_format<interleaved>} : vector<32xbf16> -> vector<16xf32>
        %unpack3A_1420 = tpu.unpack_subelements %get3A_1418, 1 {pack_format = #tpu.pack_format<interleaved>} : vector<32xbf16> -> vector<16xf32>
        %mul3A_1421 = arith.mulf %unpack3A_1414, %broadcast_in_dim3A_1407 : vector<16xf32>
        %add3A_1422 = arith.addf %add3A_1398, %mul3A_1421 : vector<16xf32>
        %mul3A_1423 = arith.mulf %unpack3A_1419, %broadcast_in_dim3A_1410 : vector<16xf32>
        %add3A_1424 = arith.addf %add3A_1422, %mul3A_1423 : vector<16xf32>
        %mul3A_1425 = arith.mulf %unpack3A_1415, %broadcast_in_dim3A_1407 : vector<16xf32>
        %add3A_1426 = arith.addf %add3A_1402, %mul3A_1425 : vector<16xf32>
        %mul3A_1427 = arith.mulf %unpack3A_1420, %broadcast_in_dim3A_1410 : vector<16xf32>
        %add3A_1428 = arith.addf %add3A_1426, %mul3A_1427 : vector<16xf32>
        %add3A_1429 = arith.constant 8 : i32
        %add3A_1430 = arith.addi %add3A_1220, %add3A_1429 : i32
        %slice3A_1431 = vector.extract_strided_slice %get3A_1206 {offsets = [8], sizes = [1], strides = [1]} : vector<16xf32> to vector<1xf32>
        %squeeze3A_1432 = vector.extract %slice3A_1431[0] : f32 from vector<1xf32>
        %broadcast_in_dim3A_1433 = vector.broadcast %squeeze3A_1432 : f32 to vector<16xf32>
        %slice3A_1434 = vector.extract_strided_slice %get3A_1213 {offsets = [8], sizes = [1], strides = [1]} : vector<16xf32> to vector<1xf32>
        %squeeze3A_1435 = vector.extract %slice3A_1434[0] : f32 from vector<1xf32>
        %broadcast_in_dim3A_1436 = vector.broadcast %squeeze3A_1435 : f32 to vector<16xf32>
        %get3A_1437 = arith.index_cast %add3A_1430 : i32 to index
        %get3A_1438 = arith.constant 0 : index
        %get3A_1439 = tpu.vector_load %arg14[%get3A_1437, %get3A_1438] {strides = array<i32>} : memref<1280x64xbf16, #tpu.memory_space<vmem>>, vector<32xbf16>,
        %unpack3A_1440 = tpu.unpack_subelements %get3A_1439, 0 {pack_format = #tpu.pack_format<interleaved>} : vector<32xbf16> -> vector<16xf32>
        %unpack3A_1441 = tpu.unpack_subelements %get3A_1439, 1 {pack_format = #tpu.pack_format<interleaved>} : vector<32xbf16> -> vector<16xf32>
        %get3A_1442 = arith.index_cast %add3A_1430 : i32 to index
        %get3A_1443 = arith.constant 32 : index
        %get3A_1444 = tpu.vector_load %arg14[%get3A_1442, %get3A_1443] {strides = array<i32>} : memref<1280x64xbf16, #tpu.memory_space<vmem>>, vector<32xbf16>,
        %unpack3A_1445 = tpu.unpack_subelements %get3A_1444, 0 {pack_format = #tpu.pack_format<interleaved>} : vector<32xbf16> -> vector<16xf32>
        %unpack3A_1446 = tpu.unpack_subelements %get3A_1444, 1 {pack_format = #tpu.pack_format<interleaved>} : vector<32xbf16> -> vector<16xf32>
        %mul3A_1447 = arith.mulf %unpack3A_1440, %broadcast_in_dim3A_1433 : vector<16xf32>
        %add3A_1448 = arith.addf %add3A_1424, %mul3A_1447 : vector<16xf32>
        %mul3A_1449 = arith.mulf %unpack3A_1445, %broadcast_in_dim3A_1436 : vector<16xf32>
        %add3A_1450 = arith.addf %add3A_1448, %mul3A_1449 : vector<16xf32>
        %mul3A_1451 = arith.mulf %unpack3A_1441, %broadcast_in_dim3A_1433 : vector<16xf32>
        %add3A_1452 = arith.addf %add3A_1428, %mul3A_1451 : vector<16xf32>
        %mul3A_1453 = arith.mulf %unpack3A_1446, %broadcast_in_dim3A_1436 : vector<16xf32>
        %add3A_1454 = arith.addf %add3A_1452, %mul3A_1453 : vector<16xf32>
        %add3A_1455 = arith.constant 9 : i32
        %add3A_1456 = arith.addi %add3A_1220, %add3A_1455 : i32
        %slice3A_1457 = vector.extract_strided_slice %get3A_1206 {offsets = [9], sizes = [1], strides = [1]} : vector<16xf32> to vector<1xf32>
        %squeeze3A_1458 = vector.extract %slice3A_1457[0] : f32 from vector<1xf32>
        %broadcast_in_dim3A_1459 = vector.broadcast %squeeze3A_1458 : f32 to vector<16xf32>
        %slice3A_1460 = vector.extract_strided_slice %get3A_1213 {offsets = [9], sizes = [1], strides = [1]} : vector<16xf32> to vector<1xf32>
        %squeeze3A_1461 = vector.extract %slice3A_1460[0] : f32 from vector<1xf32>
        %broadcast_in_dim3A_1462 = vector.broadcast %squeeze3A_1461 : f32 to vector<16xf32>
        %get3A_1463 = arith.index_cast %add3A_1456 : i32 to index
        %get3A_1464 = arith.constant 0 : index
        %get3A_1465 = tpu.vector_load %arg14[%get3A_1463, %get3A_1464] {strides = array<i32>} : memref<1280x64xbf16, #tpu.memory_space<vmem>>, vector<32xbf16>,
        %unpack3A_1466 = tpu.unpack_subelements %get3A_1465, 0 {pack_format = #tpu.pack_format<interleaved>} : vector<32xbf16> -> vector<16xf32>
        %unpack3A_1467 = tpu.unpack_subelements %get3A_1465, 1 {pack_format = #tpu.pack_format<interleaved>} : vector<32xbf16> -> vector<16xf32>
        %get3A_1468 = arith.index_cast %add3A_1456 : i32 to index
        %get3A_1469 = arith.constant 32 : index
        %get3A_1470 = tpu.vector_load %arg14[%get3A_1468, %get3A_1469] {strides = array<i32>} : memref<1280x64xbf16, #tpu.memory_space<vmem>>, vector<32xbf16>,
        %unpack3A_1471 = tpu.unpack_subelements %get3A_1470, 0 {pack_format = #tpu.pack_format<interleaved>} : vector<32xbf16> -> vector<16xf32>
        %unpack3A_1472 = tpu.unpack_subelements %get3A_1470, 1 {pack_format = #tpu.pack_format<interleaved>} : vector<32xbf16> -> vector<16xf32>
        %mul3A_1473 = arith.mulf %unpack3A_1466, %broadcast_in_dim3A_1459 : vector<16xf32>
        %add3A_1474 = arith.addf %add3A_1450, %mul3A_1473 : vector<16xf32>
        %mul3A_1475 = arith.mulf %unpack3A_1471, %broadcast_in_dim3A_1462 : vector<16xf32>
        %add3A_1476 = arith.addf %add3A_1474, %mul3A_1475 : vector<16xf32>
        %mul3A_1477 = arith.mulf %unpack3A_1467, %broadcast_in_dim3A_1459 : vector<16xf32>
        %add3A_1478 = arith.addf %add3A_1454, %mul3A_1477 : vector<16xf32>
        %mul3A_1479 = arith.mulf %unpack3A_1472, %broadcast_in_dim3A_1462 : vector<16xf32>
        %add3A_1480 = arith.addf %add3A_1478, %mul3A_1479 : vector<16xf32>
        %add3A_1481 = arith.constant 10 : i32
        %add3A_1482 = arith.addi %add3A_1220, %add3A_1481 : i32
        %slice3A_1483 = vector.extract_strided_slice %get3A_1206 {offsets = [10], sizes = [1], strides = [1]} : vector<16xf32> to vector<1xf32>
        %squeeze3A_1484 = vector.extract %slice3A_1483[0] : f32 from vector<1xf32>
        %broadcast_in_dim3A_1485 = vector.broadcast %squeeze3A_1484 : f32 to vector<16xf32>
        %slice3A_1486 = vector.extract_strided_slice %get3A_1213 {offsets = [10], sizes = [1], strides = [1]} : vector<16xf32> to vector<1xf32>
        %squeeze3A_1487 = vector.extract %slice3A_1486[0] : f32 from vector<1xf32>
        %broadcast_in_dim3A_1488 = vector.broadcast %squeeze3A_1487 : f32 to vector<16xf32>
        %get3A_1489 = arith.index_cast %add3A_1482 : i32 to index
        %get3A_1490 = arith.constant 0 : index
        %get3A_1491 = tpu.vector_load %arg14[%get3A_1489, %get3A_1490] {strides = array<i32>} : memref<1280x64xbf16, #tpu.memory_space<vmem>>, vector<32xbf16>,
        %unpack3A_1492 = tpu.unpack_subelements %get3A_1491, 0 {pack_format = #tpu.pack_format<interleaved>} : vector<32xbf16> -> vector<16xf32>
        %unpack3A_1493 = tpu.unpack_subelements %get3A_1491, 1 {pack_format = #tpu.pack_format<interleaved>} : vector<32xbf16> -> vector<16xf32>
        %get3A_1494 = arith.index_cast %add3A_1482 : i32 to index
        %get3A_1495 = arith.constant 32 : index
        %get3A_1496 = tpu.vector_load %arg14[%get3A_1494, %get3A_1495] {strides = array<i32>} : memref<1280x64xbf16, #tpu.memory_space<vmem>>, vector<32xbf16>,
        %unpack3A_1497 = tpu.unpack_subelements %get3A_1496, 0 {pack_format = #tpu.pack_format<interleaved>} : vector<32xbf16> -> vector<16xf32>
        %unpack3A_1498 = tpu.unpack_subelements %get3A_1496, 1 {pack_format = #tpu.pack_format<interleaved>} : vector<32xbf16> -> vector<16xf32>
        %mul3A_1499 = arith.mulf %unpack3A_1492, %broadcast_in_dim3A_1485 : vector<16xf32>
        %add3A_1500 = arith.addf %add3A_1476, %mul3A_1499 : vector<16xf32>
        %mul3A_1501 = arith.mulf %unpack3A_1497, %broadcast_in_dim3A_1488 : vector<16xf32>
        %add3A_1502 = arith.addf %add3A_1500, %mul3A_1501 : vector<16xf32>
        %mul3A_1503 = arith.mulf %unpack3A_1493, %broadcast_in_dim3A_1485 : vector<16xf32>
        %add3A_1504 = arith.addf %add3A_1480, %mul3A_1503 : vector<16xf32>
        %mul3A_1505 = arith.mulf %unpack3A_1498, %broadcast_in_dim3A_1488 : vector<16xf32>
        %add3A_1506 = arith.addf %add3A_1504, %mul3A_1505 : vector<16xf32>
        %add3A_1507 = arith.constant 11 : i32
        %add3A_1508 = arith.addi %add3A_1220, %add3A_1507 : i32
        %slice3A_1509 = vector.extract_strided_slice %get3A_1206 {offsets = [11], sizes = [1], strides = [1]} : vector<16xf32> to vector<1xf32>
        %squeeze3A_1510 = vector.extract %slice3A_1509[0] : f32 from vector<1xf32>
        %broadcast_in_dim3A_1511 = vector.broadcast %squeeze3A_1510 : f32 to vector<16xf32>
        %slice3A_1512 = vector.extract_strided_slice %get3A_1213 {offsets = [11], sizes = [1], strides = [1]} : vector<16xf32> to vector<1xf32>
        %squeeze3A_1513 = vector.extract %slice3A_1512[0] : f32 from vector<1xf32>
        %broadcast_in_dim3A_1514 = vector.broadcast %squeeze3A_1513 : f32 to vector<16xf32>
        %get3A_1515 = arith.index_cast %add3A_1508 : i32 to index
        %get3A_1516 = arith.constant 0 : index
        %get3A_1517 = tpu.vector_load %arg14[%get3A_1515, %get3A_1516] {strides = array<i32>} : memref<1280x64xbf16, #tpu.memory_space<vmem>>, vector<32xbf16>,
        %unpack3A_1518 = tpu.unpack_subelements %get3A_1517, 0 {pack_format = #tpu.pack_format<interleaved>} : vector<32xbf16> -> vector<16xf32>
        %unpack3A_1519 = tpu.unpack_subelements %get3A_1517, 1 {pack_format = #tpu.pack_format<interleaved>} : vector<32xbf16> -> vector<16xf32>
        %get3A_1520 = arith.index_cast %add3A_1508 : i32 to index
        %get3A_1521 = arith.constant 32 : index
        %get3A_1522 = tpu.vector_load %arg14[%get3A_1520, %get3A_1521] {strides = array<i32>} : memref<1280x64xbf16, #tpu.memory_space<vmem>>, vector<32xbf16>,
        %unpack3A_1523 = tpu.unpack_subelements %get3A_1522, 0 {pack_format = #tpu.pack_format<interleaved>} : vector<32xbf16> -> vector<16xf32>
        %unpack3A_1524 = tpu.unpack_subelements %get3A_1522, 1 {pack_format = #tpu.pack_format<interleaved>} : vector<32xbf16> -> vector<16xf32>
        %mul3A_1525 = arith.mulf %unpack3A_1518, %broadcast_in_dim3A_1511 : vector<16xf32>
        %add3A_1526 = arith.addf %add3A_1502, %mul3A_1525 : vector<16xf32>
        %mul3A_1527 = arith.mulf %unpack3A_1523, %broadcast_in_dim3A_1514 : vector<16xf32>
        %add3A_1528 = arith.addf %add3A_1526, %mul3A_1527 : vector<16xf32>
        %mul3A_1529 = arith.mulf %unpack3A_1519, %broadcast_in_dim3A_1511 : vector<16xf32>
        %add3A_1530 = arith.addf %add3A_1506, %mul3A_1529 : vector<16xf32>
        %mul3A_1531 = arith.mulf %unpack3A_1524, %broadcast_in_dim3A_1514 : vector<16xf32>
        %add3A_1532 = arith.addf %add3A_1530, %mul3A_1531 : vector<16xf32>
        %add3A_1533 = arith.constant 12 : i32
        %add3A_1534 = arith.addi %add3A_1220, %add3A_1533 : i32
        %slice3A_1535 = vector.extract_strided_slice %get3A_1206 {offsets = [12], sizes = [1], strides = [1]} : vector<16xf32> to vector<1xf32>
        %squeeze3A_1536 = vector.extract %slice3A_1535[0] : f32 from vector<1xf32>
        %broadcast_in_dim3A_1537 = vector.broadcast %squeeze3A_1536 : f32 to vector<16xf32>
        %slice3A_1538 = vector.extract_strided_slice %get3A_1213 {offsets = [12], sizes = [1], strides = [1]} : vector<16xf32> to vector<1xf32>
        %squeeze3A_1539 = vector.extract %slice3A_1538[0] : f32 from vector<1xf32>
        %broadcast_in_dim3A_1540 = vector.broadcast %squeeze3A_1539 : f32 to vector<16xf32>
        %get3A_1541 = arith.index_cast %add3A_1534 : i32 to index
        %get3A_1542 = arith.constant 0 : index
        %get3A_1543 = tpu.vector_load %arg14[%get3A_1541, %get3A_1542] {strides = array<i32>} : memref<1280x64xbf16, #tpu.memory_space<vmem>>, vector<32xbf16>,
        %unpack3A_1544 = tpu.unpack_subelements %get3A_1543, 0 {pack_format = #tpu.pack_format<interleaved>} : vector<32xbf16> -> vector<16xf32>
        %unpack3A_1545 = tpu.unpack_subelements %get3A_1543, 1 {pack_format = #tpu.pack_format<interleaved>} : vector<32xbf16> -> vector<16xf32>
        %get3A_1546 = arith.index_cast %add3A_1534 : i32 to index
        %get3A_1547 = arith.constant 32 : index
        %get3A_1548 = tpu.vector_load %arg14[%get3A_1546, %get3A_1547] {strides = array<i32>} : memref<1280x64xbf16, #tpu.memory_space<vmem>>, vector<32xbf16>,
        %unpack3A_1549 = tpu.unpack_subelements %get3A_1548, 0 {pack_format = #tpu.pack_format<interleaved>} : vector<32xbf16> -> vector<16xf32>
        %unpack3A_1550 = tpu.unpack_subelements %get3A_1548, 1 {pack_format = #tpu.pack_format<interleaved>} : vector<32xbf16> -> vector<16xf32>
        %mul3A_1551 = arith.mulf %unpack3A_1544, %broadcast_in_dim3A_1537 : vector<16xf32>
        %add3A_1552 = arith.addf %add3A_1528, %mul3A_1551 : vector<16xf32>
        %mul3A_1553 = arith.mulf %unpack3A_1549, %broadcast_in_dim3A_1540 : vector<16xf32>
        %add3A_1554 = arith.addf %add3A_1552, %mul3A_1553 : vector<16xf32>
        %mul3A_1555 = arith.mulf %unpack3A_1545, %broadcast_in_dim3A_1537 : vector<16xf32>
        %add3A_1556 = arith.addf %add3A_1532, %mul3A_1555 : vector<16xf32>
        %mul3A_1557 = arith.mulf %unpack3A_1550, %broadcast_in_dim3A_1540 : vector<16xf32>
        %add3A_1558 = arith.addf %add3A_1556, %mul3A_1557 : vector<16xf32>
        %add3A_1559 = arith.constant 13 : i32
        %add3A_1560 = arith.addi %add3A_1220, %add3A_1559 : i32
        %slice3A_1561 = vector.extract_strided_slice %get3A_1206 {offsets = [13], sizes = [1], strides = [1]} : vector<16xf32> to vector<1xf32>
        %squeeze3A_1562 = vector.extract %slice3A_1561[0] : f32 from vector<1xf32>
        %broadcast_in_dim3A_1563 = vector.broadcast %squeeze3A_1562 : f32 to vector<16xf32>
        %slice3A_1564 = vector.extract_strided_slice %get3A_1213 {offsets = [13], sizes = [1], strides = [1]} : vector<16xf32> to vector<1xf32>
        %squeeze3A_1565 = vector.extract %slice3A_1564[0] : f32 from vector<1xf32>
        %broadcast_in_dim3A_1566 = vector.broadcast %squeeze3A_1565 : f32 to vector<16xf32>
        %get3A_1567 = arith.index_cast %add3A_1560 : i32 to index
        %get3A_1568 = arith.constant 0 : index
        %get3A_1569 = tpu.vector_load %arg14[%get3A_1567, %get3A_1568] {strides = array<i32>} : memref<1280x64xbf16, #tpu.memory_space<vmem>>, vector<32xbf16>,
        %unpack3A_1570 = tpu.unpack_subelements %get3A_1569, 0 {pack_format = #tpu.pack_format<interleaved>} : vector<32xbf16> -> vector<16xf32>
        %unpack3A_1571 = tpu.unpack_subelements %get3A_1569, 1 {pack_format = #tpu.pack_format<interleaved>} : vector<32xbf16> -> vector<16xf32>
        %get3A_1572 = arith.index_cast %add3A_1560 : i32 to index
        %get3A_1573 = arith.constant 32 : index
        %get3A_1574 = tpu.vector_load %arg14[%get3A_1572, %get3A_1573] {strides = array<i32>} : memref<1280x64xbf16, #tpu.memory_space<vmem>>, vector<32xbf16>,
        %unpack3A_1575 = tpu.unpack_subelements %get3A_1574, 0 {pack_format = #tpu.pack_format<interleaved>} : vector<32xbf16> -> vector<16xf32>
        %unpack3A_1576 = tpu.unpack_subelements %get3A_1574, 1 {pack_format = #tpu.pack_format<interleaved>} : vector<32xbf16> -> vector<16xf32>
        %mul3A_1577 = arith.mulf %unpack3A_1570, %broadcast_in_dim3A_1563 : vector<16xf32>
        %add3A_1578 = arith.addf %add3A_1554, %mul3A_1577 : vector<16xf32>
        %mul3A_1579 = arith.mulf %unpack3A_1575, %broadcast_in_dim3A_1566 : vector<16xf32>
        %add3A_1580 = arith.addf %add3A_1578, %mul3A_1579 : vector<16xf32>
        %mul3A_1581 = arith.mulf %unpack3A_1571, %broadcast_in_dim3A_1563 : vector<16xf32>
        %add3A_1582 = arith.addf %add3A_1558, %mul3A_1581 : vector<16xf32>
        %mul3A_1583 = arith.mulf %unpack3A_1576, %broadcast_in_dim3A_1566 : vector<16xf32>
        %add3A_1584 = arith.addf %add3A_1582, %mul3A_1583 : vector<16xf32>
        %add3A_1585 = arith.constant 14 : i32
        %add3A_1586 = arith.addi %add3A_1220, %add3A_1585 : i32
        %slice3A_1587 = vector.extract_strided_slice %get3A_1206 {offsets = [14], sizes = [1], strides = [1]} : vector<16xf32> to vector<1xf32>
        %squeeze3A_1588 = vector.extract %slice3A_1587[0] : f32 from vector<1xf32>
        %broadcast_in_dim3A_1589 = vector.broadcast %squeeze3A_1588 : f32 to vector<16xf32>
        %slice3A_1590 = vector.extract_strided_slice %get3A_1213 {offsets = [14], sizes = [1], strides = [1]} : vector<16xf32> to vector<1xf32>
        %squeeze3A_1591 = vector.extract %slice3A_1590[0] : f32 from vector<1xf32>
        %broadcast_in_dim3A_1592 = vector.broadcast %squeeze3A_1591 : f32 to vector<16xf32>
        %get3A_1593 = arith.index_cast %add3A_1586 : i32 to index
        %get3A_1594 = arith.constant 0 : index
        %get3A_1595 = tpu.vector_load %arg14[%get3A_1593, %get3A_1594] {strides = array<i32>} : memref<1280x64xbf16, #tpu.memory_space<vmem>>, vector<32xbf16>,
        %unpack3A_1596 = tpu.unpack_subelements %get3A_1595, 0 {pack_format = #tpu.pack_format<interleaved>} : vector<32xbf16> -> vector<16xf32>
        %unpack3A_1597 = tpu.unpack_subelements %get3A_1595, 1 {pack_format = #tpu.pack_format<interleaved>} : vector<32xbf16> -> vector<16xf32>
        %get3A_1598 = arith.index_cast %add3A_1586 : i32 to index
        %get3A_1599 = arith.constant 32 : index
        %get3A_1600 = tpu.vector_load %arg14[%get3A_1598, %get3A_1599] {strides = array<i32>} : memref<1280x64xbf16, #tpu.memory_space<vmem>>, vector<32xbf16>,
        %unpack3A_1601 = tpu.unpack_subelements %get3A_1600, 0 {pack_format = #tpu.pack_format<interleaved>} : vector<32xbf16> -> vector<16xf32>
        %unpack3A_1602 = tpu.unpack_subelements %get3A_1600, 1 {pack_format = #tpu.pack_format<interleaved>} : vector<32xbf16> -> vector<16xf32>
        %mul3A_1603 = arith.mulf %unpack3A_1596, %broadcast_in_dim3A_1589 : vector<16xf32>
        %add3A_1604 = arith.addf %add3A_1580, %mul3A_1603 : vector<16xf32>
        %mul3A_1605 = arith.mulf %unpack3A_1601, %broadcast_in_dim3A_1592 : vector<16xf32>
        %add3A_1606 = arith.addf %add3A_1604, %mul3A_1605 : vector<16xf32>
        %mul3A_1607 = arith.mulf %unpack3A_1597, %broadcast_in_dim3A_1589 : vector<16xf32>
        %add3A_1608 = arith.addf %add3A_1584, %mul3A_1607 : vector<16xf32>
        %mul3A_1609 = arith.mulf %unpack3A_1602, %broadcast_in_dim3A_1592 : vector<16xf32>
        %add3A_1610 = arith.addf %add3A_1608, %mul3A_1609 : vector<16xf32>
        %add3A_1611 = arith.constant 15 : i32
        %add3A_1612 = arith.addi %add3A_1220, %add3A_1611 : i32
        %slice3A_1613 = vector.extract_strided_slice %get3A_1206 {offsets = [15], sizes = [1], strides = [1]} : vector<16xf32> to vector<1xf32>
        %squeeze3A_1614 = vector.extract %slice3A_1613[0] : f32 from vector<1xf32>
        %broadcast_in_dim3A_1615 = vector.broadcast %squeeze3A_1614 : f32 to vector<16xf32>
        %slice3A_1616 = vector.extract_strided_slice %get3A_1213 {offsets = [15], sizes = [1], strides = [1]} : vector<16xf32> to vector<1xf32>
        %squeeze3A_1617 = vector.extract %slice3A_1616[0] : f32 from vector<1xf32>
        %broadcast_in_dim3A_1618 = vector.broadcast %squeeze3A_1617 : f32 to vector<16xf32>
        %get3A_1619 = arith.index_cast %add3A_1612 : i32 to index
        %get3A_1620 = arith.constant 0 : index
        %get3A_1621 = tpu.vector_load %arg14[%get3A_1619, %get3A_1620] {strides = array<i32>} : memref<1280x64xbf16, #tpu.memory_space<vmem>>, vector<32xbf16>,
        %unpack3A_1622 = tpu.unpack_subelements %get3A_1621, 0 {pack_format = #tpu.pack_format<interleaved>} : vector<32xbf16> -> vector<16xf32>
        %unpack3A_1623 = tpu.unpack_subelements %get3A_1621, 1 {pack_format = #tpu.pack_format<interleaved>} : vector<32xbf16> -> vector<16xf32>
        %get3A_1624 = arith.index_cast %add3A_1612 : i32 to index
        %get3A_1625 = arith.constant 32 : index
        %get3A_1626 = tpu.vector_load %arg14[%get3A_1624, %get3A_1625] {strides = array<i32>} : memref<1280x64xbf16, #tpu.memory_space<vmem>>, vector<32xbf16>,
        %unpack3A_1627 = tpu.unpack_subelements %get3A_1626, 0 {pack_format = #tpu.pack_format<interleaved>} : vector<32xbf16> -> vector<16xf32>
        %unpack3A_1628 = tpu.unpack_subelements %get3A_1626, 1 {pack_format = #tpu.pack_format<interleaved>} : vector<32xbf16> -> vector<16xf32>
        %mul3A_1629 = arith.mulf %unpack3A_1622, %broadcast_in_dim3A_1615 : vector<16xf32>
        %add3A_1630 = arith.addf %add3A_1606, %mul3A_1629 : vector<16xf32>
        %mul3A_1631 = arith.mulf %unpack3A_1627, %broadcast_in_dim3A_1618 : vector<16xf32>
        %add3A_1632 = arith.addf %add3A_1630, %mul3A_1631 : vector<16xf32>
        %mul3A_1633 = arith.mulf %unpack3A_1623, %broadcast_in_dim3A_1615 : vector<16xf32>
        %add3A_1634 = arith.addf %add3A_1610, %mul3A_1633 : vector<16xf32>
        %mul3A_1635 = arith.mulf %unpack3A_1628, %broadcast_in_dim3A_1618 : vector<16xf32>
        %add3A_1636 = arith.addf %add3A_1634, %mul3A_1635 : vector<16xf32>
        %mul3A_1637 = arith.constant 2 : i32
        %mul3A_1638 = arith.muli %select_n3A, %mul3A_1637 : i32
        %jit3A_1639 = arith.constant 4 : i32
        %div3A_1640 = arith.divsi %sub3A_763, %jit3A_1639 : i32
        %sign3A_1641 = arith.constant 0 : i32
        %sign3A_1642 = arith.cmpi sgt, %sub3A_763, %sign3A_1641 : i32
        %sign3A_1643 = arith.extui %sign3A_1642 : i1 to i32
        %sign3A_1644 = arith.constant 0 : i32
        %sign3A_1645 = arith.cmpi slt, %sub3A_763, %sign3A_1644 : i32
        %sign3A_1646 = arith.extui %sign3A_1645 : i1 to i32
        %sign3A_1647 = arith.subi %sign3A_1643, %sign3A_1646 : i32
        %sign3A_1648 = arith.constant 0 : i32
        %sign3A_1649 = arith.cmpi sgt, %jit3A_1639, %sign3A_1648 : i32
        %sign3A_1650 = arith.extui %sign3A_1649 : i1 to i32
        %sign3A_1651 = arith.constant 0 : i32
        %sign3A_1652 = arith.cmpi slt, %jit3A_1639, %sign3A_1651 : i32
        %sign3A_1653 = arith.extui %sign3A_1652 : i1 to i32
        %sign3A_1654 = arith.subi %sign3A_1650, %sign3A_1653 : i32
        %ne3A_1655 = arith.cmpi ne, %sign3A_1647, %sign3A_1654 : i32
        %rem3A_1656 = arith.remsi %sub3A_763, %jit3A_1639 : i32
        %ne3A_1657 = arith.constant 0 : i32
        %ne3A_1658 = arith.cmpi ne, %rem3A_1656, %ne3A_1657 : i32
        %and3A_1659 = arith.andi %ne3A_1655, %ne3A_1658 : i1
        %sub3A_1660 = arith.constant 1 : i32
        %sub3A_1661 = arith.subi %div3A_1640, %sub3A_1660 : i32
        %select_n3A_1662 = arith.select %and3A_1659, %sub3A_1661, %div3A_1640 : i32
        %add3A_1663 = arith.addi %mul3A_1638, %select_n3A_1662 : i32
        %jit3A_1664 = arith.constant 4 : i32
        %eq3A = arith.constant 0 : i32
        %eq3A_1665 = arith.cmpi eq, %jit3A_1664, %eq3A : i32
        %jit3A_1666 = arith.constant 1 : i32
        %select_n3A_1667 = arith.select %eq3A_1665, %jit3A_1666, %jit3A_1664 : i32
        %rem3A_1668 = arith.remsi %sub3A_763, %select_n3A_1667 : i32
        %ne3A_1669 = arith.constant 0 : i32
        %ne3A_1670 = arith.cmpi ne, %rem3A_1668, %ne3A_1669 : i32
        %lt3A_1671 = arith.constant 0 : i32
        %lt3A_1672 = arith.cmpi slt, %rem3A_1668, %lt3A_1671 : i32
        %lt3A_1673 = arith.constant 0 : i32
        %lt3A_1674 = arith.cmpi slt, %select_n3A_1667, %lt3A_1673 : i32
        %ne3A_1675 = arith.xori %lt3A_1672, %lt3A_1674 : i1
        %and3A_1676 = arith.andi %ne3A_1675, %ne3A_1670 : i1
        %add3A_1677 = arith.addi %rem3A_1668, %select_n3A_1667 : i32
        %select_n3A_1678 = arith.select %and3A_1676, %add3A_1677, %rem3A_1668 : i32
        %mul3A_1679 = arith.constant 32 : i32
        %mul3A_1680 = arith.muli %select_n3A_1678, %mul3A_1679 : i32
        %swap3A = arith.index_cast %add3A_1663 : i32 to index
        %swap3A_1681 = arith.index_cast %mul3A_1680 : i32 to index
        %swap3A_1682 = tpu.vector_load %arg16[%swap3A, %swap3A_1681] {strides = array<i32>} : memref<10x128xf32, #tpu.memory_space<vmem>>, vector<16xf32>,
        tpu.vector_store %arg16[%swap3A, %swap3A_1681], %add3A_1632 {strides = array<i32>} : memref<10x128xf32, #tpu.memory_space<vmem>>, vector<16xf32>,
        %mul3A_1683 = arith.constant 2 : i32
        %mul3A_1684 = arith.muli %select_n3A, %mul3A_1683 : i32
        %jit3A_1685 = arith.constant 4 : i32
        %div3A_1686 = arith.divsi %sub3A_763, %jit3A_1685 : i32
        %sign3A_1687 = arith.constant 0 : i32
        %sign3A_1688 = arith.cmpi sgt, %sub3A_763, %sign3A_1687 : i32
        %sign3A_1689 = arith.extui %sign3A_1688 : i1 to i32
        %sign3A_1690 = arith.constant 0 : i32
        %sign3A_1691 = arith.cmpi slt, %sub3A_763, %sign3A_1690 : i32
        %sign3A_1692 = arith.extui %sign3A_1691 : i1 to i32
        %sign3A_1693 = arith.subi %sign3A_1689, %sign3A_1692 : i32
        %sign3A_1694 = arith.constant 0 : i32
        %sign3A_1695 = arith.cmpi sgt, %jit3A_1685, %sign3A_1694 : i32
        %sign3A_1696 = arith.extui %sign3A_1695 : i1 to i32
        %sign3A_1697 = arith.constant 0 : i32
        %sign3A_1698 = arith.cmpi slt, %jit3A_1685, %sign3A_1697 : i32
        %sign3A_1699 = arith.extui %sign3A_1698 : i1 to i32
        %sign3A_1700 = arith.subi %sign3A_1696, %sign3A_1699 : i32
        %ne3A_1701 = arith.cmpi ne, %sign3A_1693, %sign3A_1700 : i32
        %rem3A_1702 = arith.remsi %sub3A_763, %jit3A_1685 : i32
        %ne3A_1703 = arith.constant 0 : i32
        %ne3A_1704 = arith.cmpi ne, %rem3A_1702, %ne3A_1703 : i32
        %and3A_1705 = arith.andi %ne3A_1701, %ne3A_1704 : i1
        %sub3A_1706 = arith.constant 1 : i32
        %sub3A_1707 = arith.subi %div3A_1686, %sub3A_1706 : i32
        %select_n3A_1708 = arith.select %and3A_1705, %sub3A_1707, %div3A_1686 : i32
        %add3A_1709 = arith.addi %mul3A_1684, %select_n3A_1708 : i32
        %jit3A_1710 = arith.constant 4 : i32
        %eq3A_1711 = arith.constant 0 : i32
        %eq3A_1712 = arith.cmpi eq, %jit3A_1710, %eq3A_1711 : i32
        %jit3A_1713 = arith.constant 1 : i32
        %select_n3A_1714 = arith.select %eq3A_1712, %jit3A_1713, %jit3A_1710 : i32
        %rem3A_1715 = arith.remsi %sub3A_763, %select_n3A_1714 : i32
        %ne3A_1716 = arith.constant 0 : i32
        %ne3A_1717 = arith.cmpi ne, %rem3A_1715, %ne3A_1716 : i32
        %lt3A_1718 = arith.constant 0 : i32
        %lt3A_1719 = arith.cmpi slt, %rem3A_1715, %lt3A_1718 : i32
        %lt3A_1720 = arith.constant 0 : i32
        %lt3A_1721 = arith.cmpi slt, %select_n3A_1714, %lt3A_1720 : i32
        %ne3A_1722 = arith.xori %lt3A_1719, %lt3A_1721 : i1
        %and3A_1723 = arith.andi %ne3A_1722, %ne3A_1717 : i1
        %add3A_1724 = arith.addi %rem3A_1715, %select_n3A_1714 : i32
        %select_n3A_1725 = arith.select %and3A_1723, %add3A_1724, %rem3A_1715 : i32
        %mul3A_1726 = arith.constant 32 : i32
        %mul3A_1727 = arith.muli %select_n3A_1725, %mul3A_1726 : i32
        %add3A_1728 = arith.constant 16 : i32
        %add3A_1729 = arith.addi %mul3A_1727, %add3A_1728 : i32
        %swap3A_1730 = arith.index_cast %add3A_1709 : i32 to index
        %swap3A_1731 = arith.index_cast %add3A_1729 : i32 to index
        %swap3A_1732 = tpu.vector_load %arg16[%swap3A_1730, %swap3A_1731] {strides = array<i32>} : memref<10x128xf32, #tpu.memory_space<vmem>>, vector<16xf32>,
        tpu.vector_store %arg16[%swap3A_1730, %swap3A_1731], %add3A_1636 {strides = array<i32>} : memref<10x128xf32, #tpu.memory_space<vmem>>, vector<16xf32>,
        %scan3A_1733 = arith.constant 0 : i32
        scf.yield %scan3A_1733 : i32
      }
      %scan3A_604 = arith.constant 40 : i32
      %mul3A_605 = arith.constant 5 : i32
      %mul3A_606 = arith.muli %mul3A_318, %mul3A_605 : i32
      %add3A_607 = arith.addi %mul3A_2, %mul3A_606 : i32
      %mul3A_608 = arith.constant 2 : i32
      %mul3A_609 = arith.muli %add3A_607, %mul3A_608 : i32
      %dma_start3A_610 = arith.constant 0 : i32
      %dma_start3A_611 = tpu.memref_slice %arg9[%mul3A_609, %dma_start3A_610] : memref<21760x128xf32, #tpu.memory_space<hbm>> -> memref<10x128xf32, #tpu.memory_space<hbm>>
      %dma_start3A_612 = arith.constant 0 : i32
      %dma_start3A_613 = tpu.memref_slice %arg9[%mul3A_609, %dma_start3A_612] : memref<21760x128xf32, #tpu.memory_space<hbm>> -> memref<10x128xf32, #tpu.memory_space<hbm>>
      tpu.enqueue_dma source(%arg16 : memref<10x128xf32, #tpu.memory_space<vmem>>) target(%dma_start3A_613 : memref<10x128xf32, #tpu.memory_space<hbm>>) target_semaphore(%arg22 : memref<!tpu.dma_semaphore, #tpu.memory_space<semaphore_mem>>)
      %convert_element_type3A_614 = arith.extui %lt3A_323 : i1 to i32
      %cond3A_615 = arith.constant 0 : i32
      %cond3A_616 = arith.cmpi ne, %convert_element_type3A_614, %cond3A_615 : i32
      scf.if %cond3A_616 {
        %add3A_743 = arith.constant 2 : i32
        %add3A_744 = arith.addi %mul3A_318, %add3A_743 : i32
        %mul3A_745 = arith.constant 5 : i32
        %mul3A_746 = arith.muli %add3A_744, %mul3A_745 : i32
        %add3A_747 = arith.addi %mul3A_2, %mul3A_746 : i32
        %dma_start3A_748 = arith.constant 0 : i32
        %dma_start3A_749 = arith.constant 0 : i32
        %dma_start3A_750 = tpu.memref_slice %arg10[%dma_start3A_748, %dma_start3A_749] : memref<10x128xi32, #tpu.memory_space<vmem>> -> memref<5x128xi32, #tpu.memory_space<vmem>>
        %dma_start3A_751 = arith.constant 0 : i32
        %dma_start3A_752 = tpu.memref_slice %arg3[%add3A_747, %dma_start3A_751] : memref<10880x128xi32, #tpu.memory_space<hbm>> -> memref<5x128xi32, #tpu.memory_space<hbm>>
        %dma_start3A_753 = arith.constant 0 : i32
        %dma_start3A_754 = arith.constant 0 : i32
        %dma_start3A_755 = tpu.memref_slice %arg10[%dma_start3A_753, %dma_start3A_754] : memref<10x128xi32, #tpu.memory_space<vmem>> -> memref<5x128xi32, #tpu.memory_space<vmem>>
        %dma_start3A_756 = arith.constant 0 : i32
        %dma_start3A_757 = tpu.memref_slice %arg3[%add3A_747, %dma_start3A_756] : memref<10880x128xi32, #tpu.memory_space<hbm>> -> memref<5x128xi32, #tpu.memory_space<hbm>>
        tpu.enqueue_dma source(%dma_start3A_757 : memref<5x128xi32, #tpu.memory_space<hbm>>) target(%dma_start3A_755 : memref<5x128xi32, #tpu.memory_space<vmem>>) target_semaphore(%arg20 : memref<!tpu.dma_semaphore, #tpu.memory_space<semaphore_mem>>)
        %dma_start3A_758 = arith.constant 5 : i32
        %dma_start3A_759 = arith.constant 0 : i32
        %dma_start3A_760 = tpu.memref_slice %arg10[%dma_start3A_758, %dma_start3A_759] : memref<10x128xi32, #tpu.memory_space<vmem>> -> memref<5x128xi32, #tpu.memory_space<vmem>>
        %dma_start3A_761 = arith.constant 0 : i32
        %dma_start3A_762 = tpu.memref_slice %arg4[%add3A_747, %dma_start3A_761] : memref<10880x128xi32, #tpu.memory_space<hbm>> -> memref<5x128xi32, #tpu.memory_space<hbm>>
        %dma_start3A_763 = arith.constant 5 : i32
        %dma_start3A_764 = arith.constant 0 : i32
        %dma_start3A_765 = tpu.memref_slice %arg10[%dma_start3A_763, %dma_start3A_764] : memref<10x128xi32, #tpu.memory_space<vmem>> -> memref<5x128xi32, #tpu.memory_space<vmem>>
        %dma_start3A_766 = arith.constant 0 : i32
        %dma_start3A_767 = tpu.memref_slice %arg4[%add3A_747, %dma_start3A_766] : memref<10880x128xi32, #tpu.memory_space<hbm>> -> memref<5x128xi32, #tpu.memory_space<hbm>>
        tpu.enqueue_dma source(%dma_start3A_767 : memref<5x128xi32, #tpu.memory_space<hbm>>) target(%dma_start3A_765 : memref<5x128xi32, #tpu.memory_space<vmem>>) target_semaphore(%arg20 : memref<!tpu.dma_semaphore, #tpu.memory_space<semaphore_mem>>)
        %dma_start3A_768 = arith.constant 0 : i32
        %dma_start3A_769 = arith.constant 0 : i32
        %dma_start3A_770 = tpu.memref_slice %arg12[%dma_start3A_768, %dma_start3A_769] : memref<20x128xf32, #tpu.memory_space<vmem>> -> memref<5x128xf32, #tpu.memory_space<vmem>>
        %dma_start3A_771 = arith.constant 0 : i32
        %dma_start3A_772 = tpu.memref_slice %arg5[%add3A_747, %dma_start3A_771] : memref<10880x128xf32, #tpu.memory_space<hbm>> -> memref<5x128xf32, #tpu.memory_space<hbm>>
        %dma_start3A_773 = arith.constant 0 : i32
        %dma_start3A_774 = arith.constant 0 : i32
        %dma_start3A_775 = tpu.memref_slice %arg12[%dma_start3A_773, %dma_start3A_774] : memref<20x128xf32, #tpu.memory_space<vmem>> -> memref<5x128xf32, #tpu.memory_space<vmem>>
        %dma_start3A_776 = arith.constant 0 : i32
        %dma_start3A_777 = tpu.memref_slice %arg5[%add3A_747, %dma_start3A_776] : memref<10880x128xf32, #tpu.memory_space<hbm>> -> memref<5x128xf32, #tpu.memory_space<hbm>>
        tpu.enqueue_dma source(%dma_start3A_777 : memref<5x128xf32, #tpu.memory_space<hbm>>) target(%dma_start3A_775 : memref<5x128xf32, #tpu.memory_space<vmem>>) target_semaphore(%arg20 : memref<!tpu.dma_semaphore, #tpu.memory_space<semaphore_mem>>)
        %dma_start3A_778 = arith.constant 5 : i32
        %dma_start3A_779 = arith.constant 0 : i32
        %dma_start3A_780 = tpu.memref_slice %arg12[%dma_start3A_778, %dma_start3A_779] : memref<20x128xf32, #tpu.memory_space<vmem>> -> memref<5x128xf32, #tpu.memory_space<vmem>>
        %dma_start3A_781 = arith.constant 0 : i32
        %dma_start3A_782 = tpu.memref_slice %arg6[%add3A_747, %dma_start3A_781] : memref<10880x128xf32, #tpu.memory_space<hbm>> -> memref<5x128xf32, #tpu.memory_space<hbm>>
        %dma_start3A_783 = arith.constant 5 : i32
        %dma_start3A_784 = arith.constant 0 : i32
        %dma_start3A_785 = tpu.memref_slice %arg12[%dma_start3A_783, %dma_start3A_784] : memref<20x128xf32, #tpu.memory_space<vmem>> -> memref<5x128xf32, #tpu.memory_space<vmem>>
        %dma_start3A_786 = arith.constant 0 : i32
        %dma_start3A_787 = tpu.memref_slice %arg6[%add3A_747, %dma_start3A_786] : memref<10880x128xf32, #tpu.memory_space<hbm>> -> memref<5x128xf32, #tpu.memory_space<hbm>>
        tpu.enqueue_dma source(%dma_start3A_787 : memref<5x128xf32, #tpu.memory_space<hbm>>) target(%dma_start3A_785 : memref<5x128xf32, #tpu.memory_space<vmem>>) target_semaphore(%arg20 : memref<!tpu.dma_semaphore, #tpu.memory_space<semaphore_mem>>)
        %dma_start3A_788 = arith.constant 10 : i32
        %dma_start3A_789 = arith.constant 0 : i32
        %dma_start3A_790 = tpu.memref_slice %arg12[%dma_start3A_788, %dma_start3A_789] : memref<20x128xf32, #tpu.memory_space<vmem>> -> memref<5x128xf32, #tpu.memory_space<vmem>>
        %dma_start3A_791 = arith.constant 0 : i32
        %dma_start3A_792 = tpu.memref_slice %arg7[%add3A_747, %dma_start3A_791] : memref<10880x128xf32, #tpu.memory_space<hbm>> -> memref<5x128xf32, #tpu.memory_space<hbm>>
        %dma_start3A_793 = arith.constant 10 : i32
        %dma_start3A_794 = arith.constant 0 : i32
        %dma_start3A_795 = tpu.memref_slice %arg12[%dma_start3A_793, %dma_start3A_794] : memref<20x128xf32, #tpu.memory_space<vmem>> -> memref<5x128xf32, #tpu.memory_space<vmem>>
        %dma_start3A_796 = arith.constant 0 : i32
        %dma_start3A_797 = tpu.memref_slice %arg7[%add3A_747, %dma_start3A_796] : memref<10880x128xf32, #tpu.memory_space<hbm>> -> memref<5x128xf32, #tpu.memory_space<hbm>>
        tpu.enqueue_dma source(%dma_start3A_797 : memref<5x128xf32, #tpu.memory_space<hbm>>) target(%dma_start3A_795 : memref<5x128xf32, #tpu.memory_space<vmem>>) target_semaphore(%arg20 : memref<!tpu.dma_semaphore, #tpu.memory_space<semaphore_mem>>)
        %dma_start3A_798 = arith.constant 15 : i32
        %dma_start3A_799 = arith.constant 0 : i32
        %dma_start3A_800 = tpu.memref_slice %arg12[%dma_start3A_798, %dma_start3A_799] : memref<20x128xf32, #tpu.memory_space<vmem>> -> memref<5x128xf32, #tpu.memory_space<vmem>>
        %dma_start3A_801 = arith.constant 0 : i32
        %dma_start3A_802 = tpu.memref_slice %arg8[%add3A_747, %dma_start3A_801] : memref<10880x128xf32, #tpu.memory_space<hbm>> -> memref<5x128xf32, #tpu.memory_space<hbm>>
        %dma_start3A_803 = arith.constant 15 : i32
        %dma_start3A_804 = arith.constant 0 : i32
        %dma_start3A_805 = tpu.memref_slice %arg12[%dma_start3A_803, %dma_start3A_804] : memref<20x128xf32, #tpu.memory_space<vmem>> -> memref<5x128xf32, #tpu.memory_space<vmem>>
        %dma_start3A_806 = arith.constant 0 : i32
        %dma_start3A_807 = tpu.memref_slice %arg8[%add3A_747, %dma_start3A_806] : memref<10880x128xf32, #tpu.memory_space<hbm>> -> memref<5x128xf32, #tpu.memory_space<hbm>>
        tpu.enqueue_dma source(%dma_start3A_807 : memref<5x128xf32, #tpu.memory_space<hbm>>) target(%dma_start3A_805 : memref<5x128xf32, #tpu.memory_space<vmem>>) target_semaphore(%arg20 : memref<!tpu.dma_semaphore, #tpu.memory_space<semaphore_mem>>)
      } else {
      }
      %dma_wait3A_617 = arith.constant 0 : i32
      %dma_wait3A_618 = arith.constant 0 : i32
      %dma_wait3A_619 = arith.constant 0 : i32
      %dma_wait3A_620 = tpu.memref_slice %arg15[%dma_wait3A_618, %dma_wait3A_619] : memref<1280x64xbf16, #tpu.memory_space<vmem>> -> memref<128x64xbf16, #tpu.memory_space<vmem>>
      %dma_wait3A_621 = arith.constant 0 : i32
      %dma_wait3A_622 = tpu.memref_slice %arg11[%dma_wait3A_617, %dma_wait3A_621] : memref<10x128xi32, #tpu.memory_space<vmem>> -> memref<1x128xi32, #tpu.memory_space<vmem>>
      %dma_wait3A_623 = tpu.memref_squeeze %dma_wait3A_622 : memref<1x128xi32, #tpu.memory_space<vmem>> -> memref<128xi32, #tpu.memory_space<vmem>>
      %dma_wait3A_624 = arith.constant 0 : i32
      %dma_wait3A_625 = arith.constant 0 : i32
      %dma_wait3A_626 = tpu.memref_slice %arg2[%dma_wait3A_624, %dma_wait3A_625] : memref<87040x64xbf16, #tpu.memory_space<hbm>> -> memref<87040x64xbf16, #tpu.memory_space<hbm>>
      tpu.wait_indirect_dma semaphore(%arg19 : memref<!tpu.dma_semaphore, #tpu.memory_space<semaphore_mem>>) src(%dma_wait3A_626 : memref<87040x64xbf16, #tpu.memory_space<hbm>>) dst(%dma_wait3A_620 : memref<128x64xbf16, #tpu.memory_space<vmem>>)
      %dma_wait3A_627 = arith.constant 1 : i32
      %dma_wait3A_628 = arith.constant 128 : i32
      %dma_wait3A_629 = arith.constant 0 : i32
      %dma_wait3A_630 = tpu.memref_slice %arg15[%dma_wait3A_628, %dma_wait3A_629] : memref<1280x64xbf16, #tpu.memory_space<vmem>> -> memref<128x64xbf16, #tpu.memory_space<vmem>>
      %dma_wait3A_631 = arith.constant 0 : i32
      %dma_wait3A_632 = tpu.memref_slice %arg11[%dma_wait3A_627, %dma_wait3A_631] : memref<10x128xi32, #tpu.memory_space<vmem>> -> memref<1x128xi32, #tpu.memory_space<vmem>>
      %dma_wait3A_633 = tpu.memref_squeeze %dma_wait3A_632 : memref<1x128xi32, #tpu.memory_space<vmem>> -> memref<128xi32, #tpu.memory_space<vmem>>
      %dma_wait3A_634 = arith.constant 0 : i32
      %dma_wait3A_635 = arith.constant 0 : i32
      %dma_wait3A_636 = tpu.memref_slice %arg2[%dma_wait3A_634, %dma_wait3A_635] : memref<87040x64xbf16, #tpu.memory_space<hbm>> -> memref<87040x64xbf16, #tpu.memory_space<hbm>>
      tpu.wait_indirect_dma semaphore(%arg19 : memref<!tpu.dma_semaphore, #tpu.memory_space<semaphore_mem>>) src(%dma_wait3A_636 : memref<87040x64xbf16, #tpu.memory_space<hbm>>) dst(%dma_wait3A_630 : memref<128x64xbf16, #tpu.memory_space<vmem>>)
      %dma_wait3A_637 = arith.constant 2 : i32
      %dma_wait3A_638 = arith.constant 256 : i32
      %dma_wait3A_639 = arith.constant 0 : i32
      %dma_wait3A_640 = tpu.memref_slice %arg15[%dma_wait3A_638, %dma_wait3A_639] : memref<1280x64xbf16, #tpu.memory_space<vmem>> -> memref<128x64xbf16, #tpu.memory_space<vmem>>
      %dma_wait3A_641 = arith.constant 0 : i32
      %dma_wait3A_642 = tpu.memref_slice %arg11[%dma_wait3A_637, %dma_wait3A_641] : memref<10x128xi32, #tpu.memory_space<vmem>> -> memref<1x128xi32, #tpu.memory_space<vmem>>
      %dma_wait3A_643 = tpu.memref_squeeze %dma_wait3A_642 : memref<1x128xi32, #tpu.memory_space<vmem>> -> memref<128xi32, #tpu.memory_space<vmem>>
      %dma_wait3A_644 = arith.constant 0 : i32
      %dma_wait3A_645 = arith.constant 0 : i32
      %dma_wait3A_646 = tpu.memref_slice %arg2[%dma_wait3A_644, %dma_wait3A_645] : memref<87040x64xbf16, #tpu.memory_space<hbm>> -> memref<87040x64xbf16, #tpu.memory_space<hbm>>
      tpu.wait_indirect_dma semaphore(%arg19 : memref<!tpu.dma_semaphore, #tpu.memory_space<semaphore_mem>>) src(%dma_wait3A_646 : memref<87040x64xbf16, #tpu.memory_space<hbm>>) dst(%dma_wait3A_640 : memref<128x64xbf16, #tpu.memory_space<vmem>>)
      %dma_wait3A_647 = arith.constant 3 : i32
      %dma_wait3A_648 = arith.constant 384 : i32
      %dma_wait3A_649 = arith.constant 0 : i32
      %dma_wait3A_650 = tpu.memref_slice %arg15[%dma_wait3A_648, %dma_wait3A_649] : memref<1280x64xbf16, #tpu.memory_space<vmem>> -> memref<128x64xbf16, #tpu.memory_space<vmem>>
      %dma_wait3A_651 = arith.constant 0 : i32
      %dma_wait3A_652 = tpu.memref_slice %arg11[%dma_wait3A_647, %dma_wait3A_651] : memref<10x128xi32, #tpu.memory_space<vmem>> -> memref<1x128xi32, #tpu.memory_space<vmem>>
      %dma_wait3A_653 = tpu.memref_squeeze %dma_wait3A_652 : memref<1x128xi32, #tpu.memory_space<vmem>> -> memref<128xi32, #tpu.memory_space<vmem>>
      %dma_wait3A_654 = arith.constant 0 : i32
      %dma_wait3A_655 = arith.constant 0 : i32
      %dma_wait3A_656 = tpu.memref_slice %arg2[%dma_wait3A_654, %dma_wait3A_655] : memref<87040x64xbf16, #tpu.memory_space<hbm>> -> memref<87040x64xbf16, #tpu.memory_space<hbm>>
      tpu.wait_indirect_dma semaphore(%arg19 : memref<!tpu.dma_semaphore, #tpu.memory_space<semaphore_mem>>) src(%dma_wait3A_656 : memref<87040x64xbf16, #tpu.memory_space<hbm>>) dst(%dma_wait3A_650 : memref<128x64xbf16, #tpu.memory_space<vmem>>)
      %dma_wait3A_657 = arith.constant 4 : i32
      %dma_wait3A_658 = arith.constant 512 : i32
      %dma_wait3A_659 = arith.constant 0 : i32
      %dma_wait3A_660 = tpu.memref_slice %arg15[%dma_wait3A_658, %dma_wait3A_659] : memref<1280x64xbf16, #tpu.memory_space<vmem>> -> memref<128x64xbf16, #tpu.memory_space<vmem>>
      %dma_wait3A_661 = arith.constant 0 : i32
      %dma_wait3A_662 = tpu.memref_slice %arg11[%dma_wait3A_657, %dma_wait3A_661] : memref<10x128xi32, #tpu.memory_space<vmem>> -> memref<1x128xi32, #tpu.memory_space<vmem>>
      %dma_wait3A_663 = tpu.memref_squeeze %dma_wait3A_662 : memref<1x128xi32, #tpu.memory_space<vmem>> -> memref<128xi32, #tpu.memory_space<vmem>>
      %dma_wait3A_664 = arith.constant 0 : i32
      %dma_wait3A_665 = arith.constant 0 : i32
      %dma_wait3A_666 = tpu.memref_slice %arg2[%dma_wait3A_664, %dma_wait3A_665] : memref<87040x64xbf16, #tpu.memory_space<hbm>> -> memref<87040x64xbf16, #tpu.memory_space<hbm>>
      tpu.wait_indirect_dma semaphore(%arg19 : memref<!tpu.dma_semaphore, #tpu.memory_space<semaphore_mem>>) src(%dma_wait3A_666 : memref<87040x64xbf16, #tpu.memory_space<hbm>>) dst(%dma_wait3A_660 : memref<128x64xbf16, #tpu.memory_space<vmem>>)
      %dma_wait3A_667 = arith.constant 5 : i32
      %dma_wait3A_668 = arith.constant 640 : i32
      %dma_wait3A_669 = arith.constant 0 : i32
      %dma_wait3A_670 = tpu.memref_slice %arg15[%dma_wait3A_668, %dma_wait3A_669] : memref<1280x64xbf16, #tpu.memory_space<vmem>> -> memref<128x64xbf16, #tpu.memory_space<vmem>>
      %dma_wait3A_671 = arith.constant 0 : i32
      %dma_wait3A_672 = tpu.memref_slice %arg11[%dma_wait3A_667, %dma_wait3A_671] : memref<10x128xi32, #tpu.memory_space<vmem>> -> memref<1x128xi32, #tpu.memory_space<vmem>>
      %dma_wait3A_673 = tpu.memref_squeeze %dma_wait3A_672 : memref<1x128xi32, #tpu.memory_space<vmem>> -> memref<128xi32, #tpu.memory_space<vmem>>
      %dma_wait3A_674 = arith.constant 0 : i32
      %dma_wait3A_675 = arith.constant 0 : i32
      %dma_wait3A_676 = tpu.memref_slice %arg2[%dma_wait3A_674, %dma_wait3A_675] : memref<87040x64xbf16, #tpu.memory_space<hbm>> -> memref<87040x64xbf16, #tpu.memory_space<hbm>>
      tpu.wait_indirect_dma semaphore(%arg19 : memref<!tpu.dma_semaphore, #tpu.memory_space<semaphore_mem>>) src(%dma_wait3A_676 : memref<87040x64xbf16, #tpu.memory_space<hbm>>) dst(%dma_wait3A_670 : memref<128x64xbf16, #tpu.memory_space<vmem>>)
      %dma_wait3A_677 = arith.constant 6 : i32
      %dma_wait3A_678 = arith.constant 768 : i32
      %dma_wait3A_679 = arith.constant 0 : i32
      %dma_wait3A_680 = tpu.memref_slice %arg15[%dma_wait3A_678, %dma_wait3A_679] : memref<1280x64xbf16, #tpu.memory_space<vmem>> -> memref<128x64xbf16, #tpu.memory_space<vmem>>
      %dma_wait3A_681 = arith.constant 0 : i32
      %dma_wait3A_682 = tpu.memref_slice %arg11[%dma_wait3A_677, %dma_wait3A_681] : memref<10x128xi32, #tpu.memory_space<vmem>> -> memref<1x128xi32, #tpu.memory_space<vmem>>
      %dma_wait3A_683 = tpu.memref_squeeze %dma_wait3A_682 : memref<1x128xi32, #tpu.memory_space<vmem>> -> memref<128xi32, #tpu.memory_space<vmem>>
      %dma_wait3A_684 = arith.constant 0 : i32
      %dma_wait3A_685 = arith.constant 0 : i32
      %dma_wait3A_686 = tpu.memref_slice %arg2[%dma_wait3A_684, %dma_wait3A_685] : memref<87040x64xbf16, #tpu.memory_space<hbm>> -> memref<87040x64xbf16, #tpu.memory_space<hbm>>
      tpu.wait_indirect_dma semaphore(%arg19 : memref<!tpu.dma_semaphore, #tpu.memory_space<semaphore_mem>>) src(%dma_wait3A_686 : memref<87040x64xbf16, #tpu.memory_space<hbm>>) dst(%dma_wait3A_680 : memref<128x64xbf16, #tpu.memory_space<vmem>>)
      %dma_wait3A_687 = arith.constant 7 : i32
      %dma_wait3A_688 = arith.constant 896 : i32
      %dma_wait3A_689 = arith.constant 0 : i32
      %dma_wait3A_690 = tpu.memref_slice %arg15[%dma_wait3A_688, %dma_wait3A_689] : memref<1280x64xbf16, #tpu.memory_space<vmem>> -> memref<128x64xbf16, #tpu.memory_space<vmem>>
      %dma_wait3A_691 = arith.constant 0 : i32
      %dma_wait3A_692 = tpu.memref_slice %arg11[%dma_wait3A_687, %dma_wait3A_691] : memref<10x128xi32, #tpu.memory_space<vmem>> -> memref<1x128xi32, #tpu.memory_space<vmem>>
      %dma_wait3A_693 = tpu.memref_squeeze %dma_wait3A_692 : memref<1x128xi32, #tpu.memory_space<vmem>> -> memref<128xi32, #tpu.memory_space<vmem>>
      %dma_wait3A_694 = arith.constant 0 : i32
      %dma_wait3A_695 = arith.constant 0 : i32
      %dma_wait3A_696 = tpu.memref_slice %arg2[%dma_wait3A_694, %dma_wait3A_695] : memref<87040x64xbf16, #tpu.memory_space<hbm>> -> memref<87040x64xbf16, #tpu.memory_space<hbm>>
      tpu.wait_indirect_dma semaphore(%arg19 : memref<!tpu.dma_semaphore, #tpu.memory_space<semaphore_mem>>) src(%dma_wait3A_696 : memref<87040x64xbf16, #tpu.memory_space<hbm>>) dst(%dma_wait3A_690 : memref<128x64xbf16, #tpu.memory_space<vmem>>)
      %dma_wait3A_697 = arith.constant 8 : i32
      %dma_wait3A_698 = arith.constant 1024 : i32
      %dma_wait3A_699 = arith.constant 0 : i32
      %dma_wait3A_700 = tpu.memref_slice %arg15[%dma_wait3A_698, %dma_wait3A_699] : memref<1280x64xbf16, #tpu.memory_space<vmem>> -> memref<128x64xbf16, #tpu.memory_space<vmem>>
      %dma_wait3A_701 = arith.constant 0 : i32
      %dma_wait3A_702 = tpu.memref_slice %arg11[%dma_wait3A_697, %dma_wait3A_701] : memref<10x128xi32, #tpu.memory_space<vmem>> -> memref<1x128xi32, #tpu.memory_space<vmem>>
      %dma_wait3A_703 = tpu.memref_squeeze %dma_wait3A_702 : memref<1x128xi32, #tpu.memory_space<vmem>> -> memref<128xi32, #tpu.memory_space<vmem>>
      %dma_wait3A_704 = arith.constant 0 : i32
      %dma_wait3A_705 = arith.constant 0 : i32
      %dma_wait3A_706 = tpu.memref_slice %arg2[%dma_wait3A_704, %dma_wait3A_705] : memref<87040x64xbf16, #tpu.memory_space<hbm>> -> memref<87040x64xbf16, #tpu.memory_space<hbm>>
      tpu.wait_indirect_dma semaphore(%arg19 : memref<!tpu.dma_semaphore, #tpu.memory_space<semaphore_mem>>) src(%dma_wait3A_706 : memref<87040x64xbf16, #tpu.memory_space<hbm>>) dst(%dma_wait3A_700 : memref<128x64xbf16, #tpu.memory_space<vmem>>)
      %dma_wait3A_707 = arith.constant 9 : i32
      %dma_wait3A_708 = arith.constant 1152 : i32
      %dma_wait3A_709 = arith.constant 0 : i32
      %dma_wait3A_710 = tpu.memref_slice %arg15[%dma_wait3A_708, %dma_wait3A_709] : memref<1280x64xbf16, #tpu.memory_space<vmem>> -> memref<128x64xbf16, #tpu.memory_space<vmem>>
      %dma_wait3A_711 = arith.constant 0 : i32
      %dma_wait3A_712 = tpu.memref_slice %arg11[%dma_wait3A_707, %dma_wait3A_711] : memref<10x128xi32, #tpu.memory_space<vmem>> -> memref<1x128xi32, #tpu.memory_space<vmem>>
      %dma_wait3A_713 = tpu.memref_squeeze %dma_wait3A_712 : memref<1x128xi32, #tpu.memory_space<vmem>> -> memref<128xi32, #tpu.memory_space<vmem>>
      %dma_wait3A_714 = arith.constant 0 : i32
      %dma_wait3A_715 = arith.constant 0 : i32
      %dma_wait3A_716 = tpu.memref_slice %arg2[%dma_wait3A_714, %dma_wait3A_715] : memref<87040x64xbf16, #tpu.memory_space<hbm>> -> memref<87040x64xbf16, #tpu.memory_space<hbm>>
      tpu.wait_indirect_dma semaphore(%arg19 : memref<!tpu.dma_semaphore, #tpu.memory_space<semaphore_mem>>) src(%dma_wait3A_716 : memref<87040x64xbf16, #tpu.memory_space<hbm>>) dst(%dma_wait3A_710 : memref<128x64xbf16, #tpu.memory_space<vmem>>)
      %convert_element_type3A_717 = arith.extui %gt3A_324 : i1 to i32
      %cond3A_718 = arith.constant 0 : i32
      %cond3A_719 = arith.cmpi ne, %convert_element_type3A_717, %cond3A_718 : i32
      scf.if %cond3A_719 {
        %dma_wait3A_743 = arith.constant 0 : i32
        %dma_wait3A_744 = arith.constant 0 : i32
        %dma_wait3A_745 = tpu.memref_slice %arg9[%dma_wait3A_743, %dma_wait3A_744] : memref<21760x128xf32, #tpu.memory_space<hbm>> -> memref<10x128xf32, #tpu.memory_space<hbm>>
        %dma_wait3A_746 = arith.constant 0 : i32
        %dma_wait3A_747 = arith.constant 0 : i32
        %dma_wait3A_748 = tpu.memref_slice %arg9[%dma_wait3A_746, %dma_wait3A_747] : memref<21760x128xf32, #tpu.memory_space<hbm>> -> memref<10x128xf32, #tpu.memory_space<hbm>>
        tpu.wait_dma2 semaphore(%arg23 : memref<!tpu.dma_semaphore, #tpu.memory_space<semaphore_mem>>) src(%arg17 : memref<10x128xf32, #tpu.memory_space<vmem>>) dst(%dma_wait3A_748 : memref<10x128xf32, #tpu.memory_space<hbm>>)
      } else {
      }
      %scan3A_720 = arith.constant 0 : i32
      %scan3A_721 = arith.constant 0 : i32
      %scan3A_722 = arith.constant 40 : i32
      %scan3A_723 = arith.addi %scan3A_721, %scan3A_722 : i32
      %scan3A_724 = arith.constant 1 : i32
      %scan3A_725 = scf.for %scan3A_743 = %scan3A_721 to %scan3A_723 step %scan3A_724 iter_args(%scan3A_744 = %scan3A_720) -> (i32)  : i32 {
        %jit3A = arith.constant 8 : i32
        %div3A = arith.divsi %scan3A_743, %jit3A : i32
        %sign3A = arith.constant 0 : i32
        %sign3A_745 = arith.cmpi sgt, %scan3A_743, %sign3A : i32
        %sign3A_746 = arith.extui %sign3A_745 : i1 to i32
        %sign3A_747 = arith.constant 0 : i32
        %sign3A_748 = arith.cmpi slt, %scan3A_743, %sign3A_747 : i32
        %sign3A_749 = arith.extui %sign3A_748 : i1 to i32
        %sign3A_750 = arith.subi %sign3A_746, %sign3A_749 : i32
        %sign3A_751 = arith.constant 0 : i32
        %sign3A_752 = arith.cmpi sgt, %jit3A, %sign3A_751 : i32
        %sign3A_753 = arith.extui %sign3A_752 : i1 to i32
        %sign3A_754 = arith.constant 0 : i32
        %sign3A_755 = arith.cmpi slt, %jit3A, %sign3A_754 : i32
        %sign3A_756 = arith.extui %sign3A_755 : i1 to i32
        %sign3A_757 = arith.subi %sign3A_753, %sign3A_756 : i32
        %ne3A = arith.cmpi ne, %sign3A_750, %sign3A_757 : i32
        %rem3A = arith.remsi %scan3A_743, %jit3A : i32
        %ne3A_758 = arith.constant 0 : i32
        %ne3A_759 = arith.cmpi ne, %rem3A, %ne3A_758 : i32
        %and3A = arith.andi %ne3A, %ne3A_759 : i1
        %sub3A = arith.constant 1 : i32
        %sub3A_760 = arith.subi %div3A, %sub3A : i32
        %select_n3A = arith.select %and3A, %sub3A_760, %div3A : i32
        %mul3A_761 = arith.constant 8 : i32
        %mul3A_762 = arith.muli %select_n3A, %mul3A_761 : i32
        %sub3A_763 = arith.subi %scan3A_743, %mul3A_762 : i32
        %broadcast_in_dim3A = arith.constant 0.000000e+00 : f32
        %broadcast_in_dim3A_764 = vector.broadcast %broadcast_in_dim3A : f32 to vector<16xf32>
        %broadcast_in_dim3A_765 = arith.constant 0.000000e+00 : f32
        %broadcast_in_dim3A_766 = vector.broadcast %broadcast_in_dim3A_765 : f32 to vector<16xf32>
        %add3A_767 = arith.constant 0 : i32
        %add3A_768 = arith.addi %add3A_767, %select_n3A : i32
        %mul3A_769 = arith.constant 16 : i32
        %mul3A_770 = arith.muli %sub3A_763, %mul3A_769 : i32
        %get3A = arith.index_cast %add3A_768 : i32 to index
        %get3A_771 = arith.index_cast %mul3A_770 : i32 to index
        %get3A_772 = tpu.vector_load %arg13[%get3A, %get3A_771] {strides = array<i32>} : memref<20x128xf32, #tpu.memory_space<vmem>>, vector<16xf32>,
        %add3A_773 = arith.constant 10 : i32
        %add3A_774 = arith.addi %add3A_773, %select_n3A : i32
        %mul3A_775 = arith.constant 16 : i32
        %mul3A_776 = arith.muli %sub3A_763, %mul3A_775 : i32
        %get3A_777 = arith.index_cast %add3A_774 : i32 to index
        %get3A_778 = arith.index_cast %mul3A_776 : i32 to index
        %get3A_779 = tpu.vector_load %arg13[%get3A_777, %get3A_778] {strides = array<i32>} : memref<20x128xf32, #tpu.memory_space<vmem>>, vector<16xf32>,
        %add3A_780 = arith.constant 0 : i32
        %add3A_781 = arith.addi %add3A_780, %select_n3A : i32
        %mul3A_782 = arith.constant 128 : i32
        %mul3A_783 = arith.muli %add3A_781, %mul3A_782 : i32
        %mul3A_784 = arith.constant 16 : i32
        %mul3A_785 = arith.muli %sub3A_763, %mul3A_784 : i32
        %add3A_786 = arith.addi %mul3A_783, %mul3A_785 : i32
        %add3A_787 = arith.constant 0 : i32
        %add3A_788 = arith.addi %add3A_786, %add3A_787 : i32
        %slice3A = vector.extract_strided_slice %get3A_772 {offsets = [0], sizes = [1], strides = [1]} : vector<16xf32> to vector<1xf32>
        %squeeze3A = vector.extract %slice3A[0] : f32 from vector<1xf32>
        %broadcast_in_dim3A_789 = vector.broadcast %squeeze3A : f32 to vector<16xf32>
        %slice3A_790 = vector.extract_strided_slice %get3A_779 {offsets = [0], sizes = [1], strides = [1]} : vector<16xf32> to vector<1xf32>
        %squeeze3A_791 = vector.extract %slice3A_790[0] : f32 from vector<1xf32>
        %broadcast_in_dim3A_792 = vector.broadcast %squeeze3A_791 : f32 to vector<16xf32>
        %get3A_793 = arith.index_cast %add3A_788 : i32 to index
        %get3A_794 = arith.constant 0 : index
        %get3A_795 = tpu.vector_load %arg15[%get3A_793, %get3A_794] {strides = array<i32>} : memref<1280x64xbf16, #tpu.memory_space<vmem>>, vector<32xbf16>,
        %unpack3A = tpu.unpack_subelements %get3A_795, 0 {pack_format = #tpu.pack_format<interleaved>} : vector<32xbf16> -> vector<16xf32>
        %unpack3A_796 = tpu.unpack_subelements %get3A_795, 1 {pack_format = #tpu.pack_format<interleaved>} : vector<32xbf16> -> vector<16xf32>
        %get3A_797 = arith.index_cast %add3A_788 : i32 to index
        %get3A_798 = arith.constant 32 : index
        %get3A_799 = tpu.vector_load %arg15[%get3A_797, %get3A_798] {strides = array<i32>} : memref<1280x64xbf16, #tpu.memory_space<vmem>>, vector<32xbf16>,
        %unpack3A_800 = tpu.unpack_subelements %get3A_799, 0 {pack_format = #tpu.pack_format<interleaved>} : vector<32xbf16> -> vector<16xf32>
        %unpack3A_801 = tpu.unpack_subelements %get3A_799, 1 {pack_format = #tpu.pack_format<interleaved>} : vector<32xbf16> -> vector<16xf32>
        %mul3A_802 = arith.mulf %unpack3A, %broadcast_in_dim3A_789 : vector<16xf32>
        %add3A_803 = arith.addf %broadcast_in_dim3A_764, %mul3A_802 : vector<16xf32>
        %mul3A_804 = arith.mulf %unpack3A_800, %broadcast_in_dim3A_792 : vector<16xf32>
        %add3A_805 = arith.addf %add3A_803, %mul3A_804 : vector<16xf32>
        %mul3A_806 = arith.mulf %unpack3A_796, %broadcast_in_dim3A_789 : vector<16xf32>
        %add3A_807 = arith.addf %broadcast_in_dim3A_766, %mul3A_806 : vector<16xf32>
        %mul3A_808 = arith.mulf %unpack3A_801, %broadcast_in_dim3A_792 : vector<16xf32>
        %add3A_809 = arith.addf %add3A_807, %mul3A_808 : vector<16xf32>
        %add3A_810 = arith.constant 1 : i32
        %add3A_811 = arith.addi %add3A_786, %add3A_810 : i32
        %slice3A_812 = vector.extract_strided_slice %get3A_772 {offsets = [1], sizes = [1], strides = [1]} : vector<16xf32> to vector<1xf32>
        %squeeze3A_813 = vector.extract %slice3A_812[0] : f32 from vector<1xf32>
        %broadcast_in_dim3A_814 = vector.broadcast %squeeze3A_813 : f32 to vector<16xf32>
        %slice3A_815 = vector.extract_strided_slice %get3A_779 {offsets = [1], sizes = [1], strides = [1]} : vector<16xf32> to vector<1xf32>
        %squeeze3A_816 = vector.extract %slice3A_815[0] : f32 from vector<1xf32>
        %broadcast_in_dim3A_817 = vector.broadcast %squeeze3A_816 : f32 to vector<16xf32>
        %get3A_818 = arith.index_cast %add3A_811 : i32 to index
        %get3A_819 = arith.constant 0 : index
        %get3A_820 = tpu.vector_load %arg15[%get3A_818, %get3A_819] {strides = array<i32>} : memref<1280x64xbf16, #tpu.memory_space<vmem>>, vector<32xbf16>,
        %unpack3A_821 = tpu.unpack_subelements %get3A_820, 0 {pack_format = #tpu.pack_format<interleaved>} : vector<32xbf16> -> vector<16xf32>
        %unpack3A_822 = tpu.unpack_subelements %get3A_820, 1 {pack_format = #tpu.pack_format<interleaved>} : vector<32xbf16> -> vector<16xf32>
        %get3A_823 = arith.index_cast %add3A_811 : i32 to index
        %get3A_824 = arith.constant 32 : index
        %get3A_825 = tpu.vector_load %arg15[%get3A_823, %get3A_824] {strides = array<i32>} : memref<1280x64xbf16, #tpu.memory_space<vmem>>, vector<32xbf16>,
        %unpack3A_826 = tpu.unpack_subelements %get3A_825, 0 {pack_format = #tpu.pack_format<interleaved>} : vector<32xbf16> -> vector<16xf32>
        %unpack3A_827 = tpu.unpack_subelements %get3A_825, 1 {pack_format = #tpu.pack_format<interleaved>} : vector<32xbf16> -> vector<16xf32>
        %mul3A_828 = arith.mulf %unpack3A_821, %broadcast_in_dim3A_814 : vector<16xf32>
        %add3A_829 = arith.addf %add3A_805, %mul3A_828 : vector<16xf32>
        %mul3A_830 = arith.mulf %unpack3A_826, %broadcast_in_dim3A_817 : vector<16xf32>
        %add3A_831 = arith.addf %add3A_829, %mul3A_830 : vector<16xf32>
        %mul3A_832 = arith.mulf %unpack3A_822, %broadcast_in_dim3A_814 : vector<16xf32>
        %add3A_833 = arith.addf %add3A_809, %mul3A_832 : vector<16xf32>
        %mul3A_834 = arith.mulf %unpack3A_827, %broadcast_in_dim3A_817 : vector<16xf32>
        %add3A_835 = arith.addf %add3A_833, %mul3A_834 : vector<16xf32>
        %add3A_836 = arith.constant 2 : i32
        %add3A_837 = arith.addi %add3A_786, %add3A_836 : i32
        %slice3A_838 = vector.extract_strided_slice %get3A_772 {offsets = [2], sizes = [1], strides = [1]} : vector<16xf32> to vector<1xf32>
        %squeeze3A_839 = vector.extract %slice3A_838[0] : f32 from vector<1xf32>
        %broadcast_in_dim3A_840 = vector.broadcast %squeeze3A_839 : f32 to vector<16xf32>
        %slice3A_841 = vector.extract_strided_slice %get3A_779 {offsets = [2], sizes = [1], strides = [1]} : vector<16xf32> to vector<1xf32>
        %squeeze3A_842 = vector.extract %slice3A_841[0] : f32 from vector<1xf32>
        %broadcast_in_dim3A_843 = vector.broadcast %squeeze3A_842 : f32 to vector<16xf32>
        %get3A_844 = arith.index_cast %add3A_837 : i32 to index
        %get3A_845 = arith.constant 0 : index
        %get3A_846 = tpu.vector_load %arg15[%get3A_844, %get3A_845] {strides = array<i32>} : memref<1280x64xbf16, #tpu.memory_space<vmem>>, vector<32xbf16>,
        %unpack3A_847 = tpu.unpack_subelements %get3A_846, 0 {pack_format = #tpu.pack_format<interleaved>} : vector<32xbf16> -> vector<16xf32>
        %unpack3A_848 = tpu.unpack_subelements %get3A_846, 1 {pack_format = #tpu.pack_format<interleaved>} : vector<32xbf16> -> vector<16xf32>
        %get3A_849 = arith.index_cast %add3A_837 : i32 to index
        %get3A_850 = arith.constant 32 : index
        %get3A_851 = tpu.vector_load %arg15[%get3A_849, %get3A_850] {strides = array<i32>} : memref<1280x64xbf16, #tpu.memory_space<vmem>>, vector<32xbf16>,
        %unpack3A_852 = tpu.unpack_subelements %get3A_851, 0 {pack_format = #tpu.pack_format<interleaved>} : vector<32xbf16> -> vector<16xf32>
        %unpack3A_853 = tpu.unpack_subelements %get3A_851, 1 {pack_format = #tpu.pack_format<interleaved>} : vector<32xbf16> -> vector<16xf32>
        %mul3A_854 = arith.mulf %unpack3A_847, %broadcast_in_dim3A_840 : vector<16xf32>
        %add3A_855 = arith.addf %add3A_831, %mul3A_854 : vector<16xf32>
        %mul3A_856 = arith.mulf %unpack3A_852, %broadcast_in_dim3A_843 : vector<16xf32>
        %add3A_857 = arith.addf %add3A_855, %mul3A_856 : vector<16xf32>
        %mul3A_858 = arith.mulf %unpack3A_848, %broadcast_in_dim3A_840 : vector<16xf32>
        %add3A_859 = arith.addf %add3A_835, %mul3A_858 : vector<16xf32>
        %mul3A_860 = arith.mulf %unpack3A_853, %broadcast_in_dim3A_843 : vector<16xf32>
        %add3A_861 = arith.addf %add3A_859, %mul3A_860 : vector<16xf32>
        %add3A_862 = arith.constant 3 : i32
        %add3A_863 = arith.addi %add3A_786, %add3A_862 : i32
        %slice3A_864 = vector.extract_strided_slice %get3A_772 {offsets = [3], sizes = [1], strides = [1]} : vector<16xf32> to vector<1xf32>
        %squeeze3A_865 = vector.extract %slice3A_864[0] : f32 from vector<1xf32>
        %broadcast_in_dim3A_866 = vector.broadcast %squeeze3A_865 : f32 to vector<16xf32>
        %slice3A_867 = vector.extract_strided_slice %get3A_779 {offsets = [3], sizes = [1], strides = [1]} : vector<16xf32> to vector<1xf32>
        %squeeze3A_868 = vector.extract %slice3A_867[0] : f32 from vector<1xf32>
        %broadcast_in_dim3A_869 = vector.broadcast %squeeze3A_868 : f32 to vector<16xf32>
        %get3A_870 = arith.index_cast %add3A_863 : i32 to index
        %get3A_871 = arith.constant 0 : index
        %get3A_872 = tpu.vector_load %arg15[%get3A_870, %get3A_871] {strides = array<i32>} : memref<1280x64xbf16, #tpu.memory_space<vmem>>, vector<32xbf16>,
        %unpack3A_873 = tpu.unpack_subelements %get3A_872, 0 {pack_format = #tpu.pack_format<interleaved>} : vector<32xbf16> -> vector<16xf32>
        %unpack3A_874 = tpu.unpack_subelements %get3A_872, 1 {pack_format = #tpu.pack_format<interleaved>} : vector<32xbf16> -> vector<16xf32>
        %get3A_875 = arith.index_cast %add3A_863 : i32 to index
        %get3A_876 = arith.constant 32 : index
        %get3A_877 = tpu.vector_load %arg15[%get3A_875, %get3A_876] {strides = array<i32>} : memref<1280x64xbf16, #tpu.memory_space<vmem>>, vector<32xbf16>,
        %unpack3A_878 = tpu.unpack_subelements %get3A_877, 0 {pack_format = #tpu.pack_format<interleaved>} : vector<32xbf16> -> vector<16xf32>
        %unpack3A_879 = tpu.unpack_subelements %get3A_877, 1 {pack_format = #tpu.pack_format<interleaved>} : vector<32xbf16> -> vector<16xf32>
        %mul3A_880 = arith.mulf %unpack3A_873, %broadcast_in_dim3A_866 : vector<16xf32>
        %add3A_881 = arith.addf %add3A_857, %mul3A_880 : vector<16xf32>
        %mul3A_882 = arith.mulf %unpack3A_878, %broadcast_in_dim3A_869 : vector<16xf32>
        %add3A_883 = arith.addf %add3A_881, %mul3A_882 : vector<16xf32>
        %mul3A_884 = arith.mulf %unpack3A_874, %broadcast_in_dim3A_866 : vector<16xf32>
        %add3A_885 = arith.addf %add3A_861, %mul3A_884 : vector<16xf32>
        %mul3A_886 = arith.mulf %unpack3A_879, %broadcast_in_dim3A_869 : vector<16xf32>
        %add3A_887 = arith.addf %add3A_885, %mul3A_886 : vector<16xf32>
        %add3A_888 = arith.constant 4 : i32
        %add3A_889 = arith.addi %add3A_786, %add3A_888 : i32
        %slice3A_890 = vector.extract_strided_slice %get3A_772 {offsets = [4], sizes = [1], strides = [1]} : vector<16xf32> to vector<1xf32>
        %squeeze3A_891 = vector.extract %slice3A_890[0] : f32 from vector<1xf32>
        %broadcast_in_dim3A_892 = vector.broadcast %squeeze3A_891 : f32 to vector<16xf32>
        %slice3A_893 = vector.extract_strided_slice %get3A_779 {offsets = [4], sizes = [1], strides = [1]} : vector<16xf32> to vector<1xf32>
        %squeeze3A_894 = vector.extract %slice3A_893[0] : f32 from vector<1xf32>
        %broadcast_in_dim3A_895 = vector.broadcast %squeeze3A_894 : f32 to vector<16xf32>
        %get3A_896 = arith.index_cast %add3A_889 : i32 to index
        %get3A_897 = arith.constant 0 : index
        %get3A_898 = tpu.vector_load %arg15[%get3A_896, %get3A_897] {strides = array<i32>} : memref<1280x64xbf16, #tpu.memory_space<vmem>>, vector<32xbf16>,
        %unpack3A_899 = tpu.unpack_subelements %get3A_898, 0 {pack_format = #tpu.pack_format<interleaved>} : vector<32xbf16> -> vector<16xf32>
        %unpack3A_900 = tpu.unpack_subelements %get3A_898, 1 {pack_format = #tpu.pack_format<interleaved>} : vector<32xbf16> -> vector<16xf32>
        %get3A_901 = arith.index_cast %add3A_889 : i32 to index
        %get3A_902 = arith.constant 32 : index
        %get3A_903 = tpu.vector_load %arg15[%get3A_901, %get3A_902] {strides = array<i32>} : memref<1280x64xbf16, #tpu.memory_space<vmem>>, vector<32xbf16>,
        %unpack3A_904 = tpu.unpack_subelements %get3A_903, 0 {pack_format = #tpu.pack_format<interleaved>} : vector<32xbf16> -> vector<16xf32>
        %unpack3A_905 = tpu.unpack_subelements %get3A_903, 1 {pack_format = #tpu.pack_format<interleaved>} : vector<32xbf16> -> vector<16xf32>
        %mul3A_906 = arith.mulf %unpack3A_899, %broadcast_in_dim3A_892 : vector<16xf32>
        %add3A_907 = arith.addf %add3A_883, %mul3A_906 : vector<16xf32>
        %mul3A_908 = arith.mulf %unpack3A_904, %broadcast_in_dim3A_895 : vector<16xf32>
        %add3A_909 = arith.addf %add3A_907, %mul3A_908 : vector<16xf32>
        %mul3A_910 = arith.mulf %unpack3A_900, %broadcast_in_dim3A_892 : vector<16xf32>
        %add3A_911 = arith.addf %add3A_887, %mul3A_910 : vector<16xf32>
        %mul3A_912 = arith.mulf %unpack3A_905, %broadcast_in_dim3A_895 : vector<16xf32>
        %add3A_913 = arith.addf %add3A_911, %mul3A_912 : vector<16xf32>
        %add3A_914 = arith.constant 5 : i32
        %add3A_915 = arith.addi %add3A_786, %add3A_914 : i32
        %slice3A_916 = vector.extract_strided_slice %get3A_772 {offsets = [5], sizes = [1], strides = [1]} : vector<16xf32> to vector<1xf32>
        %squeeze3A_917 = vector.extract %slice3A_916[0] : f32 from vector<1xf32>
        %broadcast_in_dim3A_918 = vector.broadcast %squeeze3A_917 : f32 to vector<16xf32>
        %slice3A_919 = vector.extract_strided_slice %get3A_779 {offsets = [5], sizes = [1], strides = [1]} : vector<16xf32> to vector<1xf32>
        %squeeze3A_920 = vector.extract %slice3A_919[0] : f32 from vector<1xf32>
        %broadcast_in_dim3A_921 = vector.broadcast %squeeze3A_920 : f32 to vector<16xf32>
        %get3A_922 = arith.index_cast %add3A_915 : i32 to index
        %get3A_923 = arith.constant 0 : index
        %get3A_924 = tpu.vector_load %arg15[%get3A_922, %get3A_923] {strides = array<i32>} : memref<1280x64xbf16, #tpu.memory_space<vmem>>, vector<32xbf16>,
        %unpack3A_925 = tpu.unpack_subelements %get3A_924, 0 {pack_format = #tpu.pack_format<interleaved>} : vector<32xbf16> -> vector<16xf32>
        %unpack3A_926 = tpu.unpack_subelements %get3A_924, 1 {pack_format = #tpu.pack_format<interleaved>} : vector<32xbf16> -> vector<16xf32>
        %get3A_927 = arith.index_cast %add3A_915 : i32 to index
        %get3A_928 = arith.constant 32 : index
        %get3A_929 = tpu.vector_load %arg15[%get3A_927, %get3A_928] {strides = array<i32>} : memref<1280x64xbf16, #tpu.memory_space<vmem>>, vector<32xbf16>,
        %unpack3A_930 = tpu.unpack_subelements %get3A_929, 0 {pack_format = #tpu.pack_format<interleaved>} : vector<32xbf16> -> vector<16xf32>
        %unpack3A_931 = tpu.unpack_subelements %get3A_929, 1 {pack_format = #tpu.pack_format<interleaved>} : vector<32xbf16> -> vector<16xf32>
        %mul3A_932 = arith.mulf %unpack3A_925, %broadcast_in_dim3A_918 : vector<16xf32>
        %add3A_933 = arith.addf %add3A_909, %mul3A_932 : vector<16xf32>
        %mul3A_934 = arith.mulf %unpack3A_930, %broadcast_in_dim3A_921 : vector<16xf32>
        %add3A_935 = arith.addf %add3A_933, %mul3A_934 : vector<16xf32>
        %mul3A_936 = arith.mulf %unpack3A_926, %broadcast_in_dim3A_918 : vector<16xf32>
        %add3A_937 = arith.addf %add3A_913, %mul3A_936 : vector<16xf32>
        %mul3A_938 = arith.mulf %unpack3A_931, %broadcast_in_dim3A_921 : vector<16xf32>
        %add3A_939 = arith.addf %add3A_937, %mul3A_938 : vector<16xf32>
        %add3A_940 = arith.constant 6 : i32
        %add3A_941 = arith.addi %add3A_786, %add3A_940 : i32
        %slice3A_942 = vector.extract_strided_slice %get3A_772 {offsets = [6], sizes = [1], strides = [1]} : vector<16xf32> to vector<1xf32>
        %squeeze3A_943 = vector.extract %slice3A_942[0] : f32 from vector<1xf32>
        %broadcast_in_dim3A_944 = vector.broadcast %squeeze3A_943 : f32 to vector<16xf32>
        %slice3A_945 = vector.extract_strided_slice %get3A_779 {offsets = [6], sizes = [1], strides = [1]} : vector<16xf32> to vector<1xf32>
        %squeeze3A_946 = vector.extract %slice3A_945[0] : f32 from vector<1xf32>
        %broadcast_in_dim3A_947 = vector.broadcast %squeeze3A_946 : f32 to vector<16xf32>
        %get3A_948 = arith.index_cast %add3A_941 : i32 to index
        %get3A_949 = arith.constant 0 : index
        %get3A_950 = tpu.vector_load %arg15[%get3A_948, %get3A_949] {strides = array<i32>} : memref<1280x64xbf16, #tpu.memory_space<vmem>>, vector<32xbf16>,
        %unpack3A_951 = tpu.unpack_subelements %get3A_950, 0 {pack_format = #tpu.pack_format<interleaved>} : vector<32xbf16> -> vector<16xf32>
        %unpack3A_952 = tpu.unpack_subelements %get3A_950, 1 {pack_format = #tpu.pack_format<interleaved>} : vector<32xbf16> -> vector<16xf32>
        %get3A_953 = arith.index_cast %add3A_941 : i32 to index
        %get3A_954 = arith.constant 32 : index
        %get3A_955 = tpu.vector_load %arg15[%get3A_953, %get3A_954] {strides = array<i32>} : memref<1280x64xbf16, #tpu.memory_space<vmem>>, vector<32xbf16>,
        %unpack3A_956 = tpu.unpack_subelements %get3A_955, 0 {pack_format = #tpu.pack_format<interleaved>} : vector<32xbf16> -> vector<16xf32>
        %unpack3A_957 = tpu.unpack_subelements %get3A_955, 1 {pack_format = #tpu.pack_format<interleaved>} : vector<32xbf16> -> vector<16xf32>
        %mul3A_958 = arith.mulf %unpack3A_951, %broadcast_in_dim3A_944 : vector<16xf32>
        %add3A_959 = arith.addf %add3A_935, %mul3A_958 : vector<16xf32>
        %mul3A_960 = arith.mulf %unpack3A_956, %broadcast_in_dim3A_947 : vector<16xf32>
        %add3A_961 = arith.addf %add3A_959, %mul3A_960 : vector<16xf32>
        %mul3A_962 = arith.mulf %unpack3A_952, %broadcast_in_dim3A_944 : vector<16xf32>
        %add3A_963 = arith.addf %add3A_939, %mul3A_962 : vector<16xf32>
        %mul3A_964 = arith.mulf %unpack3A_957, %broadcast_in_dim3A_947 : vector<16xf32>
        %add3A_965 = arith.addf %add3A_963, %mul3A_964 : vector<16xf32>
        %add3A_966 = arith.constant 7 : i32
        %add3A_967 = arith.addi %add3A_786, %add3A_966 : i32
        %slice3A_968 = vector.extract_strided_slice %get3A_772 {offsets = [7], sizes = [1], strides = [1]} : vector<16xf32> to vector<1xf32>
        %squeeze3A_969 = vector.extract %slice3A_968[0] : f32 from vector<1xf32>
        %broadcast_in_dim3A_970 = vector.broadcast %squeeze3A_969 : f32 to vector<16xf32>
        %slice3A_971 = vector.extract_strided_slice %get3A_779 {offsets = [7], sizes = [1], strides = [1]} : vector<16xf32> to vector<1xf32>
        %squeeze3A_972 = vector.extract %slice3A_971[0] : f32 from vector<1xf32>
        %broadcast_in_dim3A_973 = vector.broadcast %squeeze3A_972 : f32 to vector<16xf32>
        %get3A_974 = arith.index_cast %add3A_967 : i32 to index
        %get3A_975 = arith.constant 0 : index
        %get3A_976 = tpu.vector_load %arg15[%get3A_974, %get3A_975] {strides = array<i32>} : memref<1280x64xbf16, #tpu.memory_space<vmem>>, vector<32xbf16>,
        %unpack3A_977 = tpu.unpack_subelements %get3A_976, 0 {pack_format = #tpu.pack_format<interleaved>} : vector<32xbf16> -> vector<16xf32>
        %unpack3A_978 = tpu.unpack_subelements %get3A_976, 1 {pack_format = #tpu.pack_format<interleaved>} : vector<32xbf16> -> vector<16xf32>
        %get3A_979 = arith.index_cast %add3A_967 : i32 to index
        %get3A_980 = arith.constant 32 : index
        %get3A_981 = tpu.vector_load %arg15[%get3A_979, %get3A_980] {strides = array<i32>} : memref<1280x64xbf16, #tpu.memory_space<vmem>>, vector<32xbf16>,
        %unpack3A_982 = tpu.unpack_subelements %get3A_981, 0 {pack_format = #tpu.pack_format<interleaved>} : vector<32xbf16> -> vector<16xf32>
        %unpack3A_983 = tpu.unpack_subelements %get3A_981, 1 {pack_format = #tpu.pack_format<interleaved>} : vector<32xbf16> -> vector<16xf32>
        %mul3A_984 = arith.mulf %unpack3A_977, %broadcast_in_dim3A_970 : vector<16xf32>
        %add3A_985 = arith.addf %add3A_961, %mul3A_984 : vector<16xf32>
        %mul3A_986 = arith.mulf %unpack3A_982, %broadcast_in_dim3A_973 : vector<16xf32>
        %add3A_987 = arith.addf %add3A_985, %mul3A_986 : vector<16xf32>
        %mul3A_988 = arith.mulf %unpack3A_978, %broadcast_in_dim3A_970 : vector<16xf32>
        %add3A_989 = arith.addf %add3A_965, %mul3A_988 : vector<16xf32>
        %mul3A_990 = arith.mulf %unpack3A_983, %broadcast_in_dim3A_973 : vector<16xf32>
        %add3A_991 = arith.addf %add3A_989, %mul3A_990 : vector<16xf32>
        %add3A_992 = arith.constant 8 : i32
        %add3A_993 = arith.addi %add3A_786, %add3A_992 : i32
        %slice3A_994 = vector.extract_strided_slice %get3A_772 {offsets = [8], sizes = [1], strides = [1]} : vector<16xf32> to vector<1xf32>
        %squeeze3A_995 = vector.extract %slice3A_994[0] : f32 from vector<1xf32>
        %broadcast_in_dim3A_996 = vector.broadcast %squeeze3A_995 : f32 to vector<16xf32>
        %slice3A_997 = vector.extract_strided_slice %get3A_779 {offsets = [8], sizes = [1], strides = [1]} : vector<16xf32> to vector<1xf32>
        %squeeze3A_998 = vector.extract %slice3A_997[0] : f32 from vector<1xf32>
        %broadcast_in_dim3A_999 = vector.broadcast %squeeze3A_998 : f32 to vector<16xf32>
        %get3A_1000 = arith.index_cast %add3A_993 : i32 to index
        %get3A_1001 = arith.constant 0 : index
        %get3A_1002 = tpu.vector_load %arg15[%get3A_1000, %get3A_1001] {strides = array<i32>} : memref<1280x64xbf16, #tpu.memory_space<vmem>>, vector<32xbf16>,
        %unpack3A_1003 = tpu.unpack_subelements %get3A_1002, 0 {pack_format = #tpu.pack_format<interleaved>} : vector<32xbf16> -> vector<16xf32>
        %unpack3A_1004 = tpu.unpack_subelements %get3A_1002, 1 {pack_format = #tpu.pack_format<interleaved>} : vector<32xbf16> -> vector<16xf32>
        %get3A_1005 = arith.index_cast %add3A_993 : i32 to index
        %get3A_1006 = arith.constant 32 : index
        %get3A_1007 = tpu.vector_load %arg15[%get3A_1005, %get3A_1006] {strides = array<i32>} : memref<1280x64xbf16, #tpu.memory_space<vmem>>, vector<32xbf16>,
        %unpack3A_1008 = tpu.unpack_subelements %get3A_1007, 0 {pack_format = #tpu.pack_format<interleaved>} : vector<32xbf16> -> vector<16xf32>
        %unpack3A_1009 = tpu.unpack_subelements %get3A_1007, 1 {pack_format = #tpu.pack_format<interleaved>} : vector<32xbf16> -> vector<16xf32>
        %mul3A_1010 = arith.mulf %unpack3A_1003, %broadcast_in_dim3A_996 : vector<16xf32>
        %add3A_1011 = arith.addf %add3A_987, %mul3A_1010 : vector<16xf32>
        %mul3A_1012 = arith.mulf %unpack3A_1008, %broadcast_in_dim3A_999 : vector<16xf32>
        %add3A_1013 = arith.addf %add3A_1011, %mul3A_1012 : vector<16xf32>
        %mul3A_1014 = arith.mulf %unpack3A_1004, %broadcast_in_dim3A_996 : vector<16xf32>
        %add3A_1015 = arith.addf %add3A_991, %mul3A_1014 : vector<16xf32>
        %mul3A_1016 = arith.mulf %unpack3A_1009, %broadcast_in_dim3A_999 : vector<16xf32>
        %add3A_1017 = arith.addf %add3A_1015, %mul3A_1016 : vector<16xf32>
        %add3A_1018 = arith.constant 9 : i32
        %add3A_1019 = arith.addi %add3A_786, %add3A_1018 : i32
        %slice3A_1020 = vector.extract_strided_slice %get3A_772 {offsets = [9], sizes = [1], strides = [1]} : vector<16xf32> to vector<1xf32>
        %squeeze3A_1021 = vector.extract %slice3A_1020[0] : f32 from vector<1xf32>
        %broadcast_in_dim3A_1022 = vector.broadcast %squeeze3A_1021 : f32 to vector<16xf32>
        %slice3A_1023 = vector.extract_strided_slice %get3A_779 {offsets = [9], sizes = [1], strides = [1]} : vector<16xf32> to vector<1xf32>
        %squeeze3A_1024 = vector.extract %slice3A_1023[0] : f32 from vector<1xf32>
        %broadcast_in_dim3A_1025 = vector.broadcast %squeeze3A_1024 : f32 to vector<16xf32>
        %get3A_1026 = arith.index_cast %add3A_1019 : i32 to index
        %get3A_1027 = arith.constant 0 : index
        %get3A_1028 = tpu.vector_load %arg15[%get3A_1026, %get3A_1027] {strides = array<i32>} : memref<1280x64xbf16, #tpu.memory_space<vmem>>, vector<32xbf16>,
        %unpack3A_1029 = tpu.unpack_subelements %get3A_1028, 0 {pack_format = #tpu.pack_format<interleaved>} : vector<32xbf16> -> vector<16xf32>
        %unpack3A_1030 = tpu.unpack_subelements %get3A_1028, 1 {pack_format = #tpu.pack_format<interleaved>} : vector<32xbf16> -> vector<16xf32>
        %get3A_1031 = arith.index_cast %add3A_1019 : i32 to index
        %get3A_1032 = arith.constant 32 : index
        %get3A_1033 = tpu.vector_load %arg15[%get3A_1031, %get3A_1032] {strides = array<i32>} : memref<1280x64xbf16, #tpu.memory_space<vmem>>, vector<32xbf16>,
        %unpack3A_1034 = tpu.unpack_subelements %get3A_1033, 0 {pack_format = #tpu.pack_format<interleaved>} : vector<32xbf16> -> vector<16xf32>
        %unpack3A_1035 = tpu.unpack_subelements %get3A_1033, 1 {pack_format = #tpu.pack_format<interleaved>} : vector<32xbf16> -> vector<16xf32>
        %mul3A_1036 = arith.mulf %unpack3A_1029, %broadcast_in_dim3A_1022 : vector<16xf32>
        %add3A_1037 = arith.addf %add3A_1013, %mul3A_1036 : vector<16xf32>
        %mul3A_1038 = arith.mulf %unpack3A_1034, %broadcast_in_dim3A_1025 : vector<16xf32>
        %add3A_1039 = arith.addf %add3A_1037, %mul3A_1038 : vector<16xf32>
        %mul3A_1040 = arith.mulf %unpack3A_1030, %broadcast_in_dim3A_1022 : vector<16xf32>
        %add3A_1041 = arith.addf %add3A_1017, %mul3A_1040 : vector<16xf32>
        %mul3A_1042 = arith.mulf %unpack3A_1035, %broadcast_in_dim3A_1025 : vector<16xf32>
        %add3A_1043 = arith.addf %add3A_1041, %mul3A_1042 : vector<16xf32>
        %add3A_1044 = arith.constant 10 : i32
        %add3A_1045 = arith.addi %add3A_786, %add3A_1044 : i32
        %slice3A_1046 = vector.extract_strided_slice %get3A_772 {offsets = [10], sizes = [1], strides = [1]} : vector<16xf32> to vector<1xf32>
        %squeeze3A_1047 = vector.extract %slice3A_1046[0] : f32 from vector<1xf32>
        %broadcast_in_dim3A_1048 = vector.broadcast %squeeze3A_1047 : f32 to vector<16xf32>
        %slice3A_1049 = vector.extract_strided_slice %get3A_779 {offsets = [10], sizes = [1], strides = [1]} : vector<16xf32> to vector<1xf32>
        %squeeze3A_1050 = vector.extract %slice3A_1049[0] : f32 from vector<1xf32>
        %broadcast_in_dim3A_1051 = vector.broadcast %squeeze3A_1050 : f32 to vector<16xf32>
        %get3A_1052 = arith.index_cast %add3A_1045 : i32 to index
        %get3A_1053 = arith.constant 0 : index
        %get3A_1054 = tpu.vector_load %arg15[%get3A_1052, %get3A_1053] {strides = array<i32>} : memref<1280x64xbf16, #tpu.memory_space<vmem>>, vector<32xbf16>,
        %unpack3A_1055 = tpu.unpack_subelements %get3A_1054, 0 {pack_format = #tpu.pack_format<interleaved>} : vector<32xbf16> -> vector<16xf32>
        %unpack3A_1056 = tpu.unpack_subelements %get3A_1054, 1 {pack_format = #tpu.pack_format<interleaved>} : vector<32xbf16> -> vector<16xf32>
        %get3A_1057 = arith.index_cast %add3A_1045 : i32 to index
        %get3A_1058 = arith.constant 32 : index
        %get3A_1059 = tpu.vector_load %arg15[%get3A_1057, %get3A_1058] {strides = array<i32>} : memref<1280x64xbf16, #tpu.memory_space<vmem>>, vector<32xbf16>,
        %unpack3A_1060 = tpu.unpack_subelements %get3A_1059, 0 {pack_format = #tpu.pack_format<interleaved>} : vector<32xbf16> -> vector<16xf32>
        %unpack3A_1061 = tpu.unpack_subelements %get3A_1059, 1 {pack_format = #tpu.pack_format<interleaved>} : vector<32xbf16> -> vector<16xf32>
        %mul3A_1062 = arith.mulf %unpack3A_1055, %broadcast_in_dim3A_1048 : vector<16xf32>
        %add3A_1063 = arith.addf %add3A_1039, %mul3A_1062 : vector<16xf32>
        %mul3A_1064 = arith.mulf %unpack3A_1060, %broadcast_in_dim3A_1051 : vector<16xf32>
        %add3A_1065 = arith.addf %add3A_1063, %mul3A_1064 : vector<16xf32>
        %mul3A_1066 = arith.mulf %unpack3A_1056, %broadcast_in_dim3A_1048 : vector<16xf32>
        %add3A_1067 = arith.addf %add3A_1043, %mul3A_1066 : vector<16xf32>
        %mul3A_1068 = arith.mulf %unpack3A_1061, %broadcast_in_dim3A_1051 : vector<16xf32>
        %add3A_1069 = arith.addf %add3A_1067, %mul3A_1068 : vector<16xf32>
        %add3A_1070 = arith.constant 11 : i32
        %add3A_1071 = arith.addi %add3A_786, %add3A_1070 : i32
        %slice3A_1072 = vector.extract_strided_slice %get3A_772 {offsets = [11], sizes = [1], strides = [1]} : vector<16xf32> to vector<1xf32>
        %squeeze3A_1073 = vector.extract %slice3A_1072[0] : f32 from vector<1xf32>
        %broadcast_in_dim3A_1074 = vector.broadcast %squeeze3A_1073 : f32 to vector<16xf32>
        %slice3A_1075 = vector.extract_strided_slice %get3A_779 {offsets = [11], sizes = [1], strides = [1]} : vector<16xf32> to vector<1xf32>
        %squeeze3A_1076 = vector.extract %slice3A_1075[0] : f32 from vector<1xf32>
        %broadcast_in_dim3A_1077 = vector.broadcast %squeeze3A_1076 : f32 to vector<16xf32>
        %get3A_1078 = arith.index_cast %add3A_1071 : i32 to index
        %get3A_1079 = arith.constant 0 : index
        %get3A_1080 = tpu.vector_load %arg15[%get3A_1078, %get3A_1079] {strides = array<i32>} : memref<1280x64xbf16, #tpu.memory_space<vmem>>, vector<32xbf16>,
        %unpack3A_1081 = tpu.unpack_subelements %get3A_1080, 0 {pack_format = #tpu.pack_format<interleaved>} : vector<32xbf16> -> vector<16xf32>
        %unpack3A_1082 = tpu.unpack_subelements %get3A_1080, 1 {pack_format = #tpu.pack_format<interleaved>} : vector<32xbf16> -> vector<16xf32>
        %get3A_1083 = arith.index_cast %add3A_1071 : i32 to index
        %get3A_1084 = arith.constant 32 : index
        %get3A_1085 = tpu.vector_load %arg15[%get3A_1083, %get3A_1084] {strides = array<i32>} : memref<1280x64xbf16, #tpu.memory_space<vmem>>, vector<32xbf16>,
        %unpack3A_1086 = tpu.unpack_subelements %get3A_1085, 0 {pack_format = #tpu.pack_format<interleaved>} : vector<32xbf16> -> vector<16xf32>
        %unpack3A_1087 = tpu.unpack_subelements %get3A_1085, 1 {pack_format = #tpu.pack_format<interleaved>} : vector<32xbf16> -> vector<16xf32>
        %mul3A_1088 = arith.mulf %unpack3A_1081, %broadcast_in_dim3A_1074 : vector<16xf32>
        %add3A_1089 = arith.addf %add3A_1065, %mul3A_1088 : vector<16xf32>
        %mul3A_1090 = arith.mulf %unpack3A_1086, %broadcast_in_dim3A_1077 : vector<16xf32>
        %add3A_1091 = arith.addf %add3A_1089, %mul3A_1090 : vector<16xf32>
        %mul3A_1092 = arith.mulf %unpack3A_1082, %broadcast_in_dim3A_1074 : vector<16xf32>
        %add3A_1093 = arith.addf %add3A_1069, %mul3A_1092 : vector<16xf32>
        %mul3A_1094 = arith.mulf %unpack3A_1087, %broadcast_in_dim3A_1077 : vector<16xf32>
        %add3A_1095 = arith.addf %add3A_1093, %mul3A_1094 : vector<16xf32>
        %add3A_1096 = arith.constant 12 : i32
        %add3A_1097 = arith.addi %add3A_786, %add3A_1096 : i32
        %slice3A_1098 = vector.extract_strided_slice %get3A_772 {offsets = [12], sizes = [1], strides = [1]} : vector<16xf32> to vector<1xf32>
        %squeeze3A_1099 = vector.extract %slice3A_1098[0] : f32 from vector<1xf32>
        %broadcast_in_dim3A_1100 = vector.broadcast %squeeze3A_1099 : f32 to vector<16xf32>
        %slice3A_1101 = vector.extract_strided_slice %get3A_779 {offsets = [12], sizes = [1], strides = [1]} : vector<16xf32> to vector<1xf32>
        %squeeze3A_1102 = vector.extract %slice3A_1101[0] : f32 from vector<1xf32>
        %broadcast_in_dim3A_1103 = vector.broadcast %squeeze3A_1102 : f32 to vector<16xf32>
        %get3A_1104 = arith.index_cast %add3A_1097 : i32 to index
        %get3A_1105 = arith.constant 0 : index
        %get3A_1106 = tpu.vector_load %arg15[%get3A_1104, %get3A_1105] {strides = array<i32>} : memref<1280x64xbf16, #tpu.memory_space<vmem>>, vector<32xbf16>,
        %unpack3A_1107 = tpu.unpack_subelements %get3A_1106, 0 {pack_format = #tpu.pack_format<interleaved>} : vector<32xbf16> -> vector<16xf32>
        %unpack3A_1108 = tpu.unpack_subelements %get3A_1106, 1 {pack_format = #tpu.pack_format<interleaved>} : vector<32xbf16> -> vector<16xf32>
        %get3A_1109 = arith.index_cast %add3A_1097 : i32 to index
        %get3A_1110 = arith.constant 32 : index
        %get3A_1111 = tpu.vector_load %arg15[%get3A_1109, %get3A_1110] {strides = array<i32>} : memref<1280x64xbf16, #tpu.memory_space<vmem>>, vector<32xbf16>,
        %unpack3A_1112 = tpu.unpack_subelements %get3A_1111, 0 {pack_format = #tpu.pack_format<interleaved>} : vector<32xbf16> -> vector<16xf32>
        %unpack3A_1113 = tpu.unpack_subelements %get3A_1111, 1 {pack_format = #tpu.pack_format<interleaved>} : vector<32xbf16> -> vector<16xf32>
        %mul3A_1114 = arith.mulf %unpack3A_1107, %broadcast_in_dim3A_1100 : vector<16xf32>
        %add3A_1115 = arith.addf %add3A_1091, %mul3A_1114 : vector<16xf32>
        %mul3A_1116 = arith.mulf %unpack3A_1112, %broadcast_in_dim3A_1103 : vector<16xf32>
        %add3A_1117 = arith.addf %add3A_1115, %mul3A_1116 : vector<16xf32>
        %mul3A_1118 = arith.mulf %unpack3A_1108, %broadcast_in_dim3A_1100 : vector<16xf32>
        %add3A_1119 = arith.addf %add3A_1095, %mul3A_1118 : vector<16xf32>
        %mul3A_1120 = arith.mulf %unpack3A_1113, %broadcast_in_dim3A_1103 : vector<16xf32>
        %add3A_1121 = arith.addf %add3A_1119, %mul3A_1120 : vector<16xf32>
        %add3A_1122 = arith.constant 13 : i32
        %add3A_1123 = arith.addi %add3A_786, %add3A_1122 : i32
        %slice3A_1124 = vector.extract_strided_slice %get3A_772 {offsets = [13], sizes = [1], strides = [1]} : vector<16xf32> to vector<1xf32>
        %squeeze3A_1125 = vector.extract %slice3A_1124[0] : f32 from vector<1xf32>
        %broadcast_in_dim3A_1126 = vector.broadcast %squeeze3A_1125 : f32 to vector<16xf32>
        %slice3A_1127 = vector.extract_strided_slice %get3A_779 {offsets = [13], sizes = [1], strides = [1]} : vector<16xf32> to vector<1xf32>
        %squeeze3A_1128 = vector.extract %slice3A_1127[0] : f32 from vector<1xf32>
        %broadcast_in_dim3A_1129 = vector.broadcast %squeeze3A_1128 : f32 to vector<16xf32>
        %get3A_1130 = arith.index_cast %add3A_1123 : i32 to index
        %get3A_1131 = arith.constant 0 : index
        %get3A_1132 = tpu.vector_load %arg15[%get3A_1130, %get3A_1131] {strides = array<i32>} : memref<1280x64xbf16, #tpu.memory_space<vmem>>, vector<32xbf16>,
        %unpack3A_1133 = tpu.unpack_subelements %get3A_1132, 0 {pack_format = #tpu.pack_format<interleaved>} : vector<32xbf16> -> vector<16xf32>
        %unpack3A_1134 = tpu.unpack_subelements %get3A_1132, 1 {pack_format = #tpu.pack_format<interleaved>} : vector<32xbf16> -> vector<16xf32>
        %get3A_1135 = arith.index_cast %add3A_1123 : i32 to index
        %get3A_1136 = arith.constant 32 : index
        %get3A_1137 = tpu.vector_load %arg15[%get3A_1135, %get3A_1136] {strides = array<i32>} : memref<1280x64xbf16, #tpu.memory_space<vmem>>, vector<32xbf16>,
        %unpack3A_1138 = tpu.unpack_subelements %get3A_1137, 0 {pack_format = #tpu.pack_format<interleaved>} : vector<32xbf16> -> vector<16xf32>
        %unpack3A_1139 = tpu.unpack_subelements %get3A_1137, 1 {pack_format = #tpu.pack_format<interleaved>} : vector<32xbf16> -> vector<16xf32>
        %mul3A_1140 = arith.mulf %unpack3A_1133, %broadcast_in_dim3A_1126 : vector<16xf32>
        %add3A_1141 = arith.addf %add3A_1117, %mul3A_1140 : vector<16xf32>
        %mul3A_1142 = arith.mulf %unpack3A_1138, %broadcast_in_dim3A_1129 : vector<16xf32>
        %add3A_1143 = arith.addf %add3A_1141, %mul3A_1142 : vector<16xf32>
        %mul3A_1144 = arith.mulf %unpack3A_1134, %broadcast_in_dim3A_1126 : vector<16xf32>
        %add3A_1145 = arith.addf %add3A_1121, %mul3A_1144 : vector<16xf32>
        %mul3A_1146 = arith.mulf %unpack3A_1139, %broadcast_in_dim3A_1129 : vector<16xf32>
        %add3A_1147 = arith.addf %add3A_1145, %mul3A_1146 : vector<16xf32>
        %add3A_1148 = arith.constant 14 : i32
        %add3A_1149 = arith.addi %add3A_786, %add3A_1148 : i32
        %slice3A_1150 = vector.extract_strided_slice %get3A_772 {offsets = [14], sizes = [1], strides = [1]} : vector<16xf32> to vector<1xf32>
        %squeeze3A_1151 = vector.extract %slice3A_1150[0] : f32 from vector<1xf32>
        %broadcast_in_dim3A_1152 = vector.broadcast %squeeze3A_1151 : f32 to vector<16xf32>
        %slice3A_1153 = vector.extract_strided_slice %get3A_779 {offsets = [14], sizes = [1], strides = [1]} : vector<16xf32> to vector<1xf32>
        %squeeze3A_1154 = vector.extract %slice3A_1153[0] : f32 from vector<1xf32>
        %broadcast_in_dim3A_1155 = vector.broadcast %squeeze3A_1154 : f32 to vector<16xf32>
        %get3A_1156 = arith.index_cast %add3A_1149 : i32 to index
        %get3A_1157 = arith.constant 0 : index
        %get3A_1158 = tpu.vector_load %arg15[%get3A_1156, %get3A_1157] {strides = array<i32>} : memref<1280x64xbf16, #tpu.memory_space<vmem>>, vector<32xbf16>,
        %unpack3A_1159 = tpu.unpack_subelements %get3A_1158, 0 {pack_format = #tpu.pack_format<interleaved>} : vector<32xbf16> -> vector<16xf32>
        %unpack3A_1160 = tpu.unpack_subelements %get3A_1158, 1 {pack_format = #tpu.pack_format<interleaved>} : vector<32xbf16> -> vector<16xf32>
        %get3A_1161 = arith.index_cast %add3A_1149 : i32 to index
        %get3A_1162 = arith.constant 32 : index
        %get3A_1163 = tpu.vector_load %arg15[%get3A_1161, %get3A_1162] {strides = array<i32>} : memref<1280x64xbf16, #tpu.memory_space<vmem>>, vector<32xbf16>,
        %unpack3A_1164 = tpu.unpack_subelements %get3A_1163, 0 {pack_format = #tpu.pack_format<interleaved>} : vector<32xbf16> -> vector<16xf32>
        %unpack3A_1165 = tpu.unpack_subelements %get3A_1163, 1 {pack_format = #tpu.pack_format<interleaved>} : vector<32xbf16> -> vector<16xf32>
        %mul3A_1166 = arith.mulf %unpack3A_1159, %broadcast_in_dim3A_1152 : vector<16xf32>
        %add3A_1167 = arith.addf %add3A_1143, %mul3A_1166 : vector<16xf32>
        %mul3A_1168 = arith.mulf %unpack3A_1164, %broadcast_in_dim3A_1155 : vector<16xf32>
        %add3A_1169 = arith.addf %add3A_1167, %mul3A_1168 : vector<16xf32>
        %mul3A_1170 = arith.mulf %unpack3A_1160, %broadcast_in_dim3A_1152 : vector<16xf32>
        %add3A_1171 = arith.addf %add3A_1147, %mul3A_1170 : vector<16xf32>
        %mul3A_1172 = arith.mulf %unpack3A_1165, %broadcast_in_dim3A_1155 : vector<16xf32>
        %add3A_1173 = arith.addf %add3A_1171, %mul3A_1172 : vector<16xf32>
        %add3A_1174 = arith.constant 15 : i32
        %add3A_1175 = arith.addi %add3A_786, %add3A_1174 : i32
        %slice3A_1176 = vector.extract_strided_slice %get3A_772 {offsets = [15], sizes = [1], strides = [1]} : vector<16xf32> to vector<1xf32>
        %squeeze3A_1177 = vector.extract %slice3A_1176[0] : f32 from vector<1xf32>
        %broadcast_in_dim3A_1178 = vector.broadcast %squeeze3A_1177 : f32 to vector<16xf32>
        %slice3A_1179 = vector.extract_strided_slice %get3A_779 {offsets = [15], sizes = [1], strides = [1]} : vector<16xf32> to vector<1xf32>
        %squeeze3A_1180 = vector.extract %slice3A_1179[0] : f32 from vector<1xf32>
        %broadcast_in_dim3A_1181 = vector.broadcast %squeeze3A_1180 : f32 to vector<16xf32>
        %get3A_1182 = arith.index_cast %add3A_1175 : i32 to index
        %get3A_1183 = arith.constant 0 : index
        %get3A_1184 = tpu.vector_load %arg15[%get3A_1182, %get3A_1183] {strides = array<i32>} : memref<1280x64xbf16, #tpu.memory_space<vmem>>, vector<32xbf16>,
        %unpack3A_1185 = tpu.unpack_subelements %get3A_1184, 0 {pack_format = #tpu.pack_format<interleaved>} : vector<32xbf16> -> vector<16xf32>
        %unpack3A_1186 = tpu.unpack_subelements %get3A_1184, 1 {pack_format = #tpu.pack_format<interleaved>} : vector<32xbf16> -> vector<16xf32>
        %get3A_1187 = arith.index_cast %add3A_1175 : i32 to index
        %get3A_1188 = arith.constant 32 : index
        %get3A_1189 = tpu.vector_load %arg15[%get3A_1187, %get3A_1188] {strides = array<i32>} : memref<1280x64xbf16, #tpu.memory_space<vmem>>, vector<32xbf16>,
        %unpack3A_1190 = tpu.unpack_subelements %get3A_1189, 0 {pack_format = #tpu.pack_format<interleaved>} : vector<32xbf16> -> vector<16xf32>
        %unpack3A_1191 = tpu.unpack_subelements %get3A_1189, 1 {pack_format = #tpu.pack_format<interleaved>} : vector<32xbf16> -> vector<16xf32>
        %mul3A_1192 = arith.mulf %unpack3A_1185, %broadcast_in_dim3A_1178 : vector<16xf32>
        %add3A_1193 = arith.addf %add3A_1169, %mul3A_1192 : vector<16xf32>
        %mul3A_1194 = arith.mulf %unpack3A_1190, %broadcast_in_dim3A_1181 : vector<16xf32>
        %add3A_1195 = arith.addf %add3A_1193, %mul3A_1194 : vector<16xf32>
        %mul3A_1196 = arith.mulf %unpack3A_1186, %broadcast_in_dim3A_1178 : vector<16xf32>
        %add3A_1197 = arith.addf %add3A_1173, %mul3A_1196 : vector<16xf32>
        %mul3A_1198 = arith.mulf %unpack3A_1191, %broadcast_in_dim3A_1181 : vector<16xf32>
        %add3A_1199 = arith.addf %add3A_1197, %mul3A_1198 : vector<16xf32>
        %add3A_1200 = arith.constant 5 : i32
        %add3A_1201 = arith.addi %add3A_1200, %select_n3A : i32
        %mul3A_1202 = arith.constant 16 : i32
        %mul3A_1203 = arith.muli %sub3A_763, %mul3A_1202 : i32
        %get3A_1204 = arith.index_cast %add3A_1201 : i32 to index
        %get3A_1205 = arith.index_cast %mul3A_1203 : i32 to index
        %get3A_1206 = tpu.vector_load %arg13[%get3A_1204, %get3A_1205] {strides = array<i32>} : memref<20x128xf32, #tpu.memory_space<vmem>>, vector<16xf32>,
        %add3A_1207 = arith.constant 15 : i32
        %add3A_1208 = arith.addi %add3A_1207, %select_n3A : i32
        %mul3A_1209 = arith.constant 16 : i32
        %mul3A_1210 = arith.muli %sub3A_763, %mul3A_1209 : i32
        %get3A_1211 = arith.index_cast %add3A_1208 : i32 to index
        %get3A_1212 = arith.index_cast %mul3A_1210 : i32 to index
        %get3A_1213 = tpu.vector_load %arg13[%get3A_1211, %get3A_1212] {strides = array<i32>} : memref<20x128xf32, #tpu.memory_space<vmem>>, vector<16xf32>,
        %add3A_1214 = arith.constant 5 : i32
        %add3A_1215 = arith.addi %add3A_1214, %select_n3A : i32
        %mul3A_1216 = arith.constant 128 : i32
        %mul3A_1217 = arith.muli %add3A_1215, %mul3A_1216 : i32
        %mul3A_1218 = arith.constant 16 : i32
        %mul3A_1219 = arith.muli %sub3A_763, %mul3A_1218 : i32
        %add3A_1220 = arith.addi %mul3A_1217, %mul3A_1219 : i32
        %add3A_1221 = arith.constant 0 : i32
        %add3A_1222 = arith.addi %add3A_1220, %add3A_1221 : i32
        %slice3A_1223 = vector.extract_strided_slice %get3A_1206 {offsets = [0], sizes = [1], strides = [1]} : vector<16xf32> to vector<1xf32>
        %squeeze3A_1224 = vector.extract %slice3A_1223[0] : f32 from vector<1xf32>
        %broadcast_in_dim3A_1225 = vector.broadcast %squeeze3A_1224 : f32 to vector<16xf32>
        %slice3A_1226 = vector.extract_strided_slice %get3A_1213 {offsets = [0], sizes = [1], strides = [1]} : vector<16xf32> to vector<1xf32>
        %squeeze3A_1227 = vector.extract %slice3A_1226[0] : f32 from vector<1xf32>
        %broadcast_in_dim3A_1228 = vector.broadcast %squeeze3A_1227 : f32 to vector<16xf32>
        %get3A_1229 = arith.index_cast %add3A_1222 : i32 to index
        %get3A_1230 = arith.constant 0 : index
        %get3A_1231 = tpu.vector_load %arg15[%get3A_1229, %get3A_1230] {strides = array<i32>} : memref<1280x64xbf16, #tpu.memory_space<vmem>>, vector<32xbf16>,
        %unpack3A_1232 = tpu.unpack_subelements %get3A_1231, 0 {pack_format = #tpu.pack_format<interleaved>} : vector<32xbf16> -> vector<16xf32>
        %unpack3A_1233 = tpu.unpack_subelements %get3A_1231, 1 {pack_format = #tpu.pack_format<interleaved>} : vector<32xbf16> -> vector<16xf32>
        %get3A_1234 = arith.index_cast %add3A_1222 : i32 to index
        %get3A_1235 = arith.constant 32 : index
        %get3A_1236 = tpu.vector_load %arg15[%get3A_1234, %get3A_1235] {strides = array<i32>} : memref<1280x64xbf16, #tpu.memory_space<vmem>>, vector<32xbf16>,
        %unpack3A_1237 = tpu.unpack_subelements %get3A_1236, 0 {pack_format = #tpu.pack_format<interleaved>} : vector<32xbf16> -> vector<16xf32>
        %unpack3A_1238 = tpu.unpack_subelements %get3A_1236, 1 {pack_format = #tpu.pack_format<interleaved>} : vector<32xbf16> -> vector<16xf32>
        %mul3A_1239 = arith.mulf %unpack3A_1232, %broadcast_in_dim3A_1225 : vector<16xf32>
        %add3A_1240 = arith.addf %add3A_1195, %mul3A_1239 : vector<16xf32>
        %mul3A_1241 = arith.mulf %unpack3A_1237, %broadcast_in_dim3A_1228 : vector<16xf32>
        %add3A_1242 = arith.addf %add3A_1240, %mul3A_1241 : vector<16xf32>
        %mul3A_1243 = arith.mulf %unpack3A_1233, %broadcast_in_dim3A_1225 : vector<16xf32>
        %add3A_1244 = arith.addf %add3A_1199, %mul3A_1243 : vector<16xf32>
        %mul3A_1245 = arith.mulf %unpack3A_1238, %broadcast_in_dim3A_1228 : vector<16xf32>
        %add3A_1246 = arith.addf %add3A_1244, %mul3A_1245 : vector<16xf32>
        %add3A_1247 = arith.constant 1 : i32
        %add3A_1248 = arith.addi %add3A_1220, %add3A_1247 : i32
        %slice3A_1249 = vector.extract_strided_slice %get3A_1206 {offsets = [1], sizes = [1], strides = [1]} : vector<16xf32> to vector<1xf32>
        %squeeze3A_1250 = vector.extract %slice3A_1249[0] : f32 from vector<1xf32>
        %broadcast_in_dim3A_1251 = vector.broadcast %squeeze3A_1250 : f32 to vector<16xf32>
        %slice3A_1252 = vector.extract_strided_slice %get3A_1213 {offsets = [1], sizes = [1], strides = [1]} : vector<16xf32> to vector<1xf32>
        %squeeze3A_1253 = vector.extract %slice3A_1252[0] : f32 from vector<1xf32>
        %broadcast_in_dim3A_1254 = vector.broadcast %squeeze3A_1253 : f32 to vector<16xf32>
        %get3A_1255 = arith.index_cast %add3A_1248 : i32 to index
        %get3A_1256 = arith.constant 0 : index
        %get3A_1257 = tpu.vector_load %arg15[%get3A_1255, %get3A_1256] {strides = array<i32>} : memref<1280x64xbf16, #tpu.memory_space<vmem>>, vector<32xbf16>,
        %unpack3A_1258 = tpu.unpack_subelements %get3A_1257, 0 {pack_format = #tpu.pack_format<interleaved>} : vector<32xbf16> -> vector<16xf32>
        %unpack3A_1259 = tpu.unpack_subelements %get3A_1257, 1 {pack_format = #tpu.pack_format<interleaved>} : vector<32xbf16> -> vector<16xf32>
        %get3A_1260 = arith.index_cast %add3A_1248 : i32 to index
        %get3A_1261 = arith.constant 32 : index
        %get3A_1262 = tpu.vector_load %arg15[%get3A_1260, %get3A_1261] {strides = array<i32>} : memref<1280x64xbf16, #tpu.memory_space<vmem>>, vector<32xbf16>,
        %unpack3A_1263 = tpu.unpack_subelements %get3A_1262, 0 {pack_format = #tpu.pack_format<interleaved>} : vector<32xbf16> -> vector<16xf32>
        %unpack3A_1264 = tpu.unpack_subelements %get3A_1262, 1 {pack_format = #tpu.pack_format<interleaved>} : vector<32xbf16> -> vector<16xf32>
        %mul3A_1265 = arith.mulf %unpack3A_1258, %broadcast_in_dim3A_1251 : vector<16xf32>
        %add3A_1266 = arith.addf %add3A_1242, %mul3A_1265 : vector<16xf32>
        %mul3A_1267 = arith.mulf %unpack3A_1263, %broadcast_in_dim3A_1254 : vector<16xf32>
        %add3A_1268 = arith.addf %add3A_1266, %mul3A_1267 : vector<16xf32>
        %mul3A_1269 = arith.mulf %unpack3A_1259, %broadcast_in_dim3A_1251 : vector<16xf32>
        %add3A_1270 = arith.addf %add3A_1246, %mul3A_1269 : vector<16xf32>
        %mul3A_1271 = arith.mulf %unpack3A_1264, %broadcast_in_dim3A_1254 : vector<16xf32>
        %add3A_1272 = arith.addf %add3A_1270, %mul3A_1271 : vector<16xf32>
        %add3A_1273 = arith.constant 2 : i32
        %add3A_1274 = arith.addi %add3A_1220, %add3A_1273 : i32
        %slice3A_1275 = vector.extract_strided_slice %get3A_1206 {offsets = [2], sizes = [1], strides = [1]} : vector<16xf32> to vector<1xf32>
        %squeeze3A_1276 = vector.extract %slice3A_1275[0] : f32 from vector<1xf32>
        %broadcast_in_dim3A_1277 = vector.broadcast %squeeze3A_1276 : f32 to vector<16xf32>
        %slice3A_1278 = vector.extract_strided_slice %get3A_1213 {offsets = [2], sizes = [1], strides = [1]} : vector<16xf32> to vector<1xf32>
        %squeeze3A_1279 = vector.extract %slice3A_1278[0] : f32 from vector<1xf32>
        %broadcast_in_dim3A_1280 = vector.broadcast %squeeze3A_1279 : f32 to vector<16xf32>
        %get3A_1281 = arith.index_cast %add3A_1274 : i32 to index
        %get3A_1282 = arith.constant 0 : index
        %get3A_1283 = tpu.vector_load %arg15[%get3A_1281, %get3A_1282] {strides = array<i32>} : memref<1280x64xbf16, #tpu.memory_space<vmem>>, vector<32xbf16>,
        %unpack3A_1284 = tpu.unpack_subelements %get3A_1283, 0 {pack_format = #tpu.pack_format<interleaved>} : vector<32xbf16> -> vector<16xf32>
        %unpack3A_1285 = tpu.unpack_subelements %get3A_1283, 1 {pack_format = #tpu.pack_format<interleaved>} : vector<32xbf16> -> vector<16xf32>
        %get3A_1286 = arith.index_cast %add3A_1274 : i32 to index
        %get3A_1287 = arith.constant 32 : index
        %get3A_1288 = tpu.vector_load %arg15[%get3A_1286, %get3A_1287] {strides = array<i32>} : memref<1280x64xbf16, #tpu.memory_space<vmem>>, vector<32xbf16>,
        %unpack3A_1289 = tpu.unpack_subelements %get3A_1288, 0 {pack_format = #tpu.pack_format<interleaved>} : vector<32xbf16> -> vector<16xf32>
        %unpack3A_1290 = tpu.unpack_subelements %get3A_1288, 1 {pack_format = #tpu.pack_format<interleaved>} : vector<32xbf16> -> vector<16xf32>
        %mul3A_1291 = arith.mulf %unpack3A_1284, %broadcast_in_dim3A_1277 : vector<16xf32>
        %add3A_1292 = arith.addf %add3A_1268, %mul3A_1291 : vector<16xf32>
        %mul3A_1293 = arith.mulf %unpack3A_1289, %broadcast_in_dim3A_1280 : vector<16xf32>
        %add3A_1294 = arith.addf %add3A_1292, %mul3A_1293 : vector<16xf32>
        %mul3A_1295 = arith.mulf %unpack3A_1285, %broadcast_in_dim3A_1277 : vector<16xf32>
        %add3A_1296 = arith.addf %add3A_1272, %mul3A_1295 : vector<16xf32>
        %mul3A_1297 = arith.mulf %unpack3A_1290, %broadcast_in_dim3A_1280 : vector<16xf32>
        %add3A_1298 = arith.addf %add3A_1296, %mul3A_1297 : vector<16xf32>
        %add3A_1299 = arith.constant 3 : i32
        %add3A_1300 = arith.addi %add3A_1220, %add3A_1299 : i32
        %slice3A_1301 = vector.extract_strided_slice %get3A_1206 {offsets = [3], sizes = [1], strides = [1]} : vector<16xf32> to vector<1xf32>
        %squeeze3A_1302 = vector.extract %slice3A_1301[0] : f32 from vector<1xf32>
        %broadcast_in_dim3A_1303 = vector.broadcast %squeeze3A_1302 : f32 to vector<16xf32>
        %slice3A_1304 = vector.extract_strided_slice %get3A_1213 {offsets = [3], sizes = [1], strides = [1]} : vector<16xf32> to vector<1xf32>
        %squeeze3A_1305 = vector.extract %slice3A_1304[0] : f32 from vector<1xf32>
        %broadcast_in_dim3A_1306 = vector.broadcast %squeeze3A_1305 : f32 to vector<16xf32>
        %get3A_1307 = arith.index_cast %add3A_1300 : i32 to index
        %get3A_1308 = arith.constant 0 : index
        %get3A_1309 = tpu.vector_load %arg15[%get3A_1307, %get3A_1308] {strides = array<i32>} : memref<1280x64xbf16, #tpu.memory_space<vmem>>, vector<32xbf16>,
        %unpack3A_1310 = tpu.unpack_subelements %get3A_1309, 0 {pack_format = #tpu.pack_format<interleaved>} : vector<32xbf16> -> vector<16xf32>
        %unpack3A_1311 = tpu.unpack_subelements %get3A_1309, 1 {pack_format = #tpu.pack_format<interleaved>} : vector<32xbf16> -> vector<16xf32>
        %get3A_1312 = arith.index_cast %add3A_1300 : i32 to index
        %get3A_1313 = arith.constant 32 : index
        %get3A_1314 = tpu.vector_load %arg15[%get3A_1312, %get3A_1313] {strides = array<i32>} : memref<1280x64xbf16, #tpu.memory_space<vmem>>, vector<32xbf16>,
        %unpack3A_1315 = tpu.unpack_subelements %get3A_1314, 0 {pack_format = #tpu.pack_format<interleaved>} : vector<32xbf16> -> vector<16xf32>
        %unpack3A_1316 = tpu.unpack_subelements %get3A_1314, 1 {pack_format = #tpu.pack_format<interleaved>} : vector<32xbf16> -> vector<16xf32>
        %mul3A_1317 = arith.mulf %unpack3A_1310, %broadcast_in_dim3A_1303 : vector<16xf32>
        %add3A_1318 = arith.addf %add3A_1294, %mul3A_1317 : vector<16xf32>
        %mul3A_1319 = arith.mulf %unpack3A_1315, %broadcast_in_dim3A_1306 : vector<16xf32>
        %add3A_1320 = arith.addf %add3A_1318, %mul3A_1319 : vector<16xf32>
        %mul3A_1321 = arith.mulf %unpack3A_1311, %broadcast_in_dim3A_1303 : vector<16xf32>
        %add3A_1322 = arith.addf %add3A_1298, %mul3A_1321 : vector<16xf32>
        %mul3A_1323 = arith.mulf %unpack3A_1316, %broadcast_in_dim3A_1306 : vector<16xf32>
        %add3A_1324 = arith.addf %add3A_1322, %mul3A_1323 : vector<16xf32>
        %add3A_1325 = arith.constant 4 : i32
        %add3A_1326 = arith.addi %add3A_1220, %add3A_1325 : i32
        %slice3A_1327 = vector.extract_strided_slice %get3A_1206 {offsets = [4], sizes = [1], strides = [1]} : vector<16xf32> to vector<1xf32>
        %squeeze3A_1328 = vector.extract %slice3A_1327[0] : f32 from vector<1xf32>
        %broadcast_in_dim3A_1329 = vector.broadcast %squeeze3A_1328 : f32 to vector<16xf32>
        %slice3A_1330 = vector.extract_strided_slice %get3A_1213 {offsets = [4], sizes = [1], strides = [1]} : vector<16xf32> to vector<1xf32>
        %squeeze3A_1331 = vector.extract %slice3A_1330[0] : f32 from vector<1xf32>
        %broadcast_in_dim3A_1332 = vector.broadcast %squeeze3A_1331 : f32 to vector<16xf32>
        %get3A_1333 = arith.index_cast %add3A_1326 : i32 to index
        %get3A_1334 = arith.constant 0 : index
        %get3A_1335 = tpu.vector_load %arg15[%get3A_1333, %get3A_1334] {strides = array<i32>} : memref<1280x64xbf16, #tpu.memory_space<vmem>>, vector<32xbf16>,
        %unpack3A_1336 = tpu.unpack_subelements %get3A_1335, 0 {pack_format = #tpu.pack_format<interleaved>} : vector<32xbf16> -> vector<16xf32>
        %unpack3A_1337 = tpu.unpack_subelements %get3A_1335, 1 {pack_format = #tpu.pack_format<interleaved>} : vector<32xbf16> -> vector<16xf32>
        %get3A_1338 = arith.index_cast %add3A_1326 : i32 to index
        %get3A_1339 = arith.constant 32 : index
        %get3A_1340 = tpu.vector_load %arg15[%get3A_1338, %get3A_1339] {strides = array<i32>} : memref<1280x64xbf16, #tpu.memory_space<vmem>>, vector<32xbf16>,
        %unpack3A_1341 = tpu.unpack_subelements %get3A_1340, 0 {pack_format = #tpu.pack_format<interleaved>} : vector<32xbf16> -> vector<16xf32>
        %unpack3A_1342 = tpu.unpack_subelements %get3A_1340, 1 {pack_format = #tpu.pack_format<interleaved>} : vector<32xbf16> -> vector<16xf32>
        %mul3A_1343 = arith.mulf %unpack3A_1336, %broadcast_in_dim3A_1329 : vector<16xf32>
        %add3A_1344 = arith.addf %add3A_1320, %mul3A_1343 : vector<16xf32>
        %mul3A_1345 = arith.mulf %unpack3A_1341, %broadcast_in_dim3A_1332 : vector<16xf32>
        %add3A_1346 = arith.addf %add3A_1344, %mul3A_1345 : vector<16xf32>
        %mul3A_1347 = arith.mulf %unpack3A_1337, %broadcast_in_dim3A_1329 : vector<16xf32>
        %add3A_1348 = arith.addf %add3A_1324, %mul3A_1347 : vector<16xf32>
        %mul3A_1349 = arith.mulf %unpack3A_1342, %broadcast_in_dim3A_1332 : vector<16xf32>
        %add3A_1350 = arith.addf %add3A_1348, %mul3A_1349 : vector<16xf32>
        %add3A_1351 = arith.constant 5 : i32
        %add3A_1352 = arith.addi %add3A_1220, %add3A_1351 : i32
        %slice3A_1353 = vector.extract_strided_slice %get3A_1206 {offsets = [5], sizes = [1], strides = [1]} : vector<16xf32> to vector<1xf32>
        %squeeze3A_1354 = vector.extract %slice3A_1353[0] : f32 from vector<1xf32>
        %broadcast_in_dim3A_1355 = vector.broadcast %squeeze3A_1354 : f32 to vector<16xf32>
        %slice3A_1356 = vector.extract_strided_slice %get3A_1213 {offsets = [5], sizes = [1], strides = [1]} : vector<16xf32> to vector<1xf32>
        %squeeze3A_1357 = vector.extract %slice3A_1356[0] : f32 from vector<1xf32>
        %broadcast_in_dim3A_1358 = vector.broadcast %squeeze3A_1357 : f32 to vector<16xf32>
        %get3A_1359 = arith.index_cast %add3A_1352 : i32 to index
        %get3A_1360 = arith.constant 0 : index
        %get3A_1361 = tpu.vector_load %arg15[%get3A_1359, %get3A_1360] {strides = array<i32>} : memref<1280x64xbf16, #tpu.memory_space<vmem>>, vector<32xbf16>,
        %unpack3A_1362 = tpu.unpack_subelements %get3A_1361, 0 {pack_format = #tpu.pack_format<interleaved>} : vector<32xbf16> -> vector<16xf32>
        %unpack3A_1363 = tpu.unpack_subelements %get3A_1361, 1 {pack_format = #tpu.pack_format<interleaved>} : vector<32xbf16> -> vector<16xf32>
        %get3A_1364 = arith.index_cast %add3A_1352 : i32 to index
        %get3A_1365 = arith.constant 32 : index
        %get3A_1366 = tpu.vector_load %arg15[%get3A_1364, %get3A_1365] {strides = array<i32>} : memref<1280x64xbf16, #tpu.memory_space<vmem>>, vector<32xbf16>,
        %unpack3A_1367 = tpu.unpack_subelements %get3A_1366, 0 {pack_format = #tpu.pack_format<interleaved>} : vector<32xbf16> -> vector<16xf32>
        %unpack3A_1368 = tpu.unpack_subelements %get3A_1366, 1 {pack_format = #tpu.pack_format<interleaved>} : vector<32xbf16> -> vector<16xf32>
        %mul3A_1369 = arith.mulf %unpack3A_1362, %broadcast_in_dim3A_1355 : vector<16xf32>
        %add3A_1370 = arith.addf %add3A_1346, %mul3A_1369 : vector<16xf32>
        %mul3A_1371 = arith.mulf %unpack3A_1367, %broadcast_in_dim3A_1358 : vector<16xf32>
        %add3A_1372 = arith.addf %add3A_1370, %mul3A_1371 : vector<16xf32>
        %mul3A_1373 = arith.mulf %unpack3A_1363, %broadcast_in_dim3A_1355 : vector<16xf32>
        %add3A_1374 = arith.addf %add3A_1350, %mul3A_1373 : vector<16xf32>
        %mul3A_1375 = arith.mulf %unpack3A_1368, %broadcast_in_dim3A_1358 : vector<16xf32>
        %add3A_1376 = arith.addf %add3A_1374, %mul3A_1375 : vector<16xf32>
        %add3A_1377 = arith.constant 6 : i32
        %add3A_1378 = arith.addi %add3A_1220, %add3A_1377 : i32
        %slice3A_1379 = vector.extract_strided_slice %get3A_1206 {offsets = [6], sizes = [1], strides = [1]} : vector<16xf32> to vector<1xf32>
        %squeeze3A_1380 = vector.extract %slice3A_1379[0] : f32 from vector<1xf32>
        %broadcast_in_dim3A_1381 = vector.broadcast %squeeze3A_1380 : f32 to vector<16xf32>
        %slice3A_1382 = vector.extract_strided_slice %get3A_1213 {offsets = [6], sizes = [1], strides = [1]} : vector<16xf32> to vector<1xf32>
        %squeeze3A_1383 = vector.extract %slice3A_1382[0] : f32 from vector<1xf32>
        %broadcast_in_dim3A_1384 = vector.broadcast %squeeze3A_1383 : f32 to vector<16xf32>
        %get3A_1385 = arith.index_cast %add3A_1378 : i32 to index
        %get3A_1386 = arith.constant 0 : index
        %get3A_1387 = tpu.vector_load %arg15[%get3A_1385, %get3A_1386] {strides = array<i32>} : memref<1280x64xbf16, #tpu.memory_space<vmem>>, vector<32xbf16>,
        %unpack3A_1388 = tpu.unpack_subelements %get3A_1387, 0 {pack_format = #tpu.pack_format<interleaved>} : vector<32xbf16> -> vector<16xf32>
        %unpack3A_1389 = tpu.unpack_subelements %get3A_1387, 1 {pack_format = #tpu.pack_format<interleaved>} : vector<32xbf16> -> vector<16xf32>
        %get3A_1390 = arith.index_cast %add3A_1378 : i32 to index
        %get3A_1391 = arith.constant 32 : index
        %get3A_1392 = tpu.vector_load %arg15[%get3A_1390, %get3A_1391] {strides = array<i32>} : memref<1280x64xbf16, #tpu.memory_space<vmem>>, vector<32xbf16>,
        %unpack3A_1393 = tpu.unpack_subelements %get3A_1392, 0 {pack_format = #tpu.pack_format<interleaved>} : vector<32xbf16> -> vector<16xf32>
        %unpack3A_1394 = tpu.unpack_subelements %get3A_1392, 1 {pack_format = #tpu.pack_format<interleaved>} : vector<32xbf16> -> vector<16xf32>
        %mul3A_1395 = arith.mulf %unpack3A_1388, %broadcast_in_dim3A_1381 : vector<16xf32>
        %add3A_1396 = arith.addf %add3A_1372, %mul3A_1395 : vector<16xf32>
        %mul3A_1397 = arith.mulf %unpack3A_1393, %broadcast_in_dim3A_1384 : vector<16xf32>
        %add3A_1398 = arith.addf %add3A_1396, %mul3A_1397 : vector<16xf32>
        %mul3A_1399 = arith.mulf %unpack3A_1389, %broadcast_in_dim3A_1381 : vector<16xf32>
        %add3A_1400 = arith.addf %add3A_1376, %mul3A_1399 : vector<16xf32>
        %mul3A_1401 = arith.mulf %unpack3A_1394, %broadcast_in_dim3A_1384 : vector<16xf32>
        %add3A_1402 = arith.addf %add3A_1400, %mul3A_1401 : vector<16xf32>
        %add3A_1403 = arith.constant 7 : i32
        %add3A_1404 = arith.addi %add3A_1220, %add3A_1403 : i32
        %slice3A_1405 = vector.extract_strided_slice %get3A_1206 {offsets = [7], sizes = [1], strides = [1]} : vector<16xf32> to vector<1xf32>
        %squeeze3A_1406 = vector.extract %slice3A_1405[0] : f32 from vector<1xf32>
        %broadcast_in_dim3A_1407 = vector.broadcast %squeeze3A_1406 : f32 to vector<16xf32>
        %slice3A_1408 = vector.extract_strided_slice %get3A_1213 {offsets = [7], sizes = [1], strides = [1]} : vector<16xf32> to vector<1xf32>
        %squeeze3A_1409 = vector.extract %slice3A_1408[0] : f32 from vector<1xf32>
        %broadcast_in_dim3A_1410 = vector.broadcast %squeeze3A_1409 : f32 to vector<16xf32>
        %get3A_1411 = arith.index_cast %add3A_1404 : i32 to index
        %get3A_1412 = arith.constant 0 : index
        %get3A_1413 = tpu.vector_load %arg15[%get3A_1411, %get3A_1412] {strides = array<i32>} : memref<1280x64xbf16, #tpu.memory_space<vmem>>, vector<32xbf16>,
        %unpack3A_1414 = tpu.unpack_subelements %get3A_1413, 0 {pack_format = #tpu.pack_format<interleaved>} : vector<32xbf16> -> vector<16xf32>
        %unpack3A_1415 = tpu.unpack_subelements %get3A_1413, 1 {pack_format = #tpu.pack_format<interleaved>} : vector<32xbf16> -> vector<16xf32>
        %get3A_1416 = arith.index_cast %add3A_1404 : i32 to index
        %get3A_1417 = arith.constant 32 : index
        %get3A_1418 = tpu.vector_load %arg15[%get3A_1416, %get3A_1417] {strides = array<i32>} : memref<1280x64xbf16, #tpu.memory_space<vmem>>, vector<32xbf16>,
        %unpack3A_1419 = tpu.unpack_subelements %get3A_1418, 0 {pack_format = #tpu.pack_format<interleaved>} : vector<32xbf16> -> vector<16xf32>
        %unpack3A_1420 = tpu.unpack_subelements %get3A_1418, 1 {pack_format = #tpu.pack_format<interleaved>} : vector<32xbf16> -> vector<16xf32>
        %mul3A_1421 = arith.mulf %unpack3A_1414, %broadcast_in_dim3A_1407 : vector<16xf32>
        %add3A_1422 = arith.addf %add3A_1398, %mul3A_1421 : vector<16xf32>
        %mul3A_1423 = arith.mulf %unpack3A_1419, %broadcast_in_dim3A_1410 : vector<16xf32>
        %add3A_1424 = arith.addf %add3A_1422, %mul3A_1423 : vector<16xf32>
        %mul3A_1425 = arith.mulf %unpack3A_1415, %broadcast_in_dim3A_1407 : vector<16xf32>
        %add3A_1426 = arith.addf %add3A_1402, %mul3A_1425 : vector<16xf32>
        %mul3A_1427 = arith.mulf %unpack3A_1420, %broadcast_in_dim3A_1410 : vector<16xf32>
        %add3A_1428 = arith.addf %add3A_1426, %mul3A_1427 : vector<16xf32>
        %add3A_1429 = arith.constant 8 : i32
        %add3A_1430 = arith.addi %add3A_1220, %add3A_1429 : i32
        %slice3A_1431 = vector.extract_strided_slice %get3A_1206 {offsets = [8], sizes = [1], strides = [1]} : vector<16xf32> to vector<1xf32>
        %squeeze3A_1432 = vector.extract %slice3A_1431[0] : f32 from vector<1xf32>
        %broadcast_in_dim3A_1433 = vector.broadcast %squeeze3A_1432 : f32 to vector<16xf32>
        %slice3A_1434 = vector.extract_strided_slice %get3A_1213 {offsets = [8], sizes = [1], strides = [1]} : vector<16xf32> to vector<1xf32>
        %squeeze3A_1435 = vector.extract %slice3A_1434[0] : f32 from vector<1xf32>
        %broadcast_in_dim3A_1436 = vector.broadcast %squeeze3A_1435 : f32 to vector<16xf32>
        %get3A_1437 = arith.index_cast %add3A_1430 : i32 to index
        %get3A_1438 = arith.constant 0 : index
        %get3A_1439 = tpu.vector_load %arg15[%get3A_1437, %get3A_1438] {strides = array<i32>} : memref<1280x64xbf16, #tpu.memory_space<vmem>>, vector<32xbf16>,
        %unpack3A_1440 = tpu.unpack_subelements %get3A_1439, 0 {pack_format = #tpu.pack_format<interleaved>} : vector<32xbf16> -> vector<16xf32>
        %unpack3A_1441 = tpu.unpack_subelements %get3A_1439, 1 {pack_format = #tpu.pack_format<interleaved>} : vector<32xbf16> -> vector<16xf32>
        %get3A_1442 = arith.index_cast %add3A_1430 : i32 to index
        %get3A_1443 = arith.constant 32 : index
        %get3A_1444 = tpu.vector_load %arg15[%get3A_1442, %get3A_1443] {strides = array<i32>} : memref<1280x64xbf16, #tpu.memory_space<vmem>>, vector<32xbf16>,
        %unpack3A_1445 = tpu.unpack_subelements %get3A_1444, 0 {pack_format = #tpu.pack_format<interleaved>} : vector<32xbf16> -> vector<16xf32>
        %unpack3A_1446 = tpu.unpack_subelements %get3A_1444, 1 {pack_format = #tpu.pack_format<interleaved>} : vector<32xbf16> -> vector<16xf32>
        %mul3A_1447 = arith.mulf %unpack3A_1440, %broadcast_in_dim3A_1433 : vector<16xf32>
        %add3A_1448 = arith.addf %add3A_1424, %mul3A_1447 : vector<16xf32>
        %mul3A_1449 = arith.mulf %unpack3A_1445, %broadcast_in_dim3A_1436 : vector<16xf32>
        %add3A_1450 = arith.addf %add3A_1448, %mul3A_1449 : vector<16xf32>
        %mul3A_1451 = arith.mulf %unpack3A_1441, %broadcast_in_dim3A_1433 : vector<16xf32>
        %add3A_1452 = arith.addf %add3A_1428, %mul3A_1451 : vector<16xf32>
        %mul3A_1453 = arith.mulf %unpack3A_1446, %broadcast_in_dim3A_1436 : vector<16xf32>
        %add3A_1454 = arith.addf %add3A_1452, %mul3A_1453 : vector<16xf32>
        %add3A_1455 = arith.constant 9 : i32
        %add3A_1456 = arith.addi %add3A_1220, %add3A_1455 : i32
        %slice3A_1457 = vector.extract_strided_slice %get3A_1206 {offsets = [9], sizes = [1], strides = [1]} : vector<16xf32> to vector<1xf32>
        %squeeze3A_1458 = vector.extract %slice3A_1457[0] : f32 from vector<1xf32>
        %broadcast_in_dim3A_1459 = vector.broadcast %squeeze3A_1458 : f32 to vector<16xf32>
        %slice3A_1460 = vector.extract_strided_slice %get3A_1213 {offsets = [9], sizes = [1], strides = [1]} : vector<16xf32> to vector<1xf32>
        %squeeze3A_1461 = vector.extract %slice3A_1460[0] : f32 from vector<1xf32>
        %broadcast_in_dim3A_1462 = vector.broadcast %squeeze3A_1461 : f32 to vector<16xf32>
        %get3A_1463 = arith.index_cast %add3A_1456 : i32 to index
        %get3A_1464 = arith.constant 0 : index
        %get3A_1465 = tpu.vector_load %arg15[%get3A_1463, %get3A_1464] {strides = array<i32>} : memref<1280x64xbf16, #tpu.memory_space<vmem>>, vector<32xbf16>,
        %unpack3A_1466 = tpu.unpack_subelements %get3A_1465, 0 {pack_format = #tpu.pack_format<interleaved>} : vector<32xbf16> -> vector<16xf32>
        %unpack3A_1467 = tpu.unpack_subelements %get3A_1465, 1 {pack_format = #tpu.pack_format<interleaved>} : vector<32xbf16> -> vector<16xf32>
        %get3A_1468 = arith.index_cast %add3A_1456 : i32 to index
        %get3A_1469 = arith.constant 32 : index
        %get3A_1470 = tpu.vector_load %arg15[%get3A_1468, %get3A_1469] {strides = array<i32>} : memref<1280x64xbf16, #tpu.memory_space<vmem>>, vector<32xbf16>,
        %unpack3A_1471 = tpu.unpack_subelements %get3A_1470, 0 {pack_format = #tpu.pack_format<interleaved>} : vector<32xbf16> -> vector<16xf32>
        %unpack3A_1472 = tpu.unpack_subelements %get3A_1470, 1 {pack_format = #tpu.pack_format<interleaved>} : vector<32xbf16> -> vector<16xf32>
        %mul3A_1473 = arith.mulf %unpack3A_1466, %broadcast_in_dim3A_1459 : vector<16xf32>
        %add3A_1474 = arith.addf %add3A_1450, %mul3A_1473 : vector<16xf32>
        %mul3A_1475 = arith.mulf %unpack3A_1471, %broadcast_in_dim3A_1462 : vector<16xf32>
        %add3A_1476 = arith.addf %add3A_1474, %mul3A_1475 : vector<16xf32>
        %mul3A_1477 = arith.mulf %unpack3A_1467, %broadcast_in_dim3A_1459 : vector<16xf32>
        %add3A_1478 = arith.addf %add3A_1454, %mul3A_1477 : vector<16xf32>
        %mul3A_1479 = arith.mulf %unpack3A_1472, %broadcast_in_dim3A_1462 : vector<16xf32>
        %add3A_1480 = arith.addf %add3A_1478, %mul3A_1479 : vector<16xf32>
        %add3A_1481 = arith.constant 10 : i32
        %add3A_1482 = arith.addi %add3A_1220, %add3A_1481 : i32
        %slice3A_1483 = vector.extract_strided_slice %get3A_1206 {offsets = [10], sizes = [1], strides = [1]} : vector<16xf32> to vector<1xf32>
        %squeeze3A_1484 = vector.extract %slice3A_1483[0] : f32 from vector<1xf32>
        %broadcast_in_dim3A_1485 = vector.broadcast %squeeze3A_1484 : f32 to vector<16xf32>
        %slice3A_1486 = vector.extract_strided_slice %get3A_1213 {offsets = [10], sizes = [1], strides = [1]} : vector<16xf32> to vector<1xf32>
        %squeeze3A_1487 = vector.extract %slice3A_1486[0] : f32 from vector<1xf32>
        %broadcast_in_dim3A_1488 = vector.broadcast %squeeze3A_1487 : f32 to vector<16xf32>
        %get3A_1489 = arith.index_cast %add3A_1482 : i32 to index
        %get3A_1490 = arith.constant 0 : index
        %get3A_1491 = tpu.vector_load %arg15[%get3A_1489, %get3A_1490] {strides = array<i32>} : memref<1280x64xbf16, #tpu.memory_space<vmem>>, vector<32xbf16>,
        %unpack3A_1492 = tpu.unpack_subelements %get3A_1491, 0 {pack_format = #tpu.pack_format<interleaved>} : vector<32xbf16> -> vector<16xf32>
        %unpack3A_1493 = tpu.unpack_subelements %get3A_1491, 1 {pack_format = #tpu.pack_format<interleaved>} : vector<32xbf16> -> vector<16xf32>
        %get3A_1494 = arith.index_cast %add3A_1482 : i32 to index
        %get3A_1495 = arith.constant 32 : index
        %get3A_1496 = tpu.vector_load %arg15[%get3A_1494, %get3A_1495] {strides = array<i32>} : memref<1280x64xbf16, #tpu.memory_space<vmem>>, vector<32xbf16>,
        %unpack3A_1497 = tpu.unpack_subelements %get3A_1496, 0 {pack_format = #tpu.pack_format<interleaved>} : vector<32xbf16> -> vector<16xf32>
        %unpack3A_1498 = tpu.unpack_subelements %get3A_1496, 1 {pack_format = #tpu.pack_format<interleaved>} : vector<32xbf16> -> vector<16xf32>
        %mul3A_1499 = arith.mulf %unpack3A_1492, %broadcast_in_dim3A_1485 : vector<16xf32>
        %add3A_1500 = arith.addf %add3A_1476, %mul3A_1499 : vector<16xf32>
        %mul3A_1501 = arith.mulf %unpack3A_1497, %broadcast_in_dim3A_1488 : vector<16xf32>
        %add3A_1502 = arith.addf %add3A_1500, %mul3A_1501 : vector<16xf32>
        %mul3A_1503 = arith.mulf %unpack3A_1493, %broadcast_in_dim3A_1485 : vector<16xf32>
        %add3A_1504 = arith.addf %add3A_1480, %mul3A_1503 : vector<16xf32>
        %mul3A_1505 = arith.mulf %unpack3A_1498, %broadcast_in_dim3A_1488 : vector<16xf32>
        %add3A_1506 = arith.addf %add3A_1504, %mul3A_1505 : vector<16xf32>
        %add3A_1507 = arith.constant 11 : i32
        %add3A_1508 = arith.addi %add3A_1220, %add3A_1507 : i32
        %slice3A_1509 = vector.extract_strided_slice %get3A_1206 {offsets = [11], sizes = [1], strides = [1]} : vector<16xf32> to vector<1xf32>
        %squeeze3A_1510 = vector.extract %slice3A_1509[0] : f32 from vector<1xf32>
        %broadcast_in_dim3A_1511 = vector.broadcast %squeeze3A_1510 : f32 to vector<16xf32>
        %slice3A_1512 = vector.extract_strided_slice %get3A_1213 {offsets = [11], sizes = [1], strides = [1]} : vector<16xf32> to vector<1xf32>
        %squeeze3A_1513 = vector.extract %slice3A_1512[0] : f32 from vector<1xf32>
        %broadcast_in_dim3A_1514 = vector.broadcast %squeeze3A_1513 : f32 to vector<16xf32>
        %get3A_1515 = arith.index_cast %add3A_1508 : i32 to index
        %get3A_1516 = arith.constant 0 : index
        %get3A_1517 = tpu.vector_load %arg15[%get3A_1515, %get3A_1516] {strides = array<i32>} : memref<1280x64xbf16, #tpu.memory_space<vmem>>, vector<32xbf16>,
        %unpack3A_1518 = tpu.unpack_subelements %get3A_1517, 0 {pack_format = #tpu.pack_format<interleaved>} : vector<32xbf16> -> vector<16xf32>
        %unpack3A_1519 = tpu.unpack_subelements %get3A_1517, 1 {pack_format = #tpu.pack_format<interleaved>} : vector<32xbf16> -> vector<16xf32>
        %get3A_1520 = arith.index_cast %add3A_1508 : i32 to index
        %get3A_1521 = arith.constant 32 : index
        %get3A_1522 = tpu.vector_load %arg15[%get3A_1520, %get3A_1521] {strides = array<i32>} : memref<1280x64xbf16, #tpu.memory_space<vmem>>, vector<32xbf16>,
        %unpack3A_1523 = tpu.unpack_subelements %get3A_1522, 0 {pack_format = #tpu.pack_format<interleaved>} : vector<32xbf16> -> vector<16xf32>
        %unpack3A_1524 = tpu.unpack_subelements %get3A_1522, 1 {pack_format = #tpu.pack_format<interleaved>} : vector<32xbf16> -> vector<16xf32>
        %mul3A_1525 = arith.mulf %unpack3A_1518, %broadcast_in_dim3A_1511 : vector<16xf32>
        %add3A_1526 = arith.addf %add3A_1502, %mul3A_1525 : vector<16xf32>
        %mul3A_1527 = arith.mulf %unpack3A_1523, %broadcast_in_dim3A_1514 : vector<16xf32>
        %add3A_1528 = arith.addf %add3A_1526, %mul3A_1527 : vector<16xf32>
        %mul3A_1529 = arith.mulf %unpack3A_1519, %broadcast_in_dim3A_1511 : vector<16xf32>
        %add3A_1530 = arith.addf %add3A_1506, %mul3A_1529 : vector<16xf32>
        %mul3A_1531 = arith.mulf %unpack3A_1524, %broadcast_in_dim3A_1514 : vector<16xf32>
        %add3A_1532 = arith.addf %add3A_1530, %mul3A_1531 : vector<16xf32>
        %add3A_1533 = arith.constant 12 : i32
        %add3A_1534 = arith.addi %add3A_1220, %add3A_1533 : i32
        %slice3A_1535 = vector.extract_strided_slice %get3A_1206 {offsets = [12], sizes = [1], strides = [1]} : vector<16xf32> to vector<1xf32>
        %squeeze3A_1536 = vector.extract %slice3A_1535[0] : f32 from vector<1xf32>
        %broadcast_in_dim3A_1537 = vector.broadcast %squeeze3A_1536 : f32 to vector<16xf32>
        %slice3A_1538 = vector.extract_strided_slice %get3A_1213 {offsets = [12], sizes = [1], strides = [1]} : vector<16xf32> to vector<1xf32>
        %squeeze3A_1539 = vector.extract %slice3A_1538[0] : f32 from vector<1xf32>
        %broadcast_in_dim3A_1540 = vector.broadcast %squeeze3A_1539 : f32 to vector<16xf32>
        %get3A_1541 = arith.index_cast %add3A_1534 : i32 to index
        %get3A_1542 = arith.constant 0 : index
        %get3A_1543 = tpu.vector_load %arg15[%get3A_1541, %get3A_1542] {strides = array<i32>} : memref<1280x64xbf16, #tpu.memory_space<vmem>>, vector<32xbf16>,
        %unpack3A_1544 = tpu.unpack_subelements %get3A_1543, 0 {pack_format = #tpu.pack_format<interleaved>} : vector<32xbf16> -> vector<16xf32>
        %unpack3A_1545 = tpu.unpack_subelements %get3A_1543, 1 {pack_format = #tpu.pack_format<interleaved>} : vector<32xbf16> -> vector<16xf32>
        %get3A_1546 = arith.index_cast %add3A_1534 : i32 to index
        %get3A_1547 = arith.constant 32 : index
        %get3A_1548 = tpu.vector_load %arg15[%get3A_1546, %get3A_1547] {strides = array<i32>} : memref<1280x64xbf16, #tpu.memory_space<vmem>>, vector<32xbf16>,
        %unpack3A_1549 = tpu.unpack_subelements %get3A_1548, 0 {pack_format = #tpu.pack_format<interleaved>} : vector<32xbf16> -> vector<16xf32>
        %unpack3A_1550 = tpu.unpack_subelements %get3A_1548, 1 {pack_format = #tpu.pack_format<interleaved>} : vector<32xbf16> -> vector<16xf32>
        %mul3A_1551 = arith.mulf %unpack3A_1544, %broadcast_in_dim3A_1537 : vector<16xf32>
        %add3A_1552 = arith.addf %add3A_1528, %mul3A_1551 : vector<16xf32>
        %mul3A_1553 = arith.mulf %unpack3A_1549, %broadcast_in_dim3A_1540 : vector<16xf32>
        %add3A_1554 = arith.addf %add3A_1552, %mul3A_1553 : vector<16xf32>
        %mul3A_1555 = arith.mulf %unpack3A_1545, %broadcast_in_dim3A_1537 : vector<16xf32>
        %add3A_1556 = arith.addf %add3A_1532, %mul3A_1555 : vector<16xf32>
        %mul3A_1557 = arith.mulf %unpack3A_1550, %broadcast_in_dim3A_1540 : vector<16xf32>
        %add3A_1558 = arith.addf %add3A_1556, %mul3A_1557 : vector<16xf32>
        %add3A_1559 = arith.constant 13 : i32
        %add3A_1560 = arith.addi %add3A_1220, %add3A_1559 : i32
        %slice3A_1561 = vector.extract_strided_slice %get3A_1206 {offsets = [13], sizes = [1], strides = [1]} : vector<16xf32> to vector<1xf32>
        %squeeze3A_1562 = vector.extract %slice3A_1561[0] : f32 from vector<1xf32>
        %broadcast_in_dim3A_1563 = vector.broadcast %squeeze3A_1562 : f32 to vector<16xf32>
        %slice3A_1564 = vector.extract_strided_slice %get3A_1213 {offsets = [13], sizes = [1], strides = [1]} : vector<16xf32> to vector<1xf32>
        %squeeze3A_1565 = vector.extract %slice3A_1564[0] : f32 from vector<1xf32>
        %broadcast_in_dim3A_1566 = vector.broadcast %squeeze3A_1565 : f32 to vector<16xf32>
        %get3A_1567 = arith.index_cast %add3A_1560 : i32 to index
        %get3A_1568 = arith.constant 0 : index
        %get3A_1569 = tpu.vector_load %arg15[%get3A_1567, %get3A_1568] {strides = array<i32>} : memref<1280x64xbf16, #tpu.memory_space<vmem>>, vector<32xbf16>,
        %unpack3A_1570 = tpu.unpack_subelements %get3A_1569, 0 {pack_format = #tpu.pack_format<interleaved>} : vector<32xbf16> -> vector<16xf32>
        %unpack3A_1571 = tpu.unpack_subelements %get3A_1569, 1 {pack_format = #tpu.pack_format<interleaved>} : vector<32xbf16> -> vector<16xf32>
        %get3A_1572 = arith.index_cast %add3A_1560 : i32 to index
        %get3A_1573 = arith.constant 32 : index
        %get3A_1574 = tpu.vector_load %arg15[%get3A_1572, %get3A_1573] {strides = array<i32>} : memref<1280x64xbf16, #tpu.memory_space<vmem>>, vector<32xbf16>,
        %unpack3A_1575 = tpu.unpack_subelements %get3A_1574, 0 {pack_format = #tpu.pack_format<interleaved>} : vector<32xbf16> -> vector<16xf32>
        %unpack3A_1576 = tpu.unpack_subelements %get3A_1574, 1 {pack_format = #tpu.pack_format<interleaved>} : vector<32xbf16> -> vector<16xf32>
        %mul3A_1577 = arith.mulf %unpack3A_1570, %broadcast_in_dim3A_1563 : vector<16xf32>
        %add3A_1578 = arith.addf %add3A_1554, %mul3A_1577 : vector<16xf32>
        %mul3A_1579 = arith.mulf %unpack3A_1575, %broadcast_in_dim3A_1566 : vector<16xf32>
        %add3A_1580 = arith.addf %add3A_1578, %mul3A_1579 : vector<16xf32>
        %mul3A_1581 = arith.mulf %unpack3A_1571, %broadcast_in_dim3A_1563 : vector<16xf32>
        %add3A_1582 = arith.addf %add3A_1558, %mul3A_1581 : vector<16xf32>
        %mul3A_1583 = arith.mulf %unpack3A_1576, %broadcast_in_dim3A_1566 : vector<16xf32>
        %add3A_1584 = arith.addf %add3A_1582, %mul3A_1583 : vector<16xf32>
        %add3A_1585 = arith.constant 14 : i32
        %add3A_1586 = arith.addi %add3A_1220, %add3A_1585 : i32
        %slice3A_1587 = vector.extract_strided_slice %get3A_1206 {offsets = [14], sizes = [1], strides = [1]} : vector<16xf32> to vector<1xf32>
        %squeeze3A_1588 = vector.extract %slice3A_1587[0] : f32 from vector<1xf32>
        %broadcast_in_dim3A_1589 = vector.broadcast %squeeze3A_1588 : f32 to vector<16xf32>
        %slice3A_1590 = vector.extract_strided_slice %get3A_1213 {offsets = [14], sizes = [1], strides = [1]} : vector<16xf32> to vector<1xf32>
        %squeeze3A_1591 = vector.extract %slice3A_1590[0] : f32 from vector<1xf32>
        %broadcast_in_dim3A_1592 = vector.broadcast %squeeze3A_1591 : f32 to vector<16xf32>
        %get3A_1593 = arith.index_cast %add3A_1586 : i32 to index
        %get3A_1594 = arith.constant 0 : index
        %get3A_1595 = tpu.vector_load %arg15[%get3A_1593, %get3A_1594] {strides = array<i32>} : memref<1280x64xbf16, #tpu.memory_space<vmem>>, vector<32xbf16>,
        %unpack3A_1596 = tpu.unpack_subelements %get3A_1595, 0 {pack_format = #tpu.pack_format<interleaved>} : vector<32xbf16> -> vector<16xf32>
        %unpack3A_1597 = tpu.unpack_subelements %get3A_1595, 1 {pack_format = #tpu.pack_format<interleaved>} : vector<32xbf16> -> vector<16xf32>
        %get3A_1598 = arith.index_cast %add3A_1586 : i32 to index
        %get3A_1599 = arith.constant 32 : index
        %get3A_1600 = tpu.vector_load %arg15[%get3A_1598, %get3A_1599] {strides = array<i32>} : memref<1280x64xbf16, #tpu.memory_space<vmem>>, vector<32xbf16>,
        %unpack3A_1601 = tpu.unpack_subelements %get3A_1600, 0 {pack_format = #tpu.pack_format<interleaved>} : vector<32xbf16> -> vector<16xf32>
        %unpack3A_1602 = tpu.unpack_subelements %get3A_1600, 1 {pack_format = #tpu.pack_format<interleaved>} : vector<32xbf16> -> vector<16xf32>
        %mul3A_1603 = arith.mulf %unpack3A_1596, %broadcast_in_dim3A_1589 : vector<16xf32>
        %add3A_1604 = arith.addf %add3A_1580, %mul3A_1603 : vector<16xf32>
        %mul3A_1605 = arith.mulf %unpack3A_1601, %broadcast_in_dim3A_1592 : vector<16xf32>
        %add3A_1606 = arith.addf %add3A_1604, %mul3A_1605 : vector<16xf32>
        %mul3A_1607 = arith.mulf %unpack3A_1597, %broadcast_in_dim3A_1589 : vector<16xf32>
        %add3A_1608 = arith.addf %add3A_1584, %mul3A_1607 : vector<16xf32>
        %mul3A_1609 = arith.mulf %unpack3A_1602, %broadcast_in_dim3A_1592 : vector<16xf32>
        %add3A_1610 = arith.addf %add3A_1608, %mul3A_1609 : vector<16xf32>
        %add3A_1611 = arith.constant 15 : i32
        %add3A_1612 = arith.addi %add3A_1220, %add3A_1611 : i32
        %slice3A_1613 = vector.extract_strided_slice %get3A_1206 {offsets = [15], sizes = [1], strides = [1]} : vector<16xf32> to vector<1xf32>
        %squeeze3A_1614 = vector.extract %slice3A_1613[0] : f32 from vector<1xf32>
        %broadcast_in_dim3A_1615 = vector.broadcast %squeeze3A_1614 : f32 to vector<16xf32>
        %slice3A_1616 = vector.extract_strided_slice %get3A_1213 {offsets = [15], sizes = [1], strides = [1]} : vector<16xf32> to vector<1xf32>
        %squeeze3A_1617 = vector.extract %slice3A_1616[0] : f32 from vector<1xf32>
        %broadcast_in_dim3A_1618 = vector.broadcast %squeeze3A_1617 : f32 to vector<16xf32>
        %get3A_1619 = arith.index_cast %add3A_1612 : i32 to index
        %get3A_1620 = arith.constant 0 : index
        %get3A_1621 = tpu.vector_load %arg15[%get3A_1619, %get3A_1620] {strides = array<i32>} : memref<1280x64xbf16, #tpu.memory_space<vmem>>, vector<32xbf16>,
        %unpack3A_1622 = tpu.unpack_subelements %get3A_1621, 0 {pack_format = #tpu.pack_format<interleaved>} : vector<32xbf16> -> vector<16xf32>
        %unpack3A_1623 = tpu.unpack_subelements %get3A_1621, 1 {pack_format = #tpu.pack_format<interleaved>} : vector<32xbf16> -> vector<16xf32>
        %get3A_1624 = arith.index_cast %add3A_1612 : i32 to index
        %get3A_1625 = arith.constant 32 : index
        %get3A_1626 = tpu.vector_load %arg15[%get3A_1624, %get3A_1625] {strides = array<i32>} : memref<1280x64xbf16, #tpu.memory_space<vmem>>, vector<32xbf16>,
        %unpack3A_1627 = tpu.unpack_subelements %get3A_1626, 0 {pack_format = #tpu.pack_format<interleaved>} : vector<32xbf16> -> vector<16xf32>
        %unpack3A_1628 = tpu.unpack_subelements %get3A_1626, 1 {pack_format = #tpu.pack_format<interleaved>} : vector<32xbf16> -> vector<16xf32>
        %mul3A_1629 = arith.mulf %unpack3A_1622, %broadcast_in_dim3A_1615 : vector<16xf32>
        %add3A_1630 = arith.addf %add3A_1606, %mul3A_1629 : vector<16xf32>
        %mul3A_1631 = arith.mulf %unpack3A_1627, %broadcast_in_dim3A_1618 : vector<16xf32>
        %add3A_1632 = arith.addf %add3A_1630, %mul3A_1631 : vector<16xf32>
        %mul3A_1633 = arith.mulf %unpack3A_1623, %broadcast_in_dim3A_1615 : vector<16xf32>
        %add3A_1634 = arith.addf %add3A_1610, %mul3A_1633 : vector<16xf32>
        %mul3A_1635 = arith.mulf %unpack3A_1628, %broadcast_in_dim3A_1618 : vector<16xf32>
        %add3A_1636 = arith.addf %add3A_1634, %mul3A_1635 : vector<16xf32>
        %mul3A_1637 = arith.constant 2 : i32
        %mul3A_1638 = arith.muli %select_n3A, %mul3A_1637 : i32
        %jit3A_1639 = arith.constant 4 : i32
        %div3A_1640 = arith.divsi %sub3A_763, %jit3A_1639 : i32
        %sign3A_1641 = arith.constant 0 : i32
        %sign3A_1642 = arith.cmpi sgt, %sub3A_763, %sign3A_1641 : i32
        %sign3A_1643 = arith.extui %sign3A_1642 : i1 to i32
        %sign3A_1644 = arith.constant 0 : i32
        %sign3A_1645 = arith.cmpi slt, %sub3A_763, %sign3A_1644 : i32
        %sign3A_1646 = arith.extui %sign3A_1645 : i1 to i32
        %sign3A_1647 = arith.subi %sign3A_1643, %sign3A_1646 : i32
        %sign3A_1648 = arith.constant 0 : i32
        %sign3A_1649 = arith.cmpi sgt, %jit3A_1639, %sign3A_1648 : i32
        %sign3A_1650 = arith.extui %sign3A_1649 : i1 to i32
        %sign3A_1651 = arith.constant 0 : i32
        %sign3A_1652 = arith.cmpi slt, %jit3A_1639, %sign3A_1651 : i32
        %sign3A_1653 = arith.extui %sign3A_1652 : i1 to i32
        %sign3A_1654 = arith.subi %sign3A_1650, %sign3A_1653 : i32
        %ne3A_1655 = arith.cmpi ne, %sign3A_1647, %sign3A_1654 : i32
        %rem3A_1656 = arith.remsi %sub3A_763, %jit3A_1639 : i32
        %ne3A_1657 = arith.constant 0 : i32
        %ne3A_1658 = arith.cmpi ne, %rem3A_1656, %ne3A_1657 : i32
        %and3A_1659 = arith.andi %ne3A_1655, %ne3A_1658 : i1
        %sub3A_1660 = arith.constant 1 : i32
        %sub3A_1661 = arith.subi %div3A_1640, %sub3A_1660 : i32
        %select_n3A_1662 = arith.select %and3A_1659, %sub3A_1661, %div3A_1640 : i32
        %add3A_1663 = arith.addi %mul3A_1638, %select_n3A_1662 : i32
        %jit3A_1664 = arith.constant 4 : i32
        %eq3A = arith.constant 0 : i32
        %eq3A_1665 = arith.cmpi eq, %jit3A_1664, %eq3A : i32
        %jit3A_1666 = arith.constant 1 : i32
        %select_n3A_1667 = arith.select %eq3A_1665, %jit3A_1666, %jit3A_1664 : i32
        %rem3A_1668 = arith.remsi %sub3A_763, %select_n3A_1667 : i32
        %ne3A_1669 = arith.constant 0 : i32
        %ne3A_1670 = arith.cmpi ne, %rem3A_1668, %ne3A_1669 : i32
        %lt3A_1671 = arith.constant 0 : i32
        %lt3A_1672 = arith.cmpi slt, %rem3A_1668, %lt3A_1671 : i32
        %lt3A_1673 = arith.constant 0 : i32
        %lt3A_1674 = arith.cmpi slt, %select_n3A_1667, %lt3A_1673 : i32
        %ne3A_1675 = arith.xori %lt3A_1672, %lt3A_1674 : i1
        %and3A_1676 = arith.andi %ne3A_1675, %ne3A_1670 : i1
        %add3A_1677 = arith.addi %rem3A_1668, %select_n3A_1667 : i32
        %select_n3A_1678 = arith.select %and3A_1676, %add3A_1677, %rem3A_1668 : i32
        %mul3A_1679 = arith.constant 32 : i32
        %mul3A_1680 = arith.muli %select_n3A_1678, %mul3A_1679 : i32
        %swap3A = arith.index_cast %add3A_1663 : i32 to index
        %swap3A_1681 = arith.index_cast %mul3A_1680 : i32 to index
        %swap3A_1682 = tpu.vector_load %arg17[%swap3A, %swap3A_1681] {strides = array<i32>} : memref<10x128xf32, #tpu.memory_space<vmem>>, vector<16xf32>,
        tpu.vector_store %arg17[%swap3A, %swap3A_1681], %add3A_1632 {strides = array<i32>} : memref<10x128xf32, #tpu.memory_space<vmem>>, vector<16xf32>,
        %mul3A_1683 = arith.constant 2 : i32
        %mul3A_1684 = arith.muli %select_n3A, %mul3A_1683 : i32
        %jit3A_1685 = arith.constant 4 : i32
        %div3A_1686 = arith.divsi %sub3A_763, %jit3A_1685 : i32
        %sign3A_1687 = arith.constant 0 : i32
        %sign3A_1688 = arith.cmpi sgt, %sub3A_763, %sign3A_1687 : i32
        %sign3A_1689 = arith.extui %sign3A_1688 : i1 to i32
        %sign3A_1690 = arith.constant 0 : i32
        %sign3A_1691 = arith.cmpi slt, %sub3A_763, %sign3A_1690 : i32
        %sign3A_1692 = arith.extui %sign3A_1691 : i1 to i32
        %sign3A_1693 = arith.subi %sign3A_1689, %sign3A_1692 : i32
        %sign3A_1694 = arith.constant 0 : i32
        %sign3A_1695 = arith.cmpi sgt, %jit3A_1685, %sign3A_1694 : i32
        %sign3A_1696 = arith.extui %sign3A_1695 : i1 to i32
        %sign3A_1697 = arith.constant 0 : i32
        %sign3A_1698 = arith.cmpi slt, %jit3A_1685, %sign3A_1697 : i32
        %sign3A_1699 = arith.extui %sign3A_1698 : i1 to i32
        %sign3A_1700 = arith.subi %sign3A_1696, %sign3A_1699 : i32
        %ne3A_1701 = arith.cmpi ne, %sign3A_1693, %sign3A_1700 : i32
        %rem3A_1702 = arith.remsi %sub3A_763, %jit3A_1685 : i32
        %ne3A_1703 = arith.constant 0 : i32
        %ne3A_1704 = arith.cmpi ne, %rem3A_1702, %ne3A_1703 : i32
        %and3A_1705 = arith.andi %ne3A_1701, %ne3A_1704 : i1
        %sub3A_1706 = arith.constant 1 : i32
        %sub3A_1707 = arith.subi %div3A_1686, %sub3A_1706 : i32
        %select_n3A_1708 = arith.select %and3A_1705, %sub3A_1707, %div3A_1686 : i32
        %add3A_1709 = arith.addi %mul3A_1684, %select_n3A_1708 : i32
        %jit3A_1710 = arith.constant 4 : i32
        %eq3A_1711 = arith.constant 0 : i32
        %eq3A_1712 = arith.cmpi eq, %jit3A_1710, %eq3A_1711 : i32
        %jit3A_1713 = arith.constant 1 : i32
        %select_n3A_1714 = arith.select %eq3A_1712, %jit3A_1713, %jit3A_1710 : i32
        %rem3A_1715 = arith.remsi %sub3A_763, %select_n3A_1714 : i32
        %ne3A_1716 = arith.constant 0 : i32
        %ne3A_1717 = arith.cmpi ne, %rem3A_1715, %ne3A_1716 : i32
        %lt3A_1718 = arith.constant 0 : i32
        %lt3A_1719 = arith.cmpi slt, %rem3A_1715, %lt3A_1718 : i32
        %lt3A_1720 = arith.constant 0 : i32
        %lt3A_1721 = arith.cmpi slt, %select_n3A_1714, %lt3A_1720 : i32
        %ne3A_1722 = arith.xori %lt3A_1719, %lt3A_1721 : i1
        %and3A_1723 = arith.andi %ne3A_1722, %ne3A_1717 : i1
        %add3A_1724 = arith.addi %rem3A_1715, %select_n3A_1714 : i32
        %select_n3A_1725 = arith.select %and3A_1723, %add3A_1724, %rem3A_1715 : i32
        %mul3A_1726 = arith.constant 32 : i32
        %mul3A_1727 = arith.muli %select_n3A_1725, %mul3A_1726 : i32
        %add3A_1728 = arith.constant 16 : i32
        %add3A_1729 = arith.addi %mul3A_1727, %add3A_1728 : i32
        %swap3A_1730 = arith.index_cast %add3A_1709 : i32 to index
        %swap3A_1731 = arith.index_cast %add3A_1729 : i32 to index
        %swap3A_1732 = tpu.vector_load %arg17[%swap3A_1730, %swap3A_1731] {strides = array<i32>} : memref<10x128xf32, #tpu.memory_space<vmem>>, vector<16xf32>,
        tpu.vector_store %arg17[%swap3A_1730, %swap3A_1731], %add3A_1636 {strides = array<i32>} : memref<10x128xf32, #tpu.memory_space<vmem>>, vector<16xf32>,
        %scan3A_1733 = arith.constant 0 : i32
        scf.yield %scan3A_1733 : i32
      }
      %scan3A_726 = arith.constant 40 : i32
      %mul3A_727 = arith.constant 5 : i32
      %mul3A_728 = arith.muli %add3A_322, %mul3A_727 : i32
      %add3A_729 = arith.addi %mul3A_2, %mul3A_728 : i32
      %mul3A_730 = arith.constant 2 : i32
      %mul3A_731 = arith.muli %add3A_729, %mul3A_730 : i32
      %dma_start3A_732 = arith.constant 0 : i32
      %dma_start3A_733 = tpu.memref_slice %arg9[%mul3A_731, %dma_start3A_732] : memref<21760x128xf32, #tpu.memory_space<hbm>> -> memref<10x128xf32, #tpu.memory_space<hbm>>
      %dma_start3A_734 = arith.constant 0 : i32
      %dma_start3A_735 = tpu.memref_slice %arg9[%mul3A_731, %dma_start3A_734] : memref<21760x128xf32, #tpu.memory_space<hbm>> -> memref<10x128xf32, #tpu.memory_space<hbm>>
      tpu.enqueue_dma source(%arg17 : memref<10x128xf32, #tpu.memory_space<vmem>>) target(%dma_start3A_735 : memref<10x128xf32, #tpu.memory_space<hbm>>) target_semaphore(%arg23 : memref<!tpu.dma_semaphore, #tpu.memory_space<semaphore_mem>>)
      %convert_element_type3A_736 = arith.extui %lt3A_323 : i1 to i32
      %cond3A_737 = arith.constant 0 : i32
      %cond3A_738 = arith.cmpi ne, %convert_element_type3A_736, %cond3A_737 : i32
      scf.if %cond3A_738 {
        %add3A_743 = arith.constant 2 : i32
        %add3A_744 = arith.addi %add3A_322, %add3A_743 : i32
        %mul3A_745 = arith.constant 5 : i32
        %mul3A_746 = arith.muli %add3A_744, %mul3A_745 : i32
        %add3A_747 = arith.addi %mul3A_2, %mul3A_746 : i32
        %dma_start3A_748 = arith.constant 0 : i32
        %dma_start3A_749 = arith.constant 0 : i32
        %dma_start3A_750 = tpu.memref_slice %arg11[%dma_start3A_748, %dma_start3A_749] : memref<10x128xi32, #tpu.memory_space<vmem>> -> memref<5x128xi32, #tpu.memory_space<vmem>>
        %dma_start3A_751 = arith.constant 0 : i32
        %dma_start3A_752 = tpu.memref_slice %arg3[%add3A_747, %dma_start3A_751] : memref<10880x128xi32, #tpu.memory_space<hbm>> -> memref<5x128xi32, #tpu.memory_space<hbm>>
        %dma_start3A_753 = arith.constant 0 : i32
        %dma_start3A_754 = arith.constant 0 : i32
        %dma_start3A_755 = tpu.memref_slice %arg11[%dma_start3A_753, %dma_start3A_754] : memref<10x128xi32, #tpu.memory_space<vmem>> -> memref<5x128xi32, #tpu.memory_space<vmem>>
        %dma_start3A_756 = arith.constant 0 : i32
        %dma_start3A_757 = tpu.memref_slice %arg3[%add3A_747, %dma_start3A_756] : memref<10880x128xi32, #tpu.memory_space<hbm>> -> memref<5x128xi32, #tpu.memory_space<hbm>>
        tpu.enqueue_dma source(%dma_start3A_757 : memref<5x128xi32, #tpu.memory_space<hbm>>) target(%dma_start3A_755 : memref<5x128xi32, #tpu.memory_space<vmem>>) target_semaphore(%arg21 : memref<!tpu.dma_semaphore, #tpu.memory_space<semaphore_mem>>)
        %dma_start3A_758 = arith.constant 5 : i32
        %dma_start3A_759 = arith.constant 0 : i32
        %dma_start3A_760 = tpu.memref_slice %arg11[%dma_start3A_758, %dma_start3A_759] : memref<10x128xi32, #tpu.memory_space<vmem>> -> memref<5x128xi32, #tpu.memory_space<vmem>>
        %dma_start3A_761 = arith.constant 0 : i32
        %dma_start3A_762 = tpu.memref_slice %arg4[%add3A_747, %dma_start3A_761] : memref<10880x128xi32, #tpu.memory_space<hbm>> -> memref<5x128xi32, #tpu.memory_space<hbm>>
        %dma_start3A_763 = arith.constant 5 : i32
        %dma_start3A_764 = arith.constant 0 : i32
        %dma_start3A_765 = tpu.memref_slice %arg11[%dma_start3A_763, %dma_start3A_764] : memref<10x128xi32, #tpu.memory_space<vmem>> -> memref<5x128xi32, #tpu.memory_space<vmem>>
        %dma_start3A_766 = arith.constant 0 : i32
        %dma_start3A_767 = tpu.memref_slice %arg4[%add3A_747, %dma_start3A_766] : memref<10880x128xi32, #tpu.memory_space<hbm>> -> memref<5x128xi32, #tpu.memory_space<hbm>>
        tpu.enqueue_dma source(%dma_start3A_767 : memref<5x128xi32, #tpu.memory_space<hbm>>) target(%dma_start3A_765 : memref<5x128xi32, #tpu.memory_space<vmem>>) target_semaphore(%arg21 : memref<!tpu.dma_semaphore, #tpu.memory_space<semaphore_mem>>)
        %dma_start3A_768 = arith.constant 0 : i32
        %dma_start3A_769 = arith.constant 0 : i32
        %dma_start3A_770 = tpu.memref_slice %arg13[%dma_start3A_768, %dma_start3A_769] : memref<20x128xf32, #tpu.memory_space<vmem>> -> memref<5x128xf32, #tpu.memory_space<vmem>>
        %dma_start3A_771 = arith.constant 0 : i32
        %dma_start3A_772 = tpu.memref_slice %arg5[%add3A_747, %dma_start3A_771] : memref<10880x128xf32, #tpu.memory_space<hbm>> -> memref<5x128xf32, #tpu.memory_space<hbm>>
        %dma_start3A_773 = arith.constant 0 : i32
        %dma_start3A_774 = arith.constant 0 : i32
        %dma_start3A_775 = tpu.memref_slice %arg13[%dma_start3A_773, %dma_start3A_774] : memref<20x128xf32, #tpu.memory_space<vmem>> -> memref<5x128xf32, #tpu.memory_space<vmem>>
        %dma_start3A_776 = arith.constant 0 : i32
        %dma_start3A_777 = tpu.memref_slice %arg5[%add3A_747, %dma_start3A_776] : memref<10880x128xf32, #tpu.memory_space<hbm>> -> memref<5x128xf32, #tpu.memory_space<hbm>>
        tpu.enqueue_dma source(%dma_start3A_777 : memref<5x128xf32, #tpu.memory_space<hbm>>) target(%dma_start3A_775 : memref<5x128xf32, #tpu.memory_space<vmem>>) target_semaphore(%arg21 : memref<!tpu.dma_semaphore, #tpu.memory_space<semaphore_mem>>)
        %dma_start3A_778 = arith.constant 5 : i32
        %dma_start3A_779 = arith.constant 0 : i32
        %dma_start3A_780 = tpu.memref_slice %arg13[%dma_start3A_778, %dma_start3A_779] : memref<20x128xf32, #tpu.memory_space<vmem>> -> memref<5x128xf32, #tpu.memory_space<vmem>>
        %dma_start3A_781 = arith.constant 0 : i32
        %dma_start3A_782 = tpu.memref_slice %arg6[%add3A_747, %dma_start3A_781] : memref<10880x128xf32, #tpu.memory_space<hbm>> -> memref<5x128xf32, #tpu.memory_space<hbm>>
        %dma_start3A_783 = arith.constant 5 : i32
        %dma_start3A_784 = arith.constant 0 : i32
        %dma_start3A_785 = tpu.memref_slice %arg13[%dma_start3A_783, %dma_start3A_784] : memref<20x128xf32, #tpu.memory_space<vmem>> -> memref<5x128xf32, #tpu.memory_space<vmem>>
        %dma_start3A_786 = arith.constant 0 : i32
        %dma_start3A_787 = tpu.memref_slice %arg6[%add3A_747, %dma_start3A_786] : memref<10880x128xf32, #tpu.memory_space<hbm>> -> memref<5x128xf32, #tpu.memory_space<hbm>>
        tpu.enqueue_dma source(%dma_start3A_787 : memref<5x128xf32, #tpu.memory_space<hbm>>) target(%dma_start3A_785 : memref<5x128xf32, #tpu.memory_space<vmem>>) target_semaphore(%arg21 : memref<!tpu.dma_semaphore, #tpu.memory_space<semaphore_mem>>)
        %dma_start3A_788 = arith.constant 10 : i32
        %dma_start3A_789 = arith.constant 0 : i32
        %dma_start3A_790 = tpu.memref_slice %arg13[%dma_start3A_788, %dma_start3A_789] : memref<20x128xf32, #tpu.memory_space<vmem>> -> memref<5x128xf32, #tpu.memory_space<vmem>>
        %dma_start3A_791 = arith.constant 0 : i32
        %dma_start3A_792 = tpu.memref_slice %arg7[%add3A_747, %dma_start3A_791] : memref<10880x128xf32, #tpu.memory_space<hbm>> -> memref<5x128xf32, #tpu.memory_space<hbm>>
        %dma_start3A_793 = arith.constant 10 : i32
        %dma_start3A_794 = arith.constant 0 : i32
        %dma_start3A_795 = tpu.memref_slice %arg13[%dma_start3A_793, %dma_start3A_794] : memref<20x128xf32, #tpu.memory_space<vmem>> -> memref<5x128xf32, #tpu.memory_space<vmem>>
        %dma_start3A_796 = arith.constant 0 : i32
        %dma_start3A_797 = tpu.memref_slice %arg7[%add3A_747, %dma_start3A_796] : memref<10880x128xf32, #tpu.memory_space<hbm>> -> memref<5x128xf32, #tpu.memory_space<hbm>>
        tpu.enqueue_dma source(%dma_start3A_797 : memref<5x128xf32, #tpu.memory_space<hbm>>) target(%dma_start3A_795 : memref<5x128xf32, #tpu.memory_space<vmem>>) target_semaphore(%arg21 : memref<!tpu.dma_semaphore, #tpu.memory_space<semaphore_mem>>)
        %dma_start3A_798 = arith.constant 15 : i32
        %dma_start3A_799 = arith.constant 0 : i32
        %dma_start3A_800 = tpu.memref_slice %arg13[%dma_start3A_798, %dma_start3A_799] : memref<20x128xf32, #tpu.memory_space<vmem>> -> memref<5x128xf32, #tpu.memory_space<vmem>>
        %dma_start3A_801 = arith.constant 0 : i32
        %dma_start3A_802 = tpu.memref_slice %arg8[%add3A_747, %dma_start3A_801] : memref<10880x128xf32, #tpu.memory_space<hbm>> -> memref<5x128xf32, #tpu.memory_space<hbm>>
        %dma_start3A_803 = arith.constant 15 : i32
        %dma_start3A_804 = arith.constant 0 : i32
        %dma_start3A_805 = tpu.memref_slice %arg13[%dma_start3A_803, %dma_start3A_804] : memref<20x128xf32, #tpu.memory_space<vmem>> -> memref<5x128xf32, #tpu.memory_space<vmem>>
        %dma_start3A_806 = arith.constant 0 : i32
        %dma_start3A_807 = tpu.memref_slice %arg8[%add3A_747, %dma_start3A_806] : memref<10880x128xf32, #tpu.memory_space<hbm>> -> memref<5x128xf32, #tpu.memory_space<hbm>>
        tpu.enqueue_dma source(%dma_start3A_807 : memref<5x128xf32, #tpu.memory_space<hbm>>) target(%dma_start3A_805 : memref<5x128xf32, #tpu.memory_space<vmem>>) target_semaphore(%arg21 : memref<!tpu.dma_semaphore, #tpu.memory_space<semaphore_mem>>)
      } else {
      }
      %convert_element_type3A_739 = arith.extui %lt3A_323 : i1 to i32
      %cond3A_740 = arith.constant 0 : i32
      %cond3A_741 = arith.cmpi ne, %convert_element_type3A_739, %cond3A_740 : i32
      scf.if %cond3A_741 {
        %dma_wait3A_743 = arith.constant 0 : i32
        %dma_wait3A_744 = arith.constant 0 : i32
        %dma_wait3A_745 = tpu.memref_slice %arg10[%dma_wait3A_743, %dma_wait3A_744] : memref<10x128xi32, #tpu.memory_space<vmem>> -> memref<5x128xi32, #tpu.memory_space<vmem>>
        %dma_wait3A_746 = arith.constant 0 : i32
        %dma_wait3A_747 = arith.constant 0 : i32
        %dma_wait3A_748 = tpu.memref_slice %arg3[%dma_wait3A_746, %dma_wait3A_747] : memref<10880x128xi32, #tpu.memory_space<hbm>> -> memref<5x128xi32, #tpu.memory_space<hbm>>
        %dma_wait3A_749 = arith.constant 0 : i32
        %dma_wait3A_750 = arith.constant 0 : i32
        %dma_wait3A_751 = tpu.memref_slice %arg10[%dma_wait3A_749, %dma_wait3A_750] : memref<10x128xi32, #tpu.memory_space<vmem>> -> memref<5x128xi32, #tpu.memory_space<vmem>>
        %dma_wait3A_752 = arith.constant 0 : i32
        %dma_wait3A_753 = arith.constant 0 : i32
        %dma_wait3A_754 = tpu.memref_slice %arg3[%dma_wait3A_752, %dma_wait3A_753] : memref<10880x128xi32, #tpu.memory_space<hbm>> -> memref<5x128xi32, #tpu.memory_space<hbm>>
        tpu.wait_dma2 semaphore(%arg20 : memref<!tpu.dma_semaphore, #tpu.memory_space<semaphore_mem>>) src(%dma_wait3A_754 : memref<5x128xi32, #tpu.memory_space<hbm>>) dst(%dma_wait3A_751 : memref<5x128xi32, #tpu.memory_space<vmem>>)
        %dma_wait3A_755 = arith.constant 5 : i32
        %dma_wait3A_756 = arith.constant 0 : i32
        %dma_wait3A_757 = tpu.memref_slice %arg10[%dma_wait3A_755, %dma_wait3A_756] : memref<10x128xi32, #tpu.memory_space<vmem>> -> memref<5x128xi32, #tpu.memory_space<vmem>>
        %dma_wait3A_758 = arith.constant 0 : i32
        %dma_wait3A_759 = arith.constant 0 : i32
        %dma_wait3A_760 = tpu.memref_slice %arg4[%dma_wait3A_758, %dma_wait3A_759] : memref<10880x128xi32, #tpu.memory_space<hbm>> -> memref<5x128xi32, #tpu.memory_space<hbm>>
        %dma_wait3A_761 = arith.constant 5 : i32
        %dma_wait3A_762 = arith.constant 0 : i32
        %dma_wait3A_763 = tpu.memref_slice %arg10[%dma_wait3A_761, %dma_wait3A_762] : memref<10x128xi32, #tpu.memory_space<vmem>> -> memref<5x128xi32, #tpu.memory_space<vmem>>
        %dma_wait3A_764 = arith.constant 0 : i32
        %dma_wait3A_765 = arith.constant 0 : i32
        %dma_wait3A_766 = tpu.memref_slice %arg4[%dma_wait3A_764, %dma_wait3A_765] : memref<10880x128xi32, #tpu.memory_space<hbm>> -> memref<5x128xi32, #tpu.memory_space<hbm>>
        tpu.wait_dma2 semaphore(%arg20 : memref<!tpu.dma_semaphore, #tpu.memory_space<semaphore_mem>>) src(%dma_wait3A_766 : memref<5x128xi32, #tpu.memory_space<hbm>>) dst(%dma_wait3A_763 : memref<5x128xi32, #tpu.memory_space<vmem>>)
        %dma_wait3A_767 = arith.constant 0 : i32
        %dma_wait3A_768 = arith.constant 0 : i32
        %dma_wait3A_769 = tpu.memref_slice %arg12[%dma_wait3A_767, %dma_wait3A_768] : memref<20x128xf32, #tpu.memory_space<vmem>> -> memref<5x128xf32, #tpu.memory_space<vmem>>
        %dma_wait3A_770 = arith.constant 0 : i32
        %dma_wait3A_771 = arith.constant 0 : i32
        %dma_wait3A_772 = tpu.memref_slice %arg5[%dma_wait3A_770, %dma_wait3A_771] : memref<10880x128xf32, #tpu.memory_space<hbm>> -> memref<5x128xf32, #tpu.memory_space<hbm>>
        %dma_wait3A_773 = arith.constant 0 : i32
        %dma_wait3A_774 = arith.constant 0 : i32
        %dma_wait3A_775 = tpu.memref_slice %arg12[%dma_wait3A_773, %dma_wait3A_774] : memref<20x128xf32, #tpu.memory_space<vmem>> -> memref<5x128xf32, #tpu.memory_space<vmem>>
        %dma_wait3A_776 = arith.constant 0 : i32
        %dma_wait3A_777 = arith.constant 0 : i32
        %dma_wait3A_778 = tpu.memref_slice %arg5[%dma_wait3A_776, %dma_wait3A_777] : memref<10880x128xf32, #tpu.memory_space<hbm>> -> memref<5x128xf32, #tpu.memory_space<hbm>>
        tpu.wait_dma2 semaphore(%arg20 : memref<!tpu.dma_semaphore, #tpu.memory_space<semaphore_mem>>) src(%dma_wait3A_778 : memref<5x128xf32, #tpu.memory_space<hbm>>) dst(%dma_wait3A_775 : memref<5x128xf32, #tpu.memory_space<vmem>>)
        %dma_wait3A_779 = arith.constant 5 : i32
        %dma_wait3A_780 = arith.constant 0 : i32
        %dma_wait3A_781 = tpu.memref_slice %arg12[%dma_wait3A_779, %dma_wait3A_780] : memref<20x128xf32, #tpu.memory_space<vmem>> -> memref<5x128xf32, #tpu.memory_space<vmem>>
        %dma_wait3A_782 = arith.constant 0 : i32
        %dma_wait3A_783 = arith.constant 0 : i32
        %dma_wait3A_784 = tpu.memref_slice %arg6[%dma_wait3A_782, %dma_wait3A_783] : memref<10880x128xf32, #tpu.memory_space<hbm>> -> memref<5x128xf32, #tpu.memory_space<hbm>>
        %dma_wait3A_785 = arith.constant 5 : i32
        %dma_wait3A_786 = arith.constant 0 : i32
        %dma_wait3A_787 = tpu.memref_slice %arg12[%dma_wait3A_785, %dma_wait3A_786] : memref<20x128xf32, #tpu.memory_space<vmem>> -> memref<5x128xf32, #tpu.memory_space<vmem>>
        %dma_wait3A_788 = arith.constant 0 : i32
        %dma_wait3A_789 = arith.constant 0 : i32
        %dma_wait3A_790 = tpu.memref_slice %arg6[%dma_wait3A_788, %dma_wait3A_789] : memref<10880x128xf32, #tpu.memory_space<hbm>> -> memref<5x128xf32, #tpu.memory_space<hbm>>
        tpu.wait_dma2 semaphore(%arg20 : memref<!tpu.dma_semaphore, #tpu.memory_space<semaphore_mem>>) src(%dma_wait3A_790 : memref<5x128xf32, #tpu.memory_space<hbm>>) dst(%dma_wait3A_787 : memref<5x128xf32, #tpu.memory_space<vmem>>)
        %dma_wait3A_791 = arith.constant 10 : i32
        %dma_wait3A_792 = arith.constant 0 : i32
        %dma_wait3A_793 = tpu.memref_slice %arg12[%dma_wait3A_791, %dma_wait3A_792] : memref<20x128xf32, #tpu.memory_space<vmem>> -> memref<5x128xf32, #tpu.memory_space<vmem>>
        %dma_wait3A_794 = arith.constant 0 : i32
        %dma_wait3A_795 = arith.constant 0 : i32
        %dma_wait3A_796 = tpu.memref_slice %arg7[%dma_wait3A_794, %dma_wait3A_795] : memref<10880x128xf32, #tpu.memory_space<hbm>> -> memref<5x128xf32, #tpu.memory_space<hbm>>
        %dma_wait3A_797 = arith.constant 10 : i32
        %dma_wait3A_798 = arith.constant 0 : i32
        %dma_wait3A_799 = tpu.memref_slice %arg12[%dma_wait3A_797, %dma_wait3A_798] : memref<20x128xf32, #tpu.memory_space<vmem>> -> memref<5x128xf32, #tpu.memory_space<vmem>>
        %dma_wait3A_800 = arith.constant 0 : i32
        %dma_wait3A_801 = arith.constant 0 : i32
        %dma_wait3A_802 = tpu.memref_slice %arg7[%dma_wait3A_800, %dma_wait3A_801] : memref<10880x128xf32, #tpu.memory_space<hbm>> -> memref<5x128xf32, #tpu.memory_space<hbm>>
        tpu.wait_dma2 semaphore(%arg20 : memref<!tpu.dma_semaphore, #tpu.memory_space<semaphore_mem>>) src(%dma_wait3A_802 : memref<5x128xf32, #tpu.memory_space<hbm>>) dst(%dma_wait3A_799 : memref<5x128xf32, #tpu.memory_space<vmem>>)
        %dma_wait3A_803 = arith.constant 15 : i32
        %dma_wait3A_804 = arith.constant 0 : i32
        %dma_wait3A_805 = tpu.memref_slice %arg12[%dma_wait3A_803, %dma_wait3A_804] : memref<20x128xf32, #tpu.memory_space<vmem>> -> memref<5x128xf32, #tpu.memory_space<vmem>>
        %dma_wait3A_806 = arith.constant 0 : i32
        %dma_wait3A_807 = arith.constant 0 : i32
        %dma_wait3A_808 = tpu.memref_slice %arg8[%dma_wait3A_806, %dma_wait3A_807] : memref<10880x128xf32, #tpu.memory_space<hbm>> -> memref<5x128xf32, #tpu.memory_space<hbm>>
        %dma_wait3A_809 = arith.constant 15 : i32
        %dma_wait3A_810 = arith.constant 0 : i32
        %dma_wait3A_811 = tpu.memref_slice %arg12[%dma_wait3A_809, %dma_wait3A_810] : memref<20x128xf32, #tpu.memory_space<vmem>> -> memref<5x128xf32, #tpu.memory_space<vmem>>
        %dma_wait3A_812 = arith.constant 0 : i32
        %dma_wait3A_813 = arith.constant 0 : i32
        %dma_wait3A_814 = tpu.memref_slice %arg8[%dma_wait3A_812, %dma_wait3A_813] : memref<10880x128xf32, #tpu.memory_space<hbm>> -> memref<5x128xf32, #tpu.memory_space<hbm>>
        tpu.wait_dma2 semaphore(%arg20 : memref<!tpu.dma_semaphore, #tpu.memory_space<semaphore_mem>>) src(%dma_wait3A_814 : memref<5x128xf32, #tpu.memory_space<hbm>>) dst(%dma_wait3A_811 : memref<5x128xf32, #tpu.memory_space<vmem>>)
        %dma_start3A_815 = arith.constant 0 : i32
        %dma_start3A_816 = arith.constant 0 : i32
        %dma_start3A_817 = arith.constant 0 : i32
        %dma_start3A_818 = tpu.memref_slice %arg14[%dma_start3A_816, %dma_start3A_817] : memref<1280x64xbf16, #tpu.memory_space<vmem>> -> memref<128x64xbf16, #tpu.memory_space<vmem>>
        %dma_start3A_819 = arith.constant 0 : i32
        %dma_start3A_820 = tpu.memref_slice %arg10[%dma_start3A_815, %dma_start3A_819] : memref<10x128xi32, #tpu.memory_space<vmem>> -> memref<1x128xi32, #tpu.memory_space<vmem>>
        %dma_start3A_821 = tpu.memref_squeeze %dma_start3A_820 : memref<1x128xi32, #tpu.memory_space<vmem>> -> memref<128xi32, #tpu.memory_space<vmem>>
        %dma_start3A_822 = arith.constant 0 : i32
        %dma_start3A_823 = arith.constant 0 : i32
        %dma_start3A_824 = tpu.memref_slice %arg2[%dma_start3A_822, %dma_start3A_823] : memref<87040x64xbf16, #tpu.memory_space<hbm>> -> memref<87040x64xbf16, #tpu.memory_space<hbm>>
        tpu.enqueue_indirect_dma source(%dma_start3A_824 : memref<87040x64xbf16, #tpu.memory_space<hbm>>) target(%dma_start3A_818 : memref<128x64xbf16, #tpu.memory_space<vmem>>) offsets(%dma_start3A_821 : memref<128xi32, #tpu.memory_space<vmem>>) semaphore(%arg18 : memref<!tpu.dma_semaphore, #tpu.memory_space<semaphore_mem>>)
        %dma_start3A_825 = arith.constant 1 : i32
        %dma_start3A_826 = arith.constant 128 : i32
        %dma_start3A_827 = arith.constant 0 : i32
        %dma_start3A_828 = tpu.memref_slice %arg14[%dma_start3A_826, %dma_start3A_827] : memref<1280x64xbf16, #tpu.memory_space<vmem>> -> memref<128x64xbf16, #tpu.memory_space<vmem>>
        %dma_start3A_829 = arith.constant 0 : i32
        %dma_start3A_830 = tpu.memref_slice %arg10[%dma_start3A_825, %dma_start3A_829] : memref<10x128xi32, #tpu.memory_space<vmem>> -> memref<1x128xi32, #tpu.memory_space<vmem>>
        %dma_start3A_831 = tpu.memref_squeeze %dma_start3A_830 : memref<1x128xi32, #tpu.memory_space<vmem>> -> memref<128xi32, #tpu.memory_space<vmem>>
        %dma_start3A_832 = arith.constant 0 : i32
        %dma_start3A_833 = arith.constant 0 : i32
        %dma_start3A_834 = tpu.memref_slice %arg2[%dma_start3A_832, %dma_start3A_833] : memref<87040x64xbf16, #tpu.memory_space<hbm>> -> memref<87040x64xbf16, #tpu.memory_space<hbm>>
        tpu.enqueue_indirect_dma source(%dma_start3A_834 : memref<87040x64xbf16, #tpu.memory_space<hbm>>) target(%dma_start3A_828 : memref<128x64xbf16, #tpu.memory_space<vmem>>) offsets(%dma_start3A_831 : memref<128xi32, #tpu.memory_space<vmem>>) semaphore(%arg18 : memref<!tpu.dma_semaphore, #tpu.memory_space<semaphore_mem>>)
        %dma_start3A_835 = arith.constant 2 : i32
        %dma_start3A_836 = arith.constant 256 : i32
        %dma_start3A_837 = arith.constant 0 : i32
        %dma_start3A_838 = tpu.memref_slice %arg14[%dma_start3A_836, %dma_start3A_837] : memref<1280x64xbf16, #tpu.memory_space<vmem>> -> memref<128x64xbf16, #tpu.memory_space<vmem>>
        %dma_start3A_839 = arith.constant 0 : i32
        %dma_start3A_840 = tpu.memref_slice %arg10[%dma_start3A_835, %dma_start3A_839] : memref<10x128xi32, #tpu.memory_space<vmem>> -> memref<1x128xi32, #tpu.memory_space<vmem>>
        %dma_start3A_841 = tpu.memref_squeeze %dma_start3A_840 : memref<1x128xi32, #tpu.memory_space<vmem>> -> memref<128xi32, #tpu.memory_space<vmem>>
        %dma_start3A_842 = arith.constant 0 : i32
        %dma_start3A_843 = arith.constant 0 : i32
        %dma_start3A_844 = tpu.memref_slice %arg2[%dma_start3A_842, %dma_start3A_843] : memref<87040x64xbf16, #tpu.memory_space<hbm>> -> memref<87040x64xbf16, #tpu.memory_space<hbm>>
        tpu.enqueue_indirect_dma source(%dma_start3A_844 : memref<87040x64xbf16, #tpu.memory_space<hbm>>) target(%dma_start3A_838 : memref<128x64xbf16, #tpu.memory_space<vmem>>) offsets(%dma_start3A_841 : memref<128xi32, #tpu.memory_space<vmem>>) semaphore(%arg18 : memref<!tpu.dma_semaphore, #tpu.memory_space<semaphore_mem>>)
        %dma_start3A_845 = arith.constant 3 : i32
        %dma_start3A_846 = arith.constant 384 : i32
        %dma_start3A_847 = arith.constant 0 : i32
        %dma_start3A_848 = tpu.memref_slice %arg14[%dma_start3A_846, %dma_start3A_847] : memref<1280x64xbf16, #tpu.memory_space<vmem>> -> memref<128x64xbf16, #tpu.memory_space<vmem>>
        %dma_start3A_849 = arith.constant 0 : i32
        %dma_start3A_850 = tpu.memref_slice %arg10[%dma_start3A_845, %dma_start3A_849] : memref<10x128xi32, #tpu.memory_space<vmem>> -> memref<1x128xi32, #tpu.memory_space<vmem>>
        %dma_start3A_851 = tpu.memref_squeeze %dma_start3A_850 : memref<1x128xi32, #tpu.memory_space<vmem>> -> memref<128xi32, #tpu.memory_space<vmem>>
        %dma_start3A_852 = arith.constant 0 : i32
        %dma_start3A_853 = arith.constant 0 : i32
        %dma_start3A_854 = tpu.memref_slice %arg2[%dma_start3A_852, %dma_start3A_853] : memref<87040x64xbf16, #tpu.memory_space<hbm>> -> memref<87040x64xbf16, #tpu.memory_space<hbm>>
        tpu.enqueue_indirect_dma source(%dma_start3A_854 : memref<87040x64xbf16, #tpu.memory_space<hbm>>) target(%dma_start3A_848 : memref<128x64xbf16, #tpu.memory_space<vmem>>) offsets(%dma_start3A_851 : memref<128xi32, #tpu.memory_space<vmem>>) semaphore(%arg18 : memref<!tpu.dma_semaphore, #tpu.memory_space<semaphore_mem>>)
        %dma_start3A_855 = arith.constant 4 : i32
        %dma_start3A_856 = arith.constant 512 : i32
        %dma_start3A_857 = arith.constant 0 : i32
        %dma_start3A_858 = tpu.memref_slice %arg14[%dma_start3A_856, %dma_start3A_857] : memref<1280x64xbf16, #tpu.memory_space<vmem>> -> memref<128x64xbf16, #tpu.memory_space<vmem>>
        %dma_start3A_859 = arith.constant 0 : i32
        %dma_start3A_860 = tpu.memref_slice %arg10[%dma_start3A_855, %dma_start3A_859] : memref<10x128xi32, #tpu.memory_space<vmem>> -> memref<1x128xi32, #tpu.memory_space<vmem>>
        %dma_start3A_861 = tpu.memref_squeeze %dma_start3A_860 : memref<1x128xi32, #tpu.memory_space<vmem>> -> memref<128xi32, #tpu.memory_space<vmem>>
        %dma_start3A_862 = arith.constant 0 : i32
        %dma_start3A_863 = arith.constant 0 : i32
        %dma_start3A_864 = tpu.memref_slice %arg2[%dma_start3A_862, %dma_start3A_863] : memref<87040x64xbf16, #tpu.memory_space<hbm>> -> memref<87040x64xbf16, #tpu.memory_space<hbm>>
        tpu.enqueue_indirect_dma source(%dma_start3A_864 : memref<87040x64xbf16, #tpu.memory_space<hbm>>) target(%dma_start3A_858 : memref<128x64xbf16, #tpu.memory_space<vmem>>) offsets(%dma_start3A_861 : memref<128xi32, #tpu.memory_space<vmem>>) semaphore(%arg18 : memref<!tpu.dma_semaphore, #tpu.memory_space<semaphore_mem>>)
        %dma_start3A_865 = arith.constant 5 : i32
        %dma_start3A_866 = arith.constant 640 : i32
        %dma_start3A_867 = arith.constant 0 : i32
        %dma_start3A_868 = tpu.memref_slice %arg14[%dma_start3A_866, %dma_start3A_867] : memref<1280x64xbf16, #tpu.memory_space<vmem>> -> memref<128x64xbf16, #tpu.memory_space<vmem>>
        %dma_start3A_869 = arith.constant 0 : i32
        %dma_start3A_870 = tpu.memref_slice %arg10[%dma_start3A_865, %dma_start3A_869] : memref<10x128xi32, #tpu.memory_space<vmem>> -> memref<1x128xi32, #tpu.memory_space<vmem>>
        %dma_start3A_871 = tpu.memref_squeeze %dma_start3A_870 : memref<1x128xi32, #tpu.memory_space<vmem>> -> memref<128xi32, #tpu.memory_space<vmem>>
        %dma_start3A_872 = arith.constant 0 : i32
        %dma_start3A_873 = arith.constant 0 : i32
        %dma_start3A_874 = tpu.memref_slice %arg2[%dma_start3A_872, %dma_start3A_873] : memref<87040x64xbf16, #tpu.memory_space<hbm>> -> memref<87040x64xbf16, #tpu.memory_space<hbm>>
        tpu.enqueue_indirect_dma source(%dma_start3A_874 : memref<87040x64xbf16, #tpu.memory_space<hbm>>) target(%dma_start3A_868 : memref<128x64xbf16, #tpu.memory_space<vmem>>) offsets(%dma_start3A_871 : memref<128xi32, #tpu.memory_space<vmem>>) semaphore(%arg18 : memref<!tpu.dma_semaphore, #tpu.memory_space<semaphore_mem>>)
        %dma_start3A_875 = arith.constant 6 : i32
        %dma_start3A_876 = arith.constant 768 : i32
        %dma_start3A_877 = arith.constant 0 : i32
        %dma_start3A_878 = tpu.memref_slice %arg14[%dma_start3A_876, %dma_start3A_877] : memref<1280x64xbf16, #tpu.memory_space<vmem>> -> memref<128x64xbf16, #tpu.memory_space<vmem>>
        %dma_start3A_879 = arith.constant 0 : i32
        %dma_start3A_880 = tpu.memref_slice %arg10[%dma_start3A_875, %dma_start3A_879] : memref<10x128xi32, #tpu.memory_space<vmem>> -> memref<1x128xi32, #tpu.memory_space<vmem>>
        %dma_start3A_881 = tpu.memref_squeeze %dma_start3A_880 : memref<1x128xi32, #tpu.memory_space<vmem>> -> memref<128xi32, #tpu.memory_space<vmem>>
        %dma_start3A_882 = arith.constant 0 : i32
        %dma_start3A_883 = arith.constant 0 : i32
        %dma_start3A_884 = tpu.memref_slice %arg2[%dma_start3A_882, %dma_start3A_883] : memref<87040x64xbf16, #tpu.memory_space<hbm>> -> memref<87040x64xbf16, #tpu.memory_space<hbm>>
        tpu.enqueue_indirect_dma source(%dma_start3A_884 : memref<87040x64xbf16, #tpu.memory_space<hbm>>) target(%dma_start3A_878 : memref<128x64xbf16, #tpu.memory_space<vmem>>) offsets(%dma_start3A_881 : memref<128xi32, #tpu.memory_space<vmem>>) semaphore(%arg18 : memref<!tpu.dma_semaphore, #tpu.memory_space<semaphore_mem>>)
        %dma_start3A_885 = arith.constant 7 : i32
        %dma_start3A_886 = arith.constant 896 : i32
        %dma_start3A_887 = arith.constant 0 : i32
        %dma_start3A_888 = tpu.memref_slice %arg14[%dma_start3A_886, %dma_start3A_887] : memref<1280x64xbf16, #tpu.memory_space<vmem>> -> memref<128x64xbf16, #tpu.memory_space<vmem>>
        %dma_start3A_889 = arith.constant 0 : i32
        %dma_start3A_890 = tpu.memref_slice %arg10[%dma_start3A_885, %dma_start3A_889] : memref<10x128xi32, #tpu.memory_space<vmem>> -> memref<1x128xi32, #tpu.memory_space<vmem>>
        %dma_start3A_891 = tpu.memref_squeeze %dma_start3A_890 : memref<1x128xi32, #tpu.memory_space<vmem>> -> memref<128xi32, #tpu.memory_space<vmem>>
        %dma_start3A_892 = arith.constant 0 : i32
        %dma_start3A_893 = arith.constant 0 : i32
        %dma_start3A_894 = tpu.memref_slice %arg2[%dma_start3A_892, %dma_start3A_893] : memref<87040x64xbf16, #tpu.memory_space<hbm>> -> memref<87040x64xbf16, #tpu.memory_space<hbm>>
        tpu.enqueue_indirect_dma source(%dma_start3A_894 : memref<87040x64xbf16, #tpu.memory_space<hbm>>) target(%dma_start3A_888 : memref<128x64xbf16, #tpu.memory_space<vmem>>) offsets(%dma_start3A_891 : memref<128xi32, #tpu.memory_space<vmem>>) semaphore(%arg18 : memref<!tpu.dma_semaphore, #tpu.memory_space<semaphore_mem>>)
        %dma_start3A_895 = arith.constant 8 : i32
        %dma_start3A_896 = arith.constant 1024 : i32
        %dma_start3A_897 = arith.constant 0 : i32
        %dma_start3A_898 = tpu.memref_slice %arg14[%dma_start3A_896, %dma_start3A_897] : memref<1280x64xbf16, #tpu.memory_space<vmem>> -> memref<128x64xbf16, #tpu.memory_space<vmem>>
        %dma_start3A_899 = arith.constant 0 : i32
        %dma_start3A_900 = tpu.memref_slice %arg10[%dma_start3A_895, %dma_start3A_899] : memref<10x128xi32, #tpu.memory_space<vmem>> -> memref<1x128xi32, #tpu.memory_space<vmem>>
        %dma_start3A_901 = tpu.memref_squeeze %dma_start3A_900 : memref<1x128xi32, #tpu.memory_space<vmem>> -> memref<128xi32, #tpu.memory_space<vmem>>
        %dma_start3A_902 = arith.constant 0 : i32
        %dma_start3A_903 = arith.constant 0 : i32
        %dma_start3A_904 = tpu.memref_slice %arg2[%dma_start3A_902, %dma_start3A_903] : memref<87040x64xbf16, #tpu.memory_space<hbm>> -> memref<87040x64xbf16, #tpu.memory_space<hbm>>
        tpu.enqueue_indirect_dma source(%dma_start3A_904 : memref<87040x64xbf16, #tpu.memory_space<hbm>>) target(%dma_start3A_898 : memref<128x64xbf16, #tpu.memory_space<vmem>>) offsets(%dma_start3A_901 : memref<128xi32, #tpu.memory_space<vmem>>) semaphore(%arg18 : memref<!tpu.dma_semaphore, #tpu.memory_space<semaphore_mem>>)
        %dma_start3A_905 = arith.constant 9 : i32
        %dma_start3A_906 = arith.constant 1152 : i32
        %dma_start3A_907 = arith.constant 0 : i32
        %dma_start3A_908 = tpu.memref_slice %arg14[%dma_start3A_906, %dma_start3A_907] : memref<1280x64xbf16, #tpu.memory_space<vmem>> -> memref<128x64xbf16, #tpu.memory_space<vmem>>
        %dma_start3A_909 = arith.constant 0 : i32
        %dma_start3A_910 = tpu.memref_slice %arg10[%dma_start3A_905, %dma_start3A_909] : memref<10x128xi32, #tpu.memory_space<vmem>> -> memref<1x128xi32, #tpu.memory_space<vmem>>
        %dma_start3A_911 = tpu.memref_squeeze %dma_start3A_910 : memref<1x128xi32, #tpu.memory_space<vmem>> -> memref<128xi32, #tpu.memory_space<vmem>>
        %dma_start3A_912 = arith.constant 0 : i32
        %dma_start3A_913 = arith.constant 0 : i32
        %dma_start3A_914 = tpu.memref_slice %arg2[%dma_start3A_912, %dma_start3A_913] : memref<87040x64xbf16, #tpu.memory_space<hbm>> -> memref<87040x64xbf16, #tpu.memory_space<hbm>>
        tpu.enqueue_indirect_dma source(%dma_start3A_914 : memref<87040x64xbf16, #tpu.memory_space<hbm>>) target(%dma_start3A_908 : memref<128x64xbf16, #tpu.memory_space<vmem>>) offsets(%dma_start3A_911 : memref<128xi32, #tpu.memory_space<vmem>>) semaphore(%arg18 : memref<!tpu.dma_semaphore, #tpu.memory_space<semaphore_mem>>)
      } else {
      }
      %scan3A_742 = arith.constant 0 : i32
      scf.yield %scan3A_742 : i32
    }
    %scan3A_302 = arith.constant 34 : i32
    %dma_wait3A_303 = arith.constant 0 : i32
    %dma_wait3A_304 = arith.constant 0 : i32
    %dma_wait3A_305 = tpu.memref_slice %arg9[%dma_wait3A_303, %dma_wait3A_304] : memref<21760x128xf32, #tpu.memory_space<hbm>> -> memref<10x128xf32, #tpu.memory_space<hbm>>
    %dma_wait3A_306 = arith.constant 0 : i32
    %dma_wait3A_307 = arith.constant 0 : i32
    %dma_wait3A_308 = tpu.memref_slice %arg9[%dma_wait3A_306, %dma_wait3A_307] : memref<21760x128xf32, #tpu.memory_space<hbm>> -> memref<10x128xf32, #tpu.memory_space<hbm>>
    tpu.wait_dma2 semaphore(%arg22 : memref<!tpu.dma_semaphore, #tpu.memory_space<semaphore_mem>>) src(%arg16 : memref<10x128xf32, #tpu.memory_space<vmem>>) dst(%dma_wait3A_308 : memref<10x128xf32, #tpu.memory_space<hbm>>)
    %dma_wait3A_309 = arith.constant 0 : i32
    %dma_wait3A_310 = arith.constant 0 : i32
    %dma_wait3A_311 = tpu.memref_slice %arg9[%dma_wait3A_309, %dma_wait3A_310] : memref<21760x128xf32, #tpu.memory_space<hbm>> -> memref<10x128xf32, #tpu.memory_space<hbm>>
    %dma_wait3A_312 = arith.constant 0 : i32
    %dma_wait3A_313 = arith.constant 0 : i32
    %dma_wait3A_314 = tpu.memref_slice %arg9[%dma_wait3A_312, %dma_wait3A_313] : memref<21760x128xf32, #tpu.memory_space<hbm>> -> memref<10x128xf32, #tpu.memory_space<hbm>>
    tpu.wait_dma2 semaphore(%arg23 : memref<!tpu.dma_semaphore, #tpu.memory_space<semaphore_mem>>) src(%arg17 : memref<10x128xf32, #tpu.memory_space<vmem>>) dst(%dma_wait3A_314 : memref<10x128xf32, #tpu.memory_space<hbm>>)
    return
  }
}

module attributes {stable_mosaic.version = 14 : i64} {
  func.func @_stage_a_body(%arg0: i32, %arg1: memref<544x256xf32, #tpu.memory_space<vmem>>, %arg2: memref<544x256xf32, #tpu.memory_space<vmem>>, %arg3: memref<544x8xf32, #tpu.memory_space<vmem>>, %arg4: memref<256x256xf32, #tpu.memory_space<vmem>>, %arg5: memref<1x256xf32, #tpu.memory_space<vmem>>, %arg6: memref<256x256xf32, #tpu.memory_space<vmem>>, %arg7: memref<1x256xf32, #tpu.memory_space<vmem>>, %arg8: memref<256x128xf32, #tpu.memory_space<vmem>>, %arg9: memref<1x128xf32, #tpu.memory_space<vmem>>, %arg10: memref<128x128xf32, #tpu.memory_space<vmem>>, %arg11: memref<8x256xf32, #tpu.memory_space<vmem>>, %arg12: memref<1x128xf32, #tpu.memory_space<vmem>>, %arg13: memref<1x128xf32, #tpu.memory_space<vmem>>, %arg14: memref<1x128xf32, #tpu.memory_space<vmem>>, %arg15: memref<1x128xf32, #tpu.memory_space<vmem>>, %arg16: memref<1x128xi32, #tpu.memory_space<vmem>>, %arg17: memref<1x128xi32, #tpu.memory_space<vmem>>, %arg18: memref<1x128xi32, #tpu.memory_space<vmem>>, %arg19: memref<544x256xbf16, #tpu.memory_space<vmem>>, %arg20: memref<544x128xi32, #tpu.memory_space<vmem>>, %arg21: memref<544x128xi32, #tpu.memory_space<vmem>>, %arg22: memref<544x128xf32, #tpu.memory_space<vmem>>, %arg23: memref<544x128xf32, #tpu.memory_space<vmem>>, %arg24: memref<544x128xf32, #tpu.memory_space<vmem>>, %arg25: memref<544x128xf32, #tpu.memory_space<vmem>>) attributes {dimension_semantics = [#tpu.dimension_semantics<arbitrary>], iteration_bounds = array<i64: 20>, scalar_prefetch = 0 : i64, scratch_operands = 0 : i64, tpu.core_type = #tpu.core_type<tc>, window_params = [{transform_indices = @transform_0, window_bounds = array<i64: 544, 256>}, {transform_indices = @transform_1, window_bounds = array<i64: 544, 256>}, {transform_indices = @transform_2, window_bounds = array<i64: 544, 8>}, {pipeline_mode = #tpu.pipeline_mode<synchronous>, transform_indices = @transform_3, window_bounds = array<i64: 256, 256>}, {pipeline_mode = #tpu.pipeline_mode<synchronous>, transform_indices = @transform_4, window_bounds = array<i64: 1, 256>}, {pipeline_mode = #tpu.pipeline_mode<synchronous>, transform_indices = @transform_5, window_bounds = array<i64: 256, 256>}, {pipeline_mode = #tpu.pipeline_mode<synchronous>, transform_indices = @transform_6, window_bounds = array<i64: 1, 256>}, {pipeline_mode = #tpu.pipeline_mode<synchronous>, transform_indices = @transform_7, window_bounds = array<i64: 256, 128>}, {pipeline_mode = #tpu.pipeline_mode<synchronous>, transform_indices = @transform_8, window_bounds = array<i64: 1, 128>}, {pipeline_mode = #tpu.pipeline_mode<synchronous>, transform_indices = @transform_9, window_bounds = array<i64: 128, 128>}, {pipeline_mode = #tpu.pipeline_mode<synchronous>, transform_indices = @transform_10, window_bounds = array<i64: 8, 256>}, {pipeline_mode = #tpu.pipeline_mode<synchronous>, transform_indices = @transform_11, window_bounds = array<i64: 1, 128>}, {pipeline_mode = #tpu.pipeline_mode<synchronous>, transform_indices = @transform_12, window_bounds = array<i64: 1, 128>}, {pipeline_mode = #tpu.pipeline_mode<synchronous>, transform_indices = @transform_13, window_bounds = array<i64: 1, 128>}, {pipeline_mode = #tpu.pipeline_mode<synchronous>, transform_indices = @transform_14, window_bounds = array<i64: 1, 128>}, {pipeline_mode = #tpu.pipeline_mode<synchronous>, transform_indices = @transform_15, window_bounds = array<i64: 1, 128>}, {pipeline_mode = #tpu.pipeline_mode<synchronous>, transform_indices = @transform_16, window_bounds = array<i64: 1, 128>}, {pipeline_mode = #tpu.pipeline_mode<synchronous>, transform_indices = @transform_17, window_bounds = array<i64: 1, 128>}, {transform_indices = @transform_18, window_bounds = array<i64: 544, 256>}, {transform_indices = @transform_19, window_bounds = array<i64: 544, 128>}, {transform_indices = @transform_20, window_bounds = array<i64: 544, 128>}, {transform_indices = @transform_21, window_bounds = array<i64: 544, 128>}, {transform_indices = @transform_22, window_bounds = array<i64: 544, 128>}, {transform_indices = @transform_23, window_bounds = array<i64: 544, 128>}, {transform_indices = @transform_24, window_bounds = array<i64: 544, 128>}]} {
    %get3A = arith.constant 0 : index
    %get3A_0 = arith.constant 0 : index
    %get3A_1 = vector.load %arg1[%get3A, %get3A_0] : memref<544x256xf32, #tpu.memory_space<vmem>>, vector<544x256xf32>
    %get3A_2 = arith.constant 0 : index
    %get3A_3 = arith.constant 0 : index
    %get3A_4 = vector.load %arg4[%get3A_2, %get3A_3] : memref<256x256xf32, #tpu.memory_space<vmem>>, vector<256x256xf32>
    %dot_general3A = arith.constant dense<0.000000e+00> : vector<544x256xf32>
    %dot_general3A_5 = tpu.matmul %get3A_1, %get3A_4, %dot_general3A {dimension_numbers = #tpu.dot_dimension_numbers<[1], [0], [0], [1], [0, 0, 1, 1], [], []>, transpose_lhs_hint = false} : vector<544x256xf32>, vector<256x256xf32>, vector<544x256xf32> -> vector<544x256xf32>
    %get3A_6 = arith.constant 0 : index
    %get3A_7 = arith.constant 0 : index
    %get3A_8 = vector.load %arg5[%get3A_6, %get3A_7] : memref<1x256xf32, #tpu.memory_space<vmem>>, vector<1x256xf32>
    %add3A = vector.broadcast %get3A_8 : vector<1x256xf32> to vector<544x256xf32>
    %add3A_9 = arith.addf %dot_general3A_5, %add3A : vector<544x256xf32>
    %convert_element_type3A = arith.truncf %add3A_9 : vector<544x256xf32> to vector<544x256xbf16>
    %swap3A = arith.constant 0 : index
    %swap3A_10 = arith.constant 0 : index
    %swap3A_11 = vector.load %arg19[%swap3A, %swap3A_10] : memref<544x256xbf16, #tpu.memory_space<vmem>>, vector<544x256xbf16>
    tpu.vector_store %arg19[%swap3A, %swap3A_10], %convert_element_type3A {strides = array<i32>} : memref<544x256xbf16, #tpu.memory_space<vmem>>, vector<544x256xbf16>,
    %get3A_12 = arith.constant 0 : index
    %get3A_13 = arith.constant 0 : index
    %get3A_14 = vector.load %arg2[%get3A_12, %get3A_13] : memref<544x256xf32, #tpu.memory_space<vmem>>, vector<544x256xf32>
    %get3A_15 = arith.constant 0 : index
    %get3A_16 = arith.constant 0 : index
    %get3A_17 = vector.load %arg6[%get3A_15, %get3A_16] : memref<256x256xf32, #tpu.memory_space<vmem>>, vector<256x256xf32>
    %dot_general3A_18 = arith.constant dense<0.000000e+00> : vector<544x256xf32>
    %dot_general3A_19 = tpu.matmul %get3A_14, %get3A_17, %dot_general3A_18 {dimension_numbers = #tpu.dot_dimension_numbers<[1], [0], [0], [1], [0, 0, 1, 1], [], []>, transpose_lhs_hint = false} : vector<544x256xf32>, vector<256x256xf32>, vector<544x256xf32> -> vector<544x256xf32>
    %get3A_20 = arith.constant 0 : index
    %get3A_21 = arith.constant 0 : index
    %get3A_22 = vector.load %arg7[%get3A_20, %get3A_21] : memref<1x256xf32, #tpu.memory_space<vmem>>, vector<1x256xf32>
    %add3A_23 = vector.broadcast %get3A_22 : vector<1x256xf32> to vector<544x256xf32>
    %add3A_24 = arith.addf %dot_general3A_19, %add3A_23 : vector<544x256xf32>
    %slice3A = vector.extract_strided_slice %add3A_24 {offsets = [0, 0], sizes = [544, 128], strides = [1, 1]} : vector<544x256xf32> to vector<544x128xf32>
    %slice3A_25 = vector.extract_strided_slice %add3A_24 {offsets = [0, 128], sizes = [544, 128], strides = [1, 1]} : vector<544x256xf32> to vector<544x128xf32>
    %get3A_26 = arith.constant 0 : index
    %get3A_27 = arith.constant 0 : index
    %get3A_28 = vector.load %arg8[%get3A_26, %get3A_27] : memref<256x128xf32, #tpu.memory_space<vmem>>, vector<256x128xf32>
    %dot_general3A_29 = arith.constant dense<0.000000e+00> : vector<544x128xf32>
    %dot_general3A_30 = tpu.matmul %get3A_14, %get3A_28, %dot_general3A_29 {dimension_numbers = #tpu.dot_dimension_numbers<[1], [0], [0], [1], [0, 0, 1, 1], [], []>, transpose_lhs_hint = false} : vector<544x256xf32>, vector<256x128xf32>, vector<544x128xf32> -> vector<544x128xf32>
    %get3A_31 = arith.constant 0 : index
    %get3A_32 = arith.constant 0 : index
    %get3A_33 = vector.load %arg9[%get3A_31, %get3A_32] : memref<1x128xf32, #tpu.memory_space<vmem>>, vector<1x128xf32>
    %add3A_34 = vector.broadcast %get3A_33 : vector<1x128xf32> to vector<544x128xf32>
    %add3A_35 = arith.addf %dot_general3A_30, %add3A_34 : vector<544x128xf32>
    %reduce_max3A = arith.constant dense<0xFF800000> : vector<544xf32>
    %reduce_max3A_36 = vector.multi_reduction <maximumf>, %add3A_35, %reduce_max3A [1] : vector<544x128xf32> to vector<544xf32>
    %broadcast_in_dim3A = vector.shape_cast %reduce_max3A_36 : vector<544xf32> to vector<544x1xf32>
    %sub3A = vector.broadcast %broadcast_in_dim3A : vector<544x1xf32> to vector<544x128xf32>
    %sub3A_37 = arith.subf %add3A_35, %sub3A : vector<544x128xf32>
    %exp3A = math.exp %sub3A_37 : vector<544x128xf32>
    %get3A_38 = arith.constant 0 : index
    %get3A_39 = arith.constant 0 : index
    %get3A_40 = vector.load %arg10[%get3A_38, %get3A_39] : memref<128x128xf32, #tpu.memory_space<vmem>>, vector<128x128xf32>
    %dot_general3A_41 = arith.constant dense<0.000000e+00> : vector<544x128xf32>
    %dot_general3A_42 = tpu.matmul %exp3A, %get3A_40, %dot_general3A_41 {dimension_numbers = #tpu.dot_dimension_numbers<[1], [0], [0], [1], [0, 0, 1, 1], [], []>, transpose_lhs_hint = false} : vector<544x128xf32>, vector<128x128xf32>, vector<544x128xf32> -> vector<544x128xf32>
    %div3A = arith.divf %exp3A, %dot_general3A_42 : vector<544x128xf32>
    %get3A_43 = arith.constant 0 : index
    %get3A_44 = arith.constant 0 : index
    %get3A_45 = vector.load %arg3[%get3A_43, %get3A_44] : memref<544x8xf32, #tpu.memory_space<vmem>>, vector<544x8xf32>
    %get3A_46 = arith.constant 0 : index
    %get3A_47 = arith.constant 0 : index
    %get3A_48 = vector.load %arg11[%get3A_46, %get3A_47] : memref<8x256xf32, #tpu.memory_space<vmem>>, vector<8x256xf32>
    %dot_general3A_49 = arith.constant dense<0.000000e+00> : vector<544x256xf32>
    %dot_general3A_50 = tpu.matmul %get3A_45, %get3A_48, %dot_general3A_49 {dimension_numbers = #tpu.dot_dimension_numbers<[1], [0], [0], [1], [0, 0, 1, 1], [], []>, precision = #tpu.contract_precision<fp32>, transpose_lhs_hint = false} : vector<544x8xf32>, vector<8x256xf32>, vector<544x256xf32> -> vector<544x256xf32>
    %slice3A_51 = vector.extract_strided_slice %dot_general3A_50 {offsets = [0, 0], sizes = [544, 128], strides = [1, 1]} : vector<544x256xf32> to vector<544x128xf32>
    %get3A_52 = arith.constant 0 : index
    %get3A_53 = arith.constant 0 : index
    %get3A_54 = vector.load %arg12[%get3A_52, %get3A_53] : memref<1x128xf32, #tpu.memory_space<vmem>>, vector<1x128xf32>
    %mul3A = vector.broadcast %get3A_54 : vector<1x128xf32> to vector<544x128xf32>
    %mul3A_55 = arith.mulf %slice3A_51, %mul3A : vector<544x128xf32>
    %get3A_56 = arith.constant 0 : index
    %get3A_57 = arith.constant 0 : index
    %get3A_58 = vector.load %arg14[%get3A_56, %get3A_57] : memref<1x128xf32, #tpu.memory_space<vmem>>, vector<1x128xf32>
    %mul3A_59 = vector.broadcast %get3A_58 : vector<1x128xf32> to vector<544x128xf32>
    %mul3A_60 = arith.mulf %slice3A, %mul3A_59 : vector<544x128xf32>
    %add3A_61 = arith.addf %mul3A_55, %mul3A_60 : vector<544x128xf32>
    %sub3A_62 = arith.constant 5.000000e-01 : f32
    %sub3A_63 = vector.broadcast %sub3A_62 : f32 to vector<544x128xf32>
    %sub3A_64 = arith.subf %add3A_61, %sub3A_63 : vector<544x128xf32>
    %slice3A_65 = vector.extract_strided_slice %dot_general3A_50 {offsets = [0, 128], sizes = [544, 128], strides = [1, 1]} : vector<544x256xf32> to vector<544x128xf32>
    %get3A_66 = arith.constant 0 : index
    %get3A_67 = arith.constant 0 : index
    %get3A_68 = vector.load %arg13[%get3A_66, %get3A_67] : memref<1x128xf32, #tpu.memory_space<vmem>>, vector<1x128xf32>
    %mul3A_69 = vector.broadcast %get3A_68 : vector<1x128xf32> to vector<544x128xf32>
    %mul3A_70 = arith.mulf %slice3A_65, %mul3A_69 : vector<544x128xf32>
    %get3A_71 = arith.constant 0 : index
    %get3A_72 = arith.constant 0 : index
    %get3A_73 = vector.load %arg15[%get3A_71, %get3A_72] : memref<1x128xf32, #tpu.memory_space<vmem>>, vector<1x128xf32>
    %mul3A_74 = vector.broadcast %get3A_73 : vector<1x128xf32> to vector<544x128xf32>
    %mul3A_75 = arith.mulf %slice3A_25, %mul3A_74 : vector<544x128xf32>
    %add3A_76 = arith.addf %mul3A_70, %mul3A_75 : vector<544x128xf32>
    %sub3A_77 = arith.constant 5.000000e-01 : f32
    %sub3A_78 = vector.broadcast %sub3A_77 : f32 to vector<544x128xf32>
    %sub3A_79 = arith.subf %add3A_76, %sub3A_78 : vector<544x128xf32>
    %floor3A = math.floor %sub3A_64 : vector<544x128xf32>
    %floor3A_80 = math.floor %sub3A_79 : vector<544x128xf32>
    %sub3A_81 = arith.subf %sub3A_64, %floor3A : vector<544x128xf32>
    %sub3A_82 = arith.constant 1.000000e+00 : f32
    %sub3A_83 = vector.broadcast %sub3A_82 : f32 to vector<544x128xf32>
    %sub3A_84 = arith.subf %sub3A_83, %sub3A_81 : vector<544x128xf32>
    %sub3A_85 = arith.subf %sub3A_79, %floor3A_80 : vector<544x128xf32>
    %sub3A_86 = arith.constant 1.000000e+00 : f32
    %sub3A_87 = vector.broadcast %sub3A_86 : f32 to vector<544x128xf32>
    %sub3A_88 = arith.subf %sub3A_87, %sub3A_85 : vector<544x128xf32>
    %convert_element_type3A_89 = arith.fptosi %floor3A : vector<544x128xf32> to vector<544x128xi32>
    %convert_element_type3A_90 = arith.fptosi %floor3A_80 : vector<544x128xf32> to vector<544x128xi32>
    %get3A_91 = arith.constant 0 : index
    %get3A_92 = arith.constant 0 : index
    %get3A_93 = vector.load %arg16[%get3A_91, %get3A_92] : memref<1x128xi32, #tpu.memory_space<vmem>>, vector<1x128xi32>
    %get3A_94 = arith.constant 0 : index
    %get3A_95 = arith.constant 0 : index
    %get3A_96 = vector.load %arg17[%get3A_94, %get3A_95] : memref<1x128xi32, #tpu.memory_space<vmem>>, vector<1x128xi32>
    %ge3A = arith.constant 0 : i32
    %ge3A_97 = vector.broadcast %ge3A : i32 to vector<544x128xi32>
    %ge3A_98 = arith.cmpi sge, %convert_element_type3A_89, %ge3A_97 : vector<544x128xi32>
    %lt3A = vector.broadcast %get3A_93 : vector<1x128xi32> to vector<544x128xi32>
    %lt3A_99 = arith.cmpi slt, %convert_element_type3A_89, %lt3A : vector<544x128xi32>
    %and3A = arith.andi %ge3A_98, %lt3A_99 : vector<544x128xi1>
    %convert_element_type3A_100 = arith.extui %and3A : vector<544x128xi1> to vector<544x128xi32>
    %convert_element_type3A_101 = arith.sitofp %convert_element_type3A_100 : vector<544x128xi32> to vector<544x128xf32>
    %add3A_102 = arith.constant 1 : i32
    %add3A_103 = vector.broadcast %add3A_102 : i32 to vector<544x128xi32>
    %add3A_104 = arith.addi %convert_element_type3A_89, %add3A_103 : vector<544x128xi32>
    %ge3A_105 = arith.constant 0 : i32
    %ge3A_106 = vector.broadcast %ge3A_105 : i32 to vector<544x128xi32>
    %ge3A_107 = arith.cmpi sge, %add3A_104, %ge3A_106 : vector<544x128xi32>
    %add3A_108 = arith.constant 1 : i32
    %add3A_109 = vector.broadcast %add3A_108 : i32 to vector<544x128xi32>
    %add3A_110 = arith.addi %convert_element_type3A_89, %add3A_109 : vector<544x128xi32>
    %lt3A_111 = vector.broadcast %get3A_93 : vector<1x128xi32> to vector<544x128xi32>
    %lt3A_112 = arith.cmpi slt, %add3A_110, %lt3A_111 : vector<544x128xi32>
    %and3A_113 = arith.andi %ge3A_107, %lt3A_112 : vector<544x128xi1>
    %convert_element_type3A_114 = arith.extui %and3A_113 : vector<544x128xi1> to vector<544x128xi32>
    %convert_element_type3A_115 = arith.sitofp %convert_element_type3A_114 : vector<544x128xi32> to vector<544x128xf32>
    %ge3A_116 = arith.constant 0 : i32
    %ge3A_117 = vector.broadcast %ge3A_116 : i32 to vector<544x128xi32>
    %ge3A_118 = arith.cmpi sge, %convert_element_type3A_90, %ge3A_117 : vector<544x128xi32>
    %lt3A_119 = vector.broadcast %get3A_96 : vector<1x128xi32> to vector<544x128xi32>
    %lt3A_120 = arith.cmpi slt, %convert_element_type3A_90, %lt3A_119 : vector<544x128xi32>
    %and3A_121 = arith.andi %ge3A_118, %lt3A_120 : vector<544x128xi1>
    %convert_element_type3A_122 = arith.extui %and3A_121 : vector<544x128xi1> to vector<544x128xi32>
    %convert_element_type3A_123 = arith.sitofp %convert_element_type3A_122 : vector<544x128xi32> to vector<544x128xf32>
    %add3A_124 = arith.constant 1 : i32
    %add3A_125 = vector.broadcast %add3A_124 : i32 to vector<544x128xi32>
    %add3A_126 = arith.addi %convert_element_type3A_90, %add3A_125 : vector<544x128xi32>
    %ge3A_127 = arith.constant 0 : i32
    %ge3A_128 = vector.broadcast %ge3A_127 : i32 to vector<544x128xi32>
    %ge3A_129 = arith.cmpi sge, %add3A_126, %ge3A_128 : vector<544x128xi32>
    %add3A_130 = arith.constant 1 : i32
    %add3A_131 = vector.broadcast %add3A_130 : i32 to vector<544x128xi32>
    %add3A_132 = arith.addi %convert_element_type3A_90, %add3A_131 : vector<544x128xi32>
    %lt3A_133 = vector.broadcast %get3A_96 : vector<1x128xi32> to vector<544x128xi32>
    %lt3A_134 = arith.cmpi slt, %add3A_132, %lt3A_133 : vector<544x128xi32>
    %and3A_135 = arith.andi %ge3A_129, %lt3A_134 : vector<544x128xi1>
    %convert_element_type3A_136 = arith.extui %and3A_135 : vector<544x128xi1> to vector<544x128xi32>
    %convert_element_type3A_137 = arith.sitofp %convert_element_type3A_136 : vector<544x128xi32> to vector<544x128xf32>
    %sub3A_138 = arith.constant 2 : i32
    %sub3A_139 = vector.broadcast %sub3A_138 : i32 to vector<1x128xi32>
    %sub3A_140 = arith.subi %get3A_93, %sub3A_139 : vector<1x128xi32>
    %jit3A = arith.constant 0 : i32
    %max3A = vector.broadcast %jit3A : i32 to vector<544x128xi32>
    %max3A_141 = arith.maxsi %max3A, %convert_element_type3A_89 : vector<544x128xi32>
    %min3A = vector.broadcast %sub3A_140 : vector<1x128xi32> to vector<544x128xi32>
    %min3A_142 = arith.minsi %min3A, %max3A_141 : vector<544x128xi32>
    %mul3A_143 = arith.mulf %sub3A_84, %convert_element_type3A_101 : vector<544x128xf32>
    %mul3A_144 = arith.mulf %sub3A_81, %convert_element_type3A_115 : vector<544x128xf32>
    %eq3A = arith.cmpi eq, %min3A_142, %convert_element_type3A_89 : vector<544x128xi32>
    %select_n3A = arith.select %eq3A, %mul3A_143, %mul3A_144 : vector<544x128xi1>, vector<544x128xf32>
    %add3A_145 = arith.constant 1 : i32
    %add3A_146 = vector.broadcast %add3A_145 : i32 to vector<544x128xi32>
    %add3A_147 = arith.addi %min3A_142, %add3A_146 : vector<544x128xi32>
    %eq3A_148 = arith.cmpi eq, %add3A_147, %convert_element_type3A_89 : vector<544x128xi32>
    %jit3A_149 = arith.constant 0.000000e+00 : f32
    %broadcast_in_dim3A_150 = vector.broadcast %jit3A_149 : f32 to vector<544x128xf32>
    %select_n3A_151 = arith.select %eq3A_148, %mul3A_143, %broadcast_in_dim3A_150 : vector<544x128xi1>, vector<544x128xf32>
    %select_n3A_152 = arith.select %eq3A, %mul3A_144, %select_n3A_151 : vector<544x128xi1>, vector<544x128xf32>
    %sub3A_153 = arith.constant 1 : i32
    %sub3A_154 = vector.broadcast %sub3A_153 : i32 to vector<1x128xi32>
    %sub3A_155 = arith.subi %get3A_96, %sub3A_154 : vector<1x128xi32>
    %jit3A_156 = arith.constant 0 : i32
    %max3A_157 = vector.broadcast %jit3A_156 : i32 to vector<544x128xi32>
    %max3A_158 = arith.maxsi %max3A_157, %convert_element_type3A_90 : vector<544x128xi32>
    %min3A_159 = vector.broadcast %sub3A_155 : vector<1x128xi32> to vector<544x128xi32>
    %min3A_160 = arith.minsi %min3A_159, %max3A_158 : vector<544x128xi32>
    %add3A_161 = arith.constant 1 : i32
    %add3A_162 = vector.broadcast %add3A_161 : i32 to vector<544x128xi32>
    %add3A_163 = arith.addi %convert_element_type3A_90, %add3A_162 : vector<544x128xi32>
    %sub3A_164 = arith.constant 1 : i32
    %sub3A_165 = vector.broadcast %sub3A_164 : i32 to vector<1x128xi32>
    %sub3A_166 = arith.subi %get3A_96, %sub3A_165 : vector<1x128xi32>
    %jit3A_167 = arith.constant 0 : i32
    %max3A_168 = vector.broadcast %jit3A_167 : i32 to vector<544x128xi32>
    %max3A_169 = arith.maxsi %max3A_168, %add3A_163 : vector<544x128xi32>
    %min3A_170 = vector.broadcast %sub3A_166 : vector<1x128xi32> to vector<544x128xi32>
    %min3A_171 = arith.minsi %min3A_170, %max3A_169 : vector<544x128xi32>
    %mul3A_172 = arith.mulf %sub3A_88, %convert_element_type3A_123 : vector<544x128xf32>
    %mul3A_173 = arith.mulf %div3A, %mul3A_172 : vector<544x128xf32>
    %mul3A_174 = arith.mulf %sub3A_85, %convert_element_type3A_137 : vector<544x128xf32>
    %mul3A_175 = arith.mulf %div3A, %mul3A_174 : vector<544x128xf32>
    %jit3A_176 = arith.constant 10 : i32
    %div3A_177 = arith.divsi %arg0, %jit3A_176 : i32
    %sign3A = arith.constant 0 : i32
    %sign3A_178 = arith.cmpi sgt, %arg0, %sign3A : i32
    %sign3A_179 = arith.extui %sign3A_178 : i1 to i32
    %sign3A_180 = arith.constant 0 : i32
    %sign3A_181 = arith.cmpi slt, %arg0, %sign3A_180 : i32
    %sign3A_182 = arith.extui %sign3A_181 : i1 to i32
    %sign3A_183 = arith.subi %sign3A_179, %sign3A_182 : i32
    %sign3A_184 = arith.constant 0 : i32
    %sign3A_185 = arith.cmpi sgt, %jit3A_176, %sign3A_184 : i32
    %sign3A_186 = arith.extui %sign3A_185 : i1 to i32
    %sign3A_187 = arith.constant 0 : i32
    %sign3A_188 = arith.cmpi slt, %jit3A_176, %sign3A_187 : i32
    %sign3A_189 = arith.extui %sign3A_188 : i1 to i32
    %sign3A_190 = arith.subi %sign3A_186, %sign3A_189 : i32
    %ne3A = arith.cmpi ne, %sign3A_183, %sign3A_190 : i32
    %rem3A = arith.remsi %arg0, %jit3A_176 : i32
    %ne3A_191 = arith.constant 0 : i32
    %ne3A_192 = arith.cmpi ne, %rem3A, %ne3A_191 : i32
    %and3A_193 = arith.andi %ne3A, %ne3A_192 : i1
    %sub3A_194 = arith.constant 1 : i32
    %sub3A_195 = arith.subi %div3A_177, %sub3A_194 : i32
    %select_n3A_196 = arith.select %and3A_193, %sub3A_195, %div3A_177 : i32
    %get3A_197 = arith.constant 0 : index
    %get3A_198 = arith.constant 0 : index
    %get3A_199 = vector.load %arg18[%get3A_197, %get3A_198] : memref<1x128xi32, #tpu.memory_space<vmem>>, vector<1x128xi32>
    %mul3A_200 = arith.constant 43520 : i32
    %mul3A_201 = arith.muli %select_n3A_196, %mul3A_200 : i32
    %add3A_202 = vector.broadcast %mul3A_201 : i32 to vector<1x128xi32>
    %add3A_203 = arith.addi %get3A_199, %add3A_202 : vector<1x128xi32>
    %add3A_204 = vector.broadcast %add3A_203 : vector<1x128xi32> to vector<544x128xi32>
    %add3A_205 = arith.addi %add3A_204, %min3A_142 : vector<544x128xi32>
    %mul3A_206 = vector.broadcast %get3A_93 : vector<1x128xi32> to vector<544x128xi32>
    %mul3A_207 = arith.muli %min3A_160, %mul3A_206 : vector<544x128xi32>
    %add3A_208 = arith.addi %add3A_205, %mul3A_207 : vector<544x128xi32>
    %swap3A_209 = arith.constant 0 : index
    %swap3A_210 = arith.constant 0 : index
    %swap3A_211 = vector.load %arg20[%swap3A_209, %swap3A_210] : memref<544x128xi32, #tpu.memory_space<vmem>>, vector<544x128xi32>
    tpu.vector_store %arg20[%swap3A_209, %swap3A_210], %add3A_208 {strides = array<i32>} : memref<544x128xi32, #tpu.memory_space<vmem>>, vector<544x128xi32>,
    %mul3A_212 = vector.broadcast %get3A_93 : vector<1x128xi32> to vector<544x128xi32>
    %mul3A_213 = arith.muli %min3A_171, %mul3A_212 : vector<544x128xi32>
    %add3A_214 = arith.addi %add3A_205, %mul3A_213 : vector<544x128xi32>
    %swap3A_215 = arith.constant 0 : index
    %swap3A_216 = arith.constant 0 : index
    %swap3A_217 = vector.load %arg21[%swap3A_215, %swap3A_216] : memref<544x128xi32, #tpu.memory_space<vmem>>, vector<544x128xi32>
    tpu.vector_store %arg21[%swap3A_215, %swap3A_216], %add3A_214 {strides = array<i32>} : memref<544x128xi32, #tpu.memory_space<vmem>>, vector<544x128xi32>,
    %mul3A_218 = arith.mulf %mul3A_173, %select_n3A : vector<544x128xf32>
    %swap3A_219 = arith.constant 0 : index
    %swap3A_220 = arith.constant 0 : index
    %swap3A_221 = vector.load %arg22[%swap3A_219, %swap3A_220] : memref<544x128xf32, #tpu.memory_space<vmem>>, vector<544x128xf32>
    tpu.vector_store %arg22[%swap3A_219, %swap3A_220], %mul3A_218 {strides = array<i32>} : memref<544x128xf32, #tpu.memory_space<vmem>>, vector<544x128xf32>,
    %mul3A_222 = arith.mulf %mul3A_175, %select_n3A : vector<544x128xf32>
    %swap3A_223 = arith.constant 0 : index
    %swap3A_224 = arith.constant 0 : index
    %swap3A_225 = vector.load %arg23[%swap3A_223, %swap3A_224] : memref<544x128xf32, #tpu.memory_space<vmem>>, vector<544x128xf32>
    tpu.vector_store %arg23[%swap3A_223, %swap3A_224], %mul3A_222 {strides = array<i32>} : memref<544x128xf32, #tpu.memory_space<vmem>>, vector<544x128xf32>,
    %mul3A_226 = arith.mulf %mul3A_173, %select_n3A_152 : vector<544x128xf32>
    %swap3A_227 = arith.constant 0 : index
    %swap3A_228 = arith.constant 0 : index
    %swap3A_229 = vector.load %arg24[%swap3A_227, %swap3A_228] : memref<544x128xf32, #tpu.memory_space<vmem>>, vector<544x128xf32>
    tpu.vector_store %arg24[%swap3A_227, %swap3A_228], %mul3A_226 {strides = array<i32>} : memref<544x128xf32, #tpu.memory_space<vmem>>, vector<544x128xf32>,
    %mul3A_230 = arith.mulf %mul3A_175, %select_n3A_152 : vector<544x128xf32>
    %swap3A_231 = arith.constant 0 : index
    %swap3A_232 = arith.constant 0 : index
    %swap3A_233 = vector.load %arg25[%swap3A_231, %swap3A_232] : memref<544x128xf32, #tpu.memory_space<vmem>>, vector<544x128xf32>
    tpu.vector_store %arg25[%swap3A_231, %swap3A_232], %mul3A_230 {strides = array<i32>} : memref<544x128xf32, #tpu.memory_space<vmem>>, vector<544x128xf32>,
    return
  }
  func.func @transform_0(%arg0: i32) -> (i32, i32) {
    %c0_i32 = arith.constant 0 : i32
    %c0_i32_0 = arith.constant 0 : i32
    return %arg0, %c0_i32 : i32, i32
  }
  func.func @transform_1(%arg0: i32) -> (i32, i32) {
    %c0_i32 = arith.constant 0 : i32
    %c0_i32_0 = arith.constant 0 : i32
    return %arg0, %c0_i32 : i32, i32
  }
  func.func @transform_2(%arg0: i32) -> (i32, i32) {
    %c0_i32 = arith.constant 0 : i32
    %c0_i32_0 = arith.constant 0 : i32
    return %arg0, %c0_i32 : i32, i32
  }
  func.func @transform_3(%arg0: i32) -> (i32, i32) {
    %c0_i32 = arith.constant 0 : i32
    %c0_i32_0 = arith.constant 0 : i32
    %c0_i32_1 = arith.constant 0 : i32
    return %c0_i32, %c0_i32_0 : i32, i32
  }
  func.func @transform_4(%arg0: i32) -> (i32, i32) {
    %c0_i32 = arith.constant 0 : i32
    %c0_i32_0 = arith.constant 0 : i32
    %c0_i32_1 = arith.constant 0 : i32
    return %c0_i32, %c0_i32_0 : i32, i32
  }
  func.func @transform_5(%arg0: i32) -> (i32, i32) {
    %c0_i32 = arith.constant 0 : i32
    %c0_i32_0 = arith.constant 0 : i32
    %c0_i32_1 = arith.constant 0 : i32
    return %c0_i32, %c0_i32_0 : i32, i32
  }
  func.func @transform_6(%arg0: i32) -> (i32, i32) {
    %c0_i32 = arith.constant 0 : i32
    %c0_i32_0 = arith.constant 0 : i32
    %c0_i32_1 = arith.constant 0 : i32
    return %c0_i32, %c0_i32_0 : i32, i32
  }
  func.func @transform_7(%arg0: i32) -> (i32, i32) {
    %c0_i32 = arith.constant 0 : i32
    %c0_i32_0 = arith.constant 0 : i32
    %c0_i32_1 = arith.constant 0 : i32
    return %c0_i32, %c0_i32_0 : i32, i32
  }
  func.func @transform_8(%arg0: i32) -> (i32, i32) {
    %c0_i32 = arith.constant 0 : i32
    %c0_i32_0 = arith.constant 0 : i32
    %c0_i32_1 = arith.constant 0 : i32
    return %c0_i32, %c0_i32_0 : i32, i32
  }
  func.func @transform_9(%arg0: i32) -> (i32, i32) {
    %c0_i32 = arith.constant 0 : i32
    %c0_i32_0 = arith.constant 0 : i32
    %c0_i32_1 = arith.constant 0 : i32
    return %c0_i32, %c0_i32_0 : i32, i32
  }
  func.func @transform_10(%arg0: i32) -> (i32, i32) {
    %c0_i32 = arith.constant 0 : i32
    %c0_i32_0 = arith.constant 0 : i32
    %c0_i32_1 = arith.constant 0 : i32
    return %c0_i32, %c0_i32_0 : i32, i32
  }
  func.func @transform_11(%arg0: i32) -> (i32, i32) {
    %c0_i32 = arith.constant 0 : i32
    %c0_i32_0 = arith.constant 0 : i32
    %c0_i32_1 = arith.constant 0 : i32
    return %c0_i32, %c0_i32_0 : i32, i32
  }
  func.func @transform_12(%arg0: i32) -> (i32, i32) {
    %c0_i32 = arith.constant 0 : i32
    %c0_i32_0 = arith.constant 0 : i32
    %c0_i32_1 = arith.constant 0 : i32
    return %c0_i32, %c0_i32_0 : i32, i32
  }
  func.func @transform_13(%arg0: i32) -> (i32, i32) {
    %c0_i32 = arith.constant 0 : i32
    %c0_i32_0 = arith.constant 0 : i32
    %c0_i32_1 = arith.constant 0 : i32
    return %c0_i32, %c0_i32_0 : i32, i32
  }
  func.func @transform_14(%arg0: i32) -> (i32, i32) {
    %c0_i32 = arith.constant 0 : i32
    %c0_i32_0 = arith.constant 0 : i32
    %c0_i32_1 = arith.constant 0 : i32
    return %c0_i32, %c0_i32_0 : i32, i32
  }
  func.func @transform_15(%arg0: i32) -> (i32, i32) {
    %c0_i32 = arith.constant 0 : i32
    %c0_i32_0 = arith.constant 0 : i32
    %c0_i32_1 = arith.constant 0 : i32
    return %c0_i32, %c0_i32_0 : i32, i32
  }
  func.func @transform_16(%arg0: i32) -> (i32, i32) {
    %c0_i32 = arith.constant 0 : i32
    %c0_i32_0 = arith.constant 0 : i32
    %c0_i32_1 = arith.constant 0 : i32
    return %c0_i32, %c0_i32_0 : i32, i32
  }
  func.func @transform_17(%arg0: i32) -> (i32, i32) {
    %c0_i32 = arith.constant 0 : i32
    %c0_i32_0 = arith.constant 0 : i32
    %c0_i32_1 = arith.constant 0 : i32
    return %c0_i32, %c0_i32_0 : i32, i32
  }
  func.func @transform_18(%arg0: i32) -> (i32, i32) {
    %c0_i32 = arith.constant 0 : i32
    %c0_i32_0 = arith.constant 0 : i32
    return %arg0, %c0_i32 : i32, i32
  }
  func.func @transform_19(%arg0: i32) -> (i32, i32) {
    %c0_i32 = arith.constant 0 : i32
    %c0_i32_0 = arith.constant 0 : i32
    return %arg0, %c0_i32 : i32, i32
  }
  func.func @transform_20(%arg0: i32) -> (i32, i32) {
    %c0_i32 = arith.constant 0 : i32
    %c0_i32_0 = arith.constant 0 : i32
    return %arg0, %c0_i32 : i32, i32
  }
  func.func @transform_21(%arg0: i32) -> (i32, i32) {
    %c0_i32 = arith.constant 0 : i32
    %c0_i32_0 = arith.constant 0 : i32
    return %arg0, %c0_i32 : i32, i32
  }
  func.func @transform_22(%arg0: i32) -> (i32, i32) {
    %c0_i32 = arith.constant 0 : i32
    %c0_i32_0 = arith.constant 0 : i32
    return %arg0, %c0_i32 : i32, i32
  }
  func.func @transform_23(%arg0: i32) -> (i32, i32) {
    %c0_i32 = arith.constant 0 : i32
    %c0_i32_0 = arith.constant 0 : i32
    return %arg0, %c0_i32 : i32, i32
  }
  func.func @transform_24(%arg0: i32) -> (i32, i32) {
    %c0_i32 = arith.constant 0 : i32
    %c0_i32_0 = arith.constant 0 : i32
    return %arg0, %c0_i32 : i32, i32
  }
}

module attributes {stable_mosaic.version = 14 : i64} {
  func.func @_matmul_body(%arg0: i32, %arg1: memref<1088x128xf32, #tpu.memory_space<vmem>>, %arg2: memref<256x256xf32, #tpu.memory_space<vmem>>, %arg3: memref<1x256xf32, #tpu.memory_space<vmem>>, %arg4: memref<544x256xf32, #tpu.memory_space<vmem>>) attributes {dimension_semantics = [#tpu.dimension_semantics<arbitrary>], iteration_bounds = array<i64: 20>, scalar_prefetch = 0 : i64, scratch_operands = 0 : i64, tpu.core_type = #tpu.core_type<tc>, window_params = [{transform_indices = @transform_0, window_bounds = array<i64: 1088, 128>}, {pipeline_mode = #tpu.pipeline_mode<synchronous>, transform_indices = @transform_1, window_bounds = array<i64: 256, 256>}, {pipeline_mode = #tpu.pipeline_mode<synchronous>, transform_indices = @transform_2, window_bounds = array<i64: 1, 256>}, {transform_indices = @transform_3, window_bounds = array<i64: 544, 256>}]} {
    %get3A = arith.constant 0 : index
    %get3A_0 = arith.constant 0 : index
    %get3A_1 = vector.load %arg1[%get3A, %get3A_0] : memref<1088x128xf32, #tpu.memory_space<vmem>>, vector<1088x128xf32>
    %reshape3A = vector.shape_cast %get3A_1 : vector<1088x128xf32> to vector<544x2x128xf32>
    %get3A_2 = arith.constant 0 : index
    %get3A_3 = arith.constant 0 : index
    %get3A_4 = vector.load %arg2[%get3A_2, %get3A_3] : memref<256x256xf32, #tpu.memory_space<vmem>>, vector<256x256xf32>
    %slice3A = vector.extract_strided_slice %reshape3A {offsets = [0, 0, 0], sizes = [544, 1, 128], strides = [1, 1, 1]} : vector<544x2x128xf32> to vector<544x1x128xf32>
    %squeeze3A = vector.shape_cast %slice3A : vector<544x1x128xf32> to vector<544x128xf32>
    %slice3A_5 = vector.extract_strided_slice %get3A_4 {offsets = [0, 0], sizes = [128, 256], strides = [1, 1]} : vector<256x256xf32> to vector<128x256xf32>
    %dot_general3A = arith.constant dense<0.000000e+00> : vector<544x256xf32>
    %dot_general3A_6 = tpu.matmul %squeeze3A, %slice3A_5, %dot_general3A {dimension_numbers = #tpu.dot_dimension_numbers<[1], [0], [0], [1], [0, 0, 1, 1], [], []>, transpose_lhs_hint = false} : vector<544x128xf32>, vector<128x256xf32>, vector<544x256xf32> -> vector<544x256xf32>
    %slice3A_7 = vector.extract_strided_slice %reshape3A {offsets = [0, 1, 0], sizes = [544, 1, 128], strides = [1, 1, 1]} : vector<544x2x128xf32> to vector<544x1x128xf32>
    %squeeze3A_8 = vector.shape_cast %slice3A_7 : vector<544x1x128xf32> to vector<544x128xf32>
    %slice3A_9 = vector.extract_strided_slice %get3A_4 {offsets = [128, 0], sizes = [128, 256], strides = [1, 1]} : vector<256x256xf32> to vector<128x256xf32>
    %dot_general3A_10 = arith.constant dense<0.000000e+00> : vector<544x256xf32>
    %dot_general3A_11 = tpu.matmul %squeeze3A_8, %slice3A_9, %dot_general3A_10 {dimension_numbers = #tpu.dot_dimension_numbers<[1], [0], [0], [1], [0, 0, 1, 1], [], []>, transpose_lhs_hint = false} : vector<544x128xf32>, vector<128x256xf32>, vector<544x256xf32> -> vector<544x256xf32>
    %add3A = arith.addf %dot_general3A_6, %dot_general3A_11 : vector<544x256xf32>
    %get3A_12 = arith.constant 0 : index
    %get3A_13 = arith.constant 0 : index
    %get3A_14 = vector.load %arg3[%get3A_12, %get3A_13] : memref<1x256xf32, #tpu.memory_space<vmem>>, vector<1x256xf32>
    %add3A_15 = vector.broadcast %get3A_14 : vector<1x256xf32> to vector<544x256xf32>
    %add3A_16 = arith.addf %add3A, %add3A_15 : vector<544x256xf32>
    %swap3A = arith.constant 0 : index
    %swap3A_17 = arith.constant 0 : index
    %swap3A_18 = vector.load %arg4[%swap3A, %swap3A_17] : memref<544x256xf32, #tpu.memory_space<vmem>>, vector<544x256xf32>
    tpu.vector_store %arg4[%swap3A, %swap3A_17], %add3A_16 {strides = array<i32>} : memref<544x256xf32, #tpu.memory_space<vmem>>, vector<544x256xf32>,
    return
  }
  func.func @transform_0(%arg0: i32) -> (i32, i32) {
    %c0_i32 = arith.constant 0 : i32
    %c0_i32_0 = arith.constant 0 : i32
    return %arg0, %c0_i32 : i32, i32
  }
  func.func @transform_1(%arg0: i32) -> (i32, i32) {
    %c0_i32 = arith.constant 0 : i32
    %c0_i32_0 = arith.constant 0 : i32
    %c0_i32_1 = arith.constant 0 : i32
    return %c0_i32, %c0_i32_0 : i32, i32
  }
  func.func @transform_2(%arg0: i32) -> (i32, i32) {
    %c0_i32 = arith.constant 0 : i32
    %c0_i32_0 = arith.constant 0 : i32
    %c0_i32_1 = arith.constant 0 : i32
    return %c0_i32, %c0_i32_0 : i32, i32
  }
  func.func @transform_3(%arg0: i32) -> (i32, i32) {
    %c0_i32 = arith.constant 0 : i32
    %c0_i32_0 = arith.constant 0 : i32
    return %arg0, %c0_i32 : i32, i32
  }
}

</mosaic_0001>

<sc_bundles>
// kernel: kernel.5.cloned.1.call-start
scs
__scs_entry_jumppad:
0x0: {  	(pc) =	sbr.rel $0x88, $3  }
0x1: {  	(tag) =	ssettag $0x0;
	lr =	simm.s32 $0x1  }
0x2: {  	[smem:$0x3F96] =	sst lr;
	_ =	strace $0xD0000000  }
0x3: {  	_ = 	snop  }
0x4: {  	_ = 	snop  }
0x5: {  	_ = 	snop  }
0x6: {  	_ = 	snop  }
0x7: {  	_ = 	snop  }
__scs_overlays_trampoline_lowered:
0x8: {  	[smem:$0x3FA5] =	sst s0  }
0x9: {  	[smem:$0x3FA6] =	sst s1  }
0xa: {  	[smem:$0x3FA7] =	sst s2  }
0xb: {  	[smem:$0x3FA8] =	sst s3  }
0xc: {  	[smem:$0x3FA9] =	sst s4  }
0xd: {  	[smem:$0x3FAA] =	sst s5  }
0xe: {  	[smem:$0x3FAB] =	sst s6  }
0xf: {  	[smem:$0x3FAC] =	sst s7  }
0x10: {  	[smem:$0x3FAD] =	sst s8  }
0x11: {  	[smem:$0x3FAE] =	sst s9;
	s0 =	simm.s32 @!p0 $0x0  }
0x12: {  	s1 =	sld [smem:$0x3F94];
	s0 =	simm.s32 @p0 $0x1  }
0x13: {  	[smem:$0x3FAF] =	sst s0;
	s0 =	simm.s32 @!p1 $0x0  }
0x14: {  	s2 =	sld [smem:$0x3F93];
	s0 =	simm.s32 @p1 $0x1  }
0x15: {  	[smem:$0x3FB0] =	sst s0;
	s0 =	simm.s32 @!p2 $0x0  }
0x16: {  	s3 =	sld [smem:$0x3FDB];
	s0 =	simm.s32 @p2 $0x1  }
0x17: {  	s4 =	simm.s32 $0x1BF5;
	[smem:$0x3FB2] =	sst s0  }
0x18: {  	s0 =	sld [smem:$0x3F95];
	_ =	swait.ge [sflag:s4], $0x0  }
0x19: {  	s7 =	sld [smem:$0x3F96]  }
0x1a: {  	s8 =	sadd.s32 $0xFFFFE003, lr  }
0x1b: {  	s9 =	sadd.s32 $0xFFFFFEF7, lr;
	s5 =	simm.s32 $0xFFFFFFFF;
	p2 =	slt.u32 s8, $0xFFFFF086  }
0x1c: {  	p1 =	slt.u32 s9, $0xF7A;
	s5 =	simm.s32 @!p2 $0x0  }
0x1d: {  	s5 =	simm.s32 @p1 $0x1;
	p0 =	seq.s32 s7, s2  }
0x1e: {  	s7 =	smul.u32 @!p0 $0xF7A, s2;
	p2 =	seq.s32 @!p0 s5, $0x0  }
0x1f: {  	s9 =	smul.u32 $0xF7A, s1;
	s8 =	simm.s32 @!p0 $0x1BF5;
	p2 =	por !p2, p0  }
0x20: {  	[sflag:s8] =	ssyncset.s32 @!p0 $0xFFFFF086;
	s6 =	sadd.s32 @!p0 s3, s7;
	s7 =	simm.s32 @!p0 $0x108  }
0x21: {  	s3 =	sadd.s32 s3, s9;
	s6 =	sadd.s32 @!p0 $0x88, s6;
	s7 =	simm.s32 @p2 $0x1082  }
0x22: {  	[simem:s7], [sflag:s8] =	dma.local @!p0 [hbm:s6], $0xF7A  }
0x23: {  	s9 =	sor.u32 $0xD0000000, s2;
	s6 =	simm.s32 $0x108;
	_ =	swait.ge @!p0 [sflag:s8], $0x0  }
0x24: {  	s3 =	sadd.s32 $0x88, s3;
	s6 =	simm.s32 @!p1 $0x1082;
	[sflag:s4] =	ssyncset.s32 $0xFFFFF086  }
0x25: {  	[simem:s6], [sflag:s4] =	dma.local [hbm:s3], $0xF7A  }
0x26: {  	[smem:$0x3F96] =	sst s1;
	(tag) =	ssettag s2;
	_ =	strace s9  }
0x27: {  	s1 =	sld [smem:$0x3FA6]  }
0x28: {  	s2 =	sld [smem:$0x3FA7]  }
0x29: {  	s4 =	sld [smem:$0x3FA9]  }
0x2a: {  	p0 =	seq.s32 s5, $0x0;
	s5 =	sld [smem:$0x3FAA]  }
0x2b: {  	s6 =	sld [smem:$0x3FAB]  }
0x2c: {  	s7 =	sld [smem:$0x3FAC]  }
0x2d: {  	s3 =	simm.s32 $0x108;
	s8 =	sld [smem:$0x3FAD]  }
0x2e: {  	s3 =	simm.s32 @!p0 $0x1082;
	s9 =	sld [smem:$0x3FAE]  }
0x2f: {  	lr =	sadd.s32 s0, s3;
	s0 =	sld [smem:$0x3FA5]  }
0x30: {  	s3 =	sld [smem:$0x3FA8]  }
0x31: {  	[smem:$0x3FB1] =	sst s10  }
0x32: {  	s10 =	sld [smem:$0x3FAF];
	_ =	sdelay $0x3  }
0x33: {  	p0 =	seq.s32 s10, $0x1;
	s10 =	sld [smem:$0x3FB1];
	_ =	sdelay $0x3  }
0x34: {  	[smem:$0x3FB1] =	sst s10  }
0x35: {  	s10 =	sld [smem:$0x3FB0];
	_ =	sdelay $0x3  }
0x36: {  	p1 =	seq.s32 s10, $0x1;
	s10 =	sld [smem:$0x3FB1];
	_ =	sdelay $0x3  }
0x37: {  	[smem:$0x3FB1] =	sst s10  }
0x38: {  	s10 =	sld [smem:$0x3FB2]  }
0x39: {  	_ = 	snop;
	(pc) =	sbr.ind lr, $3  }
0x3a: {  	_ = 	snop  }
0x3b: {  	_ = 	snop  }
0x3c: {  	p2 =	seq.s32 s10, $0x1;
	s10 =	sld [smem:$0x3FB1]  }
0x3d: {  	_ =	shalt  }
0x3e: {  	_ =	shalt  }
0x3f: {  	_ =	shalt  }
0x40: {  	_ =	shalt  }
0x41: {  	_ =	shalt  }
0x42: {  	_ =	shalt  }
0x43: {  	_ =	shalt  }
0x44: {  	_ =	shalt  }
0x45: {  	_ =	shalt  }
0x46: {  	_ =	shalt  }
0x47: {  	_ =	shalt  }
0x48: {  	_ =	shalt  }
0x49: {  	_ =	shalt  }
0x4a: {  	_ =	shalt  }
0x4b: {  	_ =	shalt  }
0x4c: {  	_ =	shalt  }
0x4d: {  	_ =	shalt  }
0x4e: {  	_ =	shalt  }
0x4f: {  	_ =	shalt  }
0x50: {  	_ =	shalt  }
0x51: {  	_ =	shalt  }
0x52: {  	_ =	shalt  }
0x53: {  	_ =	shalt  }
0x54: {  	_ =	shalt  }
0x55: {  	_ =	shalt  }
0x56: {  	_ =	shalt  }
0x57: {  	_ =	shalt  }
0x58: {  	_ =	shalt  }
0x59: {  	_ =	shalt  }
0x5a: {  	_ =	shalt  }
0x5b: {  	_ =	shalt  }
0x5c: {  	_ =	shalt  }
0x5d: {  	_ =	shalt  }
0x5e: {  	_ =	shalt  }
0x5f: {  	_ =	shalt  }
0x60: {  	_ =	shalt  }
0x61: {  	_ =	shalt  }
0x62: {  	_ =	shalt  }
0x63: {  	_ =	shalt  }
0x64: {  	_ =	shalt  }
0x65: {  	_ =	shalt  }
0x66: {  	_ =	shalt  }
0x67: {  	_ =	shalt  }
0x68: {  	_ =	shalt  }
0x69: {  	_ =	shalt  }
0x6a: {  	_ =	shalt  }
0x6b: {  	_ =	shalt  }
0x6c: {  	_ =	shalt  }
0x6d: {  	_ =	shalt  }
0x6e: {  	_ =	shalt  }
0x6f: {  	_ =	shalt  }
0x70: {  	_ =	shalt  }
0x71: {  	_ =	shalt  }
0x72: {  	_ =	shalt  }
0x73: {  	_ =	shalt  }
0x74: {  	_ =	shalt  }
0x75: {  	_ =	shalt  }
0x76: {  	_ =	shalt  }
0x77: {  	_ =	shalt  }
0x78: {  	_ =	shalt  }
0x79: {  	_ =	shalt  }
0x7a: {  	_ =	shalt  }
0x7b: {  	_ =	shalt  }
0x7c: {  	_ =	shalt  }
0x7d: {  	_ =	shalt  }
0x7e: {  	_ =	shalt  }
0x7f: {  	_ =	shalt  }
0x80: {  	_ =	shalt  }
0x81: {  	_ =	shalt  }
0x82: {  	_ =	shalt  }
0x83: {  	_ =	shalt  }
0x84: {  	_ =	shalt  }
0x85: {  	_ =	shalt  }
0x86: {  	_ =	shalt  }
0x87: {  	_ =	shalt  }
.Lfunc_end0:
.L_simem_size_0:
called_computation_lowered:
.L_overlay_start_0:
0x88: {  	s2 =	sld [smem:$0x3FD9]  }
0x89: {  	s3 =	sld [smem:$0x3FFE];
	_ =	sdelay $0x1  }
0x8a: {  	s1 =	srdreg.scid  }
0x8b: {  	s0 =	sand.u32 $0x1, s1  }
0x8c: {  	s17 =	sshll.u32 s0, $0xA;
	s2 =	sadd.s32 s3, s2  }
0x8d: {  	s2 =	sadd.s32 s2, s17  }
0x8e: {  	[smem:$0x3FBD] =	sst s2  }
0x8f: {  	_ = 	snop  }
0x90: {  	s2 =	sld [smem:$0x3FD0];
	(tm) =	ssettm $0x1  }
0x91: {  	s18 =	sld [smem:$0x3FFB];
	_ =	sdelay $0x3  }
0x92: {  	_ =	strace s18  }
0x93: {  	s3 =	sld [smem:$0x3FFC];
	_ =	sdelay $0x3  }
0x94: {  	_ =	strace s3  }
0x95: {  	s3 =	sld [smem:$0x3FFD];
	_ =	sdelay $0x3  }
0x96: {  	_ =	strace s3  }
0x97: {  	_ =	strace $0x8FFFFFFF  }
0x98: {  	s19 =	sld [smem:$0x3FDB];
	_ =	sdelay $0x1  }
0x99: {  	s4 =	simm.s32 $_scs_section_size  }
0x9a: {  	s5 =	simm.s32 $_size__tile_overlayer_lowered;
	s6 =	simm.s32 $_tile_overlayer_lowered  }
0x9b: {  	s22 =	simm.s32 $0x1BFF;
	s21 =	sshll.u32 s6, $0x1;
	s3 =	sadd.s32 s4, s19  }
0x9c: {  	s7 =	simm.s32 $0x0;
	s20 =	sshll.u32 s5, $0x1;
	s5 =	sadd.s32 s21, s3  }
0x9d: {  	[timem:s7], [sflag:s22] =	dma.local [hbm:s5], s20  }
0x9e: {  	_ =	swait.ge [sflag:s22], s20  }
0x9f: {  	s4 =	ssub.s32 $0x0, s20;
	[sflag:s22] =	ssyncset.done $0x0  }
0xa0: {  	[sflag:s22] =	ssyncadd.s32 s4;
	_ =	sdelay $0x1  }
0xa1: {  	s23 =	simm.s32 $0x1B8B  }
0xa2: {  	_ =	swait.ge [sflag:s23], $0x1  }
0xa3: {  	[sflag:s23] =	ssyncset.done $0x0  }
0xa4: {  	s25 =	simm.s32 $0x1B8E;
	s24 =	sld [smem:$0x3FFE];
	[sflag:s23] =	ssyncadd.s32 $0xFFFFFFFF  }
0xa5: {  	s26 =	simm.s32 $execute0_lowered;
	[smem:$0x3FD2] =	sst s25  }
0xa6: {  	s5 =	sshll.u32 s26, $0x1;
	_ =	strace $0x80000046;
	[dreg:$0x1] =	wrdreg $0xFFFFFFFF  }
0xa7: {  	s28 =	simm.s32 $_size_execute0_lowered;
	s3 =	sadd.s32 s3, s5;
	[dreg:$0x0] =	wrdreg $0x0  }
0xa8: {  	s5 =	sshll.u32 s28, $0x1;
	[dreg:$0x2] =	wrdreg s3  }
0xa9: {  	[dreg:$0x3] =	wrdreg s5  }
0xaa: {  	[dreg:$0x4] =	wrdreg $0xC0  }
0xab: {  	_ =	task [dreg:s7], $0x5FFFF  }
0xac: {  	[dreg:$0x1] =	wrdreg $0xFFFFFFFF  }
0xad: {  	[dreg:$0x0] =	wrdreg $0x60  }
0xae: {  	[dreg:$0x2] =	wrdreg s2  }
0xaf: {  	[dreg:$0x3] =	wrdreg s24  }
0xb0: {  	[dreg:$0x4] =	wrdreg $0x9  }
0xb1: {  	_ =	task.clear_ibuf [dreg:s7], $0x5FFFF;
	_ =	strace $0x90000046  }
0xb2: {  	s29 =	simm.s32 $0x9;
	_ =	strace $0x80000048  }
0xb3: {  	_ =	swait.ge [sflag:s29], $0x1  }
0xb4: {  	[sflag:s29] =	ssyncadd.s32 $0xFFFFFFFF  }
0xb5: {  	_ =	strace $0x90000048  }
0xb6: {  	_ =	sfence  }
0xb7: {  	s30 =	sld [smem:$0x0];
	_ =	sdelay $0x2  }
0xb8: {  	s31 =	sshll.u32 s1, $0xD;
	s1 =	sshrl.u32 s1, $0x2  }
0xb9: {  	s3 =	sand.u32 $0x4000, s31;
	s1 =	sadd.s32 s1, s30  }
0xba: {  	s0 =	sor.u32 s3, s0;
	s1 =	sshll.u32 s1, $0x11  }
0xbb: {  	s0 =	sor.u32 s1, s0  }
0xbc: {  	s0 =	sadd.s32 $0x8F2B, s0  }
0xbd: {  	[sflag:s0] =	ssyncadd.remote.s32 $0x1  }
0xbe: {  	_ =	sfence.sel $0xFFFF  }
0xbf: {  	[dreg:$0x0] =	wrdreg $0xFFFFFFFF;
	(pc) =	sbr.abs _section_cstart, $3  }
0xc0: {  	[dreg:$0x1] =	wrdreg $0xFFFFFFFF  }
0xc1: {  	_ =	task.clear_ibuf [dreg:s7], $0x2FFFF;
	_ =	strace $0x9FFFFFFF  }
0xc2: {  	(tm) =	ssettm $0x7FFFFFFF  }
0xc3: {  	_ =	shalt  }
tec
execute0_lowered:
.L_overlay_start_1:
0x0: {  	(tag) =	ssettag $0x1  }
0x1: {  	s1 =	rddreg [dreg:$0x0]  }
0x2: {  	s0 =	rddreg [dreg:$0x1];
	s2 =	simm.s32 $0x0  }
0x3: {  	s3 =	srdreg.scid;
	s8 =	stileid.u32;
	s30 =	simm.s32 $0x3  }
0x4: {  	s31 =	simm.s32 $0x80;
	[smem:$0x7FF] =	sst s2;
	s4 =	sadd.s32 $0xAC400, s0  }
0x5: {  	s5 =	sadd.s32 $0xD6C00, s0;
	s3 =	sand.u32 $0x1, s3;
	s9 =	sshll.u32 s8, $0x1  }
0x6: {  	s6 =	sadd.s32 $0x2400, s0;
	s11 =	ssub.s32 $0x2, s3;
	s3 =	sor.u32 s3, s9  }
0x7: {  	s7 =	sadd.s32 $0x2CC00, s0;
	s10 =	sadd.s32 $0x101400, s0;
	s13 =	smul.u32 $0x1540, s3  }
0x8: {  	s8 =	sadd.s32 $0x57400, s0;
	_ =	strace $0x80000047;
	s9 =	sadd.s32 $0x81C00, s0  }
0x9: {  	s12 =	sshrl.u32 s11, $0x1;
	s15 =	smul.u32 $0xAA00, s3;
	s16 =	sadd.s32 s4, s13  }
0xa: {  	s14 =	ssub.s32 s11, s12;
	s17 =	sadd.s32 s5, s13;
	[dreg:$0x3] =	wrdreg s16  }
0xb: {  	s11 =	smul.u32 $0x154, s3;
	s18 =	sadd.s32 s6, s13;
	[dreg:$0x4] =	wrdreg s17  }
0xc: {  	s12 =	simm.s32 $0x500;
	s19 =	sadd.s32 s7, s13;
	[dreg:$0x5] =	wrdreg s18  }
0xd: {  	s20 =	sshrl.u32 s15, $0x3;
	s21 =	sadd.s32 s8, s13;
	[dreg:$0x6] =	wrdreg s19  }
0xe: {  	s22 =	sadd.s32 s9, s13;
	s0 =	smax.u32 s14, $0x1;
	[dreg:$0x7] =	wrdreg s21  }
0xf: {  	s13 =	simm.s32 $0x780;
	[dreg:$0x8] =	wrdreg s22;
	s3 =	sadd.s32 $0x50, s20  }
0x10: {  	s14 =	simm.s32 $0x2;
	[dreg:$0xf] =	wrdreg s0;
	s23 =	sadd.s32 s4, s3  }
0x11: {  	s28 =	sadd.s32 $0xF, s11;
	s24 =	sadd.s32 s5, s3;
	[dreg:$0x9] =	wrdreg s23  }
.Ltmp0:
0x12: {  	s25 =	sadd.s32 s6, s3;
	[dreg:$0xa] =	wrdreg s24;
	(pc) =	sbr.rel .LBB2_1-.Ltmp0, $4  }
0x13: {  	s18 =	simm.s32 $0x4;
	s26 =	sadd.s32 s7, s3;
	[dreg:$0xb] =	wrdreg s25  }
0x14: {  	s0 =	simm.s32 $0x1;
	s29 =	sadd.s32 s8, s3;
	[dreg:$0xc] =	wrdreg s26  }
0x15: {  	s16 =	simm.s32 $0x0;
	s3 =	sadd.s32 s9, s3;
	[dreg:$0xd] =	wrdreg s29  }
0x16: {  	[dreg:$0xe] =	wrdreg s3;
	s24 =	sadd.s32 $0xA, s11;
	s26 =	sadd.s32 $0x5, s11  }
.LBB2_8:
0x17: {  	s3 =	simm.s32 $0x5  }
0x18: {  	_ =	swait.ge [sflag:s3], $0x500  }
0x19: {  	[sflag:s3] =	ssyncset.done $0x0  }
0x1a: {  	s15 =	simm.s32 $0x6;
	[sflag:s3] =	ssyncadd.s32 $0xFFFFFB00  }
0x1b: {  	_ =	swait.ge [sflag:s15], $0x500  }
0x1c: {  	s16 =	rddreg [dreg:$0x10]  }
0x1d: {  	s29 =	rddreg [dreg:$0xf];
	s16 =	sadd.s32 $0x1, s16  }
0x1e: {  	p0 =	sne.s32 s16, s29  }
.Ltmp1:
0x1f: {  	_ = 	snop;
	(pc) =	sbr.rel @!p0 .LBB2_9-.Ltmp1, $3  }
0x20: {  	_ =	sdelay $0x1  }
0x21: {  	[sflag:s15] =	ssyncset.done $0x0  }
0x22: {  	[sflag:s15] =	ssyncadd.s32 $0xFFFFFB00  }
.LBB2_1:
0x23: {  	[dreg:$0x10] =	wrdreg s16  }
0x24: {  	s3 =	rddreg [dreg:$0x3]  }
0x25: {  	[tilespmem:s2], [sflag:$0x3] =	stream.linear.gather [hbm4b:s3+s2], $0x280, $0x38;
	[tilespmem:$0x16800] =	vst v63  }
0x26: {  	s17 =	rddreg [dreg:$0x4];
	s16 =	simm.s32 $0x280  }
0x27: {  	[tilespmem:s16], [sflag:$0x3] =	stream.linear.gather [hbm4b:s17+s2], $0x280, $0x38;
	[tilespmem:$0x16800] =	vst v63  }
0x28: {  	s19 =	rddreg [dreg:$0x5];
	s15 =	simm.s32 $0xA00  }
0x29: {  	[tilespmem:s15], [sflag:$0x3] =	stream.linear.gather [hbm4b:s19+s2], $0x280, $0x38;
	[tilespmem:$0x16800] =	vst v63  }
0x2a: {  	s20 =	rddreg [dreg:$0x6];
	s21 =	simm.s32 $0xC80  }
0x2b: {  	[tilespmem:s21], [sflag:$0x3] =	stream.linear.gather [hbm4b:s20+s2], $0x280, $0x38;
	[tilespmem:$0x16800] =	vst v63  }
0x2c: {  	s22 =	rddreg [dreg:$0x7];
	s23 =	simm.s32 $0xF00  }
0x2d: {  	[tilespmem:s23], [sflag:$0x3] =	stream.linear.gather [hbm4b:s22+s2], $0x280, $0x38;
	[tilespmem:$0x16800] =	vst v63  }
0x2e: {  	s25 =	rddreg [dreg:$0x8];
	s29 =	simm.s32 $0x1180  }
0x2f: {  	[tilespmem:s29], [sflag:$0x3] =	stream.linear.gather [hbm4b:s25+s2], $0x280, $0x38;
	[tilespmem:$0x16800] =	vst v63  }
0x30: {  	_ =	swait.ge [sflag:s30], $0x280  }
0x31: {  	[sflag:s30] =	ssyncset.done $0x0  }
0x32: {  	[sflag:s30] =	ssyncadd.s32 $0xFFFFFD80  }
0x33: {  	_ =	swait.ge [sflag:s30], $0x280  }
0x34: {  	[sflag:s30] =	ssyncset.done $0x0  }
0x35: {  	[sflag:s30] =	ssyncadd.s32 $0xFFFFFD80  }
0x36: {  	_ =	swait.ge [sflag:s30], $0x280  }
0x37: {  	[sflag:s30] =	ssyncset.done $0x0  }
0x38: {  	[sflag:s30] =	ssyncadd.s32 $0xFFFFFD80  }
0x39: {  	_ =	swait.ge [sflag:s30], $0x280  }
0x3a: {  	[sflag:s30] =	ssyncset.done $0x0  }
0x3b: {  	[sflag:s30] =	ssyncadd.s32 $0xFFFFFD80  }
0x3c: {  	_ =	swait.ge [sflag:s30], $0x280  }
0x3d: {  	[sflag:s30] =	ssyncset.done $0x0  }
0x3e: {  	[sflag:s30] =	ssyncadd.s32 $0xFFFFFD80  }
0x3f: {  	_ =	swait.ge [sflag:s30], $0x280  }
0x40: {  	[sflag:s30] =	ssyncset.done $0x0  }
0x41: {  	s15 =	simm.s32 $0x1E00;
	[sflag:s30] =	ssyncadd.s32 $0xFFFFFD80  }
0x42: {  	[tilespmem:s15], [sflag:$0x1] =	stream.indirect.gather [hbm4b:s1+s31], $0x20, s2, s31, $0xb8;
	[tilespmem:$0x16800] =	vst v63  }
0x43: {  	s17 =	simm.s32 $0x2E00  }
0x44: {  	[tilespmem:s17], [sflag:$0x1] =	stream.indirect.gather [hbm4b:s1+s31], $0x20, s31, s31, $0xb8;
	[tilespmem:$0x16800] =	vst v63  }
0x45: {  	s19 =	simm.s32 $0x100;
	s20 =	simm.s32 $0x3E00  }
0x46: {  	[tilespmem:s20], [sflag:$0x1] =	stream.indirect.gather [hbm4b:s1+s31], $0x20, s19, s31, $0xb8;
	[tilespmem:$0x16800] =	vst v63  }
0x47: {  	s21 =	simm.s32 $0x180;
	s22 =	simm.s32 $0x4E00  }
0x48: {  	[tilespmem:s22], [sflag:$0x1] =	stream.indirect.gather [hbm4b:s1+s31], $0x20, s21, s31, $0xb8;
	[tilespmem:$0x16800] =	vst v63  }
0x49: {  	s23 =	simm.s32 $0x200;
	s25 =	simm.s32 $0x5E00  }
0x4a: {  	[tilespmem:s25], [sflag:$0x1] =	stream.indirect.gather [hbm4b:s1+s31], $0x20, s23, s31, $0xb8;
	[tilespmem:$0x16800] =	vst v63  }
0x4b: {  	s29 =	simm.s32 $0x6E00  }
0x4c: {  	[tilespmem:s29], [sflag:$0x1] =	stream.indirect.gather [hbm4b:s1+s31], $0x20, s16, s31, $0xb8;
	[tilespmem:$0x16800] =	vst v63  }
0x4d: {  	s17 =	simm.s32 $0x7E00;
	s16 =	simm.s32 $0x300  }
0x4e: {  	[tilespmem:s17], [sflag:$0x1] =	stream.indirect.gather [hbm4b:s1+s31], $0x20, s16, s31, $0xb8;
	[tilespmem:$0x16800] =	vst v63  }
0x4f: {  	s19 =	simm.s32 $0x380;
	s20 =	simm.s32 $0x8E00  }
0x50: {  	[tilespmem:s20], [sflag:$0x1] =	stream.indirect.gather [hbm4b:s1+s31], $0x20, s19, s31, $0xb8;
	[tilespmem:$0x16800] =	vst v63  }
0x51: {  	s21 =	simm.s32 $0x400;
	s22 =	simm.s32 $0x9E00  }
0x52: {  	[tilespmem:s22], [sflag:$0x1] =	stream.indirect.gather [hbm4b:s1+s31], $0x20, s21, s31, $0xb8;
	[tilespmem:$0x16800] =	vst v63  }
0x53: {  	s23 =	simm.s32 $0x480;
	s25 =	simm.s32 $0xAE00  }
0x54: {  	[tilespmem:s25], [sflag:$0x1] =	stream.indirect.gather [hbm4b:s1+s31], $0x20, s23, s31, $0xb8;
	[tilespmem:$0x16800] =	vst v63  }
0x55: {  	s29 =	rddreg [dreg:$0x9]  }
0x56: {  	[tilespmem:s12], [sflag:$0x4] =	stream.linear.gather [hbm4b:s29+s2], $0x280, $0x38;
	[tilespmem:$0x16800] =	vst v63  }
0x57: {  	s16 =	rddreg [dreg:$0xa]  }
0x58: {  	[tilespmem:s13], [sflag:$0x4] =	stream.linear.gather [hbm4b:s16+s2], $0x280, $0x38;
	[tilespmem:$0x16800] =	vst v63  }
0x59: {  	s17 =	rddreg [dreg:$0xb];
	s19 =	simm.s32 $0x1400  }
0x5a: {  	[tilespmem:s19], [sflag:$0x4] =	stream.linear.gather [hbm4b:s17+s2], $0x280, $0x38;
	[tilespmem:$0x16800] =	vst v63  }
0x5b: {  	s20 =	rddreg [dreg:$0xc];
	s21 =	simm.s32 $0x1680  }
0x5c: {  	[tilespmem:s21], [sflag:$0x4] =	stream.linear.gather [hbm4b:s20+s2], $0x280, $0x38;
	[tilespmem:$0x16800] =	vst v63  }
0x5d: {  	s15 =	simm.s32 $0x280;
	s22 =	rddreg [dreg:$0xd];
	s23 =	simm.s32 $0x1900  }
0x5e: {  	[tilespmem:s23], [sflag:$0x4] =	stream.linear.gather [hbm4b:s22+s2], $0x280, $0x38;
	[tilespmem:$0x16800] =	vst v63  }
0x5f: {  	s25 =	rddreg [dreg:$0xe];
	s29 =	simm.s32 $0x1B80;
	s16 =	simm.s32 $0x0  }
0x60: {  	[tilespmem:s29], [sflag:$0x4] =	stream.linear.gather [hbm4b:s25+s2], $0x280, $0x38;
	[tilespmem:$0x16800] =	vst v63  }
.LBB2_2:
0x61: {  	_ =	swait.ge [sflag:s18], $0x280  }
0x62: {  	[sflag:s18] =	ssyncset.done $0x0  }
0x63: {  	[sflag:s18] =	ssyncadd.s32 $0xFFFFFD80  }
0x64: {  	_ =	swait.ge [sflag:s18], $0x280  }
0x65: {  	[sflag:s18] =	ssyncset.done $0x0  }
0x66: {  	[sflag:s18] =	ssyncadd.s32 $0xFFFFFD80  }
0x67: {  	_ =	swait.ge [sflag:s18], $0x280  }
0x68: {  	[sflag:s18] =	ssyncset.done $0x0  }
0x69: {  	[sflag:s18] =	ssyncadd.s32 $0xFFFFFD80  }
0x6a: {  	_ =	swait.ge [sflag:s18], $0x280  }
0x6b: {  	[sflag:s18] =	ssyncset.done $0x0  }
0x6c: {  	[sflag:s18] =	ssyncadd.s32 $0xFFFFFD80  }
0x6d: {  	_ =	swait.ge [sflag:s18], $0x280  }
0x6e: {  	[sflag:s18] =	ssyncset.done $0x0  }
0x6f: {  	[sflag:s18] =	ssyncadd.s32 $0xFFFFFD80  }
0x70: {  	_ =	swait.ge [sflag:s18], $0x280  }
0x71: {  	[sflag:s18] =	ssyncset.done $0x0  }
0x72: {  	s3 =	simm.s32 $0xBE00;
	[sflag:s18] =	ssyncadd.s32 $0xFFFFFD80  }
0x73: {  	[tilespmem:s3], [sflag:$0x2] =	stream.indirect.gather [hbm4b:s1+s31], $0x20, s12, s31, $0xb8;
	[tilespmem:$0x16800] =	vst v63  }
0x74: {  	s22 =	simm.s32 $0x580;
	s17 =	simm.s32 $0xCE00  }
0x75: {  	[tilespmem:s17], [sflag:$0x2] =	stream.indirect.gather [hbm4b:s1+s31], $0x20, s22, s31, $0xb8;
	[tilespmem:$0x16800] =	vst v63  }
0x76: {  	s23 =	simm.s32 $0x600;
	s25 =	simm.s32 $0xDE00  }
0x77: {  	[tilespmem:s25], [sflag:$0x2] =	stream.indirect.gather [hbm4b:s1+s31], $0x20, s23, s31, $0xb8;
	[tilespmem:$0x16800] =	vst v63  }
0x78: {  	s19 =	simm.s32 $0xEE00;
	s17 =	simm.s32 $0x680  }
0x79: {  	[tilespmem:s19], [sflag:$0x2] =	stream.indirect.gather [hbm4b:s1+s31], $0x20, s17, s31, $0xb8;
	[tilespmem:$0x16800] =	vst v63  }
0x7a: {  	s20 =	simm.s32 $0x700;
	s21 =	simm.s32 $0xFE00  }
0x7b: {  	[tilespmem:s21], [sflag:$0x2] =	stream.indirect.gather [hbm4b:s1+s31], $0x20, s20, s31, $0xb8;
	[tilespmem:$0x16800] =	vst v63  }
0x7c: {  	s22 =	simm.s32 $0x10E00  }
0x7d: {  	[tilespmem:s22], [sflag:$0x2] =	stream.indirect.gather [hbm4b:s1+s31], $0x20, s13, s31, $0xb8;
	[tilespmem:$0x16800] =	vst v63  }
0x7e: {  	s23 =	simm.s32 $0x800;
	s25 =	simm.s32 $0x11E00  }
0x7f: {  	[tilespmem:s25], [sflag:$0x2] =	stream.indirect.gather [hbm4b:s1+s31], $0x20, s23, s31, $0xb8;
	[tilespmem:$0x16800] =	vst v63  }
0x80: {  	s19 =	simm.s32 $0x880;
	s20 =	simm.s32 $0x12E00  }
0x81: {  	[tilespmem:s20], [sflag:$0x2] =	stream.indirect.gather [hbm4b:s1+s31], $0x20, s19, s31, $0xb8;
	[tilespmem:$0x16800] =	vst v63  }
0x82: {  	s21 =	simm.s32 $0x900;
	s22 =	simm.s32 $0x13E00  }
0x83: {  	[tilespmem:s22], [sflag:$0x2] =	stream.indirect.gather [hbm4b:s1+s31], $0x20, s21, s31, $0xb8;
	[tilespmem:$0x16800] =	vst v63  }
0x84: {  	s23 =	simm.s32 $0x980;
	s25 =	simm.s32 $0x14E00  }
0x85: {  	[tilespmem:s25], [sflag:$0x2] =	stream.indirect.gather [hbm4b:s1+s31], $0x20, s23, s31, $0xb8;
	[tilespmem:$0x16800] =	vst v63  }
0x86: {  	_ =	swait.ge [sflag:s0], $0x1000  }
0x87: {  	[sflag:s0] =	ssyncset.done $0x0  }
0x88: {  	[sflag:s0] =	ssyncadd.s32 $0xFFFFF000  }
0x89: {  	_ =	swait.ge [sflag:s0], $0x1000  }
0x8a: {  	[sflag:s0] =	ssyncset.done $0x0  }
0x8b: {  	[sflag:s0] =	ssyncadd.s32 $0xFFFFF000  }
0x8c: {  	_ =	swait.ge [sflag:s0], $0x1000  }
0x8d: {  	[sflag:s0] =	ssyncset.done $0x0  }
0x8e: {  	[sflag:s0] =	ssyncadd.s32 $0xFFFFF000  }
0x8f: {  	_ =	swait.ge [sflag:s0], $0x1000  }
0x90: {  	[sflag:s0] =	ssyncset.done $0x0  }
0x91: {  	[sflag:s0] =	ssyncadd.s32 $0xFFFFF000  }
0x92: {  	_ =	swait.ge [sflag:s0], $0x1000  }
0x93: {  	[sflag:s0] =	ssyncset.done $0x0  }
0x94: {  	[sflag:s0] =	ssyncadd.s32 $0xFFFFF000  }
0x95: {  	_ =	swait.ge [sflag:s0], $0x1000  }
0x96: {  	[sflag:s0] =	ssyncset.done $0x0  }
0x97: {  	[sflag:s0] =	ssyncadd.s32 $0xFFFFF000  }
0x98: {  	_ =	swait.ge [sflag:s0], $0x1000  }
0x99: {  	[sflag:s0] =	ssyncset.done $0x0  }
0x9a: {  	[sflag:s0] =	ssyncadd.s32 $0xFFFFF000  }
0x9b: {  	_ =	swait.ge [sflag:s0], $0x1000  }
0x9c: {  	[sflag:s0] =	ssyncset.done $0x0  }
0x9d: {  	[sflag:s0] =	ssyncadd.s32 $0xFFFFF000  }
0x9e: {  	_ =	swait.ge [sflag:s0], $0x1000  }
0x9f: {  	[sflag:s0] =	ssyncset.done $0x0  }
0xa0: {  	[sflag:s0] =	ssyncadd.s32 $0xFFFFF000  }
0xa1: {  	_ =	swait.ge [sflag:s0], $0x1000  }
0xa2: {  	p0 =	seq.s32 s16, $0x0;
	[sflag:s0] =	ssyncset.done $0x0  }
0xa3: {  	s17 =	simm.s32 @!p0 $0x5;
	[sflag:s0] =	ssyncadd.s32 $0xFFFFF000  }
0xa4: {  	_ =	swait.ge @!p0 [sflag:s17], $0x500  }
0xa5: {  	s29 =	simm.s32 $0x0;
	[sflag:s17] =	ssyncset.done @!p0 $0x0  }
0xa6: {  	s19 =	simm.s32 $0x0;
	[sflag:s17] =	ssyncadd.s32 @!p0 $0xFFFFFB00;
	s17 =	simm.s32 $0x0  }
.LBB2_3:
0xa7: {  	s20 =	sshll.u32 s19, $0x4  }
0xa8: {  	s25 =	sand.u32 $0x70, s17;
	s21 =	sand.u32 $0xFFFFFF80, s20  }
0xa9: {  	s20 =	sand.u32 $0x3FFFFF80, s20;
	s21 =	sor.u32 s25, s21  }
0xaa: {  	s20 =	sor.u32 s25, s20;
	s22 =	sshll.u32 s21, $0x5;
	v0 =	vld [tilespmem:s21+$0xA00]  }
0xab: {  	v1 =	vld [tilespmem:s20+$0xF00];
	s23 =	sand.u32 $0x3FFFFE00, s22  }
0xac: {  	v2 =	vld [tilespmem:s23+$0x1E00]  }
0xad: {  	v3 =	vld [tilespmem:s23+$0x1E10]  }
0xae: {  	v5 =	vld [tilespmem:s23+$0x1E20]  }
0xaf: {  	v19 =	vld [tilespmem:s23+$0x1E30];
	v4 =	vbroadcast v0, $0x0  }
0xb0: {  	v22 =	vld [tilespmem:s23+$0x1E40];
	v7 =	vbroadcast v1, $0x0;
	v9 =	vbroadcast v0, $0x1  }
0xb1: {  	v25 =	vld [tilespmem:s23+$0x1E50];
	v23 =	vbroadcast v1, $0x1;
	v27 =	vbroadcast v0, $0x2  }
0xb2: {  	v28 =	vld [tilespmem:s23+$0x1E60];
	v30 =	vbroadcast v1, $0x2;
	v33 =	vbroadcast v0, $0x3  }
0xb3: {  	v31 =	vld [tilespmem:s23+$0x1E70];
	v37 =	vbroadcast v1, $0x3;
	v41 =	vbroadcast v0, $0x4  }
0xb4: {  	v36 =	vld [tilespmem:s23+$0x1E80];
	v44 =	vbroadcast v1, $0x4;
	v48 =	vbroadcast v0, $0x5  }
0xb5: {  	v39 =	vld [tilespmem:s23+$0x1E90];
	v54 =	vbroadcast v1, $0x5;
	v58 =	vbroadcast v0, $0x6  }
0xb6: {  	v42 =	vld [tilespmem:s23+$0x1EA0];
	v61 =	vbroadcast v1, $0x6;
	v13 =	vbroadcast v0, $0x7  }
0xb7: {  	v46 =	vld [tilespmem:s23+$0x1EB0];
	v6 =	vunpack.i.l.bf16.f32 v2;
	v2 =	vunpack.i.u.bf16.f32 v2;
	v8 =	vunpack.i.u.bf16.f32 v3  }
0xb8: {  	v53 =	vld [tilespmem:s23+$0x1EC0];
	v3 =	vunpack.i.l.bf16.f32 v3;
	v20 =	vunpack.i.l.bf16.f32 v5;
	v5 =	vunpack.i.u.bf16.f32 v5  }
0xb9: {  	v56 =	vld [tilespmem:s23+$0x1ED0];
	v24 =	vunpack.i.u.bf16.f32 v19;
	v29 =	vunpack.i.l.bf16.f32 v22;
	v10 =	vunpack.i.u.bf16.f32 v25  }
0xba: {  	v59 =	vld [tilespmem:s23+$0x1EE0];
	v34 =	vunpack.i.l.bf16.f32 v28;
	v35 =	vunpack.i.u.bf16.f32 v28;
	v38 =	vunpack.i.u.bf16.f32 v31  }
0xbb: {  	v43 =	vunpack.i.l.bf16.f32 v36;
	v45 =	vunpack.i.u.bf16.f32 v39;
	v50 =	vunpack.i.l.bf16.f32 v42  }
0xbc: {  	v51 =	vunpack.i.u.bf16.f32 v42;
	v55 =	vunpack.i.u.bf16.f32 v46;
	v6 =	vmul.f32 v6, v4  }
0xbd: {  	v60 =	vunpack.i.l.bf16.f32 v53;
	v2 =	vmul.f32 v2, v4;
	v3 =	vmul.f32 v3, v7  }
0xbe: {  	v63 =	vld [tilespmem:s23+$0x1EF0];
	v62 =	vunpack.i.u.bf16.f32 v56;
	v7 =	vmul.f32 v8, v7;
	v21 =	vmul.f32 v20, v9  }
0xbf: {  	v15 =	vunpack.i.l.bf16.f32 v59;
	v5 =	vmul.f32 v5, v9;
	v26 =	vmul.f32 v24, v23  }
0xc0: {  	v16 =	vunpack.i.u.bf16.f32 v59;
	v40 =	vmul.f32 v38, v37;
	v49 =	vmul.f32 v45, v44  }
0xc1: {  	v4 =	vunpack.i.l.bf16.f32 v19;
	v52 =	vmul.f32 v50, v48;
	v57 =	vmul.f32 v55, v54  }
0xc2: {  	v18 =	vld [tilespmem:s23+$0x1F00];
	v9 =	vunpack.i.u.bf16.f32 v36;
	v14 =	vmul.f32 v62, v61;
	v17 =	vmul.f32 v15, v13  }
0xc3: {  	v19 =	vbroadcast v1, $0x7;
	v20 =	vunpack.i.u.bf16.f32 v63;
	v36 =	vbroadcast v1, $0x9  }
0xc4: {  	v4 =	vmul.f32 v4, v23;
	v6 =	vadd.f32 $0.0e+00, v6;
	v2 =	vadd.f32 $0.0e+00, v2  }
0xc5: {  	v28 =	vld [tilespmem:s23+$0x1F30];
	v8 =	vunpack.i.u.bf16.f32 v22;
	v23 =	vbroadcast v0, $0x8;
	v22 =	vmul.f32 v20, v19  }
0xc6: {  	v38 =	vld [tilespmem:s23+$0x1F50];
	v3 =	vadd.f32 v3, v6;
	v2 =	vadd.f32 v7, v2;
	v6 =	vunpack.i.l.bf16.f32 v25  }
0xc7: {  	v55 =	vld [tilespmem:s23+$0x1F90];
	v7 =	vmul.f32 v8, v27;
	v8 =	vunpack.i.l.bf16.f32 v31;
	v25 =	vunpack.i.l.bf16.f32 v18  }
0xc8: {  	v24 =	vld [tilespmem:s23+$0x1F20];
	v32 =	vmul.f32 v6, v30;
	v8 =	vmul.f32 v8, v37;
	v6 =	vunpack.i.l.bf16.f32 v56  }
0xc9: {  	v3 =	vadd.f32 v21, v3;
	v2 =	vadd.f32 v5, v2;
	v5 =	vmul.f32 v10, v30;
	v21 =	vld [tilespmem:s23+$0x1F10]  }
0xca: {  	v37 =	vunpack.i.u.bf16.f32 v28;
	v12 =	vmul.f32 v6, v61;
	v30 =	vbroadcast v0, $0x9  }
0xcb: {  	v3 =	vadd.f32 v4, v3;
	v2 =	vadd.f32 v26, v2;
	v4 =	vmul.f32 v29, v27  }
0xcc: {  	v45 =	vld [tilespmem:s23+$0x1F70];
	v6 =	vunpack.i.l.bf16.f32 v38;
	v61 =	vunpack.i.u.bf16.f32 v55;
	v26 =	vbroadcast v1, $0x8  }
0xcd: {  	v3 =	vadd.f32 v4, v3;
	v2 =	vadd.f32 v7, v2;
	v7 =	vmul.f32 v34, v33  }
0xce: {  	v4 =	vmul.f32 v35, v33;
	v33 =	vunpack.i.u.bf16.f32 v24;
	v27 =	vunpack.i.u.bf16.f32 v21  }
0xcf: {  	v35 =	vld [tilespmem:s23+$0x1F40];
	v3 =	vadd.f32 v32, v3;
	v2 =	vadd.f32 v5, v2;
	v5 =	vmul.f32 v9, v41  }
0xd0: {  	v9 =	vunpack.i.l.bf16.f32 v46;
	v31 =	vmul.f32 v27, v26;
	v32 =	vunpack.i.l.bf16.f32 v24  }
0xd1: {  	v9 =	vmul.f32 v9, v54;
	v34 =	vmul.f32 v32, v30;
	v54 =	vunpack.i.u.bf16.f32 v45  }
0xd2: {  	v3 =	vadd.f32 v7, v3;
	v2 =	vadd.f32 v4, v2;
	v4 =	vmul.f32 v43, v41  }
0xd3: {  	v20 =	vld [tilespmem:s23+$0x1FD0];
	v7 =	vunpack.i.l.bf16.f32 v39;
	v39 =	vmul.f32 v37, v36;
	v43 =	vbroadcast v1, $0xA  }
0xd4: {  	v47 =	vmul.f32 v7, v44;
	v7 =	vunpack.i.l.bf16.f32 v21;
	v42 =	vunpack.i.l.bf16.f32 v35  }
0xd5: {  	s22 =	sadd.s32 $0x5000, s22;
	v62 =	vld [tilespmem:s23+$0x1FB0];
	v44 =	vunpack.i.u.bf16.f32 v38;
	v3 =	vadd.f32 v8, v3;
	v2 =	vadd.f32 v40, v2  }
0xd6: {  	s3 =	sand.u32 $0x3FFFFE00, s22;
	v41 =	vld [tilespmem:s23+$0x1F60];
	v8 =	vunpack.i.u.bf16.f32 v53;
	v29 =	vmul.f32 v7, v26;
	v40 =	vbroadcast v0, $0xA  }
0xd7: {  	v37 =	vld [tilespmem:s3+$0x1E10];
	v46 =	vmul.f32 v6, v43;
	v53 =	vbroadcast v1, $0xB;
	v7 =	vunpack.i.l.bf16.f32 v55  }
0xd8: {  	v26 =	vunpack.i.u.bf16.f32 v20;
	v6 =	vunpack.i.l.bf16.f32 v20;
	v3 =	vadd.f32 v4, v3  }
0xd9: {  	v2 =	vadd.f32 v5, v2;
	v4 =	vmul.f32 v51, v48;
	v5 =	vmul.f32 v8, v58  }
0xda: {  	v8 =	vunpack.i.l.bf16.f32 v63;
	v48 =	vmul.f32 v44, v43;
	v56 =	vmul.f32 v54, v53  }
0xdb: {  	v8 =	vmul.f32 v8, v19;
	v3 =	vadd.f32 v47, v3;
	v2 =	vadd.f32 v49, v2  }
0xdc: {  	v50 =	vunpack.i.u.bf16.f32 v41;
	v19 =	vunpack.i.u.bf16.f32 v62;
	v43 =	vunpack.i.u.bf16.f32 v37  }
0xdd: {  	v47 =	vbroadcast v0, $0xB;
	v3 =	vadd.f32 v52, v3;
	v2 =	vadd.f32 v4, v2  }
0xde: {  	v27 =	vld [tilespmem:s23+$0x1FF0];
	v49 =	vunpack.i.l.bf16.f32 v41;
	v4 =	vmul.f32 v60, v58;
	v60 =	vbroadcast v1, $0xC  }
0xdf: {  	v54 =	vld [tilespmem:s3+$0x1E50];
	v51 =	vmul.f32 v49, v47;
	v3 =	vadd.f32 v9, v3;
	v2 =	vadd.f32 v57, v2  }
0xe0: {  	v52 =	vld [tilespmem:s23+$0x1F80];
	v9 =	vunpack.i.u.bf16.f32 v18;
	v57 =	vbroadcast v0, $0xC;
	v63 =	vmul.f32 v7, v60  }
0xe1: {  	v58 =	vld [tilespmem:s23+$0x1FA0];
	v18 =	vbroadcast v1, $0xD;
	v7 =	vunpack.i.l.bf16.f32 v37;
	v3 =	vadd.f32 v4, v3  }
0xe2: {  	v2 =	vadd.f32 v5, v2;
	v4 =	vmul.f32 v16, v13;
	v5 =	vmul.f32 v9, v23  }
0xe3: {  	v9 =	vunpack.i.l.bf16.f32 v28;
	v13 =	vmul.f32 v61, v60;
	v3 =	vadd.f32 v12, v3  }
0xe4: {  	v21 =	vmul.f32 v19, v18;
	v60 =	vunpack.i.u.bf16.f32 v54;
	v2 =	vadd.f32 v14, v2  }
0xe5: {  	v9 =	vmul.f32 v9, v36;
	v59 =	vunpack.i.l.bf16.f32 v52;
	v3 =	vadd.f32 v17, v3  }
0xe6: {  	v15 =	vunpack.i.u.bf16.f32 v58;
	v36 =	vunpack.i.u.bf16.f32 v27;
	v2 =	vadd.f32 v4, v2  }
0xe7: {  	v12 =	vbroadcast v0, $0xD;
	v4 =	vmul.f32 v25, v23;
	v3 =	vadd.f32 v8, v3  }
0xe8: {  	v14 =	vunpack.i.l.bf16.f32 v58;
	v25 =	vbroadcast v1, $0xE;
	v2 =	vadd.f32 v22, v2  }
0xe9: {  	v19 =	vld [tilespmem:s3+$0x1E90];
	v16 =	vmul.f32 v14, v12;
	v8 =	vunpack.i.u.bf16.f32 v35;
	v3 =	vadd.f32 v4, v3  }
0xea: {  	v17 =	vld [tilespmem:s23+$0x1FC0];
	v22 =	vbroadcast v0, $0xE;
	v28 =	vmul.f32 v6, v25;
	v2 =	vadd.f32 v5, v2  }
0xeb: {  	v23 =	vld [tilespmem:s23+$0x1FE0];
	v35 =	vbroadcast v1, $0xF;
	v6 =	vunpack.i.l.bf16.f32 v54;
	v3 =	vadd.f32 v29, v3  }
0xec: {  	v44 =	vld [tilespmem:s3+$0x1E30];
	v4 =	vmul.f32 v33, v30;
	v5 =	vmul.f32 v8, v40;
	v2 =	vadd.f32 v31, v2  }
0xed: {  	v1 =	vld [tilespmem:s20+$0x1180];
	v8 =	vunpack.i.l.bf16.f32 v45;
	v30 =	vmul.f32 v26, v25;
	v3 =	vadd.f32 v34, v3  }
0xee: {  	v38 =	vmul.f32 v36, v35;
	v25 =	vunpack.i.u.bf16.f32 v19;
	v2 =	vadd.f32 v4, v2  }
0xef: {  	v8 =	vmul.f32 v8, v53;
	v4 =	vmul.f32 v42, v40;
	v3 =	vadd.f32 v9, v3  }
0xf0: {  	v24 =	vunpack.i.l.bf16.f32 v17;
	v32 =	vunpack.i.u.bf16.f32 v23;
	v2 =	vadd.f32 v39, v2  }
0xf1: {  	v53 =	vunpack.i.u.bf16.f32 v44;
	v29 =	vbroadcast v0, $0xF;
	v0 =	vld [tilespmem:s21+$0xC80];
	v3 =	vadd.f32 v4, v3  }
0xf2: {  	v31 =	vunpack.i.l.bf16.f32 v23;
	v42 =	vbroadcast v1, $0x0;
	v2 =	vadd.f32 v5, v2  }
0xf3: {  	v36 =	vld [tilespmem:s3+$0x1ED0];
	v33 =	vmul.f32 v31, v29;
	v9 =	vunpack.i.u.bf16.f32 v52;
	v3 =	vadd.f32 v46, v3  }
0xf4: {  	v34 =	vld [tilespmem:s3+$0x1E00];
	v45 =	vmul.f32 v7, v42;
	v4 =	vmul.f32 v50, v47;
	v2 =	vadd.f32 v48, v2  }
0xf5: {  	v40 =	vld [tilespmem:s3+$0x1E20];
	v52 =	vbroadcast v1, $0x1;
	v7 =	vunpack.i.l.bf16.f32 v19;
	v3 =	vadd.f32 v51, v3  }
0xf6: {  	v61 =	vld [tilespmem:s3+$0x1E70];
	v39 =	vbroadcast v0, $0x0;
	v5 =	vmul.f32 v9, v57;
	v2 =	vadd.f32 v4, v2  }
0xf7: {  	v9 =	vunpack.i.l.bf16.f32 v62;
	v4 =	vmul.f32 v59, v57;
	v3 =	vadd.f32 v8, v3  }
0xf8: {  	v47 =	vmul.f32 v43, v42;
	v55 =	vmul.f32 v53, v52;
	v2 =	vadd.f32 v56, v2  }
0xf9: {  	v42 =	vunpack.i.u.bf16.f32 v36;
	v9 =	vmul.f32 v9, v18;
	v3 =	vadd.f32 v4, v3  }
0xfa: {  	v41 =	vunpack.i.l.bf16.f32 v34;
	v49 =	vunpack.i.u.bf16.f32 v40;
	v2 =	vadd.f32 v5, v2  }
0xfb: {  	v18 =	vunpack.i.u.bf16.f32 v61;
	v46 =	vbroadcast v0, $0x1;
	v3 =	vadd.f32 v63, v3  }
0xfc: {  	v48 =	vunpack.i.l.bf16.f32 v40;
	v4 =	vmul.f32 v15, v12;
	v2 =	vadd.f32 v13, v2  }
0xfd: {  	v26 =	vld [tilespmem:s3+$0x1EB0];
	v50 =	vmul.f32 v48, v46;
	v59 =	vbroadcast v1, $0x2;
	v3 =	vadd.f32 v16, v3  }
0xfe: {  	v53 =	vld [tilespmem:s3+$0x1F10];
	v8 =	vunpack.i.u.bf16.f32 v17;
	v56 =	vbroadcast v0, $0x2;
	v2 =	vadd.f32 v4, v2  }
0xff: {  	v51 =	vld [tilespmem:s3+$0x1E40];
	v62 =	vmul.f32 v6, v59;
	v4 =	vmul.f32 v24, v22;
	v3 =	vadd.f32 v9, v3  }
0x100: {  	v57 =	vld [tilespmem:s3+$0x1E60];
	v17 =	vbroadcast v1, $0x3;
	v5 =	vmul.f32 v8, v22;
	v2 =	vadd.f32 v21, v2  }
0x101: {  	v6 =	vunpack.i.l.bf16.f32 v36;
	v8 =	vunpack.i.l.bf16.f32 v27;
	v3 =	vadd.f32 v4, v3  }
0x102: {  	v12 =	vmul.f32 v60, v59;
	v20 =	vmul.f32 v18, v17;
	v2 =	vadd.f32 v5, v2  }
0x103: {  	v59 =	vunpack.i.u.bf16.f32 v53;
	v8 =	vmul.f32 v8, v35;
	v3 =	vadd.f32 v28, v3  }
0x104: {  	v58 =	vunpack.i.l.bf16.f32 v51;
	v4 =	vmul.f32 v32, v29;
	v2 =	vadd.f32 v30, v2  }
0x105: {  	v14 =	vunpack.i.u.bf16.f32 v57;
	v35 =	vunpack.i.u.bf16.f32 v26;
	v3 =	vadd.f32 v33, v3  }
0x106: {  	v63 =	vbroadcast v0, $0x3;
	v13 =	vunpack.i.l.bf16.f32 v57;
	v2 =	vadd.f32 v4, v2  }
0x107: {  	v9 =	vunpack.i.u.bf16.f32 v34;
	v4 =	vmul.f32 v41, v39;
	v3 =	vadd.f32 v8, v3  }
0x108: {  	v24 =	vbroadcast v1, $0x4;
	v5 =	vmul.f32 v9, v39;
	v2 =	vadd.f32 v38, v2  }
0x109: {  	v18 =	vld [tilespmem:s3+$0x1F50];
	v15 =	vmul.f32 v13, v63;
	v21 =	vbroadcast v0, $0x4;
	v3 =	vadd.f32 v4, v3  }
0x10a: {  	v27 =	vmul.f32 v7, v24;
	v34 =	vbroadcast v1, $0x5;
	v2 =	vadd.f32 v5, v2  }
0x10b: {  	v16 =	vld [tilespmem:s3+$0x1E80];
	v7 =	vunpack.i.l.bf16.f32 v53;
	v53 =	vbroadcast v1, $0xE;
	v3 =	vadd.f32 v45, v3  }
0x10c: {  	v22 =	vld [tilespmem:s3+$0x1EA0];
	v9 =	vunpack.i.l.bf16.f32 v44;
	v4 =	vmul.f32 v49, v46;
	v2 =	vadd.f32 v47, v2  }
0x10d: {  	v43 =	vld [tilespmem:s3+$0x1EF0];
	v29 =	vmul.f32 v25, v24;
	v9 =	vmul.f32 v9, v52;
	v3 =	vadd.f32 v50, v3  }
0x10e: {  	v37 =	vmul.f32 v35, v34;
	v24 =	vunpack.i.u.bf16.f32 v18;
	v2 =	vadd.f32 v4, v2  }
0x10f: {  	v8 =	vunpack.i.u.bf16.f32 v51;
	v4 =	vmul.f32 v58, v56;
	v3 =	vadd.f32 v9, v3  }
0x110: {  	v35 =	vld [tilespmem:s3+$0x1F90];
	v23 =	vunpack.i.l.bf16.f32 v16;
	v5 =	vmul.f32 v8, v56;
	v2 =	vadd.f32 v55, v2  }
0x111: {  	v31 =	vunpack.i.u.bf16.f32 v22;
	v28 =	vbroadcast v0, $0x5;
	v3 =	vadd.f32 v4, v3  }
0x112: {  	v52 =	vunpack.i.u.bf16.f32 v43;
	v30 =	vunpack.i.l.bf16.f32 v22;
	v2 =	vadd.f32 v5, v2  }
0x113: {  	v32 =	vmul.f32 v30, v28;
	v41 =	vbroadcast v1, $0x6;
	v3 =	vadd.f32 v62, v3  }
0x114: {  	v8 =	vunpack.i.l.bf16.f32 v61;
	v4 =	vmul.f32 v14, v63;
	v2 =	vadd.f32 v12, v2  }
0x115: {  	v33 =	vld [tilespmem:s3+$0x1EC0];
	v11 =	vunpack.i.u.bf16.f32 v35;
	v8 =	vmul.f32 v8, v17;
	v3 =	vadd.f32 v15, v3  }
0x116: {  	v39 =	vld [tilespmem:s3+$0x1EE0];
	v38 =	vbroadcast v0, $0x6;
	v44 =	vmul.f32 v6, v41;
	v2 =	vadd.f32 v4, v2  }
0x117: {  	v9 =	vunpack.i.u.bf16.f32 v16;
	v4 =	vmul.f32 v23, v21;
	v3 =	vadd.f32 v8, v3  }
0x118: {  	v51 =	vbroadcast v1, $0x7;
	v5 =	vmul.f32 v9, v21;
	v2 =	vadd.f32 v20, v2  }
0x119: {  	v60 =	vld [tilespmem:s3+$0x1F30];
	v6 =	vunpack.i.l.bf16.f32 v18;
	v46 =	vmul.f32 v42, v41;
	v3 =	vadd.f32 v4, v3  }
0x11a: {  	v54 =	vmul.f32 v52, v51;
	v40 =	vunpack.i.l.bf16.f32 v33;
	v2 =	vadd.f32 v5, v2  }
0x11b: {  	v48 =	vunpack.i.u.bf16.f32 v39;
	v45 =	vbroadcast v0, $0x7;
	v3 =	vadd.f32 v27, v3  }
0x11c: {  	v41 =	vld [tilespmem:s3+$0x1FB0];
	v9 =	vunpack.i.l.bf16.f32 v26;
	v4 =	vmul.f32 v31, v28;
	v2 =	vadd.f32 v29, v2  }
0x11d: {  	v47 =	vunpack.i.l.bf16.f32 v39;
	v9 =	vmul.f32 v9, v34;
	v3 =	vadd.f32 v32, v3  }
0x11e: {  	v17 =	vunpack.i.u.bf16.f32 v60;
	v49 =	vmul.f32 v47, v45;
	v2 =	vadd.f32 v4, v2  }
0x11f: {  	v8 =	vunpack.i.u.bf16.f32 v33;
	v4 =	vmul.f32 v40, v38;
	v3 =	vadd.f32 v9, v3  }
0x120: {  	v58 =	vbroadcast v1, $0x8;
	v5 =	vmul.f32 v8, v38;
	v2 =	vadd.f32 v37, v2  }
0x121: {  	v50 =	vld [tilespmem:s3+$0x1F00];
	v47 =	vbroadcast v1, $0xD;
	v10 =	vunpack.i.u.bf16.f32 v41;
	v3 =	vadd.f32 v4, v3  }
0x122: {  	v55 =	vbroadcast v0, $0x8;
	v61 =	vmul.f32 v7, v58;
	v2 =	vadd.f32 v5, v2  }
0x123: {  	v16 =	vbroadcast v1, $0x9;
	v7 =	vunpack.i.l.bf16.f32 v35;
	v3 =	vadd.f32 v44, v3  }
0x124: {  	v56 =	vld [tilespmem:s3+$0x1F20];
	v8 =	vunpack.i.l.bf16.f32 v43;
	v4 =	vmul.f32 v48, v45;
	v2 =	vadd.f32 v46, v2  }
0x125: {  	v25 =	vld [tilespmem:s3+$0x1F70];
	v63 =	vmul.f32 v59, v58;
	v8 =	vmul.f32 v8, v51;
	v3 =	vadd.f32 v49, v3  }
0x126: {  	v19 =	vmul.f32 v17, v16;
	v57 =	vunpack.i.l.bf16.f32 v50;
	v2 =	vadd.f32 v4, v2  }
0x127: {  	v9 =	vunpack.i.u.bf16.f32 v50;
	v4 =	vmul.f32 v57, v55;
	v3 =	vadd.f32 v8, v3  }
0x128: {  	v62 =	vbroadcast v0, $0x9;
	v5 =	vmul.f32 v9, v55;
	v2 =	vadd.f32 v54, v2  }
0x129: {  	v13 =	vunpack.i.u.bf16.f32 v56;
	v12 =	vunpack.i.l.bf16.f32 v56;
	v15 =	vld [tilespmem:s3+$0x1F40];
	v3 =	vadd.f32 v4, v3  }
0x12a: {  	v34 =	vunpack.i.u.bf16.f32 v25;
	v14 =	vmul.f32 v12, v62;
	v2 =	vadd.f32 v5, v2  }
0x12b: {  	v23 =	vbroadcast v1, $0xA;
	v20 =	vbroadcast v0, $0xA;
	v3 =	vadd.f32 v61, v3  }
0x12c: {  	v9 =	vunpack.i.l.bf16.f32 v60;
	v4 =	vmul.f32 v13, v62;
	v2 =	vadd.f32 v63, v2  }
0x12d: {  	v21 =	vld [tilespmem:s3+$0x1F60];
	v26 =	vmul.f32 v6, v23;
	v9 =	vmul.f32 v9, v16;
	v3 =	vadd.f32 v14, v3  }
0x12e: {  	v33 =	vbroadcast v1, $0xB;
	v22 =	vunpack.i.l.bf16.f32 v15;
	v2 =	vadd.f32 v4, v2  }
0x12f: {  	v8 =	vunpack.i.u.bf16.f32 v15;
	v4 =	vmul.f32 v22, v20;
	v3 =	vadd.f32 v9, v3  }
0x130: {  	v28 =	vmul.f32 v24, v23;
	v5 =	vmul.f32 v8, v20;
	v2 =	vadd.f32 v19, v2  }
0x131: {  	v36 =	vmul.f32 v34, v33;
	v27 =	vbroadcast v0, $0xB;
	v32 =	vld [tilespmem:s3+$0x1F80];
	v3 =	vadd.f32 v4, v3  }
0x132: {  	v43 =	vbroadcast v0, $0xD;
	v29 =	vunpack.i.l.bf16.f32 v21;
	v2 =	vadd.f32 v5, v2  }
0x133: {  	v30 =	vunpack.i.u.bf16.f32 v21;
	v31 =	vmul.f32 v29, v27;
	v3 =	vadd.f32 v26, v3  }
0x134: {  	v12 =	vld [tilespmem:s3+$0x1FE0];
	v8 =	vunpack.i.l.bf16.f32 v25;
	v4 =	vmul.f32 v30, v27;
	v2 =	vadd.f32 v28, v2  }
0x135: {  	v38 =	vld [tilespmem:s3+$0x1FA0];
	v37 =	vbroadcast v0, $0xC;
	v8 =	vmul.f32 v8, v33;
	v3 =	vadd.f32 v31, v3  }
0x136: {  	v40 =	vbroadcast v1, $0xC;
	v39 =	vunpack.i.l.bf16.f32 v32;
	v2 =	vadd.f32 v4, v2  }
0x137: {  	v9 =	vunpack.i.u.bf16.f32 v32;
	v4 =	vmul.f32 v39, v37;
	v3 =	vadd.f32 v8, v3  }
0x138: {  	v51 =	vbroadcast v0, $0xE;
	v5 =	vmul.f32 v9, v37;
	v2 =	vadd.f32 v36, v2  }
0x139: {  	v59 =	vunpack.i.l.bf16.f32 v12;
	v42 =	vmul.f32 v7, v40;
	v44 =	vld [tilespmem:s3+$0x1FC0];
	v3 =	vadd.f32 v4, v3  }
0x13a: {  	v45 =	vmul.f32 v11, v40;
	v46 =	vunpack.i.l.bf16.f32 v38;
	v2 =	vadd.f32 v5, v2  }
0x13b: {  	v48 =	vld [tilespmem:s3+$0x1FD0];
	v49 =	vunpack.i.u.bf16.f32 v38;
	v8 =	vmul.f32 v46, v43;
	v3 =	vadd.f32 v42, v3  }
0x13c: {  	v50 =	vunpack.i.l.bf16.f32 v41;
	v5 =	vmul.f32 v49, v43;
	v2 =	vadd.f32 v45, v2  }
0x13d: {  	v0 =	vbroadcast v0, $0xF;
	v6 =	vmul.f32 v50, v47;
	v3 =	vadd.f32 v8, v3  }
0x13e: {  	v52 =	vunpack.i.l.bf16.f32 v44;
	v4 =	vmul.f32 v10, v47;
	v2 =	vadd.f32 v5, v2  }
0x13f: {  	v55 =	vld [tilespmem:s3+$0x1FF0];
	v7 =	vmul.f32 v52, v51;
	v9 =	vunpack.i.u.bf16.f32 v44;
	v3 =	vadd.f32 v6, v3  }
0x140: {  	v54 =	vunpack.i.l.bf16.f32 v48;
	v56 =	vmul.f32 v9, v51;
	v2 =	vadd.f32 v4, v2  }
0x141: {  	v57 =	vunpack.i.u.bf16.f32 v48;
	v5 =	vmul.f32 v54, v53;
	v3 =	vadd.f32 v7, v3  }
0x142: {  	v1 =	vbroadcast v1, $0xF;
	v58 =	vmul.f32 v57, v53;
	v2 =	vadd.f32 v56, v2  }
0x143: {  	v60 =	vunpack.i.u.bf16.f32 v12;
	v3 =	vadd.f32 v5, v3;
	v5 =	vmul.f32 v59, v0  }
0x144: {  	v61 =	vunpack.i.l.bf16.f32 v55;
	v2 =	vadd.f32 v58, v2;
	v0 =	vmul.f32 v60, v0  }
0x145: {  	p1 =	sne.s32 s19, $0x27;
	s21 =	sshll.u32 s19, $0x5;
	v62 =	vunpack.i.u.bf16.f32 v55;
	v4 =	vmul.f32 v61, v1;
	v3 =	vadd.f32 v5, v3  }
.Ltmp2:
0x146: {  	s22 =	sand.u32 $0x80, s29;
	s20 =	sand.u32 $0x3FFFFF00, s21;
	v1 =	vmul.f32 v62, v1;
	v0 =	vadd.f32 v0, v2;
	(pc) =	sbr.rel @p1 .LBB2_3-.Ltmp2, $4  }
0x147: {  	s23 =	sand.u32 $0x60, s29;
	s20 =	sor.u32 s22, s20;
	v63 =	vadd.f32 v4, v3  }
0x148: {  	s20 =	sor.u32 s23, s20;
	v0 =	vadd.f32 v1, v0  }
0x149: {  	s25 =	sadd.s32 $0x15E00, s20;
	[tilespmem:s20+$0x15E00] =	vst v63  }
0x14a: {  	s17 =	sadd.s32 $0x10, s17;
	s29 =	sadd.s32 $0x20, s29;
	s19 =	sadd.s32 $0x1, s19;
	[tilespmem:s25+$0x10] =	vst v0  }
0x14b: {  	s17 =	smul.u32 $0xA, s16;
	_ =	sdelay $0x1  }
0x14c: {  	s19 =	sadd.s32 s11, s17  }
0x14d: {  	s19 =	sshll.u32 s19, $0x5  }
0x14e: {  	p1 =	seq.s32 s16, $0x21;
	s3 =	simm.s32 $0x15E00;
	s19 =	sadd.s32 s10, s19  }
0x14f: {  	[hbm4b:s19+s2] =	stream.linear.scatter [tilespmem:s3], [sflag:$0x5], $0x500, $0x38;
	[tilespmem:$0x16800] =	vst v63  }
0x150: {  	s19 =	sadd.s32 @!p1 s17, s24  }
0x151: {  	s19 =	sshll.u32 @!p1 s19, $0x4  }
0x152: {  	s19 =	sand.u32 @!p1 $0x1FFFFFE0, s19  }
0x153: {  	s21 =	simm.s32 @!p1 $0x0;
	s20 =	sadd.s32 @!p1 s4, s19  }
0x154: {  	[tilespmem:s21], [sflag:$0x3] =	stream.linear.gather @!p1 [hbm4b:s20+s21], $0x280, $0x38;
	[tilespmem:$0x16800] =	vst v63  }
0x155: {  	s22 =	simm.s32 @!p1 $0x280;
	s20 =	sadd.s32 @!p1 s5, s19  }
0x156: {  	[tilespmem:s22], [sflag:$0x3] =	stream.linear.gather @!p1 [hbm4b:s20+s21], $0x280, $0x38;
	[tilespmem:$0x16800] =	vst v63  }
0x157: {  	s20 =	sadd.s32 @!p1 s6, s19;
	s22 =	simm.s32 @!p1 $0xA00  }
0x158: {  	[tilespmem:s22], [sflag:$0x3] =	stream.linear.gather @!p1 [hbm4b:s20+s21], $0x280, $0x38;
	[tilespmem:$0x16800] =	vst v63  }
0x159: {  	s20 =	sadd.s32 @!p1 s7, s19;
	s22 =	simm.s32 @!p1 $0xC80  }
0x15a: {  	[tilespmem:s22], [sflag:$0x3] =	stream.linear.gather @!p1 [hbm4b:s20+s21], $0x280, $0x38;
	[tilespmem:$0x16800] =	vst v63  }
0x15b: {  	s20 =	sadd.s32 @!p1 s8, s19;
	s22 =	simm.s32 @!p1 $0xF00  }
0x15c: {  	[tilespmem:s22], [sflag:$0x3] =	stream.linear.gather @!p1 [hbm4b:s20+s21], $0x280, $0x38;
	[tilespmem:$0x16800] =	vst v63  }
0x15d: {  	s19 =	sadd.s32 @!p1 s9, s19;
	s20 =	simm.s32 @!p1 $0x1180  }
0x15e: {  	[tilespmem:s20], [sflag:$0x3] =	stream.linear.gather @!p1 [hbm4b:s19+s21], $0x280, $0x38;
	[tilespmem:$0x16800] =	vst v63  }
0x15f: {  	_ =	swait.ge [sflag:s14], $0x1000  }
0x160: {  	[sflag:s14] =	ssyncset.done $0x0  }
0x161: {  	[sflag:s14] =	ssyncadd.s32 $0xFFFFF000  }
0x162: {  	_ =	swait.ge [sflag:s14], $0x1000  }
0x163: {  	[sflag:s14] =	ssyncset.done $0x0  }
0x164: {  	[sflag:s14] =	ssyncadd.s32 $0xFFFFF000  }
0x165: {  	_ =	swait.ge [sflag:s14], $0x1000  }
0x166: {  	[sflag:s14] =	ssyncset.done $0x0  }
0x167: {  	[sflag:s14] =	ssyncadd.s32 $0xFFFFF000  }
0x168: {  	_ =	swait.ge [sflag:s14], $0x1000  }
0x169: {  	[sflag:s14] =	ssyncset.done $0x0  }
0x16a: {  	[sflag:s14] =	ssyncadd.s32 $0xFFFFF000  }
0x16b: {  	_ =	swait.ge [sflag:s14], $0x1000  }
0x16c: {  	[sflag:s14] =	ssyncset.done $0x0  }
0x16d: {  	[sflag:s14] =	ssyncadd.s32 $0xFFFFF000  }
0x16e: {  	_ =	swait.ge [sflag:s14], $0x1000  }
0x16f: {  	[sflag:s14] =	ssyncset.done $0x0  }
0x170: {  	[sflag:s14] =	ssyncadd.s32 $0xFFFFF000  }
0x171: {  	_ =	swait.ge [sflag:s14], $0x1000  }
0x172: {  	[sflag:s14] =	ssyncset.done $0x0  }
0x173: {  	[sflag:s14] =	ssyncadd.s32 $0xFFFFF000  }
0x174: {  	_ =	swait.ge [sflag:s14], $0x1000  }
0x175: {  	[sflag:s14] =	ssyncset.done $0x0  }
0x176: {  	[sflag:s14] =	ssyncadd.s32 $0xFFFFF000  }
0x177: {  	_ =	swait.ge [sflag:s14], $0x1000  }
0x178: {  	[sflag:s14] =	ssyncset.done $0x0  }
0x179: {  	[sflag:s14] =	ssyncadd.s32 $0xFFFFF000  }
0x17a: {  	_ =	swait.ge [sflag:s14], $0x1000  }
0x17b: {  	[sflag:s14] =	ssyncset.done $0x0  }
0x17c: {  	s19 =	simm.s32 @!p0 $0x6;
	[sflag:s14] =	ssyncadd.s32 $0xFFFFF000  }
0x17d: {  	_ =	swait.ge @!p0 [sflag:s19], $0x500  }
0x17e: {  	s29 =	simm.s32 $0x0;
	[sflag:s19] =	ssyncset.done @!p0 $0x0  }
0x17f: {  	s20 =	simm.s32 $0x0;
	[sflag:s19] =	ssyncadd.s32 @!p0 $0xFFFFFB00;
	s19 =	simm.s32 $0x0  }
.LBB2_5:
0x180: {  	s21 =	sshll.u32 s20, $0x4  }
0x181: {  	s3 =	sand.u32 $0x70, s29;
	s22 =	sand.u32 $0xFFFFFF80, s21  }
0x182: {  	s21 =	sand.u32 $0x3FFFFF80, s21;
	s22 =	sor.u32 s3, s22  }
0x183: {  	s21 =	sor.u32 s3, s21;
	s23 =	sshll.u32 s22, $0x5;
	v0 =	vld [tilespmem:s22+$0x1400]  }
0x184: {  	v1 =	vld [tilespmem:s21+$0x1900];
	s25 =	sand.u32 $0x3FFFFE00, s23  }
0x185: {  	v2 =	vld [tilespmem:s25+$0xBE00]  }
0x186: {  	v3 =	vld [tilespmem:s25+$0xBE10]  }
0x187: {  	v5 =	vld [tilespmem:s25+$0xBE20]  }
0x188: {  	v19 =	vld [tilespmem:s25+$0xBE30];
	v4 =	vbroadcast v0, $0x0  }
0x189: {  	v22 =	vld [tilespmem:s25+$0xBE40];
	v7 =	vbroadcast v1, $0x0;
	v9 =	vbroadcast v0, $0x1  }
0x18a: {  	v25 =	vld [tilespmem:s25+$0xBE50];
	v23 =	vbroadcast v1, $0x1;
	v27 =	vbroadcast v0, $0x2  }
0x18b: {  	v28 =	vld [tilespmem:s25+$0xBE60];
	v30 =	vbroadcast v1, $0x2;
	v33 =	vbroadcast v0, $0x3  }
0x18c: {  	v31 =	vld [tilespmem:s25+$0xBE70];
	v37 =	vbroadcast v1, $0x3;
	v41 =	vbroadcast v0, $0x4  }
0x18d: {  	v36 =	vld [tilespmem:s25+$0xBE80];
	v44 =	vbroadcast v1, $0x4;
	v48 =	vbroadcast v0, $0x5  }
0x18e: {  	v39 =	vld [tilespmem:s25+$0xBE90];
	v54 =	vbroadcast v1, $0x5;
	v58 =	vbroadcast v0, $0x6  }
0x18f: {  	v42 =	vld [tilespmem:s25+$0xBEA0];
	v61 =	vbroadcast v1, $0x6;
	v13 =	vbroadcast v0, $0x7  }
0x190: {  	v46 =	vld [tilespmem:s25+$0xBEB0];
	v6 =	vunpack.i.l.bf16.f32 v2;
	v2 =	vunpack.i.u.bf16.f32 v2;
	v8 =	vunpack.i.u.bf16.f32 v3  }
0x191: {  	v53 =	vld [tilespmem:s25+$0xBEC0];
	v3 =	vunpack.i.l.bf16.f32 v3;
	v20 =	vunpack.i.l.bf16.f32 v5;
	v5 =	vunpack.i.u.bf16.f32 v5  }
0x192: {  	v56 =	vld [tilespmem:s25+$0xBED0];
	v24 =	vunpack.i.u.bf16.f32 v19;
	v29 =	vunpack.i.l.bf16.f32 v22;
	v10 =	vunpack.i.u.bf16.f32 v25  }
0x193: {  	v59 =	vld [tilespmem:s25+$0xBEE0];
	v34 =	vunpack.i.l.bf16.f32 v28;
	v35 =	vunpack.i.u.bf16.f32 v28;
	v38 =	vunpack.i.u.bf16.f32 v31  }
0x194: {  	v43 =	vunpack.i.l.bf16.f32 v36;
	v45 =	vunpack.i.u.bf16.f32 v39;
	v50 =	vunpack.i.l.bf16.f32 v42  }
0x195: {  	v51 =	vunpack.i.u.bf16.f32 v42;
	v55 =	vunpack.i.u.bf16.f32 v46;
	v6 =	vmul.f32 v6, v4  }
0x196: {  	v60 =	vunpack.i.l.bf16.f32 v53;
	v2 =	vmul.f32 v2, v4;
	v3 =	vmul.f32 v3, v7  }
0x197: {  	v63 =	vld [tilespmem:s25+$0xBEF0];
	v62 =	vunpack.i.u.bf16.f32 v56;
	v7 =	vmul.f32 v8, v7;
	v21 =	vmul.f32 v20, v9  }
0x198: {  	v15 =	vunpack.i.l.bf16.f32 v59;
	v5 =	vmul.f32 v5, v9;
	v26 =	vmul.f32 v24, v23  }
0x199: {  	v16 =	vunpack.i.u.bf16.f32 v59;
	v40 =	vmul.f32 v38, v37;
	v49 =	vmul.f32 v45, v44  }
0x19a: {  	v4 =	vunpack.i.l.bf16.f32 v19;
	v52 =	vmul.f32 v50, v48;
	v57 =	vmul.f32 v55, v54  }
0x19b: {  	v18 =	vld [tilespmem:s25+$0xBF00];
	v9 =	vunpack.i.u.bf16.f32 v36;
	v14 =	vmul.f32 v62, v61;
	v17 =	vmul.f32 v15, v13  }
0x19c: {  	v19 =	vbroadcast v1, $0x7;
	v20 =	vunpack.i.u.bf16.f32 v63;
	v36 =	vbroadcast v1, $0x9  }
0x19d: {  	v4 =	vmul.f32 v4, v23;
	v6 =	vadd.f32 $0.0e+00, v6;
	v2 =	vadd.f32 $0.0e+00, v2  }
0x19e: {  	v28 =	vld [tilespmem:s25+$0xBF30];
	v8 =	vunpack.i.u.bf16.f32 v22;
	v23 =	vbroadcast v0, $0x8;
	v22 =	vmul.f32 v20, v19  }
0x19f: {  	v38 =	vld [tilespmem:s25+$0xBF50];
	v3 =	vadd.f32 v3, v6;
	v2 =	vadd.f32 v7, v2;
	v6 =	vunpack.i.l.bf16.f32 v25  }
0x1a0: {  	v55 =	vld [tilespmem:s25+$0xBF90];
	v7 =	vmul.f32 v8, v27;
	v8 =	vunpack.i.l.bf16.f32 v31;
	v25 =	vunpack.i.l.bf16.f32 v18  }
0x1a1: {  	v24 =	vld [tilespmem:s25+$0xBF20];
	v32 =	vmul.f32 v6, v30;
	v8 =	vmul.f32 v8, v37;
	v6 =	vunpack.i.l.bf16.f32 v56  }
0x1a2: {  	v3 =	vadd.f32 v21, v3;
	v2 =	vadd.f32 v5, v2;
	v5 =	vmul.f32 v10, v30;
	v21 =	vld [tilespmem:s25+$0xBF10]  }
0x1a3: {  	v37 =	vunpack.i.u.bf16.f32 v28;
	v12 =	vmul.f32 v6, v61;
	v30 =	vbroadcast v0, $0x9  }
0x1a4: {  	v3 =	vadd.f32 v4, v3;
	v2 =	vadd.f32 v26, v2;
	v4 =	vmul.f32 v29, v27  }
0x1a5: {  	v45 =	vld [tilespmem:s25+$0xBF70];
	v6 =	vunpack.i.l.bf16.f32 v38;
	v61 =	vunpack.i.u.bf16.f32 v55;
	v26 =	vbroadcast v1, $0x8  }
0x1a6: {  	v3 =	vadd.f32 v4, v3;
	v2 =	vadd.f32 v7, v2;
	v7 =	vmul.f32 v34, v33  }
0x1a7: {  	v4 =	vmul.f32 v35, v33;
	v33 =	vunpack.i.u.bf16.f32 v24;
	v27 =	vunpack.i.u.bf16.f32 v21  }
0x1a8: {  	v35 =	vld [tilespmem:s25+$0xBF40];
	v3 =	vadd.f32 v32, v3;
	v2 =	vadd.f32 v5, v2;
	v5 =	vmul.f32 v9, v41  }
0x1a9: {  	v9 =	vunpack.i.l.bf16.f32 v46;
	v31 =	vmul.f32 v27, v26;
	v32 =	vunpack.i.l.bf16.f32 v24  }
0x1aa: {  	v9 =	vmul.f32 v9, v54;
	v34 =	vmul.f32 v32, v30;
	v54 =	vunpack.i.u.bf16.f32 v45  }
0x1ab: {  	v3 =	vadd.f32 v7, v3;
	v2 =	vadd.f32 v4, v2;
	v4 =	vmul.f32 v43, v41  }
0x1ac: {  	v20 =	vld [tilespmem:s25+$0xBFD0];
	v7 =	vunpack.i.l.bf16.f32 v39;
	v39 =	vmul.f32 v37, v36;
	v43 =	vbroadcast v1, $0xA  }
0x1ad: {  	v47 =	vmul.f32 v7, v44;
	v7 =	vunpack.i.l.bf16.f32 v21;
	v42 =	vunpack.i.l.bf16.f32 v35  }
0x1ae: {  	v44 =	vunpack.i.u.bf16.f32 v38;
	v3 =	vadd.f32 v8, v3;
	v2 =	vadd.f32 v40, v2  }
0x1af: {  	v8 =	vunpack.i.u.bf16.f32 v53;
	v29 =	vmul.f32 v7, v26;
	v40 =	vbroadcast v0, $0xA  }
0x1b0: {  	v41 =	vld [tilespmem:s25+$0xBF60];
	v46 =	vmul.f32 v6, v43;
	v53 =	vbroadcast v1, $0xB;
	v7 =	vunpack.i.l.bf16.f32 v55  }
0x1b1: {  	v26 =	vunpack.i.u.bf16.f32 v20;
	v6 =	vunpack.i.l.bf16.f32 v20;
	v3 =	vadd.f32 v4, v3  }
0x1b2: {  	v62 =	vld [tilespmem:s25+$0xBFB0];
	v2 =	vadd.f32 v5, v2;
	v4 =	vmul.f32 v51, v48;
	v5 =	vmul.f32 v8, v58  }
0x1b3: {  	v8 =	vunpack.i.l.bf16.f32 v63;
	v48 =	vmul.f32 v44, v43;
	v56 =	vmul.f32 v54, v53  }
0x1b4: {  	v8 =	vmul.f32 v8, v19;
	v3 =	vadd.f32 v47, v3;
	v2 =	vadd.f32 v49, v2  }
0x1b5: {  	v50 =	vunpack.i.u.bf16.f32 v41;
	v47 =	vbroadcast v0, $0xB;
	v49 =	vunpack.i.l.bf16.f32 v41  }
0x1b6: {  	v3 =	vadd.f32 v52, v3;
	v2 =	vadd.f32 v4, v2;
	v4 =	vmul.f32 v60, v58  }
0x1b7: {  	v19 =	vunpack.i.u.bf16.f32 v62;
	v51 =	vmul.f32 v49, v47;
	v52 =	vld [tilespmem:s25+$0xBF80];
	v60 =	vbroadcast v1, $0xC  }
0x1b8: {  	v58 =	vld [tilespmem:s25+$0xBFA0];
	v3 =	vadd.f32 v9, v3;
	v2 =	vadd.f32 v57, v2;
	v57 =	vbroadcast v0, $0xC  }
0x1b9: {  	v27 =	vld [tilespmem:s25+$0xBFF0];
	v9 =	vunpack.i.u.bf16.f32 v18;
	v63 =	vmul.f32 v7, v60;
	v18 =	vbroadcast v1, $0xD  }
0x1ba: {  	v3 =	vadd.f32 v4, v3;
	v2 =	vadd.f32 v5, v2;
	v4 =	vmul.f32 v16, v13  }
0x1bb: {  	v5 =	vmul.f32 v9, v23;
	v9 =	vunpack.i.l.bf16.f32 v28;
	v13 =	vmul.f32 v61, v60  }
0x1bc: {  	v21 =	vmul.f32 v19, v18;
	v9 =	vmul.f32 v9, v36;
	v3 =	vadd.f32 v12, v3  }
0x1bd: {  	v59 =	vunpack.i.l.bf16.f32 v52;
	v15 =	vunpack.i.u.bf16.f32 v58;
	v2 =	vadd.f32 v14, v2  }
0x1be: {  	v36 =	vunpack.i.u.bf16.f32 v27;
	v12 =	vbroadcast v0, $0xD;
	v3 =	vadd.f32 v17, v3  }
0x1bf: {  	v14 =	vunpack.i.l.bf16.f32 v58;
	v2 =	vadd.f32 v4, v2;
	v4 =	vmul.f32 v25, v23  }
0x1c0: {  	v16 =	vmul.f32 v14, v12;
	v17 =	vld [tilespmem:s25+$0xBFC0];
	v25 =	vbroadcast v1, $0xE;
	v3 =	vadd.f32 v8, v3  }
0x1c1: {  	v23 =	vld [tilespmem:s25+$0xBFE0];
	s25 =	sadd.s32 $0x5000, s23;
	v2 =	vadd.f32 v22, v2;
	v8 =	vunpack.i.u.bf16.f32 v35;
	v22 =	vbroadcast v0, $0xE  }
0x1c2: {  	s3 =	sand.u32 $0x3FFFFE00, s25;
	v28 =	vmul.f32 v6, v25;
	v35 =	vbroadcast v1, $0xF;
	v1 =	vld [tilespmem:s21+$0x1B80];
	v3 =	vadd.f32 v4, v3  }
0x1c3: {  	v37 =	vld [tilespmem:s3+$0xBE10];
	v2 =	vadd.f32 v5, v2;
	v4 =	vmul.f32 v33, v30;
	v5 =	vmul.f32 v8, v40  }
0x1c4: {  	v44 =	vld [tilespmem:s3+$0xBE30];
	v8 =	vunpack.i.l.bf16.f32 v45;
	v30 =	vmul.f32 v26, v25;
	v3 =	vadd.f32 v29, v3  }
0x1c5: {  	v54 =	vld [tilespmem:s3+$0xBE50];
	v38 =	vmul.f32 v36, v35;
	v8 =	vmul.f32 v8, v53;
	v2 =	vadd.f32 v31, v2  }
0x1c6: {  	v19 =	vld [tilespmem:s3+$0xBE90];
	v24 =	vunpack.i.l.bf16.f32 v17;
	v32 =	vunpack.i.u.bf16.f32 v23;
	v3 =	vadd.f32 v34, v3  }
0x1c7: {  	v29 =	vbroadcast v0, $0xF;
	v31 =	vunpack.i.l.bf16.f32 v23;
	v2 =	vadd.f32 v4, v2  }
0x1c8: {  	v43 =	vunpack.i.u.bf16.f32 v37;
	v4 =	vmul.f32 v42, v40;
	v3 =	vadd.f32 v9, v3  }
0x1c9: {  	v7 =	vunpack.i.l.bf16.f32 v37;
	v53 =	vunpack.i.u.bf16.f32 v44;
	v2 =	vadd.f32 v39, v2  }
0x1ca: {  	v0 =	vld [tilespmem:s22+$0x1680];
	v60 =	vunpack.i.u.bf16.f32 v54;
	v6 =	vunpack.i.l.bf16.f32 v54;
	v3 =	vadd.f32 v4, v3  }
0x1cb: {  	v25 =	vunpack.i.u.bf16.f32 v19;
	v42 =	vbroadcast v1, $0x0;
	v2 =	vadd.f32 v5, v2  }
0x1cc: {  	v36 =	vld [tilespmem:s3+$0xBED0];
	v33 =	vmul.f32 v31, v29;
	v9 =	vunpack.i.u.bf16.f32 v52;
	v3 =	vadd.f32 v46, v3  }
0x1cd: {  	v34 =	vld [tilespmem:s3+$0xBE00];
	v45 =	vmul.f32 v7, v42;
	v4 =	vmul.f32 v50, v47;
	v2 =	vadd.f32 v48, v2  }
0x1ce: {  	v40 =	vld [tilespmem:s3+$0xBE20];
	v52 =	vbroadcast v1, $0x1;
	v7 =	vunpack.i.l.bf16.f32 v19;
	v3 =	vadd.f32 v51, v3  }
0x1cf: {  	v61 =	vld [tilespmem:s3+$0xBE70];
	v39 =	vbroadcast v0, $0x0;
	v5 =	vmul.f32 v9, v57;
	v2 =	vadd.f32 v4, v2  }
0x1d0: {  	v9 =	vunpack.i.l.bf16.f32 v62;
	v4 =	vmul.f32 v59, v57;
	v3 =	vadd.f32 v8, v3  }
0x1d1: {  	v47 =	vmul.f32 v43, v42;
	v55 =	vmul.f32 v53, v52;
	v2 =	vadd.f32 v56, v2  }
0x1d2: {  	v42 =	vunpack.i.u.bf16.f32 v36;
	v9 =	vmul.f32 v9, v18;
	v3 =	vadd.f32 v4, v3  }
0x1d3: {  	v41 =	vunpack.i.l.bf16.f32 v34;
	v49 =	vunpack.i.u.bf16.f32 v40;
	v2 =	vadd.f32 v5, v2  }
0x1d4: {  	v18 =	vunpack.i.u.bf16.f32 v61;
	v46 =	vbroadcast v0, $0x1;
	v3 =	vadd.f32 v63, v3  }
0x1d5: {  	v48 =	vunpack.i.l.bf16.f32 v40;
	v4 =	vmul.f32 v15, v12;
	v2 =	vadd.f32 v13, v2  }
0x1d6: {  	v26 =	vld [tilespmem:s3+$0xBEB0];
	v50 =	vmul.f32 v48, v46;
	v59 =	vbroadcast v1, $0x2;
	v3 =	vadd.f32 v16, v3  }
0x1d7: {  	v53 =	vld [tilespmem:s3+$0xBF10];
	v8 =	vunpack.i.u.bf16.f32 v17;
	v56 =	vbroadcast v0, $0x2;
	v2 =	vadd.f32 v4, v2  }
0x1d8: {  	v51 =	vld [tilespmem:s3+$0xBE40];
	v62 =	vmul.f32 v6, v59;
	v4 =	vmul.f32 v24, v22;
	v3 =	vadd.f32 v9, v3  }
0x1d9: {  	v57 =	vld [tilespmem:s3+$0xBE60];
	v17 =	vbroadcast v1, $0x3;
	v5 =	vmul.f32 v8, v22;
	v2 =	vadd.f32 v21, v2  }
0x1da: {  	v6 =	vunpack.i.l.bf16.f32 v36;
	v8 =	vunpack.i.l.bf16.f32 v27;
	v3 =	vadd.f32 v4, v3  }
0x1db: {  	v12 =	vmul.f32 v60, v59;
	v20 =	vmul.f32 v18, v17;
	v2 =	vadd.f32 v5, v2  }
0x1dc: {  	v59 =	vunpack.i.u.bf16.f32 v53;
	v8 =	vmul.f32 v8, v35;
	v3 =	vadd.f32 v28, v3  }
0x1dd: {  	v58 =	vunpack.i.l.bf16.f32 v51;
	v4 =	vmul.f32 v32, v29;
	v2 =	vadd.f32 v30, v2  }
0x1de: {  	v14 =	vunpack.i.u.bf16.f32 v57;
	v35 =	vunpack.i.u.bf16.f32 v26;
	v3 =	vadd.f32 v33, v3  }
0x1df: {  	v63 =	vbroadcast v0, $0x3;
	v13 =	vunpack.i.l.bf16.f32 v57;
	v2 =	vadd.f32 v4, v2  }
0x1e0: {  	v9 =	vunpack.i.u.bf16.f32 v34;
	v4 =	vmul.f32 v41, v39;
	v3 =	vadd.f32 v8, v3  }
0x1e1: {  	v24 =	vbroadcast v1, $0x4;
	v5 =	vmul.f32 v9, v39;
	v2 =	vadd.f32 v38, v2  }
0x1e2: {  	v18 =	vld [tilespmem:s3+$0xBF50];
	v15 =	vmul.f32 v13, v63;
	v21 =	vbroadcast v0, $0x4;
	v3 =	vadd.f32 v4, v3  }
0x1e3: {  	v27 =	vmul.f32 v7, v24;
	v34 =	vbroadcast v1, $0x5;
	v2 =	vadd.f32 v5, v2  }
0x1e4: {  	v16 =	vld [tilespmem:s3+$0xBE80];
	v7 =	vunpack.i.l.bf16.f32 v53;
	v53 =	vbroadcast v1, $0xE;
	v3 =	vadd.f32 v45, v3  }
0x1e5: {  	v22 =	vld [tilespmem:s3+$0xBEA0];
	v9 =	vunpack.i.l.bf16.f32 v44;
	v4 =	vmul.f32 v49, v46;
	v2 =	vadd.f32 v47, v2  }
0x1e6: {  	v43 =	vld [tilespmem:s3+$0xBEF0];
	v29 =	vmul.f32 v25, v24;
	v9 =	vmul.f32 v9, v52;
	v3 =	vadd.f32 v50, v3  }
0x1e7: {  	v37 =	vmul.f32 v35, v34;
	v24 =	vunpack.i.u.bf16.f32 v18;
	v2 =	vadd.f32 v4, v2  }
0x1e8: {  	v8 =	vunpack.i.u.bf16.f32 v51;
	v4 =	vmul.f32 v58, v56;
	v3 =	vadd.f32 v9, v3  }
0x1e9: {  	v35 =	vld [tilespmem:s3+$0xBF90];
	v23 =	vunpack.i.l.bf16.f32 v16;
	v5 =	vmul.f32 v8, v56;
	v2 =	vadd.f32 v55, v2  }
0x1ea: {  	v31 =	vunpack.i.u.bf16.f32 v22;
	v28 =	vbroadcast v0, $0x5;
	v3 =	vadd.f32 v4, v3  }
0x1eb: {  	v52 =	vunpack.i.u.bf16.f32 v43;
	v30 =	vunpack.i.l.bf16.f32 v22;
	v2 =	vadd.f32 v5, v2  }
0x1ec: {  	v32 =	vmul.f32 v30, v28;
	v41 =	vbroadcast v1, $0x6;
	v3 =	vadd.f32 v62, v3  }
0x1ed: {  	v8 =	vunpack.i.l.bf16.f32 v61;
	v4 =	vmul.f32 v14, v63;
	v2 =	vadd.f32 v12, v2  }
0x1ee: {  	v33 =	vld [tilespmem:s3+$0xBEC0];
	v11 =	vunpack.i.u.bf16.f32 v35;
	v8 =	vmul.f32 v8, v17;
	v3 =	vadd.f32 v15, v3  }
0x1ef: {  	v39 =	vld [tilespmem:s3+$0xBEE0];
	v38 =	vbroadcast v0, $0x6;
	v44 =	vmul.f32 v6, v41;
	v2 =	vadd.f32 v4, v2  }
0x1f0: {  	v9 =	vunpack.i.u.bf16.f32 v16;
	v4 =	vmul.f32 v23, v21;
	v3 =	vadd.f32 v8, v3  }
0x1f1: {  	v51 =	vbroadcast v1, $0x7;
	v5 =	vmul.f32 v9, v21;
	v2 =	vadd.f32 v20, v2  }
0x1f2: {  	v60 =	vld [tilespmem:s3+$0xBF30];
	v6 =	vunpack.i.l.bf16.f32 v18;
	v46 =	vmul.f32 v42, v41;
	v3 =	vadd.f32 v4, v3  }
0x1f3: {  	v54 =	vmul.f32 v52, v51;
	v40 =	vunpack.i.l.bf16.f32 v33;
	v2 =	vadd.f32 v5, v2  }
0x1f4: {  	v48 =	vunpack.i.u.bf16.f32 v39;
	v45 =	vbroadcast v0, $0x7;
	v3 =	vadd.f32 v27, v3  }
0x1f5: {  	v41 =	vld [tilespmem:s3+$0xBFB0];
	v9 =	vunpack.i.l.bf16.f32 v26;
	v4 =	vmul.f32 v31, v28;
	v2 =	vadd.f32 v29, v2  }
0x1f6: {  	v47 =	vunpack.i.l.bf16.f32 v39;
	v9 =	vmul.f32 v9, v34;
	v3 =	vadd.f32 v32, v3  }
0x1f7: {  	v17 =	vunpack.i.u.bf16.f32 v60;
	v49 =	vmul.f32 v47, v45;
	v2 =	vadd.f32 v4, v2  }
0x1f8: {  	v8 =	vunpack.i.u.bf16.f32 v33;
	v4 =	vmul.f32 v40, v38;
	v3 =	vadd.f32 v9, v3  }
0x1f9: {  	v58 =	vbroadcast v1, $0x8;
	v5 =	vmul.f32 v8, v38;
	v2 =	vadd.f32 v37, v2  }
0x1fa: {  	v50 =	vld [tilespmem:s3+$0xBF00];
	v47 =	vbroadcast v1, $0xD;
	v10 =	vunpack.i.u.bf16.f32 v41;
	v3 =	vadd.f32 v4, v3  }
0x1fb: {  	v55 =	vbroadcast v0, $0x8;
	v61 =	vmul.f32 v7, v58;
	v2 =	vadd.f32 v5, v2  }
0x1fc: {  	v16 =	vbroadcast v1, $0x9;
	v7 =	vunpack.i.l.bf16.f32 v35;
	v3 =	vadd.f32 v44, v3  }
0x1fd: {  	v56 =	vld [tilespmem:s3+$0xBF20];
	v8 =	vunpack.i.l.bf16.f32 v43;
	v4 =	vmul.f32 v48, v45;
	v2 =	vadd.f32 v46, v2  }
0x1fe: {  	v25 =	vld [tilespmem:s3+$0xBF70];
	v63 =	vmul.f32 v59, v58;
	v8 =	vmul.f32 v8, v51;
	v3 =	vadd.f32 v49, v3  }
0x1ff: {  	v19 =	vmul.f32 v17, v16;
	v57 =	vunpack.i.l.bf16.f32 v50;
	v2 =	vadd.f32 v4, v2  }
0x200: {  	v9 =	vunpack.i.u.bf16.f32 v50;
	v4 =	vmul.f32 v57, v55;
	v3 =	vadd.f32 v8, v3  }
0x201: {  	v62 =	vbroadcast v0, $0x9;
	v5 =	vmul.f32 v9, v55;
	v2 =	vadd.f32 v54, v2  }
0x202: {  	v13 =	vunpack.i.u.bf16.f32 v56;
	v12 =	vunpack.i.l.bf16.f32 v56;
	v15 =	vld [tilespmem:s3+$0xBF40];
	v3 =	vadd.f32 v4, v3  }
0x203: {  	v34 =	vunpack.i.u.bf16.f32 v25;
	v14 =	vmul.f32 v12, v62;
	v2 =	vadd.f32 v5, v2  }
0x204: {  	v23 =	vbroadcast v1, $0xA;
	v20 =	vbroadcast v0, $0xA;
	v3 =	vadd.f32 v61, v3  }
0x205: {  	v9 =	vunpack.i.l.bf16.f32 v60;
	v4 =	vmul.f32 v13, v62;
	v2 =	vadd.f32 v63, v2  }
0x206: {  	v21 =	vld [tilespmem:s3+$0xBF60];
	v26 =	vmul.f32 v6, v23;
	v9 =	vmul.f32 v9, v16;
	v3 =	vadd.f32 v14, v3  }
0x207: {  	v33 =	vbroadcast v1, $0xB;
	v22 =	vunpack.i.l.bf16.f32 v15;
	v2 =	vadd.f32 v4, v2  }
0x208: {  	v8 =	vunpack.i.u.bf16.f32 v15;
	v4 =	vmul.f32 v22, v20;
	v3 =	vadd.f32 v9, v3  }
0x209: {  	v28 =	vmul.f32 v24, v23;
	v5 =	vmul.f32 v8, v20;
	v2 =	vadd.f32 v19, v2  }
0x20a: {  	v36 =	vmul.f32 v34, v33;
	v27 =	vbroadcast v0, $0xB;
	v32 =	vld [tilespmem:s3+$0xBF80];
	v3 =	vadd.f32 v4, v3  }
0x20b: {  	v43 =	vbroadcast v0, $0xD;
	v29 =	vunpack.i.l.bf16.f32 v21;
	v2 =	vadd.f32 v5, v2  }
0x20c: {  	v30 =	vunpack.i.u.bf16.f32 v21;
	v31 =	vmul.f32 v29, v27;
	v3 =	vadd.f32 v26, v3  }
0x20d: {  	v12 =	vld [tilespmem:s3+$0xBFE0];
	v8 =	vunpack.i.l.bf16.f32 v25;
	v4 =	vmul.f32 v30, v27;
	v2 =	vadd.f32 v28, v2  }
0x20e: {  	v38 =	vld [tilespmem:s3+$0xBFA0];
	v37 =	vbroadcast v0, $0xC;
	v8 =	vmul.f32 v8, v33;
	v3 =	vadd.f32 v31, v3  }
0x20f: {  	v40 =	vbroadcast v1, $0xC;
	v39 =	vunpack.i.l.bf16.f32 v32;
	v2 =	vadd.f32 v4, v2  }
0x210: {  	v9 =	vunpack.i.u.bf16.f32 v32;
	v4 =	vmul.f32 v39, v37;
	v3 =	vadd.f32 v8, v3  }
0x211: {  	v51 =	vbroadcast v0, $0xE;
	v5 =	vmul.f32 v9, v37;
	v2 =	vadd.f32 v36, v2  }
0x212: {  	v59 =	vunpack.i.l.bf16.f32 v12;
	v42 =	vmul.f32 v7, v40;
	v44 =	vld [tilespmem:s3+$0xBFC0];
	v3 =	vadd.f32 v4, v3  }
0x213: {  	v45 =	vmul.f32 v11, v40;
	v46 =	vunpack.i.l.bf16.f32 v38;
	v2 =	vadd.f32 v5, v2  }
0x214: {  	v48 =	vld [tilespmem:s3+$0xBFD0];
	v49 =	vunpack.i.u.bf16.f32 v38;
	v8 =	vmul.f32 v46, v43;
	v3 =	vadd.f32 v42, v3  }
0x215: {  	v50 =	vunpack.i.l.bf16.f32 v41;
	v5 =	vmul.f32 v49, v43;
	v2 =	vadd.f32 v45, v2  }
0x216: {  	v0 =	vbroadcast v0, $0xF;
	v6 =	vmul.f32 v50, v47;
	v3 =	vadd.f32 v8, v3  }
0x217: {  	v52 =	vunpack.i.l.bf16.f32 v44;
	v4 =	vmul.f32 v10, v47;
	v2 =	vadd.f32 v5, v2  }
0x218: {  	v55 =	vld [tilespmem:s3+$0xBFF0];
	v7 =	vmul.f32 v52, v51;
	v9 =	vunpack.i.u.bf16.f32 v44;
	v3 =	vadd.f32 v6, v3  }
0x219: {  	v54 =	vunpack.i.l.bf16.f32 v48;
	v56 =	vmul.f32 v9, v51;
	v2 =	vadd.f32 v4, v2  }
0x21a: {  	v57 =	vunpack.i.u.bf16.f32 v48;
	v5 =	vmul.f32 v54, v53;
	v3 =	vadd.f32 v7, v3  }
0x21b: {  	v1 =	vbroadcast v1, $0xF;
	v58 =	vmul.f32 v57, v53;
	v2 =	vadd.f32 v56, v2  }
0x21c: {  	v60 =	vunpack.i.u.bf16.f32 v12;
	v3 =	vadd.f32 v5, v3;
	v5 =	vmul.f32 v59, v0  }
0x21d: {  	v61 =	vunpack.i.l.bf16.f32 v55;
	v2 =	vadd.f32 v58, v2;
	v0 =	vmul.f32 v60, v0  }
0x21e: {  	p0 =	sne.s32 s20, $0x27;
	s21 =	sshll.u32 s20, $0x5;
	v62 =	vunpack.i.u.bf16.f32 v55;
	v4 =	vmul.f32 v61, v1;
	v3 =	vadd.f32 v5, v3  }
.Ltmp3:
0x21f: {  	s22 =	sand.u32 $0x80, s19;
	s3 =	sand.u32 $0x3FFFFF00, s21;
	v1 =	vmul.f32 v62, v1;
	v0 =	vadd.f32 v0, v2;
	(pc) =	sbr.rel @p0 .LBB2_5-.Ltmp3, $4  }
0x220: {  	s23 =	sand.u32 $0x60, s19;
	s3 =	sor.u32 s22, s3;
	v63 =	vadd.f32 v4, v3  }
0x221: {  	s3 =	sor.u32 s23, s3;
	v0 =	vadd.f32 v1, v0  }
0x222: {  	s25 =	sadd.s32 $0x16300, s3;
	[tilespmem:s3+$0x16300] =	vst v63  }
0x223: {  	s29 =	sadd.s32 $0x10, s29;
	s20 =	sadd.s32 $0x1, s20;
	s19 =	sadd.s32 $0x20, s19;
	[tilespmem:s25+$0x10] =	vst v0  }
.Ltmp4:
0x224: {  	s3 =	sadd.s32 s17, s26;
	(pc) =	sbr.rel @p1 .LBB2_8-.Ltmp4, $4  }
0x225: {  	s3 =	sshll.u32 s3, $0x5  }
0x226: {  	s3 =	sand.u32 $0x1FFFFFE0, s3  }
0x227: {  	s19 =	simm.s32 $0x16300;
	s3 =	sadd.s32 s10, s3  }
0x228: {  	[hbm4b:s3+s2] =	stream.linear.scatter [tilespmem:s19], [sflag:$0x6], $0x500, $0x38;
	[tilespmem:$0x16800] =	vst v63  }
0x229: {  	s3 =	sadd.s32 s17, s28  }
0x22a: {  	s3 =	sshll.u32 s3, $0x4  }
0x22b: {  	s3 =	sand.u32 $0x1FFFFFF0, s3  }
0x22c: {  	s23 =	sadd.s32 s4, s3  }
0x22d: {  	[tilespmem:s12], [sflag:$0x4] =	stream.linear.gather [hbm4b:s23+s2], $0x280, $0x38;
	[tilespmem:$0x16800] =	vst v63  }
0x22e: {  	s25 =	sadd.s32 s5, s3  }
0x22f: {  	[tilespmem:s13], [sflag:$0x4] =	stream.linear.gather [hbm4b:s25+s2], $0x280, $0x38;
	[tilespmem:$0x16800] =	vst v63  }
0x230: {  	s19 =	simm.s32 $0x1400;
	s29 =	sadd.s32 s6, s3  }
0x231: {  	[tilespmem:s19], [sflag:$0x4] =	stream.linear.gather [hbm4b:s29+s2], $0x280, $0x38;
	[tilespmem:$0x16800] =	vst v63  }
0x232: {  	s21 =	simm.s32 $0x1680;
	s20 =	sadd.s32 s7, s3  }
0x233: {  	[tilespmem:s21], [sflag:$0x4] =	stream.linear.gather [hbm4b:s20+s2], $0x280, $0x38;
	[tilespmem:$0x16800] =	vst v63  }
0x234: {  	s22 =	sadd.s32 s8, s3;
	s23 =	simm.s32 $0x1900  }
0x235: {  	[tilespmem:s23], [sflag:$0x4] =	stream.linear.gather [hbm4b:s22+s2], $0x280, $0x38;
	[tilespmem:$0x16800] =	vst v63  }
0x236: {  	s3 =	sadd.s32 s9, s3;
	s25 =	simm.s32 $0x1B80  }
0x237: {  	[tilespmem:s25], [sflag:$0x4] =	stream.linear.gather [hbm4b:s3+s2], $0x280, $0x38;
	[tilespmem:$0x16800] =	vst v63  }
0x238: {  	_ =	swait.ge [sflag:s30], $0x280  }
0x239: {  	[sflag:s30] =	ssyncset.done $0x0  }
0x23a: {  	[sflag:s30] =	ssyncadd.s32 $0xFFFFFD80  }
0x23b: {  	_ =	swait.ge [sflag:s30], $0x280  }
0x23c: {  	[sflag:s30] =	ssyncset.done $0x0  }
0x23d: {  	[sflag:s30] =	ssyncadd.s32 $0xFFFFFD80  }
0x23e: {  	_ =	swait.ge [sflag:s30], $0x280  }
0x23f: {  	[sflag:s30] =	ssyncset.done $0x0  }
0x240: {  	[sflag:s30] =	ssyncadd.s32 $0xFFFFFD80  }
0x241: {  	_ =	swait.ge [sflag:s30], $0x280  }
0x242: {  	[sflag:s30] =	ssyncset.done $0x0  }
0x243: {  	[sflag:s30] =	ssyncadd.s32 $0xFFFFFD80  }
0x244: {  	_ =	swait.ge [sflag:s30], $0x280  }
0x245: {  	[sflag:s30] =	ssyncset.done $0x0  }
0x246: {  	[sflag:s30] =	ssyncadd.s32 $0xFFFFFD80  }
0x247: {  	_ =	swait.ge [sflag:s30], $0x280  }
0x248: {  	[sflag:s30] =	ssyncset.done $0x0  }
0x249: {  	s29 =	simm.s32 $0x1E00;
	[sflag:s30] =	ssyncadd.s32 $0xFFFFFD80  }
0x24a: {  	[tilespmem:s29], [sflag:$0x1] =	stream.indirect.gather [hbm4b:s1+s31], $0x20, s2, s31, $0xb8;
	[tilespmem:$0x16800] =	vst v63  }
0x24b: {  	s17 =	simm.s32 $0x2E00  }
0x24c: {  	[tilespmem:s17], [sflag:$0x1] =	stream.indirect.gather [hbm4b:s1+s31], $0x20, s31, s31, $0xb8;
	[tilespmem:$0x16800] =	vst v63  }
0x24d: {  	s19 =	simm.s32 $0x100;
	s20 =	simm.s32 $0x3E00  }
0x24e: {  	[tilespmem:s20], [sflag:$0x1] =	stream.indirect.gather [hbm4b:s1+s31], $0x20, s19, s31, $0xb8;
	[tilespmem:$0x16800] =	vst v63  }
0x24f: {  	s21 =	simm.s32 $0x180;
	s22 =	simm.s32 $0x4E00  }
0x250: {  	[tilespmem:s22], [sflag:$0x1] =	stream.indirect.gather [hbm4b:s1+s31], $0x20, s21, s31, $0xb8;
	[tilespmem:$0x16800] =	vst v63  }
0x251: {  	s23 =	simm.s32 $0x200;
	s25 =	simm.s32 $0x5E00  }
0x252: {  	[tilespmem:s25], [sflag:$0x1] =	stream.indirect.gather [hbm4b:s1+s31], $0x20, s23, s31, $0xb8;
	[tilespmem:$0x16800] =	vst v63  }
0x253: {  	s29 =	simm.s32 $0x6E00  }
0x254: {  	[tilespmem:s29], [sflag:$0x1] =	stream.indirect.gather [hbm4b:s1+s31], $0x20, s15, s31, $0xb8;
	[tilespmem:$0x16800] =	vst v63  }
0x255: {  	s17 =	simm.s32 $0x300;
	s19 =	simm.s32 $0x7E00  }
0x256: {  	[tilespmem:s19], [sflag:$0x1] =	stream.indirect.gather [hbm4b:s1+s31], $0x20, s17, s31, $0xb8;
	[tilespmem:$0x16800] =	vst v63  }
0x257: {  	s20 =	simm.s32 $0x380;
	s21 =	simm.s32 $0x8E00  }
0x258: {  	[tilespmem:s21], [sflag:$0x1] =	stream.indirect.gather [hbm4b:s1+s31], $0x20, s20, s31, $0xb8;
	[tilespmem:$0x16800] =	vst v63  }
.Ltmp5:
0x259: {  	_ = 	snop;
	(pc) =	sbr.rel .LBB2_2-.Ltmp5, $4  }
0x25a: {  	s22 =	simm.s32 $0x400;
	s23 =	simm.s32 $0x9E00  }
0x25b: {  	[tilespmem:s23], [sflag:$0x1] =	stream.indirect.gather [hbm4b:s1+s31], $0x20, s22, s31, $0xb8;
	[tilespmem:$0x16800] =	vst v63  }
0x25c: {  	s16 =	sadd.s32 $0x1, s16;
	s25 =	simm.s32 $0x480;
	s29 =	simm.s32 $0xAE00  }
0x25d: {  	[tilespmem:s29], [sflag:$0x1] =	stream.indirect.gather [hbm4b:s1+s31], $0x20, s25, s31, $0xb8;
	[tilespmem:$0x16800] =	vst v63  }
.LBB2_9:
0x25e: {  	_ =	sfence.sel $0x180000  }
0x25f: {  	[bflag:$0x0] =	sbarrier.arrive $0xFFFF  }
0x260: {  	_ =	strace $0x90000047  }
0x261: {  	s0 =	stileid.u32;
	[bflag:$0x2] =	sbarrier.arrive $0xFFFF  }
0x262: {  	p0 =	sne.s32 s0, $0x0;
	s0 =	rddreg [dreg:$0x2]  }
0x263: {  	s0 =	sadd.s32 @!p0 $0x100000, s0  }
0x264: {  	[sflag:s0] =	ssyncadd.tile.s32 @!p0 $0x1;
	_ =	shalt  }
.Lfunc_end2:
_tile_overlayer_lowered:
.L_overlay_start_2:
0x265: {  	(tag) =	ssettag $0x2  }
0x266: {  	s0 =	rddreg [dreg:$0x0];
	s2 =	stileid.u32  }
0x267: {  	s1 =	rddreg [dreg:$0x1];
	p0 =	sne.s32 s2, $0x0  }
0x268: {  	s3 =	rddreg [dreg:$0x2];
	[bflag:$0x3] =	sbarrier.arrive $0xFFFF;
	s2 =	simm.s32 @!p0 $0x1C07  }
0x269: {  	[timem:s3], [sflag:s2] =	dma.local @!p0 [hbm:s0], s1  }
0x26a: {  	s0 =	simm.s32 @!p0 $0x7  }
0x26b: {  	_ =	swait.ge @!p0 [sflag:s0], s1  }
0x26c: {  	s1 =	ssub.s32 @!p0 $0x0, s1;
	[sflag:s0] =	ssyncset.done @!p0 $0x0  }
0x26d: {  	[sflag:s0] =	ssyncadd.s32 @!p0 s1  }
0x26e: {  	[bflag:$0x3] =	sbarrier.arrive $0xFFFF  }
0x26f: {  	_ =	shalt  }

</sc_bundles>
